<compile_context>
chip_gen: v7x
topology: tpu7x:2x2x1
jax: 0.10.2.dev20260603
libtpu: 0.0.44.dev20260713+nightly
codegen_flags: <defaults>
</compile_context>

<pallas_src>
import functools

import jax
import jax.numpy as jnp
from jax import lax
from jax.experimental import pallas as pl
from jax.experimental.pallas import tpu as pltpu
from jax.experimental.pallas import tpu_sc as plsc

N = 10000
E = 160000
D = 256
H = 128
OUT = 128
EPS = 1e-5
NC = 2
NS = 16
K = 128
KD = 128
E_TOT = E + N
EPB = NC * NS * KD
E_PAD = ((E_TOT + EPB - 1) // EPB) * EPB
AGG_PT = E_PAD // NS
AGG_NB = AGG_PT // K
DEG_PW = E_PAD // (NC * NS)
DEG_NB = DEG_PW // KD
NROWS = 10112
RPT = NROWS // NS
BN = 2000
GRID = N // BN
SBN = 256
SGRID = (NROWS + SBN - 1) // SBN
NBUF = 2

def _zero_rows(buf, nrows, ncols):
    def body_r(r, carry):
        def body_c(cc, carry2):
            buf[r, pl.ds(cc * 16, 16)] = jnp.zeros((16,), jnp.float32)
            return carry2
        return lax.fori_loop(0, ncols // 16, body_c, carry)
    lax.fori_loop(0, nrows, body_r, 0)


def _zero_stripe(zsrc, acc, base, total):
    zb = zsrc.shape[0]
    k0 = 0
    while k0 < total:
        sz = min(zb, total - k0)
        pltpu.sync_copy(zsrc.at[pl.ds(0, sz)], acc.at[pl.ds(base + k0, sz)])
        k0 += sz


def _deg_body(dst_hbm, out_hbm, idx_d, ones, zbuf, acc):
    c = lax.axis_index("c")
    s = lax.axis_index("s")
    w = s * NC + c

    def fill_r(r, carry):
        ones[r] = jnp.full((16,), 1.0, jnp.float32)
        zbuf[r] = jnp.zeros((16,), jnp.float32)
        return carry
    lax.fori_loop(0, KD, fill_r, 0)

    base_r = s * RPT
    _zero_stripe(zbuf, acc, base_r, RPT)
    plsc.subcore_barrier()

    eb = w * DEG_PW

    def body(j, carry):
        pltpu.sync_copy(dst_hbm.at[pl.ds(eb + j * KD, KD)], idx_d)
        pltpu.sync_copy(ones, acc.at[idx_d], add=True)
        return carry
    lax.fori_loop(0, DEG_NB, body, 0)

    plsc.subcore_barrier()
    pltpu.sync_copy(acc.at[pl.ds(base_r, RPT)],
                    out_hbm.at[pl.ds(c * NROWS + base_r, RPT)])


def _agg_body(hs_hbm, srcs_hbm, dst_hbm, out_hbm, idx_s, dring, rows, acc,
              gsem, dsem):
    c = lax.axis_index("c")
    s = lax.axis_index("s")

    pltpu.sync_copy(srcs_hbm.at[c * NS + s], idx_s)

    rows0 = rows.at[0]
    _zero_rows(rows0, K, H)
    base_r = s * RPT
    _zero_stripe(rows0, acc, base_r, RPT)
    plsc.subcore_barrier()

    for b in range(NBUF):
        pltpu.async_copy(hs_hbm.at[idx_s.at[b]], rows.at[b], gsem)
        pltpu.async_copy(dst_hbm.at[s, b], dring.at[b], dsem)

    def outer(o, carry):
        for b in range(NBUF):
            j = o * NBUF + b
            pltpu.make_async_copy(hs_hbm.at[idx_s.at[j]], rows.at[b],
                                  gsem).wait()
            pltpu.make_async_copy(dst_hbm.at[s, j], dring.at[b], dsem).wait()
            pltpu.sync_copy(rows.at[b], acc.at[dring.at[b]], add=True)
            nj = j + NBUF

            @pl.when(nj < AGG_NB)
            def _():
                pltpu.async_copy(hs_hbm.at[idx_s.at[nj]], rows.at[b], gsem)
                pltpu.async_copy(dst_hbm.at[s, nj], dring.at[b], dsem)
        return carry
    lax.fori_loop(0, AGG_NB // NBUF, outer, 0)

    plsc.subcore_barrier()
    pltpu.sync_copy(acc.at[pl.ds(base_r, RPT)],
                    out_hbm.at[pl.ds(c * NROWS + base_r, RPT)])


@functools.cache
def _sc_calls():
    mesh = plsc.VectorSubcoreMesh(
        core_axis_name="c", subcore_axis_name="s",
        num_cores=NC, num_subcores=NS)
    deg = pl.kernel(
        _deg_body,
        out_type=jax.ShapeDtypeStruct((NC * NROWS, 16), jnp.float32),
        mesh=mesh,
        scratch_types=[
            pltpu.VMEM((KD,), jnp.int32),
            pltpu.VMEM((KD, 16), jnp.float32),
            pltpu.VMEM((KD, 16), jnp.float32),
            pltpu.VMEM_SHARED((NROWS, 16), jnp.float32),
        ],
    )
    agg = pl.kernel(
        _agg_body,
        out_type=jax.ShapeDtypeStruct((NC * NROWS, H), jnp.float32),
        mesh=mesh,
        scratch_types=[
            pltpu.VMEM((AGG_NB, K), jnp.int32),
            pltpu.VMEM((NBUF, K), jnp.int32),
            pltpu.VMEM((NBUF, K, H), jnp.float32),
            pltpu.VMEM_SHARED((NROWS, H), jnp.float32),
            pltpu.SemaphoreType.DMA,
            pltpu.SemaphoreType.DMA,
        ],
    )
    return deg, agg


def _prep_body(x_ref, w0_ref, pw_ref, deg_ref, hs_ref, hproj_ref, dinv_ref):
    deg = deg_ref[0] + deg_ref[1]
    dinv = lax.rsqrt(deg[:, 0:1])
    x = x_ref[...]
    hw = jnp.dot(x, w0_ref[...], preferred_element_type=jnp.float32)
    hp = jnp.dot(x, pw_ref[...], preferred_element_type=jnp.float32)
    hs = hw * dinv
    hs_ref[0] = hs[:, :H]
    hs_ref[1] = hs[:, H:]
    hproj_ref[0] = hp[:, :H]
    hproj_ref[1] = hp[:, H:]
    dinv_ref[...] = dinv


_prep_call = pl.pallas_call(
    _prep_body,
    grid=(GRID,),
    in_specs=[
        pl.BlockSpec((BN, D), lambda i: (i, 0)),
        pl.BlockSpec((D, D), lambda i: (0, 0)),
        pl.BlockSpec((D, D), lambda i: (0, 0)),
        pl.BlockSpec((2, BN, 16), lambda i: (0, i, 0)),
    ],
    out_specs=[
        pl.BlockSpec((2, BN, H), lambda i: (0, i, 0)),
        pl.BlockSpec((2, BN, H), lambda i: (0, i, 0)),
        pl.BlockSpec((BN, 1), lambda i: (i, 0)),
    ],
    out_shape=[
        jax.ShapeDtypeStruct((2, N, H), jnp.float32),
        jax.ShapeDtypeStruct((2, N, H), jnp.float32),
        jax.ShapeDtypeStruct((N, 1), jnp.float32),
    ],
)


def _halves(agg_ref, dinv_ref, cb_ref):
    dinv = dinv_ref[...]
    return [agg_ref[h] * dinv + cb_ref[h] for h in (0, 1)]


def _accum_stats(p, i, ch, ssum, ssq):
    @pl.when(p == 0)
    def _():
        s1 = [jnp.sum(c, axis=0, keepdims=True) for c in ch]
        s2 = [jnp.sum(c * c, axis=0, keepdims=True) for c in ch]

        @pl.when(i == 0)
        def _():
            for h in (0, 1):
                ssum[h] = s1[h]
                ssq[h] = s2[h]

        @pl.when(i > 0)
        def _():
            for h in (0, 1):
                ssum[h] += s1[h]
                ssq[h] += s2[h]


def _normed_h(ch, ssum, ssq, nw_ref, nb_ref, nm_ref, res_ref):
    out = []
    for h in (0, 1):
        mean = ssum[h] * (1.0 / N)
        msq = ssq[h] * (1.0 / N)
        ctr = mean * nm_ref[h]
        var = msq - 2.0 * ctr * mean + ctr * ctr
        a = nw_ref[h] * lax.rsqrt(var + EPS)
        y = (ch[h] - ctr) * a + nb_ref[h]
        out.append(jnp.maximum(y, 0.0) + res_ref[h])
    return out


def _layer_body(agg_ref, dinv_ref, cb_ref, nw_ref, nb_ref, nm_ref, res_ref,
                wn_ref, h_ref, hs_ref, ssum, ssq):
    p = pl.program_id(0)
    i = pl.program_id(1)
    ch = _halves(agg_ref, dinv_ref, cb_ref)
    _accum_stats(p, i, ch, ssum, ssq)

    @pl.when(p == 1)
    def _():
        hn = _normed_h(ch, ssum, ssq, nw_ref, nb_ref, nm_ref, res_ref)
        h_ref[0] = hn[0]
        h_ref[1] = hn[1]
        w = wn_ref[...]
        hw = (jnp.dot(hn[0], w[:H], preferred_element_type=jnp.float32)
              + jnp.dot(hn[1], w[H:], preferred_element_type=jnp.float32))
        hs = hw * dinv_ref[...]
        hs_ref[0] = hs[:, :H]
        hs_ref[1] = hs[:, H:]


_VEC = pl.BlockSpec((2, 1, H), lambda p, i: (0, 0, 0))

_layer_call = pl.pallas_call(
    _layer_body,
    grid=(2, GRID),
    in_specs=[
        pl.BlockSpec((2, BN, H), lambda p, i: (0, i, 0)),
        pl.BlockSpec((BN, 1), lambda p, i: (i, 0)),
        _VEC, _VEC, _VEC, _VEC,
        pl.BlockSpec((2, BN, H), lambda p, i: (0, p * i, 0)),
        pl.BlockSpec((D, D), lambda p, i: (0, 0)),
    ],
    out_specs=[
        pl.BlockSpec((2, BN, H), lambda p, i: (0, p * i, 0)),
        pl.BlockSpec((2, BN, H), lambda p, i: (0, p * i, 0)),
    ],
    out_shape=[
        jax.ShapeDtypeStruct((2, N, H), jnp.float32),
        jax.ShapeDtypeStruct((2, N, H), jnp.float32),
    ],
    scratch_shapes=[
        pltpu.VMEM((2, 1, H), jnp.float32),
        pltpu.VMEM((2, 1, H), jnp.float32),
    ],
)


def _final_body(agg_ref, dinv_ref, cb_ref, nw_ref, nb_ref, nm_ref, res_ref,
                l1_ref, l1b_ref, l2_ref, l2b_ref, out_ref, ssum, ssq):
    p = pl.program_id(0)
    i = pl.program_id(1)
    ch = _halves(agg_ref, dinv_ref, cb_ref)
    _accum_stats(p, i, ch, ssum, ssq)

    @pl.when(p == 1)
    def _():
        hn = _normed_h(ch, ssum, ssq, nw_ref, nb_ref, nm_ref, res_ref)
        l1 = l1_ref[...]
        t = jnp.maximum(
            jnp.dot(hn[0], l1[:H], preferred_element_type=jnp.float32)
            + jnp.dot(hn[1], l1[H:], preferred_element_type=jnp.float32)
            + l1b_ref[...], 0.0)
        out_ref[...] = (
            jnp.dot(t, l2_ref[...], preferred_element_type=jnp.float32)
            + l2b_ref[...])


_final_call = pl.pallas_call(
    _final_body,
    grid=(2, GRID),
    in_specs=[
        pl.BlockSpec((2, BN, H), lambda p, i: (0, i, 0)),
        pl.BlockSpec((BN, 1), lambda p, i: (i, 0)),
        _VEC, _VEC, _VEC, _VEC,
        pl.BlockSpec((2, BN, H), lambda p, i: (0, p * i, 0)),
        pl.BlockSpec((D, D), lambda p, i: (0, 0)),
        pl.BlockSpec((1, D), lambda p, i: (0, 0)),
        pl.BlockSpec((D, OUT), lambda p, i: (0, 0)),
        pl.BlockSpec((1, OUT), lambda p, i: (0, 0)),
    ],
    out_specs=[pl.BlockSpec((BN, OUT), lambda p, i: (p * i, 0))],
    out_shape=[jax.ShapeDtypeStruct((N, OUT), jnp.float32)],
    scratch_shapes=[
        pltpu.VMEM((2, 1, H), jnp.float32),
        pltpu.VMEM((2, 1, H), jnp.float32),
    ],
)


def kernel(x, edge_index, conv_Ws, conv_bs, norm_ws, norm_bs, norm_ms,
           proj_W, lin_Ws, lin_bs):
    src = edge_index[0].astype(jnp.int32)
    dst = edge_index[1].astype(jnp.int32)
    ar = jnp.arange(N, dtype=jnp.int32)
    pad = E_PAD - E_TOT
    src_p = jnp.concatenate([src, ar, jnp.zeros((pad,), jnp.int32)])
    dst_p = jnp.concatenate([dst, ar, jnp.full((pad,), N, jnp.int32)])
    srcs = jnp.concatenate([src_p, src_p + N])

    _deg_call, _agg_call = _sc_calls()
    deg2 = _deg_call(dst_p).reshape(NC, NROWS, 16)
    hs, hproj, dinv = _prep_call(x, conv_Ws[0], proj_W, deg2)

    srcs2 = srcs.reshape(NC * NS, AGG_NB, K)
    dst2 = dst_p.reshape(NS, AGG_NB, K)

    res = hproj
    out = None
    for i in range(3):
        agg = _agg_call(hs.reshape(NC * N, H), srcs2, dst2)
        agg = agg.reshape(NC, NROWS, H)
        cb = conv_bs[i].reshape(2, 1, H)
        nw = norm_ws[i].reshape(2, 1, H)
        nb = norm_bs[i].reshape(2, 1, H)
        nm = norm_ms[i].reshape(2, 1, H)
        if i < 2:
            res, hs = _layer_call(agg, dinv, cb, nw, nb, nm, res,
                                  conv_Ws[i + 1])
        else:
            (out,) = _final_call(agg, dinv, cb, nw, nb, nm, res,
                                 lin_Ws[0], lin_bs[0].reshape(1, D),
                                 lin_Ws[1], lin_bs[1].reshape(1, OUT))
    return out

# --- scband reference (transcript-rebuilt; emitter-appended) ---
"""Pipeline reference for scband-gcn-1838246002975 (READ-ONLY COPY).

The authoritative reference and input builder live on the scoring server;
editing this copy changes nothing except your own understanding.
"""

import jax, jax.numpy as jnp
import numpy as np

N = 10000
E = 160000
D_IN = 256
EMB = 256
OUT = 128
LAYERS = 3
EPS = 1e-5


def setup_inputs(seed: int = 0) -> dict:
    key = jax.random.key(seed)
    ks = jax.random.split(key, 16)
    x = jax.random.normal(ks[0], (N, D_IN), dtype=jnp.float32)
    edge_index = jax.random.randint(ks[1], (2, E), 0, N, dtype=jnp.int32)
    conv_dims = [(D_IN, EMB), (EMB, EMB), (EMB, EMB)]
    conv_Ws = tuple(jax.random.normal(ks[2 + i], d, dtype=jnp.float32) * 0.05 for i, d in enumerate(conv_dims))
    conv_bs = tuple(jnp.zeros((EMB,), dtype=jnp.float32) for _ in range(LAYERS))
    norm_ws = tuple(jnp.ones((EMB,), dtype=jnp.float32) for _ in range(LAYERS))
    norm_bs = tuple(jnp.zeros((EMB,), dtype=jnp.float32) for _ in range(LAYERS))
    norm_ms = tuple(jnp.ones((EMB,), dtype=jnp.float32) for _ in range(LAYERS))
    proj_W = jax.random.normal(ks[6], (D_IN, EMB), dtype=jnp.float32) * 0.05
    lin_Ws = (jax.random.normal(ks[7], (EMB, EMB), dtype=jnp.float32) * 0.05,
              jax.random.normal(ks[8], (EMB, OUT), dtype=jnp.float32) * 0.05)
    lin_bs = (jnp.zeros((EMB,), dtype=jnp.float32), jnp.zeros((OUT,), dtype=jnp.float32))
    return {"x": x, "edge_index": edge_index, "conv_Ws": conv_Ws, "conv_bs": conv_bs,
            "norm_ws": norm_ws, "norm_bs": norm_bs, "norm_ms": norm_ms,
            "proj_W": proj_W, "lin_Ws": lin_Ws, "lin_bs": lin_bs}


def _gcn_conv(x, src, dst, W, b):
    # PyG GCNConv: add self-loops, symmetric normalization, scatter-add aggregation
    h = x @ W
    deg = jnp.zeros((N,), x.dtype).at[dst].add(1.0) + 1.0  # +1 for self-loop
    dinv = 1.0 / jnp.sqrt(deg)
    norm = dinv[src] * dinv[dst]
    agg = jnp.zeros((N, h.shape[1]), h.dtype).at[dst].add(norm[:, None] * h[src])
    agg = agg + h * (dinv * dinv)[:, None]  # self-loop contribution
    return agg + b


def _graph_norm(h, w, b, ms):
    # PyG GraphNorm over a single graph
    mean = jnp.mean(h, axis=0, keepdims=True)
    out = h - mean * ms
    var = jnp.mean(out * out, axis=0, keepdims=True)
    out = out / jnp.sqrt(var + EPS)
    return out * w + b


def reference(x, edge_index, conv_Ws, conv_bs, norm_ws, norm_bs, norm_ms, proj_W, lin_Ws, lin_bs):
    src = edge_index[0]
    dst = edge_index[1]
    h = x
    for i in range(LAYERS):
        c = _gcn_conv(h, src, dst, conv_Ws[i], conv_bs[i])
        n = _graph_norm(c, norm_ws[i], norm_bs[i], norm_ms[i])
        a = jax.nn.relu(n)
        if i == 0:
            h = a + h @ proj_W  # residual with linear projection on first layer
        else:
            h = a + h
    for j in range(len(lin_Ws) - 1):
        h = jax.nn.relu(h @ lin_Ws[j] + lin_bs[j])
        # dropout_rate=None -> no dropout
    return h @ lin_Ws[-1] + lin_bs[-1]

if __name__ == "__main__":
    import jax
    _d = setup_inputs()
    print(jax.jit(kernel)(*tuple(_d.values())))

</pallas_src>

<mosaic_0001>
#map = affine_map<(d0, d1) -> (0, 0)>
#map1 = affine_map<(d0, d1) -> (0, 0, 0)>
module attributes {stable_mosaic.version = 14 : i64} {
  func.func @_agg_body(%arg0: i32, %arg1: i32, %arg2: memref<20000x128xf32, #tpu.memory_space<hbm>>, %arg3: memref<32x84x128xi32, #tpu.memory_space<hbm>>, %arg4: memref<16x84x128xi32, #tpu.memory_space<hbm>>, %arg5: memref<20224x128xf32, #tpu.memory_space<hbm>>, %arg6: memref<84x128xi32, #tpu.memory_space<vmem>>, %arg7: memref<2x128xi32, #tpu.memory_space<vmem>>, %arg8: memref<2x128x128xf32, #tpu.memory_space<vmem>>, %arg9: memref<10112x128xf32, #tpu.memory_space<vmem_shared>>, %arg10: memref<!tpu.dma_semaphore, #tpu.memory_space<semaphore_mem>>, %arg11: memref<!tpu.dma_semaphore, #tpu.memory_space<semaphore_mem>>) attributes {dimension_semantics = [#tpu.dimension_semantics<core_parallel>, #tpu.dimension_semantics<subcore_parallel>], iteration_bounds = array<i64: 2, 16>, scalar_prefetch = 0 : i64, scratch_operands = 6 : i64, tpu.core_type = #tpu.core_type<sc_vector_subcore>, window_params = [{transform_indices = #map}, {transform_indices = #map1}, {transform_indices = #map1}, {transform_indices = #map}]} {
    %mul3A = arith.constant 16 : i32
    %mul3A_0 = arith.muli %arg0, %mul3A : i32
    %add3A = arith.addi %mul3A_0, %arg1 : i32
    "tpu.region"() ({
      %run_scoped3A_84 = tpu.sem_alloc : memref<!tpu.dma_semaphore, #tpu.memory_space<semaphore_mem>>
      %dma_start3A_85 = arith.constant 0 : i32
      %dma_start3A_86 = arith.constant 0 : i32
      %dma_start3A_87 = tpu.memref_slice %arg3[%add3A, %dma_start3A_85, %dma_start3A_86] : memref<32x84x128xi32, #tpu.memory_space<hbm>> -> memref<1x84x128xi32, #tpu.memory_space<hbm>>
      %dma_start3A_88 = tpu.memref_squeeze %dma_start3A_87 : memref<1x84x128xi32, #tpu.memory_space<hbm>> -> memref<84x128xi32, #tpu.memory_space<hbm>>
      %dma_start3A_89 = arith.constant 0 : i32
      %dma_start3A_90 = arith.constant 0 : i32
      %dma_start3A_91 = tpu.memref_slice %arg3[%add3A, %dma_start3A_89, %dma_start3A_90] : memref<32x84x128xi32, #tpu.memory_space<hbm>> -> memref<1x84x128xi32, #tpu.memory_space<hbm>>
      %dma_start3A_92 = tpu.memref_squeeze %dma_start3A_91 : memref<1x84x128xi32, #tpu.memory_space<hbm>> -> memref<84x128xi32, #tpu.memory_space<hbm>>
      tpu.enqueue_dma source(%dma_start3A_92 : memref<84x128xi32, #tpu.memory_space<hbm>>) target(%arg6 : memref<84x128xi32, #tpu.memory_space<vmem>>) target_semaphore(%run_scoped3A_84 : memref<!tpu.dma_semaphore, #tpu.memory_space<semaphore_mem>>)
      %dma_wait3A = arith.constant 0 : i32
      %dma_wait3A_93 = arith.constant 0 : i32
      %dma_wait3A_94 = tpu.memref_slice %arg3[%add3A, %dma_wait3A, %dma_wait3A_93] : memref<32x84x128xi32, #tpu.memory_space<hbm>> -> memref<1x84x128xi32, #tpu.memory_space<hbm>>
      %dma_wait3A_95 = tpu.memref_squeeze %dma_wait3A_94 : memref<1x84x128xi32, #tpu.memory_space<hbm>> -> memref<84x128xi32, #tpu.memory_space<hbm>>
      %dma_wait3A_96 = arith.constant 0 : i32
      %dma_wait3A_97 = arith.constant 0 : i32
      %dma_wait3A_98 = tpu.memref_slice %arg3[%add3A, %dma_wait3A_96, %dma_wait3A_97] : memref<32x84x128xi32, #tpu.memory_space<hbm>> -> memref<1x84x128xi32, #tpu.memory_space<hbm>>
      %dma_wait3A_99 = tpu.memref_squeeze %dma_wait3A_98 : memref<1x84x128xi32, #tpu.memory_space<hbm>> -> memref<84x128xi32, #tpu.memory_space<hbm>>
      tpu.wait_dma2 semaphore(%run_scoped3A_84 : memref<!tpu.dma_semaphore, #tpu.memory_space<semaphore_mem>>) src(%dma_wait3A_99 : memref<84x128xi32, #tpu.memory_space<hbm>>) dst(%arg6 : memref<84x128xi32, #tpu.memory_space<vmem>>)
      tpu.yield
    }) : () -> ()
    %scan3A = arith.constant 0 : i32
    %scan3A_1 = arith.constant 0 : i32
    %scan3A_2 = arith.constant 0 : i32
    %scan3A_3 = arith.constant 128 : i32
    %scan3A_4 = arith.addi %scan3A_2, %scan3A_3 : i32
    %scan3A_5 = arith.constant 1 : i32
    scf.for %scan3A_84 = %scan3A_2 to %scan3A_4 step %scan3A_5  : i32 {
      %scan3A_85 = arith.constant 0 : i32
      %scan3A_86 = arith.constant 8 : i32
      %scan3A_87 = arith.addi %scan3A_85, %scan3A_86 : i32
      %scan3A_88 = arith.constant 1 : i32
      scf.for %scan3A_90 = %scan3A_85 to %scan3A_87 step %scan3A_88  : i32 {
        %broadcast_in_dim3A = arith.constant 0.000000e+00 : f32
        %broadcast_in_dim3A_91 = vector.broadcast %broadcast_in_dim3A : f32 to vector<16xf32>
        %mul3A_92 = arith.constant 16 : i32
        %mul3A_93 = arith.muli %scan3A_90, %mul3A_92 : i32
        %swap3A = arith.constant 0 : i32
        %swap3A_94 = arith.constant 0 : i32
        %swap3A_95 = tpu.memref_slice %arg8[%scan3A_1, %swap3A, %swap3A_94] : memref<2x128x128xf32, #tpu.memory_space<vmem>> -> memref<1x128x128xf32, #tpu.memory_space<vmem>>
        %swap3A_96 = tpu.memref_squeeze %swap3A_95 : memref<1x128x128xf32, #tpu.memory_space<vmem>> -> memref<128x128xf32, #tpu.memory_space<vmem>>
        %swap3A_97 = arith.index_cast %scan3A_84 : i32 to index
        %swap3A_98 = arith.index_cast %mul3A_93 : i32 to index
        %swap3A_99 = tpu.vector_load %swap3A_96[%swap3A_97, %swap3A_98] {strides = array<i32>} : memref<128x128xf32, #tpu.memory_space<vmem>>, vector<1x16xf32>,
        %swap3A_100 = vector.shape_cast %swap3A_99 : vector<1x16xf32> to vector<16xf32>
        %swap3A_101 = vector.shape_cast %broadcast_in_dim3A_91 : vector<16xf32> to vector<1x16xf32>
        tpu.vector_store %swap3A_96[%swap3A_97, %swap3A_98], %swap3A_101 {strides = array<i32>} : memref<128x128xf32, #tpu.memory_space<vmem>>, vector<1x16xf32>,
      }
      %scan3A_89 = arith.constant 8 : i32
    }
    %scan3A_6 = arith.constant 128 : i32
    %mul3A_7 = arith.constant 632 : i32
    %mul3A_8 = arith.muli %arg1, %mul3A_7 : i32
    %add3A_9 = arith.constant 0 : i32
    %add3A_10 = arith.addi %mul3A_8, %add3A_9 : i32
    %run_scoped3A = arith.constant 0 : i32
    "tpu.region"() ({
      %run_scoped3A_84 = tpu.sem_alloc : memref<!tpu.dma_semaphore, #tpu.memory_space<semaphore_mem>>
      %dma_start3A_85 = arith.constant 0 : i32
      %dma_start3A_86 = arith.constant 0 : i32
      %dma_start3A_87 = tpu.memref_slice %arg8[%run_scoped3A, %dma_start3A_85, %dma_start3A_86] : memref<2x128x128xf32, #tpu.memory_space<vmem>> -> memref<1x128x128xf32, #tpu.memory_space<vmem>>
      %dma_start3A_88 = tpu.memref_squeeze %dma_start3A_87 : memref<1x128x128xf32, #tpu.memory_space<vmem>> -> memref<128x128xf32, #tpu.memory_space<vmem>>
      %dma_start3A_89 = arith.constant 0 : i32
      %dma_start3A_90 = arith.constant 0 : i32
      %dma_start3A_91 = tpu.memref_slice %dma_start3A_88[%dma_start3A_89, %dma_start3A_90] : memref<128x128xf32, #tpu.memory_space<vmem>> -> memref<128x128xf32, #tpu.memory_space<vmem>>
      %dma_start3A_92 = arith.constant 0 : i32
      %dma_start3A_93 = tpu.memref_slice %arg9[%add3A_10, %dma_start3A_92] : memref<10112x128xf32, #tpu.memory_space<vmem_shared>> -> memref<128x128xf32, #tpu.memory_space<vmem_shared>>
      %dma_start3A_94 = arith.constant 0 : i32
      %dma_start3A_95 = tpu.memref_slice %arg9[%add3A_10, %dma_start3A_94] : memref<10112x128xf32, #tpu.memory_space<vmem_shared>> -> memref<128x128xf32, #tpu.memory_space<vmem_shared>>
      %dma_start3A_96 = arith.constant 0 : i32
      %dma_start3A_97 = arith.constant 0 : i32
      %dma_start3A_98 = tpu.memref_slice %arg8[%run_scoped3A, %dma_start3A_96, %dma_start3A_97] : memref<2x128x128xf32, #tpu.memory_space<vmem>> -> memref<1x128x128xf32, #tpu.memory_space<vmem>>
      %dma_start3A_99 = tpu.memref_squeeze %dma_start3A_98 : memref<1x128x128xf32, #tpu.memory_space<vmem>> -> memref<128x128xf32, #tpu.memory_space<vmem>>
      %dma_start3A_100 = arith.constant 0 : i32
      %dma_start3A_101 = arith.constant 0 : i32
      %dma_start3A_102 = tpu.memref_slice %dma_start3A_99[%dma_start3A_100, %dma_start3A_101] : memref<128x128xf32, #tpu.memory_space<vmem>> -> memref<128x128xf32, #tpu.memory_space<vmem>>
      tpu.enqueue_dma source(%dma_start3A_102 : memref<128x128xf32, #tpu.memory_space<vmem>>) target(%dma_start3A_95 : memref<128x128xf32, #tpu.memory_space<vmem_shared>>) target_semaphore(%run_scoped3A_84 : memref<!tpu.dma_semaphore, #tpu.memory_space<semaphore_mem>>)
      %dma_wait3A = arith.constant 0 : i32
      %dma_wait3A_103 = arith.constant 0 : i32
      %dma_wait3A_104 = tpu.memref_slice %arg8[%run_scoped3A, %dma_wait3A, %dma_wait3A_103] : memref<2x128x128xf32, #tpu.memory_space<vmem>> -> memref<1x128x128xf32, #tpu.memory_space<vmem>>
      %dma_wait3A_105 = tpu.memref_squeeze %dma_wait3A_104 : memref<1x128x128xf32, #tpu.memory_space<vmem>> -> memref<128x128xf32, #tpu.memory_space<vmem>>
      %dma_wait3A_106 = arith.constant 0 : i32
      %dma_wait3A_107 = arith.constant 0 : i32
      %dma_wait3A_108 = tpu.memref_slice %dma_wait3A_105[%dma_wait3A_106, %dma_wait3A_107] : memref<128x128xf32, #tpu.memory_space<vmem>> -> memref<128x128xf32, #tpu.memory_space<vmem>>
      %dma_wait3A_109 = arith.constant 0 : i32
      %dma_wait3A_110 = tpu.memref_slice %arg9[%add3A_10, %dma_wait3A_109] : memref<10112x128xf32, #tpu.memory_space<vmem_shared>> -> memref<128x128xf32, #tpu.memory_space<vmem_shared>>
      %dma_wait3A_111 = arith.constant 0 : i32
      %dma_wait3A_112 = tpu.memref_slice %arg9[%add3A_10, %dma_wait3A_111] : memref<10112x128xf32, #tpu.memory_space<vmem_shared>> -> memref<128x128xf32, #tpu.memory_space<vmem_shared>>
      %dma_wait3A_113 = arith.constant 0 : i32
      %dma_wait3A_114 = arith.constant 0 : i32
      %dma_wait3A_115 = tpu.memref_slice %arg8[%run_scoped3A, %dma_wait3A_113, %dma_wait3A_114] : memref<2x128x128xf32, #tpu.memory_space<vmem>> -> memref<1x128x128xf32, #tpu.memory_space<vmem>>
      %dma_wait3A_116 = tpu.memref_squeeze %dma_wait3A_115 : memref<1x128x128xf32, #tpu.memory_space<vmem>> -> memref<128x128xf32, #tpu.memory_space<vmem>>
      %dma_wait3A_117 = arith.constant 0 : i32
      %dma_wait3A_118 = arith.constant 0 : i32
      %dma_wait3A_119 = tpu.memref_slice %dma_wait3A_116[%dma_wait3A_117, %dma_wait3A_118] : memref<128x128xf32, #tpu.memory_space<vmem>> -> memref<128x128xf32, #tpu.memory_space<vmem>>
      tpu.wait_dma2 semaphore(%run_scoped3A_84 : memref<!tpu.dma_semaphore, #tpu.memory_space<semaphore_mem>>) src(%dma_wait3A_119 : memref<128x128xf32, #tpu.memory_space<vmem>>) dst(%dma_wait3A_112 : memref<128x128xf32, #tpu.memory_space<vmem_shared>>)
      tpu.yield
    }) : () -> ()
    %add3A_11 = arith.constant 128 : i32
    %add3A_12 = arith.addi %mul3A_8, %add3A_11 : i32
    %run_scoped3A_13 = arith.constant 0 : i32
    "tpu.region"() ({
      %run_scoped3A_84 = tpu.sem_alloc : memref<!tpu.dma_semaphore, #tpu.memory_space<semaphore_mem>>
      %dma_start3A_85 = arith.constant 0 : i32
      %dma_start3A_86 = arith.constant 0 : i32
      %dma_start3A_87 = tpu.memref_slice %arg8[%run_scoped3A_13, %dma_start3A_85, %dma_start3A_86] : memref<2x128x128xf32, #tpu.memory_space<vmem>> -> memref<1x128x128xf32, #tpu.memory_space<vmem>>
      %dma_start3A_88 = tpu.memref_squeeze %dma_start3A_87 : memref<1x128x128xf32, #tpu.memory_space<vmem>> -> memref<128x128xf32, #tpu.memory_space<vmem>>
      %dma_start3A_89 = arith.constant 0 : i32
      %dma_start3A_90 = arith.constant 0 : i32
      %dma_start3A_91 = tpu.memref_slice %dma_start3A_88[%dma_start3A_89, %dma_start3A_90] : memref<128x128xf32, #tpu.memory_space<vmem>> -> memref<128x128xf32, #tpu.memory_space<vmem>>
      %dma_start3A_92 = arith.constant 0 : i32
      %dma_start3A_93 = tpu.memref_slice %arg9[%add3A_12, %dma_start3A_92] : memref<10112x128xf32, #tpu.memory_space<vmem_shared>> -> memref<128x128xf32, #tpu.memory_space<vmem_shared>>
      %dma_start3A_94 = arith.constant 0 : i32
      %dma_start3A_95 = tpu.memref_slice %arg9[%add3A_12, %dma_start3A_94] : memref<10112x128xf32, #tpu.memory_space<vmem_shared>> -> memref<128x128xf32, #tpu.memory_space<vmem_shared>>
      %dma_start3A_96 = arith.constant 0 : i32
      %dma_start3A_97 = arith.constant 0 : i32
      %dma_start3A_98 = tpu.memref_slice %arg8[%run_scoped3A_13, %dma_start3A_96, %dma_start3A_97] : memref<2x128x128xf32, #tpu.memory_space<vmem>> -> memref<1x128x128xf32, #tpu.memory_space<vmem>>
      %dma_start3A_99 = tpu.memref_squeeze %dma_start3A_98 : memref<1x128x128xf32, #tpu.memory_space<vmem>> -> memref<128x128xf32, #tpu.memory_space<vmem>>
      %dma_start3A_100 = arith.constant 0 : i32
      %dma_start3A_101 = arith.constant 0 : i32
      %dma_start3A_102 = tpu.memref_slice %dma_start3A_99[%dma_start3A_100, %dma_start3A_101] : memref<128x128xf32, #tpu.memory_space<vmem>> -> memref<128x128xf32, #tpu.memory_space<vmem>>
      tpu.enqueue_dma source(%dma_start3A_102 : memref<128x128xf32, #tpu.memory_space<vmem>>) target(%dma_start3A_95 : memref<128x128xf32, #tpu.memory_space<vmem_shared>>) target_semaphore(%run_scoped3A_84 : memref<!tpu.dma_semaphore, #tpu.memory_space<semaphore_mem>>)
      %dma_wait3A = arith.constant 0 : i32
      %dma_wait3A_103 = arith.constant 0 : i32
      %dma_wait3A_104 = tpu.memref_slice %arg8[%run_scoped3A_13, %dma_wait3A, %dma_wait3A_103] : memref<2x128x128xf32, #tpu.memory_space<vmem>> -> memref<1x128x128xf32, #tpu.memory_space<vmem>>
      %dma_wait3A_105 = tpu.memref_squeeze %dma_wait3A_104 : memref<1x128x128xf32, #tpu.memory_space<vmem>> -> memref<128x128xf32, #tpu.memory_space<vmem>>
      %dma_wait3A_106 = arith.constant 0 : i32
      %dma_wait3A_107 = arith.constant 0 : i32
      %dma_wait3A_108 = tpu.memref_slice %dma_wait3A_105[%dma_wait3A_106, %dma_wait3A_107] : memref<128x128xf32, #tpu.memory_space<vmem>> -> memref<128x128xf32, #tpu.memory_space<vmem>>
      %dma_wait3A_109 = arith.constant 0 : i32
      %dma_wait3A_110 = tpu.memref_slice %arg9[%add3A_12, %dma_wait3A_109] : memref<10112x128xf32, #tpu.memory_space<vmem_shared>> -> memref<128x128xf32, #tpu.memory_space<vmem_shared>>
      %dma_wait3A_111 = arith.constant 0 : i32
      %dma_wait3A_112 = tpu.memref_slice %arg9[%add3A_12, %dma_wait3A_111] : memref<10112x128xf32, #tpu.memory_space<vmem_shared>> -> memref<128x128xf32, #tpu.memory_space<vmem_shared>>
      %dma_wait3A_113 = arith.constant 0 : i32
      %dma_wait3A_114 = arith.constant 0 : i32
      %dma_wait3A_115 = tpu.memref_slice %arg8[%run_scoped3A_13, %dma_wait3A_113, %dma_wait3A_114] : memref<2x128x128xf32, #tpu.memory_space<vmem>> -> memref<1x128x128xf32, #tpu.memory_space<vmem>>
      %dma_wait3A_116 = tpu.memref_squeeze %dma_wait3A_115 : memref<1x128x128xf32, #tpu.memory_space<vmem>> -> memref<128x128xf32, #tpu.memory_space<vmem>>
      %dma_wait3A_117 = arith.constant 0 : i32
      %dma_wait3A_118 = arith.constant 0 : i32
      %dma_wait3A_119 = tpu.memref_slice %dma_wait3A_116[%dma_wait3A_117, %dma_wait3A_118] : memref<128x128xf32, #tpu.memory_space<vmem>> -> memref<128x128xf32, #tpu.memory_space<vmem>>
      tpu.wait_dma2 semaphore(%run_scoped3A_84 : memref<!tpu.dma_semaphore, #tpu.memory_space<semaphore_mem>>) src(%dma_wait3A_119 : memref<128x128xf32, #tpu.memory_space<vmem>>) dst(%dma_wait3A_112 : memref<128x128xf32, #tpu.memory_space<vmem_shared>>)
      tpu.yield
    }) : () -> ()
    %add3A_14 = arith.constant 256 : i32
    %add3A_15 = arith.addi %mul3A_8, %add3A_14 : i32
    %run_scoped3A_16 = arith.constant 0 : i32
    "tpu.region"() ({
      %run_scoped3A_84 = tpu.sem_alloc : memref<!tpu.dma_semaphore, #tpu.memory_space<semaphore_mem>>
      %dma_start3A_85 = arith.constant 0 : i32
      %dma_start3A_86 = arith.constant 0 : i32
      %dma_start3A_87 = tpu.memref_slice %arg8[%run_scoped3A_16, %dma_start3A_85, %dma_start3A_86] : memref<2x128x128xf32, #tpu.memory_space<vmem>> -> memref<1x128x128xf32, #tpu.memory_space<vmem>>
      %dma_start3A_88 = tpu.memref_squeeze %dma_start3A_87 : memref<1x128x128xf32, #tpu.memory_space<vmem>> -> memref<128x128xf32, #tpu.memory_space<vmem>>
      %dma_start3A_89 = arith.constant 0 : i32
      %dma_start3A_90 = arith.constant 0 : i32
      %dma_start3A_91 = tpu.memref_slice %dma_start3A_88[%dma_start3A_89, %dma_start3A_90] : memref<128x128xf32, #tpu.memory_space<vmem>> -> memref<128x128xf32, #tpu.memory_space<vmem>>
      %dma_start3A_92 = arith.constant 0 : i32
      %dma_start3A_93 = tpu.memref_slice %arg9[%add3A_15, %dma_start3A_92] : memref<10112x128xf32, #tpu.memory_space<vmem_shared>> -> memref<128x128xf32, #tpu.memory_space<vmem_shared>>
      %dma_start3A_94 = arith.constant 0 : i32
      %dma_start3A_95 = tpu.memref_slice %arg9[%add3A_15, %dma_start3A_94] : memref<10112x128xf32, #tpu.memory_space<vmem_shared>> -> memref<128x128xf32, #tpu.memory_space<vmem_shared>>
      %dma_start3A_96 = arith.constant 0 : i32
      %dma_start3A_97 = arith.constant 0 : i32
      %dma_start3A_98 = tpu.memref_slice %arg8[%run_scoped3A_16, %dma_start3A_96, %dma_start3A_97] : memref<2x128x128xf32, #tpu.memory_space<vmem>> -> memref<1x128x128xf32, #tpu.memory_space<vmem>>
      %dma_start3A_99 = tpu.memref_squeeze %dma_start3A_98 : memref<1x128x128xf32, #tpu.memory_space<vmem>> -> memref<128x128xf32, #tpu.memory_space<vmem>>
      %dma_start3A_100 = arith.constant 0 : i32
      %dma_start3A_101 = arith.constant 0 : i32
      %dma_start3A_102 = tpu.memref_slice %dma_start3A_99[%dma_start3A_100, %dma_start3A_101] : memref<128x128xf32, #tpu.memory_space<vmem>> -> memref<128x128xf32, #tpu.memory_space<vmem>>
      tpu.enqueue_dma source(%dma_start3A_102 : memref<128x128xf32, #tpu.memory_space<vmem>>) target(%dma_start3A_95 : memref<128x128xf32, #tpu.memory_space<vmem_shared>>) target_semaphore(%run_scoped3A_84 : memref<!tpu.dma_semaphore, #tpu.memory_space<semaphore_mem>>)
      %dma_wait3A = arith.constant 0 : i32
      %dma_wait3A_103 = arith.constant 0 : i32
      %dma_wait3A_104 = tpu.memref_slice %arg8[%run_scoped3A_16, %dma_wait3A, %dma_wait3A_103] : memref<2x128x128xf32, #tpu.memory_space<vmem>> -> memref<1x128x128xf32, #tpu.memory_space<vmem>>
      %dma_wait3A_105 = tpu.memref_squeeze %dma_wait3A_104 : memref<1x128x128xf32, #tpu.memory_space<vmem>> -> memref<128x128xf32, #tpu.memory_space<vmem>>
      %dma_wait3A_106 = arith.constant 0 : i32
      %dma_wait3A_107 = arith.constant 0 : i32
      %dma_wait3A_108 = tpu.memref_slice %dma_wait3A_105[%dma_wait3A_106, %dma_wait3A_107] : memref<128x128xf32, #tpu.memory_space<vmem>> -> memref<128x128xf32, #tpu.memory_space<vmem>>
      %dma_wait3A_109 = arith.constant 0 : i32
      %dma_wait3A_110 = tpu.memref_slice %arg9[%add3A_15, %dma_wait3A_109] : memref<10112x128xf32, #tpu.memory_space<vmem_shared>> -> memref<128x128xf32, #tpu.memory_space<vmem_shared>>
      %dma_wait3A_111 = arith.constant 0 : i32
      %dma_wait3A_112 = tpu.memref_slice %arg9[%add3A_15, %dma_wait3A_111] : memref<10112x128xf32, #tpu.memory_space<vmem_shared>> -> memref<128x128xf32, #tpu.memory_space<vmem_shared>>
      %dma_wait3A_113 = arith.constant 0 : i32
      %dma_wait3A_114 = arith.constant 0 : i32
      %dma_wait3A_115 = tpu.memref_slice %arg8[%run_scoped3A_16, %dma_wait3A_113, %dma_wait3A_114] : memref<2x128x128xf32, #tpu.memory_space<vmem>> -> memref<1x128x128xf32, #tpu.memory_space<vmem>>
      %dma_wait3A_116 = tpu.memref_squeeze %dma_wait3A_115 : memref<1x128x128xf32, #tpu.memory_space<vmem>> -> memref<128x128xf32, #tpu.memory_space<vmem>>
      %dma_wait3A_117 = arith.constant 0 : i32
      %dma_wait3A_118 = arith.constant 0 : i32
      %dma_wait3A_119 = tpu.memref_slice %dma_wait3A_116[%dma_wait3A_117, %dma_wait3A_118] : memref<128x128xf32, #tpu.memory_space<vmem>> -> memref<128x128xf32, #tpu.memory_space<vmem>>
      tpu.wait_dma2 semaphore(%run_scoped3A_84 : memref<!tpu.dma_semaphore, #tpu.memory_space<semaphore_mem>>) src(%dma_wait3A_119 : memref<128x128xf32, #tpu.memory_space<vmem>>) dst(%dma_wait3A_112 : memref<128x128xf32, #tpu.memory_space<vmem_shared>>)
      tpu.yield
    }) : () -> ()
    %add3A_17 = arith.constant 384 : i32
    %add3A_18 = arith.addi %mul3A_8, %add3A_17 : i32
    %run_scoped3A_19 = arith.constant 0 : i32
    "tpu.region"() ({
      %run_scoped3A_84 = tpu.sem_alloc : memref<!tpu.dma_semaphore, #tpu.memory_space<semaphore_mem>>
      %dma_start3A_85 = arith.constant 0 : i32
      %dma_start3A_86 = arith.constant 0 : i32
      %dma_start3A_87 = tpu.memref_slice %arg8[%run_scoped3A_19, %dma_start3A_85, %dma_start3A_86] : memref<2x128x128xf32, #tpu.memory_space<vmem>> -> memref<1x128x128xf32, #tpu.memory_space<vmem>>
      %dma_start3A_88 = tpu.memref_squeeze %dma_start3A_87 : memref<1x128x128xf32, #tpu.memory_space<vmem>> -> memref<128x128xf32, #tpu.memory_space<vmem>>
      %dma_start3A_89 = arith.constant 0 : i32
      %dma_start3A_90 = arith.constant 0 : i32
      %dma_start3A_91 = tpu.memref_slice %dma_start3A_88[%dma_start3A_89, %dma_start3A_90] : memref<128x128xf32, #tpu.memory_space<vmem>> -> memref<128x128xf32, #tpu.memory_space<vmem>>
      %dma_start3A_92 = arith.constant 0 : i32
      %dma_start3A_93 = tpu.memref_slice %arg9[%add3A_18, %dma_start3A_92] : memref<10112x128xf32, #tpu.memory_space<vmem_shared>> -> memref<128x128xf32, #tpu.memory_space<vmem_shared>>
      %dma_start3A_94 = arith.constant 0 : i32
      %dma_start3A_95 = tpu.memref_slice %arg9[%add3A_18, %dma_start3A_94] : memref<10112x128xf32, #tpu.memory_space<vmem_shared>> -> memref<128x128xf32, #tpu.memory_space<vmem_shared>>
      %dma_start3A_96 = arith.constant 0 : i32
      %dma_start3A_97 = arith.constant 0 : i32
      %dma_start3A_98 = tpu.memref_slice %arg8[%run_scoped3A_19, %dma_start3A_96, %dma_start3A_97] : memref<2x128x128xf32, #tpu.memory_space<vmem>> -> memref<1x128x128xf32, #tpu.memory_space<vmem>>
      %dma_start3A_99 = tpu.memref_squeeze %dma_start3A_98 : memref<1x128x128xf32, #tpu.memory_space<vmem>> -> memref<128x128xf32, #tpu.memory_space<vmem>>
      %dma_start3A_100 = arith.constant 0 : i32
      %dma_start3A_101 = arith.constant 0 : i32
      %dma_start3A_102 = tpu.memref_slice %dma_start3A_99[%dma_start3A_100, %dma_start3A_101] : memref<128x128xf32, #tpu.memory_space<vmem>> -> memref<128x128xf32, #tpu.memory_space<vmem>>
      tpu.enqueue_dma source(%dma_start3A_102 : memref<128x128xf32, #tpu.memory_space<vmem>>) target(%dma_start3A_95 : memref<128x128xf32, #tpu.memory_space<vmem_shared>>) target_semaphore(%run_scoped3A_84 : memref<!tpu.dma_semaphore, #tpu.memory_space<semaphore_mem>>)
      %dma_wait3A = arith.constant 0 : i32
      %dma_wait3A_103 = arith.constant 0 : i32
      %dma_wait3A_104 = tpu.memref_slice %arg8[%run_scoped3A_19, %dma_wait3A, %dma_wait3A_103] : memref<2x128x128xf32, #tpu.memory_space<vmem>> -> memref<1x128x128xf32, #tpu.memory_space<vmem>>
      %dma_wait3A_105 = tpu.memref_squeeze %dma_wait3A_104 : memref<1x128x128xf32, #tpu.memory_space<vmem>> -> memref<128x128xf32, #tpu.memory_space<vmem>>
      %dma_wait3A_106 = arith.constant 0 : i32
      %dma_wait3A_107 = arith.constant 0 : i32
      %dma_wait3A_108 = tpu.memref_slice %dma_wait3A_105[%dma_wait3A_106, %dma_wait3A_107] : memref<128x128xf32, #tpu.memory_space<vmem>> -> memref<128x128xf32, #tpu.memory_space<vmem>>
      %dma_wait3A_109 = arith.constant 0 : i32
      %dma_wait3A_110 = tpu.memref_slice %arg9[%add3A_18, %dma_wait3A_109] : memref<10112x128xf32, #tpu.memory_space<vmem_shared>> -> memref<128x128xf32, #tpu.memory_space<vmem_shared>>
      %dma_wait3A_111 = arith.constant 0 : i32
      %dma_wait3A_112 = tpu.memref_slice %arg9[%add3A_18, %dma_wait3A_111] : memref<10112x128xf32, #tpu.memory_space<vmem_shared>> -> memref<128x128xf32, #tpu.memory_space<vmem_shared>>
      %dma_wait3A_113 = arith.constant 0 : i32
      %dma_wait3A_114 = arith.constant 0 : i32
      %dma_wait3A_115 = tpu.memref_slice %arg8[%run_scoped3A_19, %dma_wait3A_113, %dma_wait3A_114] : memref<2x128x128xf32, #tpu.memory_space<vmem>> -> memref<1x128x128xf32, #tpu.memory_space<vmem>>
      %dma_wait3A_116 = tpu.memref_squeeze %dma_wait3A_115 : memref<1x128x128xf32, #tpu.memory_space<vmem>> -> memref<128x128xf32, #tpu.memory_space<vmem>>
      %dma_wait3A_117 = arith.constant 0 : i32
      %dma_wait3A_118 = arith.constant 0 : i32
      %dma_wait3A_119 = tpu.memref_slice %dma_wait3A_116[%dma_wait3A_117, %dma_wait3A_118] : memref<128x128xf32, #tpu.memory_space<vmem>> -> memref<128x128xf32, #tpu.memory_space<vmem>>
      tpu.wait_dma2 semaphore(%run_scoped3A_84 : memref<!tpu.dma_semaphore, #tpu.memory_space<semaphore_mem>>) src(%dma_wait3A_119 : memref<128x128xf32, #tpu.memory_space<vmem>>) dst(%dma_wait3A_112 : memref<128x128xf32, #tpu.memory_space<vmem_shared>>)
      tpu.yield
    }) : () -> ()
    %add3A_20 = arith.constant 512 : i32
    %add3A_21 = arith.addi %mul3A_8, %add3A_20 : i32
    %run_scoped3A_22 = arith.constant 0 : i32
    "tpu.region"() ({
      %run_scoped3A_84 = tpu.sem_alloc : memref<!tpu.dma_semaphore, #tpu.memory_space<semaphore_mem>>
      %dma_start3A_85 = arith.constant 0 : i32
      %dma_start3A_86 = arith.constant 0 : i32
      %dma_start3A_87 = tpu.memref_slice %arg8[%run_scoped3A_22, %dma_start3A_85, %dma_start3A_86] : memref<2x128x128xf32, #tpu.memory_space<vmem>> -> memref<1x128x128xf32, #tpu.memory_space<vmem>>
      %dma_start3A_88 = tpu.memref_squeeze %dma_start3A_87 : memref<1x128x128xf32, #tpu.memory_space<vmem>> -> memref<128x128xf32, #tpu.memory_space<vmem>>
      %dma_start3A_89 = arith.constant 0 : i32
      %dma_start3A_90 = arith.constant 0 : i32
      %dma_start3A_91 = tpu.memref_slice %dma_start3A_88[%dma_start3A_89, %dma_start3A_90] : memref<128x128xf32, #tpu.memory_space<vmem>> -> memref<120x128xf32, #tpu.memory_space<vmem>>
      %dma_start3A_92 = arith.constant 0 : i32
      %dma_start3A_93 = tpu.memref_slice %arg9[%add3A_21, %dma_start3A_92] : memref<10112x128xf32, #tpu.memory_space<vmem_shared>> -> memref<120x128xf32, #tpu.memory_space<vmem_shared>>
      %dma_start3A_94 = arith.constant 0 : i32
      %dma_start3A_95 = tpu.memref_slice %arg9[%add3A_21, %dma_start3A_94] : memref<10112x128xf32, #tpu.memory_space<vmem_shared>> -> memref<120x128xf32, #tpu.memory_space<vmem_shared>>
      %dma_start3A_96 = arith.constant 0 : i32
      %dma_start3A_97 = arith.constant 0 : i32
      %dma_start3A_98 = tpu.memref_slice %arg8[%run_scoped3A_22, %dma_start3A_96, %dma_start3A_97] : memref<2x128x128xf32, #tpu.memory_space<vmem>> -> memref<1x128x128xf32, #tpu.memory_space<vmem>>
      %dma_start3A_99 = tpu.memref_squeeze %dma_start3A_98 : memref<1x128x128xf32, #tpu.memory_space<vmem>> -> memref<128x128xf32, #tpu.memory_space<vmem>>
      %dma_start3A_100 = arith.constant 0 : i32
      %dma_start3A_101 = arith.constant 0 : i32
      %dma_start3A_102 = tpu.memref_slice %dma_start3A_99[%dma_start3A_100, %dma_start3A_101] : memref<128x128xf32, #tpu.memory_space<vmem>> -> memref<120x128xf32, #tpu.memory_space<vmem>>
      tpu.enqueue_dma source(%dma_start3A_102 : memref<120x128xf32, #tpu.memory_space<vmem>>) target(%dma_start3A_95 : memref<120x128xf32, #tpu.memory_space<vmem_shared>>) target_semaphore(%run_scoped3A_84 : memref<!tpu.dma_semaphore, #tpu.memory_space<semaphore_mem>>)
      %dma_wait3A = arith.constant 0 : i32
      %dma_wait3A_103 = arith.constant 0 : i32
      %dma_wait3A_104 = tpu.memref_slice %arg8[%run_scoped3A_22, %dma_wait3A, %dma_wait3A_103] : memref<2x128x128xf32, #tpu.memory_space<vmem>> -> memref<1x128x128xf32, #tpu.memory_space<vmem>>
      %dma_wait3A_105 = tpu.memref_squeeze %dma_wait3A_104 : memref<1x128x128xf32, #tpu.memory_space<vmem>> -> memref<128x128xf32, #tpu.memory_space<vmem>>
      %dma_wait3A_106 = arith.constant 0 : i32
      %dma_wait3A_107 = arith.constant 0 : i32
      %dma_wait3A_108 = tpu.memref_slice %dma_wait3A_105[%dma_wait3A_106, %dma_wait3A_107] : memref<128x128xf32, #tpu.memory_space<vmem>> -> memref<120x128xf32, #tpu.memory_space<vmem>>
      %dma_wait3A_109 = arith.constant 0 : i32
      %dma_wait3A_110 = tpu.memref_slice %arg9[%add3A_21, %dma_wait3A_109] : memref<10112x128xf32, #tpu.memory_space<vmem_shared>> -> memref<120x128xf32, #tpu.memory_space<vmem_shared>>
      %dma_wait3A_111 = arith.constant 0 : i32
      %dma_wait3A_112 = tpu.memref_slice %arg9[%add3A_21, %dma_wait3A_111] : memref<10112x128xf32, #tpu.memory_space<vmem_shared>> -> memref<120x128xf32, #tpu.memory_space<vmem_shared>>
      %dma_wait3A_113 = arith.constant 0 : i32
      %dma_wait3A_114 = arith.constant 0 : i32
      %dma_wait3A_115 = tpu.memref_slice %arg8[%run_scoped3A_22, %dma_wait3A_113, %dma_wait3A_114] : memref<2x128x128xf32, #tpu.memory_space<vmem>> -> memref<1x128x128xf32, #tpu.memory_space<vmem>>
      %dma_wait3A_116 = tpu.memref_squeeze %dma_wait3A_115 : memref<1x128x128xf32, #tpu.memory_space<vmem>> -> memref<128x128xf32, #tpu.memory_space<vmem>>
      %dma_wait3A_117 = arith.constant 0 : i32
      %dma_wait3A_118 = arith.constant 0 : i32
      %dma_wait3A_119 = tpu.memref_slice %dma_wait3A_116[%dma_wait3A_117, %dma_wait3A_118] : memref<128x128xf32, #tpu.memory_space<vmem>> -> memref<120x128xf32, #tpu.memory_space<vmem>>
      tpu.wait_dma2 semaphore(%run_scoped3A_84 : memref<!tpu.dma_semaphore, #tpu.memory_space<semaphore_mem>>) src(%dma_wait3A_119 : memref<120x128xf32, #tpu.memory_space<vmem>>) dst(%dma_wait3A_112 : memref<120x128xf32, #tpu.memory_space<vmem_shared>>)
      tpu.yield
    }) : () -> ()
    %barrier3A = arith.constant 0 : index
    tpu.barrier barrier_id(%barrier3A)
    %dma_start3A = arith.constant 0 : i32
    %dma_start3A_23 = arith.constant 0 : i32
    %dma_start3A_24 = arith.constant 0 : i32
    %dma_start3A_25 = arith.constant 0 : i32
    %dma_start3A_26 = tpu.memref_slice %arg8[%dma_start3A_23, %dma_start3A_24, %dma_start3A_25] : memref<2x128x128xf32, #tpu.memory_space<vmem>> -> memref<1x128x128xf32, #tpu.memory_space<vmem>>
    %dma_start3A_27 = tpu.memref_squeeze %dma_start3A_26 : memref<1x128x128xf32, #tpu.memory_space<vmem>> -> memref<128x128xf32, #tpu.memory_space<vmem>>
    %dma_start3A_28 = arith.constant 0 : i32
    %dma_start3A_29 = tpu.memref_slice %arg6[%dma_start3A, %dma_start3A_28] : memref<84x128xi32, #tpu.memory_space<vmem>> -> memref<1x128xi32, #tpu.memory_space<vmem>>
    %dma_start3A_30 = tpu.memref_squeeze %dma_start3A_29 : memref<1x128xi32, #tpu.memory_space<vmem>> -> memref<128xi32, #tpu.memory_space<vmem>>
    %dma_start3A_31 = arith.constant 0 : i32
    %dma_start3A_32 = arith.constant 0 : i32
    %dma_start3A_33 = tpu.memref_slice %arg2[%dma_start3A_31, %dma_start3A_32] : memref<20000x128xf32, #tpu.memory_space<hbm>> -> memref<20000x128xf32, #tpu.memory_space<hbm>>
    tpu.enqueue_indirect_dma source(%dma_start3A_33 : memref<20000x128xf32, #tpu.memory_space<hbm>>) target(%dma_start3A_27 : memref<128x128xf32, #tpu.memory_space<vmem>>) offsets(%dma_start3A_30 : memref<128xi32, #tpu.memory_space<vmem>>) semaphore(%arg10 : memref<!tpu.dma_semaphore, #tpu.memory_space<semaphore_mem>>)
    %dma_start3A_34 = arith.constant 0 : i32
    %dma_start3A_35 = arith.constant 0 : i32
    %dma_start3A_36 = arith.constant 0 : i32
    %dma_start3A_37 = tpu.memref_slice %arg7[%dma_start3A_35, %dma_start3A_36] : memref<2x128xi32, #tpu.memory_space<vmem>> -> memref<1x128xi32, #tpu.memory_space<vmem>>
    %dma_start3A_38 = tpu.memref_squeeze %dma_start3A_37 : memref<1x128xi32, #tpu.memory_space<vmem>> -> memref<128xi32, #tpu.memory_space<vmem>>
    %dma_start3A_39 = arith.constant 0 : i32
    %dma_start3A_40 = tpu.memref_slice %arg4[%arg1, %dma_start3A_34, %dma_start3A_39] : memref<16x84x128xi32, #tpu.memory_space<hbm>> -> memref<1x1x128xi32, #tpu.memory_space<hbm>>
    %dma_start3A_41 = tpu.memref_squeeze %dma_start3A_40 : memref<1x1x128xi32, #tpu.memory_space<hbm>> -> memref<128xi32, #tpu.memory_space<hbm>>
    %dma_start3A_42 = arith.constant 0 : i32
    %dma_start3A_43 = tpu.memref_slice %arg7[%dma_start3A_35, %dma_start3A_42] : memref<2x128xi32, #tpu.memory_space<vmem>> -> memref<1x128xi32, #tpu.memory_space<vmem>>
    %dma_start3A_44 = tpu.memref_squeeze %dma_start3A_43 : memref<1x128xi32, #tpu.memory_space<vmem>> -> memref<128xi32, #tpu.memory_space<vmem>>
    %dma_start3A_45 = arith.constant 0 : i32
    %dma_start3A_46 = tpu.memref_slice %arg4[%arg1, %dma_start3A_34, %dma_start3A_45] : memref<16x84x128xi32, #tpu.memory_space<hbm>> -> memref<1x1x128xi32, #tpu.memory_space<hbm>>
    %dma_start3A_47 = tpu.memref_squeeze %dma_start3A_46 : memref<1x1x128xi32, #tpu.memory_space<hbm>> -> memref<128xi32, #tpu.memory_space<hbm>>
    tpu.enqueue_dma source(%dma_start3A_47 : memref<128xi32, #tpu.memory_space<hbm>>) target(%dma_start3A_44 : memref<128xi32, #tpu.memory_space<vmem>>) target_semaphore(%arg11 : memref<!tpu.dma_semaphore, #tpu.memory_space<semaphore_mem>>)
    %dma_start3A_48 = arith.constant 1 : i32
    %dma_start3A_49 = arith.constant 1 : i32
    %dma_start3A_50 = arith.constant 0 : i32
    %dma_start3A_51 = arith.constant 0 : i32
    %dma_start3A_52 = tpu.memref_slice %arg8[%dma_start3A_49, %dma_start3A_50, %dma_start3A_51] : memref<2x128x128xf32, #tpu.memory_space<vmem>> -> memref<1x128x128xf32, #tpu.memory_space<vmem>>
    %dma_start3A_53 = tpu.memref_squeeze %dma_start3A_52 : memref<1x128x128xf32, #tpu.memory_space<vmem>> -> memref<128x128xf32, #tpu.memory_space<vmem>>
    %dma_start3A_54 = arith.constant 0 : i32
    %dma_start3A_55 = tpu.memref_slice %arg6[%dma_start3A_48, %dma_start3A_54] : memref<84x128xi32, #tpu.memory_space<vmem>> -> memref<1x128xi32, #tpu.memory_space<vmem>>
    %dma_start3A_56 = tpu.memref_squeeze %dma_start3A_55 : memref<1x128xi32, #tpu.memory_space<vmem>> -> memref<128xi32, #tpu.memory_space<vmem>>
    %dma_start3A_57 = arith.constant 0 : i32
    %dma_start3A_58 = arith.constant 0 : i32
    %dma_start3A_59 = tpu.memref_slice %arg2[%dma_start3A_57, %dma_start3A_58] : memref<20000x128xf32, #tpu.memory_space<hbm>> -> memref<20000x128xf32, #tpu.memory_space<hbm>>
    tpu.enqueue_indirect_dma source(%dma_start3A_59 : memref<20000x128xf32, #tpu.memory_space<hbm>>) target(%dma_start3A_53 : memref<128x128xf32, #tpu.memory_space<vmem>>) offsets(%dma_start3A_56 : memref<128xi32, #tpu.memory_space<vmem>>) semaphore(%arg10 : memref<!tpu.dma_semaphore, #tpu.memory_space<semaphore_mem>>)
    %dma_start3A_60 = arith.constant 1 : i32
    %dma_start3A_61 = arith.constant 1 : i32
    %dma_start3A_62 = arith.constant 0 : i32
    %dma_start3A_63 = tpu.memref_slice %arg7[%dma_start3A_61, %dma_start3A_62] : memref<2x128xi32, #tpu.memory_space<vmem>> -> memref<1x128xi32, #tpu.memory_space<vmem>>
    %dma_start3A_64 = tpu.memref_squeeze %dma_start3A_63 : memref<1x128xi32, #tpu.memory_space<vmem>> -> memref<128xi32, #tpu.memory_space<vmem>>
    %dma_start3A_65 = arith.constant 0 : i32
    %dma_start3A_66 = tpu.memref_slice %arg4[%arg1, %dma_start3A_60, %dma_start3A_65] : memref<16x84x128xi32, #tpu.memory_space<hbm>> -> memref<1x1x128xi32, #tpu.memory_space<hbm>>
    %dma_start3A_67 = tpu.memref_squeeze %dma_start3A_66 : memref<1x1x128xi32, #tpu.memory_space<hbm>> -> memref<128xi32, #tpu.memory_space<hbm>>
    %dma_start3A_68 = arith.constant 0 : i32
    %dma_start3A_69 = tpu.memref_slice %arg7[%dma_start3A_61, %dma_start3A_68] : memref<2x128xi32, #tpu.memory_space<vmem>> -> memref<1x128xi32, #tpu.memory_space<vmem>>
    %dma_start3A_70 = tpu.memref_squeeze %dma_start3A_69 : memref<1x128xi32, #tpu.memory_space<vmem>> -> memref<128xi32, #tpu.memory_space<vmem>>
    %dma_start3A_71 = arith.constant 0 : i32
    %dma_start3A_72 = tpu.memref_slice %arg4[%arg1, %dma_start3A_60, %dma_start3A_71] : memref<16x84x128xi32, #tpu.memory_space<hbm>> -> memref<1x1x128xi32, #tpu.memory_space<hbm>>
    %dma_start3A_73 = tpu.memref_squeeze %dma_start3A_72 : memref<1x1x128xi32, #tpu.memory_space<hbm>> -> memref<128xi32, #tpu.memory_space<hbm>>
    tpu.enqueue_dma source(%dma_start3A_73 : memref<128xi32, #tpu.memory_space<hbm>>) target(%dma_start3A_70 : memref<128xi32, #tpu.memory_space<vmem>>) target_semaphore(%arg11 : memref<!tpu.dma_semaphore, #tpu.memory_space<semaphore_mem>>)
    %scan3A_74 = arith.constant 0 : i32
    %scan3A_75 = arith.constant 0 : i32
    %scan3A_76 = arith.constant 42 : i32
    %scan3A_77 = arith.addi %scan3A_75, %scan3A_76 : i32
    %scan3A_78 = arith.constant 1 : i32
    scf.for %scan3A_84 = %scan3A_75 to %scan3A_77 step %scan3A_78  : i32 {
      %mul3A_85 = arith.constant 2 : i32
      %mul3A_86 = arith.muli %scan3A_84, %mul3A_85 : i32
      %add3A_87 = arith.constant 0 : i32
      %add3A_88 = arith.addi %mul3A_86, %add3A_87 : i32
      %dma_wait3A = arith.constant 0 : i32
      %dma_wait3A_89 = arith.constant 0 : i32
      %dma_wait3A_90 = arith.constant 0 : i32
      %dma_wait3A_91 = tpu.memref_slice %arg8[%dma_wait3A, %dma_wait3A_89, %dma_wait3A_90] : memref<2x128x128xf32, #tpu.memory_space<vmem>> -> memref<1x128x128xf32, #tpu.memory_space<vmem>>
      %dma_wait3A_92 = tpu.memref_squeeze %dma_wait3A_91 : memref<1x128x128xf32, #tpu.memory_space<vmem>> -> memref<128x128xf32, #tpu.memory_space<vmem>>
      %dma_wait3A_93 = arith.constant 0 : i32
      %dma_wait3A_94 = tpu.memref_slice %arg6[%add3A_88, %dma_wait3A_93] : memref<84x128xi32, #tpu.memory_space<vmem>> -> memref<1x128xi32, #tpu.memory_space<vmem>>
      %dma_wait3A_95 = tpu.memref_squeeze %dma_wait3A_94 : memref<1x128xi32, #tpu.memory_space<vmem>> -> memref<128xi32, #tpu.memory_space<vmem>>
      %dma_wait3A_96 = arith.constant 0 : i32
      %dma_wait3A_97 = arith.constant 0 : i32
      %dma_wait3A_98 = tpu.memref_slice %arg2[%dma_wait3A_96, %dma_wait3A_97] : memref<20000x128xf32, #tpu.memory_space<hbm>> -> memref<20000x128xf32, #tpu.memory_space<hbm>>
      tpu.wait_indirect_dma semaphore(%arg10 : memref<!tpu.dma_semaphore, #tpu.memory_space<semaphore_mem>>) src(%dma_wait3A_98 : memref<20000x128xf32, #tpu.memory_space<hbm>>) dst(%dma_wait3A_92 : memref<128x128xf32, #tpu.memory_space<vmem>>)
      %dma_wait3A_99 = arith.constant 0 : i32
      %dma_wait3A_100 = arith.constant 0 : i32
      %dma_wait3A_101 = tpu.memref_slice %arg7[%dma_wait3A_99, %dma_wait3A_100] : memref<2x128xi32, #tpu.memory_space<vmem>> -> memref<1x128xi32, #tpu.memory_space<vmem>>
      %dma_wait3A_102 = tpu.memref_squeeze %dma_wait3A_101 : memref<1x128xi32, #tpu.memory_space<vmem>> -> memref<128xi32, #tpu.memory_space<vmem>>
      %dma_wait3A_103 = arith.constant 0 : i32
      %dma_wait3A_104 = tpu.memref_slice %arg4[%arg1, %add3A_88, %dma_wait3A_103] : memref<16x84x128xi32, #tpu.memory_space<hbm>> -> memref<1x1x128xi32, #tpu.memory_space<hbm>>
      %dma_wait3A_105 = tpu.memref_squeeze %dma_wait3A_104 : memref<1x1x128xi32, #tpu.memory_space<hbm>> -> memref<128xi32, #tpu.memory_space<hbm>>
      %dma_wait3A_106 = arith.constant 0 : i32
      %dma_wait3A_107 = tpu.memref_slice %arg7[%dma_wait3A_99, %dma_wait3A_106] : memref<2x128xi32, #tpu.memory_space<vmem>> -> memref<1x128xi32, #tpu.memory_space<vmem>>
      %dma_wait3A_108 = tpu.memref_squeeze %dma_wait3A_107 : memref<1x128xi32, #tpu.memory_space<vmem>> -> memref<128xi32, #tpu.memory_space<vmem>>
      %dma_wait3A_109 = arith.constant 0 : i32
      %dma_wait3A_110 = tpu.memref_slice %arg4[%arg1, %add3A_88, %dma_wait3A_109] : memref<16x84x128xi32, #tpu.memory_space<hbm>> -> memref<1x1x128xi32, #tpu.memory_space<hbm>>
      %dma_wait3A_111 = tpu.memref_squeeze %dma_wait3A_110 : memref<1x1x128xi32, #tpu.memory_space<hbm>> -> memref<128xi32, #tpu.memory_space<hbm>>
      tpu.wait_dma2 semaphore(%arg11 : memref<!tpu.dma_semaphore, #tpu.memory_space<semaphore_mem>>) src(%dma_wait3A_111 : memref<128xi32, #tpu.memory_space<hbm>>) dst(%dma_wait3A_108 : memref<128xi32, #tpu.memory_space<vmem>>)
      %run_scoped3A_112 = arith.constant 0 : i32
      %run_scoped3A_113 = arith.constant 0 : i32
      "tpu.region"() ({
        %run_scoped3A_155 = tpu.sem_alloc : memref<!tpu.dma_semaphore, #tpu.memory_space<semaphore_mem>>
        %dma_start3A_156 = arith.constant 0 : i32
        %dma_start3A_157 = arith.constant 0 : i32
        %dma_start3A_158 = tpu.memref_slice %arg8[%run_scoped3A_112, %dma_start3A_156, %dma_start3A_157] : memref<2x128x128xf32, #tpu.memory_space<vmem>> -> memref<1x128x128xf32, #tpu.memory_space<vmem>>
        %dma_start3A_159 = tpu.memref_squeeze %dma_start3A_158 : memref<1x128x128xf32, #tpu.memory_space<vmem>> -> memref<128x128xf32, #tpu.memory_space<vmem>>
        %dma_start3A_160 = arith.constant 0 : i32
        %dma_start3A_161 = tpu.memref_slice %arg7[%run_scoped3A_113, %dma_start3A_160] : memref<2x128xi32, #tpu.memory_space<vmem>> -> memref<1x128xi32, #tpu.memory_space<vmem>>
        %dma_start3A_162 = tpu.memref_squeeze %dma_start3A_161 : memref<1x128xi32, #tpu.memory_space<vmem>> -> memref<128xi32, #tpu.memory_space<vmem>>
        %dma_start3A_163 = arith.constant 0 : i32
        %dma_start3A_164 = arith.constant 0 : i32
        %dma_start3A_165 = tpu.memref_slice %arg9[%dma_start3A_163, %dma_start3A_164] : memref<10112x128xf32, #tpu.memory_space<vmem_shared>> -> memref<10112x128xf32, #tpu.memory_space<vmem_shared>>
        tpu.enqueue_indirect_dma source(%dma_start3A_159 : memref<128x128xf32, #tpu.memory_space<vmem>>) target(%dma_start3A_165 : memref<10112x128xf32, #tpu.memory_space<vmem_shared>>) offsets(%dma_start3A_162 : memref<128xi32, #tpu.memory_space<vmem>>) semaphore(%run_scoped3A_155 : memref<!tpu.dma_semaphore, #tpu.memory_space<semaphore_mem>>) {add = true}
        %dma_wait3A_166 = arith.constant 0 : i32
        %dma_wait3A_167 = arith.constant 0 : i32
        %dma_wait3A_168 = tpu.memref_slice %arg8[%run_scoped3A_112, %dma_wait3A_166, %dma_wait3A_167] : memref<2x128x128xf32, #tpu.memory_space<vmem>> -> memref<1x128x128xf32, #tpu.memory_space<vmem>>
        %dma_wait3A_169 = tpu.memref_squeeze %dma_wait3A_168 : memref<1x128x128xf32, #tpu.memory_space<vmem>> -> memref<128x128xf32, #tpu.memory_space<vmem>>
        %dma_wait3A_170 = arith.constant 0 : i32
        %dma_wait3A_171 = tpu.memref_slice %arg7[%run_scoped3A_113, %dma_wait3A_170] : memref<2x128xi32, #tpu.memory_space<vmem>> -> memref<1x128xi32, #tpu.memory_space<vmem>>
        %dma_wait3A_172 = tpu.memref_squeeze %dma_wait3A_171 : memref<1x128xi32, #tpu.memory_space<vmem>> -> memref<128xi32, #tpu.memory_space<vmem>>
        %dma_wait3A_173 = arith.constant 0 : i32
        %dma_wait3A_174 = arith.constant 0 : i32
        %dma_wait3A_175 = tpu.memref_slice %arg9[%dma_wait3A_173, %dma_wait3A_174] : memref<10112x128xf32, #tpu.memory_space<vmem_shared>> -> memref<10112x128xf32, #tpu.memory_space<vmem_shared>>
        tpu.wait_indirect_dma semaphore(%run_scoped3A_155 : memref<!tpu.dma_semaphore, #tpu.memory_space<semaphore_mem>>) src(%dma_wait3A_169 : memref<128x128xf32, #tpu.memory_space<vmem>>) dst(%dma_wait3A_175 : memref<10112x128xf32, #tpu.memory_space<vmem_shared>>)
        tpu.yield
      }) : () -> ()
      %add3A_114 = arith.constant 2 : i32
      %add3A_115 = arith.addi %add3A_88, %add3A_114 : i32
      %lt3A = arith.constant 84 : i32
      %lt3A_116 = arith.cmpi slt, %add3A_115, %lt3A : i32
      %convert_element_type3A = arith.extui %lt3A_116 : i1 to i32
      %cond3A = arith.constant 0 : i32
      %cond3A_117 = arith.cmpi ne, %convert_element_type3A, %cond3A : i32
      scf.if %cond3A_117 {
        %dma_start3A_155 = arith.constant 0 : i32
        %dma_start3A_156 = arith.constant 0 : i32
        %dma_start3A_157 = arith.constant 0 : i32
        %dma_start3A_158 = tpu.memref_slice %arg8[%dma_start3A_155, %dma_start3A_156, %dma_start3A_157] : memref<2x128x128xf32, #tpu.memory_space<vmem>> -> memref<1x128x128xf32, #tpu.memory_space<vmem>>
        %dma_start3A_159 = tpu.memref_squeeze %dma_start3A_158 : memref<1x128x128xf32, #tpu.memory_space<vmem>> -> memref<128x128xf32, #tpu.memory_space<vmem>>
        %dma_start3A_160 = arith.constant 0 : i32
        %dma_start3A_161 = tpu.memref_slice %arg6[%add3A_115, %dma_start3A_160] : memref<84x128xi32, #tpu.memory_space<vmem>> -> memref<1x128xi32, #tpu.memory_space<vmem>>
        %dma_start3A_162 = tpu.memref_squeeze %dma_start3A_161 : memref<1x128xi32, #tpu.memory_space<vmem>> -> memref<128xi32, #tpu.memory_space<vmem>>
        %dma_start3A_163 = arith.constant 0 : i32
        %dma_start3A_164 = arith.constant 0 : i32
        %dma_start3A_165 = tpu.memref_slice %arg2[%dma_start3A_163, %dma_start3A_164] : memref<20000x128xf32, #tpu.memory_space<hbm>> -> memref<20000x128xf32, #tpu.memory_space<hbm>>
        tpu.enqueue_indirect_dma source(%dma_start3A_165 : memref<20000x128xf32, #tpu.memory_space<hbm>>) target(%dma_start3A_159 : memref<128x128xf32, #tpu.memory_space<vmem>>) offsets(%dma_start3A_162 : memref<128xi32, #tpu.memory_space<vmem>>) semaphore(%arg10 : memref<!tpu.dma_semaphore, #tpu.memory_space<semaphore_mem>>)
        %dma_start3A_166 = arith.constant 0 : i32
        %dma_start3A_167 = arith.constant 0 : i32
        %dma_start3A_168 = tpu.memref_slice %arg7[%dma_start3A_166, %dma_start3A_167] : memref<2x128xi32, #tpu.memory_space<vmem>> -> memref<1x128xi32, #tpu.memory_space<vmem>>
        %dma_start3A_169 = tpu.memref_squeeze %dma_start3A_168 : memref<1x128xi32, #tpu.memory_space<vmem>> -> memref<128xi32, #tpu.memory_space<vmem>>
        %dma_start3A_170 = arith.constant 0 : i32
        %dma_start3A_171 = tpu.memref_slice %arg4[%arg1, %add3A_115, %dma_start3A_170] : memref<16x84x128xi32, #tpu.memory_space<hbm>> -> memref<1x1x128xi32, #tpu.memory_space<hbm>>
        %dma_start3A_172 = tpu.memref_squeeze %dma_start3A_171 : memref<1x1x128xi32, #tpu.memory_space<hbm>> -> memref<128xi32, #tpu.memory_space<hbm>>
        %dma_start3A_173 = arith.constant 0 : i32
        %dma_start3A_174 = tpu.memref_slice %arg7[%dma_start3A_166, %dma_start3A_173] : memref<2x128xi32, #tpu.memory_space<vmem>> -> memref<1x128xi32, #tpu.memory_space<vmem>>
        %dma_start3A_175 = tpu.memref_squeeze %dma_start3A_174 : memref<1x128xi32, #tpu.memory_space<vmem>> -> memref<128xi32, #tpu.memory_space<vmem>>
        %dma_start3A_176 = arith.constant 0 : i32
        %dma_start3A_177 = tpu.memref_slice %arg4[%arg1, %add3A_115, %dma_start3A_176] : memref<16x84x128xi32, #tpu.memory_space<hbm>> -> memref<1x1x128xi32, #tpu.memory_space<hbm>>
        %dma_start3A_178 = tpu.memref_squeeze %dma_start3A_177 : memref<1x1x128xi32, #tpu.memory_space<hbm>> -> memref<128xi32, #tpu.memory_space<hbm>>
        tpu.enqueue_dma source(%dma_start3A_178 : memref<128xi32, #tpu.memory_space<hbm>>) target(%dma_start3A_175 : memref<128xi32, #tpu.memory_space<vmem>>) target_semaphore(%arg11 : memref<!tpu.dma_semaphore, #tpu.memory_space<semaphore_mem>>)
      } else {
      }
      %mul3A_118 = arith.constant 2 : i32
      %mul3A_119 = arith.muli %scan3A_84, %mul3A_118 : i32
      %add3A_120 = arith.constant 1 : i32
      %add3A_121 = arith.addi %mul3A_119, %add3A_120 : i32
      %dma_wait3A_122 = arith.constant 1 : i32
      %dma_wait3A_123 = arith.constant 0 : i32
      %dma_wait3A_124 = arith.constant 0 : i32
      %dma_wait3A_125 = tpu.memref_slice %arg8[%dma_wait3A_122, %dma_wait3A_123, %dma_wait3A_124] : memref<2x128x128xf32, #tpu.memory_space<vmem>> -> memref<1x128x128xf32, #tpu.memory_space<vmem>>
      %dma_wait3A_126 = tpu.memref_squeeze %dma_wait3A_125 : memref<1x128x128xf32, #tpu.memory_space<vmem>> -> memref<128x128xf32, #tpu.memory_space<vmem>>
      %dma_wait3A_127 = arith.constant 0 : i32
      %dma_wait3A_128 = tpu.memref_slice %arg6[%add3A_121, %dma_wait3A_127] : memref<84x128xi32, #tpu.memory_space<vmem>> -> memref<1x128xi32, #tpu.memory_space<vmem>>
      %dma_wait3A_129 = tpu.memref_squeeze %dma_wait3A_128 : memref<1x128xi32, #tpu.memory_space<vmem>> -> memref<128xi32, #tpu.memory_space<vmem>>
      %dma_wait3A_130 = arith.constant 0 : i32
      %dma_wait3A_131 = arith.constant 0 : i32
      %dma_wait3A_132 = tpu.memref_slice %arg2[%dma_wait3A_130, %dma_wait3A_131] : memref<20000x128xf32, #tpu.memory_space<hbm>> -> memref<20000x128xf32, #tpu.memory_space<hbm>>
      tpu.wait_indirect_dma semaphore(%arg10 : memref<!tpu.dma_semaphore, #tpu.memory_space<semaphore_mem>>) src(%dma_wait3A_132 : memref<20000x128xf32, #tpu.memory_space<hbm>>) dst(%dma_wait3A_126 : memref<128x128xf32, #tpu.memory_space<vmem>>)
      %dma_wait3A_133 = arith.constant 1 : i32
      %dma_wait3A_134 = arith.constant 0 : i32
      %dma_wait3A_135 = tpu.memref_slice %arg7[%dma_wait3A_133, %dma_wait3A_134] : memref<2x128xi32, #tpu.memory_space<vmem>> -> memref<1x128xi32, #tpu.memory_space<vmem>>
      %dma_wait3A_136 = tpu.memref_squeeze %dma_wait3A_135 : memref<1x128xi32, #tpu.memory_space<vmem>> -> memref<128xi32, #tpu.memory_space<vmem>>
      %dma_wait3A_137 = arith.constant 0 : i32
      %dma_wait3A_138 = tpu.memref_slice %arg4[%arg1, %add3A_121, %dma_wait3A_137] : memref<16x84x128xi32, #tpu.memory_space<hbm>> -> memref<1x1x128xi32, #tpu.memory_space<hbm>>
      %dma_wait3A_139 = tpu.memref_squeeze %dma_wait3A_138 : memref<1x1x128xi32, #tpu.memory_space<hbm>> -> memref<128xi32, #tpu.memory_space<hbm>>
      %dma_wait3A_140 = arith.constant 0 : i32
      %dma_wait3A_141 = tpu.memref_slice %arg7[%dma_wait3A_133, %dma_wait3A_140] : memref<2x128xi32, #tpu.memory_space<vmem>> -> memref<1x128xi32, #tpu.memory_space<vmem>>
      %dma_wait3A_142 = tpu.memref_squeeze %dma_wait3A_141 : memref<1x128xi32, #tpu.memory_space<vmem>> -> memref<128xi32, #tpu.memory_space<vmem>>
      %dma_wait3A_143 = arith.constant 0 : i32
      %dma_wait3A_144 = tpu.memref_slice %arg4[%arg1, %add3A_121, %dma_wait3A_143] : memref<16x84x128xi32, #tpu.memory_space<hbm>> -> memref<1x1x128xi32, #tpu.memory_space<hbm>>
      %dma_wait3A_145 = tpu.memref_squeeze %dma_wait3A_144 : memref<1x1x128xi32, #tpu.memory_space<hbm>> -> memref<128xi32, #tpu.memory_space<hbm>>
      tpu.wait_dma2 semaphore(%arg11 : memref<!tpu.dma_semaphore, #tpu.memory_space<semaphore_mem>>) src(%dma_wait3A_145 : memref<128xi32, #tpu.memory_space<hbm>>) dst(%dma_wait3A_142 : memref<128xi32, #tpu.memory_space<vmem>>)
      %run_scoped3A_146 = arith.constant 1 : i32
      %run_scoped3A_147 = arith.constant 1 : i32
      "tpu.region"() ({
        %run_scoped3A_155 = tpu.sem_alloc : memref<!tpu.dma_semaphore, #tpu.memory_space<semaphore_mem>>
        %dma_start3A_156 = arith.constant 0 : i32
        %dma_start3A_157 = arith.constant 0 : i32
        %dma_start3A_158 = tpu.memref_slice %arg8[%run_scoped3A_146, %dma_start3A_156, %dma_start3A_157] : memref<2x128x128xf32, #tpu.memory_space<vmem>> -> memref<1x128x128xf32, #tpu.memory_space<vmem>>
        %dma_start3A_159 = tpu.memref_squeeze %dma_start3A_158 : memref<1x128x128xf32, #tpu.memory_space<vmem>> -> memref<128x128xf32, #tpu.memory_space<vmem>>
        %dma_start3A_160 = arith.constant 0 : i32
        %dma_start3A_161 = tpu.memref_slice %arg7[%run_scoped3A_147, %dma_start3A_160] : memref<2x128xi32, #tpu.memory_space<vmem>> -> memref<1x128xi32, #tpu.memory_space<vmem>>
        %dma_start3A_162 = tpu.memref_squeeze %dma_start3A_161 : memref<1x128xi32, #tpu.memory_space<vmem>> -> memref<128xi32, #tpu.memory_space<vmem>>
        %dma_start3A_163 = arith.constant 0 : i32
        %dma_start3A_164 = arith.constant 0 : i32
        %dma_start3A_165 = tpu.memref_slice %arg9[%dma_start3A_163, %dma_start3A_164] : memref<10112x128xf32, #tpu.memory_space<vmem_shared>> -> memref<10112x128xf32, #tpu.memory_space<vmem_shared>>
        tpu.enqueue_indirect_dma source(%dma_start3A_159 : memref<128x128xf32, #tpu.memory_space<vmem>>) target(%dma_start3A_165 : memref<10112x128xf32, #tpu.memory_space<vmem_shared>>) offsets(%dma_start3A_162 : memref<128xi32, #tpu.memory_space<vmem>>) semaphore(%run_scoped3A_155 : memref<!tpu.dma_semaphore, #tpu.memory_space<semaphore_mem>>) {add = true}
        %dma_wait3A_166 = arith.constant 0 : i32
        %dma_wait3A_167 = arith.constant 0 : i32
        %dma_wait3A_168 = tpu.memref_slice %arg8[%run_scoped3A_146, %dma_wait3A_166, %dma_wait3A_167] : memref<2x128x128xf32, #tpu.memory_space<vmem>> -> memref<1x128x128xf32, #tpu.memory_space<vmem>>
        %dma_wait3A_169 = tpu.memref_squeeze %dma_wait3A_168 : memref<1x128x128xf32, #tpu.memory_space<vmem>> -> memref<128x128xf32, #tpu.memory_space<vmem>>
        %dma_wait3A_170 = arith.constant 0 : i32
        %dma_wait3A_171 = tpu.memref_slice %arg7[%run_scoped3A_147, %dma_wait3A_170] : memref<2x128xi32, #tpu.memory_space<vmem>> -> memref<1x128xi32, #tpu.memory_space<vmem>>
        %dma_wait3A_172 = tpu.memref_squeeze %dma_wait3A_171 : memref<1x128xi32, #tpu.memory_space<vmem>> -> memref<128xi32, #tpu.memory_space<vmem>>
        %dma_wait3A_173 = arith.constant 0 : i32
        %dma_wait3A_174 = arith.constant 0 : i32
        %dma_wait3A_175 = tpu.memref_slice %arg9[%dma_wait3A_173, %dma_wait3A_174] : memref<10112x128xf32, #tpu.memory_space<vmem_shared>> -> memref<10112x128xf32, #tpu.memory_space<vmem_shared>>
        tpu.wait_indirect_dma semaphore(%run_scoped3A_155 : memref<!tpu.dma_semaphore, #tpu.memory_space<semaphore_mem>>) src(%dma_wait3A_169 : memref<128x128xf32, #tpu.memory_space<vmem>>) dst(%dma_wait3A_175 : memref<10112x128xf32, #tpu.memory_space<vmem_shared>>)
        tpu.yield
      }) : () -> ()
      %add3A_148 = arith.constant 2 : i32
      %add3A_149 = arith.addi %add3A_121, %add3A_148 : i32
      %lt3A_150 = arith.constant 84 : i32
      %lt3A_151 = arith.cmpi slt, %add3A_149, %lt3A_150 : i32
      %convert_element_type3A_152 = arith.extui %lt3A_151 : i1 to i32
      %cond3A_153 = arith.constant 0 : i32
      %cond3A_154 = arith.cmpi ne, %convert_element_type3A_152, %cond3A_153 : i32
      scf.if %cond3A_154 {
        %dma_start3A_155 = arith.constant 1 : i32
        %dma_start3A_156 = arith.constant 0 : i32
        %dma_start3A_157 = arith.constant 0 : i32
        %dma_start3A_158 = tpu.memref_slice %arg8[%dma_start3A_155, %dma_start3A_156, %dma_start3A_157] : memref<2x128x128xf32, #tpu.memory_space<vmem>> -> memref<1x128x128xf32, #tpu.memory_space<vmem>>
        %dma_start3A_159 = tpu.memref_squeeze %dma_start3A_158 : memref<1x128x128xf32, #tpu.memory_space<vmem>> -> memref<128x128xf32, #tpu.memory_space<vmem>>
        %dma_start3A_160 = arith.constant 0 : i32
        %dma_start3A_161 = tpu.memref_slice %arg6[%add3A_149, %dma_start3A_160] : memref<84x128xi32, #tpu.memory_space<vmem>> -> memref<1x128xi32, #tpu.memory_space<vmem>>
        %dma_start3A_162 = tpu.memref_squeeze %dma_start3A_161 : memref<1x128xi32, #tpu.memory_space<vmem>> -> memref<128xi32, #tpu.memory_space<vmem>>
        %dma_start3A_163 = arith.constant 0 : i32
        %dma_start3A_164 = arith.constant 0 : i32
        %dma_start3A_165 = tpu.memref_slice %arg2[%dma_start3A_163, %dma_start3A_164] : memref<20000x128xf32, #tpu.memory_space<hbm>> -> memref<20000x128xf32, #tpu.memory_space<hbm>>
        tpu.enqueue_indirect_dma source(%dma_start3A_165 : memref<20000x128xf32, #tpu.memory_space<hbm>>) target(%dma_start3A_159 : memref<128x128xf32, #tpu.memory_space<vmem>>) offsets(%dma_start3A_162 : memref<128xi32, #tpu.memory_space<vmem>>) semaphore(%arg10 : memref<!tpu.dma_semaphore, #tpu.memory_space<semaphore_mem>>)
        %dma_start3A_166 = arith.constant 1 : i32
        %dma_start3A_167 = arith.constant 0 : i32
        %dma_start3A_168 = tpu.memref_slice %arg7[%dma_start3A_166, %dma_start3A_167] : memref<2x128xi32, #tpu.memory_space<vmem>> -> memref<1x128xi32, #tpu.memory_space<vmem>>
        %dma_start3A_169 = tpu.memref_squeeze %dma_start3A_168 : memref<1x128xi32, #tpu.memory_space<vmem>> -> memref<128xi32, #tpu.memory_space<vmem>>
        %dma_start3A_170 = arith.constant 0 : i32
        %dma_start3A_171 = tpu.memref_slice %arg4[%arg1, %add3A_149, %dma_start3A_170] : memref<16x84x128xi32, #tpu.memory_space<hbm>> -> memref<1x1x128xi32, #tpu.memory_space<hbm>>
        %dma_start3A_172 = tpu.memref_squeeze %dma_start3A_171 : memref<1x1x128xi32, #tpu.memory_space<hbm>> -> memref<128xi32, #tpu.memory_space<hbm>>
        %dma_start3A_173 = arith.constant 0 : i32
        %dma_start3A_174 = tpu.memref_slice %arg7[%dma_start3A_166, %dma_start3A_173] : memref<2x128xi32, #tpu.memory_space<vmem>> -> memref<1x128xi32, #tpu.memory_space<vmem>>
        %dma_start3A_175 = tpu.memref_squeeze %dma_start3A_174 : memref<1x128xi32, #tpu.memory_space<vmem>> -> memref<128xi32, #tpu.memory_space<vmem>>
        %dma_start3A_176 = arith.constant 0 : i32
        %dma_start3A_177 = tpu.memref_slice %arg4[%arg1, %add3A_149, %dma_start3A_176] : memref<16x84x128xi32, #tpu.memory_space<hbm>> -> memref<1x1x128xi32, #tpu.memory_space<hbm>>
        %dma_start3A_178 = tpu.memref_squeeze %dma_start3A_177 : memref<1x1x128xi32, #tpu.memory_space<hbm>> -> memref<128xi32, #tpu.memory_space<hbm>>
        tpu.enqueue_dma source(%dma_start3A_178 : memref<128xi32, #tpu.memory_space<hbm>>) target(%dma_start3A_175 : memref<128xi32, #tpu.memory_space<vmem>>) target_semaphore(%arg11 : memref<!tpu.dma_semaphore, #tpu.memory_space<semaphore_mem>>)
      } else {
      }
    }
    %scan3A_79 = arith.constant 42 : i32
    %barrier3A_80 = arith.constant 0 : index
    tpu.barrier barrier_id(%barrier3A_80)
    %mul3A_81 = arith.constant 10112 : i32
    %mul3A_82 = arith.muli %arg0, %mul3A_81 : i32
    %add3A_83 = arith.addi %mul3A_82, %mul3A_8 : i32
    "tpu.region"() ({
      %run_scoped3A_84 = tpu.sem_alloc : memref<!tpu.dma_semaphore, #tpu.memory_space<semaphore_mem>>
      %dma_start3A_85 = arith.constant 0 : i32
      %dma_start3A_86 = tpu.memref_slice %arg5[%add3A_83, %dma_start3A_85] : memref<20224x128xf32, #tpu.memory_space<hbm>> -> memref<632x128xf32, #tpu.memory_space<hbm>>
      %dma_start3A_87 = arith.constant 0 : i32
      %dma_start3A_88 = tpu.memref_slice %arg9[%mul3A_8, %dma_start3A_87] : memref<10112x128xf32, #tpu.memory_space<vmem_shared>> -> memref<632x128xf32, #tpu.memory_space<vmem_shared>>
      tpu.enqueue_dma source(%dma_start3A_88 : memref<632x128xf32, #tpu.memory_space<vmem_shared>>) target(%dma_start3A_86 : memref<632x128xf32, #tpu.memory_space<hbm>>) target_semaphore(%run_scoped3A_84 : memref<!tpu.dma_semaphore, #tpu.memory_space<semaphore_mem>>)
      %dma_wait3A = arith.constant 0 : i32
      %dma_wait3A_89 = tpu.memref_slice %arg5[%add3A_83, %dma_wait3A] : memref<20224x128xf32, #tpu.memory_space<hbm>> -> memref<632x128xf32, #tpu.memory_space<hbm>>
      %dma_wait3A_90 = arith.constant 0 : i32
      %dma_wait3A_91 = tpu.memref_slice %arg9[%mul3A_8, %dma_wait3A_90] : memref<10112x128xf32, #tpu.memory_space<vmem_shared>> -> memref<632x128xf32, #tpu.memory_space<vmem_shared>>
      tpu.wait_dma2 semaphore(%run_scoped3A_84 : memref<!tpu.dma_semaphore, #tpu.memory_space<semaphore_mem>>) src(%dma_wait3A_91 : memref<632x128xf32, #tpu.memory_space<vmem_shared>>) dst(%dma_wait3A_89 : memref<632x128xf32, #tpu.memory_space<hbm>>)
      tpu.yield
    }) : () -> ()
    return
  }
}

#map = affine_map<(d0, d1) -> (0)>
#map1 = affine_map<(d0, d1) -> (0, 0)>
module attributes {stable_mosaic.version = 14 : i64} {
  func.func @_deg_body(%arg0: i32, %arg1: i32, %arg2: memref<172032xi32, #tpu.memory_space<hbm>>, %arg3: memref<20224x16xf32, #tpu.memory_space<hbm>>, %arg4: memref<128xi32, #tpu.memory_space<vmem>>, %arg5: memref<128x16xf32, #tpu.memory_space<vmem>>, %arg6: memref<128x16xf32, #tpu.memory_space<vmem>>, %arg7: memref<10112x16xf32, #tpu.memory_space<vmem_shared>>) attributes {dimension_semantics = [#tpu.dimension_semantics<core_parallel>, #tpu.dimension_semantics<subcore_parallel>], iteration_bounds = array<i64: 2, 16>, scalar_prefetch = 0 : i64, scratch_operands = 4 : i64, tpu.core_type = #tpu.core_type<sc_vector_subcore>, window_params = [{transform_indices = #map}, {transform_indices = #map1}]} {
    %mul3A = arith.constant 2 : i32
    %mul3A_0 = arith.muli %arg1, %mul3A : i32
    %add3A = arith.addi %mul3A_0, %arg0 : i32
    %scan3A = arith.constant 0 : i32
    %scan3A_1 = arith.constant 0 : i32
    %scan3A_2 = arith.constant 128 : i32
    %scan3A_3 = arith.addi %scan3A_1, %scan3A_2 : i32
    %scan3A_4 = arith.constant 1 : i32
    scf.for %scan3A_30 = %scan3A_1 to %scan3A_3 step %scan3A_4  : i32 {
      %broadcast_in_dim3A = arith.constant 1.000000e+00 : f32
      %broadcast_in_dim3A_31 = vector.broadcast %broadcast_in_dim3A : f32 to vector<16xf32>
      %swap3A = arith.index_cast %scan3A_30 : i32 to index
      %swap3A_32 = arith.constant 0 : index
      %swap3A_33 = tpu.vector_load %arg5[%swap3A, %swap3A_32] {strides = array<i32>} : memref<128x16xf32, #tpu.memory_space<vmem>>, vector<1x16xf32>,
      %swap3A_34 = vector.shape_cast %swap3A_33 : vector<1x16xf32> to vector<16xf32>
      %swap3A_35 = vector.shape_cast %broadcast_in_dim3A_31 : vector<16xf32> to vector<1x16xf32>
      tpu.vector_store %arg5[%swap3A, %swap3A_32], %swap3A_35 {strides = array<i32>} : memref<128x16xf32, #tpu.memory_space<vmem>>, vector<1x16xf32>,
      %broadcast_in_dim3A_36 = arith.constant 0.000000e+00 : f32
      %broadcast_in_dim3A_37 = vector.broadcast %broadcast_in_dim3A_36 : f32 to vector<16xf32>
      %swap3A_38 = arith.index_cast %scan3A_30 : i32 to index
      %swap3A_39 = arith.constant 0 : index
      %swap3A_40 = tpu.vector_load %arg6[%swap3A_38, %swap3A_39] {strides = array<i32>} : memref<128x16xf32, #tpu.memory_space<vmem>>, vector<1x16xf32>,
      %swap3A_41 = vector.shape_cast %swap3A_40 : vector<1x16xf32> to vector<16xf32>
      %swap3A_42 = vector.shape_cast %broadcast_in_dim3A_37 : vector<16xf32> to vector<1x16xf32>
      tpu.vector_store %arg6[%swap3A_38, %swap3A_39], %swap3A_42 {strides = array<i32>} : memref<128x16xf32, #tpu.memory_space<vmem>>, vector<1x16xf32>,
    }
    %scan3A_5 = arith.constant 128 : i32
    %mul3A_6 = arith.constant 632 : i32
    %mul3A_7 = arith.muli %arg1, %mul3A_6 : i32
    %add3A_8 = arith.constant 0 : i32
    %add3A_9 = arith.addi %mul3A_7, %add3A_8 : i32
    "tpu.region"() ({
      %run_scoped3A = tpu.sem_alloc : memref<!tpu.dma_semaphore, #tpu.memory_space<semaphore_mem>>
      %dma_start3A = arith.constant 0 : i32
      %dma_start3A_30 = arith.constant 0 : i32
      %dma_start3A_31 = tpu.memref_slice %arg6[%dma_start3A, %dma_start3A_30] : memref<128x16xf32, #tpu.memory_space<vmem>> -> memref<128x16xf32, #tpu.memory_space<vmem>>
      %dma_start3A_32 = arith.constant 0 : i32
      %dma_start3A_33 = tpu.memref_slice %arg7[%add3A_9, %dma_start3A_32] : memref<10112x16xf32, #tpu.memory_space<vmem_shared>> -> memref<128x16xf32, #tpu.memory_space<vmem_shared>>
      %dma_start3A_34 = arith.constant 0 : i32
      %dma_start3A_35 = tpu.memref_slice %arg7[%add3A_9, %dma_start3A_34] : memref<10112x16xf32, #tpu.memory_space<vmem_shared>> -> memref<128x16xf32, #tpu.memory_space<vmem_shared>>
      %dma_start3A_36 = arith.constant 0 : i32
      %dma_start3A_37 = arith.constant 0 : i32
      %dma_start3A_38 = tpu.memref_slice %arg6[%dma_start3A_36, %dma_start3A_37] : memref<128x16xf32, #tpu.memory_space<vmem>> -> memref<128x16xf32, #tpu.memory_space<vmem>>
      tpu.enqueue_dma source(%dma_start3A_38 : memref<128x16xf32, #tpu.memory_space<vmem>>) target(%dma_start3A_35 : memref<128x16xf32, #tpu.memory_space<vmem_shared>>) target_semaphore(%run_scoped3A : memref<!tpu.dma_semaphore, #tpu.memory_space<semaphore_mem>>)
      %dma_wait3A = arith.constant 0 : i32
      %dma_wait3A_39 = arith.constant 0 : i32
      %dma_wait3A_40 = tpu.memref_slice %arg6[%dma_wait3A, %dma_wait3A_39] : memref<128x16xf32, #tpu.memory_space<vmem>> -> memref<128x16xf32, #tpu.memory_space<vmem>>
      %dma_wait3A_41 = arith.constant 0 : i32
      %dma_wait3A_42 = tpu.memref_slice %arg7[%add3A_9, %dma_wait3A_41] : memref<10112x16xf32, #tpu.memory_space<vmem_shared>> -> memref<128x16xf32, #tpu.memory_space<vmem_shared>>
      %dma_wait3A_43 = arith.constant 0 : i32
      %dma_wait3A_44 = tpu.memref_slice %arg7[%add3A_9, %dma_wait3A_43] : memref<10112x16xf32, #tpu.memory_space<vmem_shared>> -> memref<128x16xf32, #tpu.memory_space<vmem_shared>>
      %dma_wait3A_45 = arith.constant 0 : i32
      %dma_wait3A_46 = arith.constant 0 : i32
      %dma_wait3A_47 = tpu.memref_slice %arg6[%dma_wait3A_45, %dma_wait3A_46] : memref<128x16xf32, #tpu.memory_space<vmem>> -> memref<128x16xf32, #tpu.memory_space<vmem>>
      tpu.wait_dma2 semaphore(%run_scoped3A : memref<!tpu.dma_semaphore, #tpu.memory_space<semaphore_mem>>) src(%dma_wait3A_47 : memref<128x16xf32, #tpu.memory_space<vmem>>) dst(%dma_wait3A_44 : memref<128x16xf32, #tpu.memory_space<vmem_shared>>)
      tpu.yield
    }) : () -> ()
    %add3A_10 = arith.constant 128 : i32
    %add3A_11 = arith.addi %mul3A_7, %add3A_10 : i32
    "tpu.region"() ({
      %run_scoped3A = tpu.sem_alloc : memref<!tpu.dma_semaphore, #tpu.memory_space<semaphore_mem>>
      %dma_start3A = arith.constant 0 : i32
      %dma_start3A_30 = arith.constant 0 : i32
      %dma_start3A_31 = tpu.memref_slice %arg6[%dma_start3A, %dma_start3A_30] : memref<128x16xf32, #tpu.memory_space<vmem>> -> memref<128x16xf32, #tpu.memory_space<vmem>>
      %dma_start3A_32 = arith.constant 0 : i32
      %dma_start3A_33 = tpu.memref_slice %arg7[%add3A_11, %dma_start3A_32] : memref<10112x16xf32, #tpu.memory_space<vmem_shared>> -> memref<128x16xf32, #tpu.memory_space<vmem_shared>>
      %dma_start3A_34 = arith.constant 0 : i32
      %dma_start3A_35 = tpu.memref_slice %arg7[%add3A_11, %dma_start3A_34] : memref<10112x16xf32, #tpu.memory_space<vmem_shared>> -> memref<128x16xf32, #tpu.memory_space<vmem_shared>>
      %dma_start3A_36 = arith.constant 0 : i32
      %dma_start3A_37 = arith.constant 0 : i32
      %dma_start3A_38 = tpu.memref_slice %arg6[%dma_start3A_36, %dma_start3A_37] : memref<128x16xf32, #tpu.memory_space<vmem>> -> memref<128x16xf32, #tpu.memory_space<vmem>>
      tpu.enqueue_dma source(%dma_start3A_38 : memref<128x16xf32, #tpu.memory_space<vmem>>) target(%dma_start3A_35 : memref<128x16xf32, #tpu.memory_space<vmem_shared>>) target_semaphore(%run_scoped3A : memref<!tpu.dma_semaphore, #tpu.memory_space<semaphore_mem>>)
      %dma_wait3A = arith.constant 0 : i32
      %dma_wait3A_39 = arith.constant 0 : i32
      %dma_wait3A_40 = tpu.memref_slice %arg6[%dma_wait3A, %dma_wait3A_39] : memref<128x16xf32, #tpu.memory_space<vmem>> -> memref<128x16xf32, #tpu.memory_space<vmem>>
      %dma_wait3A_41 = arith.constant 0 : i32
      %dma_wait3A_42 = tpu.memref_slice %arg7[%add3A_11, %dma_wait3A_41] : memref<10112x16xf32, #tpu.memory_space<vmem_shared>> -> memref<128x16xf32, #tpu.memory_space<vmem_shared>>
      %dma_wait3A_43 = arith.constant 0 : i32
      %dma_wait3A_44 = tpu.memref_slice %arg7[%add3A_11, %dma_wait3A_43] : memref<10112x16xf32, #tpu.memory_space<vmem_shared>> -> memref<128x16xf32, #tpu.memory_space<vmem_shared>>
      %dma_wait3A_45 = arith.constant 0 : i32
      %dma_wait3A_46 = arith.constant 0 : i32
      %dma_wait3A_47 = tpu.memref_slice %arg6[%dma_wait3A_45, %dma_wait3A_46] : memref<128x16xf32, #tpu.memory_space<vmem>> -> memref<128x16xf32, #tpu.memory_space<vmem>>
      tpu.wait_dma2 semaphore(%run_scoped3A : memref<!tpu.dma_semaphore, #tpu.memory_space<semaphore_mem>>) src(%dma_wait3A_47 : memref<128x16xf32, #tpu.memory_space<vmem>>) dst(%dma_wait3A_44 : memref<128x16xf32, #tpu.memory_space<vmem_shared>>)
      tpu.yield
    }) : () -> ()
    %add3A_12 = arith.constant 256 : i32
    %add3A_13 = arith.addi %mul3A_7, %add3A_12 : i32
    "tpu.region"() ({
      %run_scoped3A = tpu.sem_alloc : memref<!tpu.dma_semaphore, #tpu.memory_space<semaphore_mem>>
      %dma_start3A = arith.constant 0 : i32
      %dma_start3A_30 = arith.constant 0 : i32
      %dma_start3A_31 = tpu.memref_slice %arg6[%dma_start3A, %dma_start3A_30] : memref<128x16xf32, #tpu.memory_space<vmem>> -> memref<128x16xf32, #tpu.memory_space<vmem>>
      %dma_start3A_32 = arith.constant 0 : i32
      %dma_start3A_33 = tpu.memref_slice %arg7[%add3A_13, %dma_start3A_32] : memref<10112x16xf32, #tpu.memory_space<vmem_shared>> -> memref<128x16xf32, #tpu.memory_space<vmem_shared>>
      %dma_start3A_34 = arith.constant 0 : i32
      %dma_start3A_35 = tpu.memref_slice %arg7[%add3A_13, %dma_start3A_34] : memref<10112x16xf32, #tpu.memory_space<vmem_shared>> -> memref<128x16xf32, #tpu.memory_space<vmem_shared>>
      %dma_start3A_36 = arith.constant 0 : i32
      %dma_start3A_37 = arith.constant 0 : i32
      %dma_start3A_38 = tpu.memref_slice %arg6[%dma_start3A_36, %dma_start3A_37] : memref<128x16xf32, #tpu.memory_space<vmem>> -> memref<128x16xf32, #tpu.memory_space<vmem>>
      tpu.enqueue_dma source(%dma_start3A_38 : memref<128x16xf32, #tpu.memory_space<vmem>>) target(%dma_start3A_35 : memref<128x16xf32, #tpu.memory_space<vmem_shared>>) target_semaphore(%run_scoped3A : memref<!tpu.dma_semaphore, #tpu.memory_space<semaphore_mem>>)
      %dma_wait3A = arith.constant 0 : i32
      %dma_wait3A_39 = arith.constant 0 : i32
      %dma_wait3A_40 = tpu.memref_slice %arg6[%dma_wait3A, %dma_wait3A_39] : memref<128x16xf32, #tpu.memory_space<vmem>> -> memref<128x16xf32, #tpu.memory_space<vmem>>
      %dma_wait3A_41 = arith.constant 0 : i32
      %dma_wait3A_42 = tpu.memref_slice %arg7[%add3A_13, %dma_wait3A_41] : memref<10112x16xf32, #tpu.memory_space<vmem_shared>> -> memref<128x16xf32, #tpu.memory_space<vmem_shared>>
      %dma_wait3A_43 = arith.constant 0 : i32
      %dma_wait3A_44 = tpu.memref_slice %arg7[%add3A_13, %dma_wait3A_43] : memref<10112x16xf32, #tpu.memory_space<vmem_shared>> -> memref<128x16xf32, #tpu.memory_space<vmem_shared>>
      %dma_wait3A_45 = arith.constant 0 : i32
      %dma_wait3A_46 = arith.constant 0 : i32
      %dma_wait3A_47 = tpu.memref_slice %arg6[%dma_wait3A_45, %dma_wait3A_46] : memref<128x16xf32, #tpu.memory_space<vmem>> -> memref<128x16xf32, #tpu.memory_space<vmem>>
      tpu.wait_dma2 semaphore(%run_scoped3A : memref<!tpu.dma_semaphore, #tpu.memory_space<semaphore_mem>>) src(%dma_wait3A_47 : memref<128x16xf32, #tpu.memory_space<vmem>>) dst(%dma_wait3A_44 : memref<128x16xf32, #tpu.memory_space<vmem_shared>>)
      tpu.yield
    }) : () -> ()
    %add3A_14 = arith.constant 384 : i32
    %add3A_15 = arith.addi %mul3A_7, %add3A_14 : i32
    "tpu.region"() ({
      %run_scoped3A = tpu.sem_alloc : memref<!tpu.dma_semaphore, #tpu.memory_space<semaphore_mem>>
      %dma_start3A = arith.constant 0 : i32
      %dma_start3A_30 = arith.constant 0 : i32
      %dma_start3A_31 = tpu.memref_slice %arg6[%dma_start3A, %dma_start3A_30] : memref<128x16xf32, #tpu.memory_space<vmem>> -> memref<128x16xf32, #tpu.memory_space<vmem>>
      %dma_start3A_32 = arith.constant 0 : i32
      %dma_start3A_33 = tpu.memref_slice %arg7[%add3A_15, %dma_start3A_32] : memref<10112x16xf32, #tpu.memory_space<vmem_shared>> -> memref<128x16xf32, #tpu.memory_space<vmem_shared>>
      %dma_start3A_34 = arith.constant 0 : i32
      %dma_start3A_35 = tpu.memref_slice %arg7[%add3A_15, %dma_start3A_34] : memref<10112x16xf32, #tpu.memory_space<vmem_shared>> -> memref<128x16xf32, #tpu.memory_space<vmem_shared>>
      %dma_start3A_36 = arith.constant 0 : i32
      %dma_start3A_37 = arith.constant 0 : i32
      %dma_start3A_38 = tpu.memref_slice %arg6[%dma_start3A_36, %dma_start3A_37] : memref<128x16xf32, #tpu.memory_space<vmem>> -> memref<128x16xf32, #tpu.memory_space<vmem>>
      tpu.enqueue_dma source(%dma_start3A_38 : memref<128x16xf32, #tpu.memory_space<vmem>>) target(%dma_start3A_35 : memref<128x16xf32, #tpu.memory_space<vmem_shared>>) target_semaphore(%run_scoped3A : memref<!tpu.dma_semaphore, #tpu.memory_space<semaphore_mem>>)
      %dma_wait3A = arith.constant 0 : i32
      %dma_wait3A_39 = arith.constant 0 : i32
      %dma_wait3A_40 = tpu.memref_slice %arg6[%dma_wait3A, %dma_wait3A_39] : memref<128x16xf32, #tpu.memory_space<vmem>> -> memref<128x16xf32, #tpu.memory_space<vmem>>
      %dma_wait3A_41 = arith.constant 0 : i32
      %dma_wait3A_42 = tpu.memref_slice %arg7[%add3A_15, %dma_wait3A_41] : memref<10112x16xf32, #tpu.memory_space<vmem_shared>> -> memref<128x16xf32, #tpu.memory_space<vmem_shared>>
      %dma_wait3A_43 = arith.constant 0 : i32
      %dma_wait3A_44 = tpu.memref_slice %arg7[%add3A_15, %dma_wait3A_43] : memref<10112x16xf32, #tpu.memory_space<vmem_shared>> -> memref<128x16xf32, #tpu.memory_space<vmem_shared>>
      %dma_wait3A_45 = arith.constant 0 : i32
      %dma_wait3A_46 = arith.constant 0 : i32
      %dma_wait3A_47 = tpu.memref_slice %arg6[%dma_wait3A_45, %dma_wait3A_46] : memref<128x16xf32, #tpu.memory_space<vmem>> -> memref<128x16xf32, #tpu.memory_space<vmem>>
      tpu.wait_dma2 semaphore(%run_scoped3A : memref<!tpu.dma_semaphore, #tpu.memory_space<semaphore_mem>>) src(%dma_wait3A_47 : memref<128x16xf32, #tpu.memory_space<vmem>>) dst(%dma_wait3A_44 : memref<128x16xf32, #tpu.memory_space<vmem_shared>>)
      tpu.yield
    }) : () -> ()
    %add3A_16 = arith.constant 512 : i32
    %add3A_17 = arith.addi %mul3A_7, %add3A_16 : i32
    "tpu.region"() ({
      %run_scoped3A = tpu.sem_alloc : memref<!tpu.dma_semaphore, #tpu.memory_space<semaphore_mem>>
      %dma_start3A = arith.constant 0 : i32
      %dma_start3A_30 = arith.constant 0 : i32
      %dma_start3A_31 = tpu.memref_slice %arg6[%dma_start3A, %dma_start3A_30] : memref<128x16xf32, #tpu.memory_space<vmem>> -> memref<120x16xf32, #tpu.memory_space<vmem>>
      %dma_start3A_32 = arith.constant 0 : i32
      %dma_start3A_33 = tpu.memref_slice %arg7[%add3A_17, %dma_start3A_32] : memref<10112x16xf32, #tpu.memory_space<vmem_shared>> -> memref<120x16xf32, #tpu.memory_space<vmem_shared>>
      %dma_start3A_34 = arith.constant 0 : i32
      %dma_start3A_35 = tpu.memref_slice %arg7[%add3A_17, %dma_start3A_34] : memref<10112x16xf32, #tpu.memory_space<vmem_shared>> -> memref<120x16xf32, #tpu.memory_space<vmem_shared>>
      %dma_start3A_36 = arith.constant 0 : i32
      %dma_start3A_37 = arith.constant 0 : i32
      %dma_start3A_38 = tpu.memref_slice %arg6[%dma_start3A_36, %dma_start3A_37] : memref<128x16xf32, #tpu.memory_space<vmem>> -> memref<120x16xf32, #tpu.memory_space<vmem>>
      tpu.enqueue_dma source(%dma_start3A_38 : memref<120x16xf32, #tpu.memory_space<vmem>>) target(%dma_start3A_35 : memref<120x16xf32, #tpu.memory_space<vmem_shared>>) target_semaphore(%run_scoped3A : memref<!tpu.dma_semaphore, #tpu.memory_space<semaphore_mem>>)
      %dma_wait3A = arith.constant 0 : i32
      %dma_wait3A_39 = arith.constant 0 : i32
      %dma_wait3A_40 = tpu.memref_slice %arg6[%dma_wait3A, %dma_wait3A_39] : memref<128x16xf32, #tpu.memory_space<vmem>> -> memref<120x16xf32, #tpu.memory_space<vmem>>
      %dma_wait3A_41 = arith.constant 0 : i32
      %dma_wait3A_42 = tpu.memref_slice %arg7[%add3A_17, %dma_wait3A_41] : memref<10112x16xf32, #tpu.memory_space<vmem_shared>> -> memref<120x16xf32, #tpu.memory_space<vmem_shared>>
      %dma_wait3A_43 = arith.constant 0 : i32
      %dma_wait3A_44 = tpu.memref_slice %arg7[%add3A_17, %dma_wait3A_43] : memref<10112x16xf32, #tpu.memory_space<vmem_shared>> -> memref<120x16xf32, #tpu.memory_space<vmem_shared>>
      %dma_wait3A_45 = arith.constant 0 : i32
      %dma_wait3A_46 = arith.constant 0 : i32
      %dma_wait3A_47 = tpu.memref_slice %arg6[%dma_wait3A_45, %dma_wait3A_46] : memref<128x16xf32, #tpu.memory_space<vmem>> -> memref<120x16xf32, #tpu.memory_space<vmem>>
      tpu.wait_dma2 semaphore(%run_scoped3A : memref<!tpu.dma_semaphore, #tpu.memory_space<semaphore_mem>>) src(%dma_wait3A_47 : memref<120x16xf32, #tpu.memory_space<vmem>>) dst(%dma_wait3A_44 : memref<120x16xf32, #tpu.memory_space<vmem_shared>>)
      tpu.yield
    }) : () -> ()
    %barrier3A = arith.constant 0 : index
    tpu.barrier barrier_id(%barrier3A)
    %mul3A_18 = arith.constant 5376 : i32
    %mul3A_19 = arith.muli %add3A, %mul3A_18 : i32
    %scan3A_20 = arith.constant 0 : i32
    %scan3A_21 = arith.constant 0 : i32
    %scan3A_22 = arith.constant 42 : i32
    %scan3A_23 = arith.addi %scan3A_21, %scan3A_22 : i32
    %scan3A_24 = arith.constant 1 : i32
    scf.for %scan3A_30 = %scan3A_21 to %scan3A_23 step %scan3A_24  : i32 {
      %mul3A_31 = arith.constant 128 : i32
      %mul3A_32 = arith.muli %scan3A_30, %mul3A_31 : i32
      %add3A_33 = arith.addi %mul3A_19, %mul3A_32 : i32
      "tpu.region"() ({
        %run_scoped3A = tpu.sem_alloc : memref<!tpu.dma_semaphore, #tpu.memory_space<semaphore_mem>>
        %dma_start3A = tpu.memref_slice %arg2[%add3A_33] : memref<172032xi32, #tpu.memory_space<hbm>> -> memref<128xi32, #tpu.memory_space<hbm>>
        %dma_start3A_34 = tpu.memref_slice %arg2[%add3A_33] : memref<172032xi32, #tpu.memory_space<hbm>> -> memref<128xi32, #tpu.memory_space<hbm>>
        tpu.enqueue_dma source(%dma_start3A_34 : memref<128xi32, #tpu.memory_space<hbm>>) target(%arg4 : memref<128xi32, #tpu.memory_space<vmem>>) target_semaphore(%run_scoped3A : memref<!tpu.dma_semaphore, #tpu.memory_space<semaphore_mem>>)
        %dma_wait3A = tpu.memref_slice %arg2[%add3A_33] : memref<172032xi32, #tpu.memory_space<hbm>> -> memref<128xi32, #tpu.memory_space<hbm>>
        %dma_wait3A_35 = tpu.memref_slice %arg2[%add3A_33] : memref<172032xi32, #tpu.memory_space<hbm>> -> memref<128xi32, #tpu.memory_space<hbm>>
        tpu.wait_dma2 semaphore(%run_scoped3A : memref<!tpu.dma_semaphore, #tpu.memory_space<semaphore_mem>>) src(%dma_wait3A_35 : memref<128xi32, #tpu.memory_space<hbm>>) dst(%arg4 : memref<128xi32, #tpu.memory_space<vmem>>)
        tpu.yield
      }) : () -> ()
      "tpu.region"() ({
        %run_scoped3A = tpu.sem_alloc : memref<!tpu.dma_semaphore, #tpu.memory_space<semaphore_mem>>
        %dma_start3A = arith.constant 0 : i32
        %dma_start3A_34 = arith.constant 0 : i32
        %dma_start3A_35 = tpu.memref_slice %arg7[%dma_start3A, %dma_start3A_34] : memref<10112x16xf32, #tpu.memory_space<vmem_shared>> -> memref<10112x16xf32, #tpu.memory_space<vmem_shared>>
        tpu.enqueue_indirect_dma source(%arg5 : memref<128x16xf32, #tpu.memory_space<vmem>>) target(%dma_start3A_35 : memref<10112x16xf32, #tpu.memory_space<vmem_shared>>) offsets(%arg4 : memref<128xi32, #tpu.memory_space<vmem>>) semaphore(%run_scoped3A : memref<!tpu.dma_semaphore, #tpu.memory_space<semaphore_mem>>) {add = true}
        %dma_wait3A = arith.constant 0 : i32
        %dma_wait3A_36 = arith.constant 0 : i32
        %dma_wait3A_37 = tpu.memref_slice %arg7[%dma_wait3A, %dma_wait3A_36] : memref<10112x16xf32, #tpu.memory_space<vmem_shared>> -> memref<10112x16xf32, #tpu.memory_space<vmem_shared>>
        tpu.wait_indirect_dma semaphore(%run_scoped3A : memref<!tpu.dma_semaphore, #tpu.memory_space<semaphore_mem>>) src(%arg5 : memref<128x16xf32, #tpu.memory_space<vmem>>) dst(%dma_wait3A_37 : memref<10112x16xf32, #tpu.memory_space<vmem_shared>>)
        tpu.yield
      }) : () -> ()
    }
    %scan3A_25 = arith.constant 42 : i32
    %barrier3A_26 = arith.constant 0 : index
    tpu.barrier barrier_id(%barrier3A_26)
    %mul3A_27 = arith.constant 10112 : i32
    %mul3A_28 = arith.muli %arg0, %mul3A_27 : i32
    %add3A_29 = arith.addi %mul3A_28, %mul3A_7 : i32
    "tpu.region"() ({
      %run_scoped3A = tpu.sem_alloc : memref<!tpu.dma_semaphore, #tpu.memory_space<semaphore_mem>>
      %dma_start3A = arith.constant 0 : i32
      %dma_start3A_30 = tpu.memref_slice %arg3[%add3A_29, %dma_start3A] : memref<20224x16xf32, #tpu.memory_space<hbm>> -> memref<632x16xf32, #tpu.memory_space<hbm>>
      %dma_start3A_31 = arith.constant 0 : i32
      %dma_start3A_32 = tpu.memref_slice %arg7[%mul3A_7, %dma_start3A_31] : memref<10112x16xf32, #tpu.memory_space<vmem_shared>> -> memref<632x16xf32, #tpu.memory_space<vmem_shared>>
      tpu.enqueue_dma source(%dma_start3A_32 : memref<632x16xf32, #tpu.memory_space<vmem_shared>>) target(%dma_start3A_30 : memref<632x16xf32, #tpu.memory_space<hbm>>) target_semaphore(%run_scoped3A : memref<!tpu.dma_semaphore, #tpu.memory_space<semaphore_mem>>)
      %dma_wait3A = arith.constant 0 : i32
      %dma_wait3A_33 = tpu.memref_slice %arg3[%add3A_29, %dma_wait3A] : memref<20224x16xf32, #tpu.memory_space<hbm>> -> memref<632x16xf32, #tpu.memory_space<hbm>>
      %dma_wait3A_34 = arith.constant 0 : i32
      %dma_wait3A_35 = tpu.memref_slice %arg7[%mul3A_7, %dma_wait3A_34] : memref<10112x16xf32, #tpu.memory_space<vmem_shared>> -> memref<632x16xf32, #tpu.memory_space<vmem_shared>>
      tpu.wait_dma2 semaphore(%run_scoped3A : memref<!tpu.dma_semaphore, #tpu.memory_space<semaphore_mem>>) src(%dma_wait3A_35 : memref<632x16xf32, #tpu.memory_space<vmem_shared>>) dst(%dma_wait3A_33 : memref<632x16xf32, #tpu.memory_space<hbm>>)
      tpu.yield
    }) : () -> ()
    return
  }
}

#map = affine_map<(d0, d1) -> (0, 0)>
#map1 = affine_map<(d0, d1) -> (0, 0, 0)>
module attributes {stable_mosaic.version = 14 : i64} {
  func.func @_agg_body(%arg0: i32, %arg1: i32, %arg2: memref<20000x128xf32, #tpu.memory_space<hbm>>, %arg3: memref<32x84x128xi32, #tpu.memory_space<hbm>>, %arg4: memref<16x84x128xi32, #tpu.memory_space<hbm>>, %arg5: memref<20224x128xf32, #tpu.memory_space<hbm>>, %arg6: memref<84x128xi32, #tpu.memory_space<vmem>>, %arg7: memref<2x128xi32, #tpu.memory_space<vmem>>, %arg8: memref<2x128x128xf32, #tpu.memory_space<vmem>>, %arg9: memref<10112x128xf32, #tpu.memory_space<vmem_shared>>, %arg10: memref<!tpu.dma_semaphore, #tpu.memory_space<semaphore_mem>>, %arg11: memref<!tpu.dma_semaphore, #tpu.memory_space<semaphore_mem>>) attributes {dimension_semantics = [#tpu.dimension_semantics<core_parallel>, #tpu.dimension_semantics<subcore_parallel>], iteration_bounds = array<i64: 2, 16>, scalar_prefetch = 0 : i64, scratch_operands = 6 : i64, tpu.core_type = #tpu.core_type<sc_vector_subcore>, window_params = [{transform_indices = #map}, {transform_indices = #map1}, {transform_indices = #map1}, {transform_indices = #map}]} {
    %mul3A = arith.constant 16 : i32
    %mul3A_0 = arith.muli %arg0, %mul3A : i32
    %add3A = arith.addi %mul3A_0, %arg1 : i32
    "tpu.region"() ({
      %run_scoped3A_84 = tpu.sem_alloc : memref<!tpu.dma_semaphore, #tpu.memory_space<semaphore_mem>>
      %dma_start3A_85 = arith.constant 0 : i32
      %dma_start3A_86 = arith.constant 0 : i32
      %dma_start3A_87 = tpu.memref_slice %arg3[%add3A, %dma_start3A_85, %dma_start3A_86] : memref<32x84x128xi32, #tpu.memory_space<hbm>> -> memref<1x84x128xi32, #tpu.memory_space<hbm>>
      %dma_start3A_88 = tpu.memref_squeeze %dma_start3A_87 : memref<1x84x128xi32, #tpu.memory_space<hbm>> -> memref<84x128xi32, #tpu.memory_space<hbm>>
      %dma_start3A_89 = arith.constant 0 : i32
      %dma_start3A_90 = arith.constant 0 : i32
      %dma_start3A_91 = tpu.memref_slice %arg3[%add3A, %dma_start3A_89, %dma_start3A_90] : memref<32x84x128xi32, #tpu.memory_space<hbm>> -> memref<1x84x128xi32, #tpu.memory_space<hbm>>
      %dma_start3A_92 = tpu.memref_squeeze %dma_start3A_91 : memref<1x84x128xi32, #tpu.memory_space<hbm>> -> memref<84x128xi32, #tpu.memory_space<hbm>>
      tpu.enqueue_dma source(%dma_start3A_92 : memref<84x128xi32, #tpu.memory_space<hbm>>) target(%arg6 : memref<84x128xi32, #tpu.memory_space<vmem>>) target_semaphore(%run_scoped3A_84 : memref<!tpu.dma_semaphore, #tpu.memory_space<semaphore_mem>>)
      %dma_wait3A = arith.constant 0 : i32
      %dma_wait3A_93 = arith.constant 0 : i32
      %dma_wait3A_94 = tpu.memref_slice %arg3[%add3A, %dma_wait3A, %dma_wait3A_93] : memref<32x84x128xi32, #tpu.memory_space<hbm>> -> memref<1x84x128xi32, #tpu.memory_space<hbm>>
      %dma_wait3A_95 = tpu.memref_squeeze %dma_wait3A_94 : memref<1x84x128xi32, #tpu.memory_space<hbm>> -> memref<84x128xi32, #tpu.memory_space<hbm>>
      %dma_wait3A_96 = arith.constant 0 : i32
      %dma_wait3A_97 = arith.constant 0 : i32
      %dma_wait3A_98 = tpu.memref_slice %arg3[%add3A, %dma_wait3A_96, %dma_wait3A_97] : memref<32x84x128xi32, #tpu.memory_space<hbm>> -> memref<1x84x128xi32, #tpu.memory_space<hbm>>
      %dma_wait3A_99 = tpu.memref_squeeze %dma_wait3A_98 : memref<1x84x128xi32, #tpu.memory_space<hbm>> -> memref<84x128xi32, #tpu.memory_space<hbm>>
      tpu.wait_dma2 semaphore(%run_scoped3A_84 : memref<!tpu.dma_semaphore, #tpu.memory_space<semaphore_mem>>) src(%dma_wait3A_99 : memref<84x128xi32, #tpu.memory_space<hbm>>) dst(%arg6 : memref<84x128xi32, #tpu.memory_space<vmem>>)
      tpu.yield
    }) : () -> ()
    %scan3A = arith.constant 0 : i32
    %scan3A_1 = arith.constant 0 : i32
    %scan3A_2 = arith.constant 0 : i32
    %scan3A_3 = arith.constant 128 : i32
    %scan3A_4 = arith.addi %scan3A_2, %scan3A_3 : i32
    %scan3A_5 = arith.constant 1 : i32
    scf.for %scan3A_84 = %scan3A_2 to %scan3A_4 step %scan3A_5  : i32 {
      %scan3A_85 = arith.constant 0 : i32
      %scan3A_86 = arith.constant 8 : i32
      %scan3A_87 = arith.addi %scan3A_85, %scan3A_86 : i32
      %scan3A_88 = arith.constant 1 : i32
      scf.for %scan3A_90 = %scan3A_85 to %scan3A_87 step %scan3A_88  : i32 {
        %broadcast_in_dim3A = arith.constant 0.000000e+00 : f32
        %broadcast_in_dim3A_91 = vector.broadcast %broadcast_in_dim3A : f32 to vector<16xf32>
        %mul3A_92 = arith.constant 16 : i32
        %mul3A_93 = arith.muli %scan3A_90, %mul3A_92 : i32
        %swap3A = arith.constant 0 : i32
        %swap3A_94 = arith.constant 0 : i32
        %swap3A_95 = tpu.memref_slice %arg8[%scan3A_1, %swap3A, %swap3A_94] : memref<2x128x128xf32, #tpu.memory_space<vmem>> -> memref<1x128x128xf32, #tpu.memory_space<vmem>>
        %swap3A_96 = tpu.memref_squeeze %swap3A_95 : memref<1x128x128xf32, #tpu.memory_space<vmem>> -> memref<128x128xf32, #tpu.memory_space<vmem>>
        %swap3A_97 = arith.index_cast %scan3A_84 : i32 to index
        %swap3A_98 = arith.index_cast %mul3A_93 : i32 to index
        %swap3A_99 = tpu.vector_load %swap3A_96[%swap3A_97, %swap3A_98] {strides = array<i32>} : memref<128x128xf32, #tpu.memory_space<vmem>>, vector<1x16xf32>,
        %swap3A_100 = vector.shape_cast %swap3A_99 : vector<1x16xf32> to vector<16xf32>
        %swap3A_101 = vector.shape_cast %broadcast_in_dim3A_91 : vector<16xf32> to vector<1x16xf32>
        tpu.vector_store %swap3A_96[%swap3A_97, %swap3A_98], %swap3A_101 {strides = array<i32>} : memref<128x128xf32, #tpu.memory_space<vmem>>, vector<1x16xf32>,
      }
      %scan3A_89 = arith.constant 8 : i32
    }
    %scan3A_6 = arith.constant 128 : i32
    %mul3A_7 = arith.constant 632 : i32
    %mul3A_8 = arith.muli %arg1, %mul3A_7 : i32
    %add3A_9 = arith.constant 0 : i32
    %add3A_10 = arith.addi %mul3A_8, %add3A_9 : i32
    %run_scoped3A = arith.constant 0 : i32
    "tpu.region"() ({
      %run_scoped3A_84 = tpu.sem_alloc : memref<!tpu.dma_semaphore, #tpu.memory_space<semaphore_mem>>
      %dma_start3A_85 = arith.constant 0 : i32
      %dma_start3A_86 = arith.constant 0 : i32
      %dma_start3A_87 = tpu.memref_slice %arg8[%run_scoped3A, %dma_start3A_85, %dma_start3A_86] : memref<2x128x128xf32, #tpu.memory_space<vmem>> -> memref<1x128x128xf32, #tpu.memory_space<vmem>>
      %dma_start3A_88 = tpu.memref_squeeze %dma_start3A_87 : memref<1x128x128xf32, #tpu.memory_space<vmem>> -> memref<128x128xf32, #tpu.memory_space<vmem>>
      %dma_start3A_89 = arith.constant 0 : i32
      %dma_start3A_90 = arith.constant 0 : i32
      %dma_start3A_91 = tpu.memref_slice %dma_start3A_88[%dma_start3A_89, %dma_start3A_90] : memref<128x128xf32, #tpu.memory_space<vmem>> -> memref<128x128xf32, #tpu.memory_space<vmem>>
      %dma_start3A_92 = arith.constant 0 : i32
      %dma_start3A_93 = tpu.memref_slice %arg9[%add3A_10, %dma_start3A_92] : memref<10112x128xf32, #tpu.memory_space<vmem_shared>> -> memref<128x128xf32, #tpu.memory_space<vmem_shared>>
      %dma_start3A_94 = arith.constant 0 : i32
      %dma_start3A_95 = tpu.memref_slice %arg9[%add3A_10, %dma_start3A_94] : memref<10112x128xf32, #tpu.memory_space<vmem_shared>> -> memref<128x128xf32, #tpu.memory_space<vmem_shared>>
      %dma_start3A_96 = arith.constant 0 : i32
      %dma_start3A_97 = arith.constant 0 : i32
      %dma_start3A_98 = tpu.memref_slice %arg8[%run_scoped3A, %dma_start3A_96, %dma_start3A_97] : memref<2x128x128xf32, #tpu.memory_space<vmem>> -> memref<1x128x128xf32, #tpu.memory_space<vmem>>
      %dma_start3A_99 = tpu.memref_squeeze %dma_start3A_98 : memref<1x128x128xf32, #tpu.memory_space<vmem>> -> memref<128x128xf32, #tpu.memory_space<vmem>>
      %dma_start3A_100 = arith.constant 0 : i32
      %dma_start3A_101 = arith.constant 0 : i32
      %dma_start3A_102 = tpu.memref_slice %dma_start3A_99[%dma_start3A_100, %dma_start3A_101] : memref<128x128xf32, #tpu.memory_space<vmem>> -> memref<128x128xf32, #tpu.memory_space<vmem>>
      tpu.enqueue_dma source(%dma_start3A_102 : memref<128x128xf32, #tpu.memory_space<vmem>>) target(%dma_start3A_95 : memref<128x128xf32, #tpu.memory_space<vmem_shared>>) target_semaphore(%run_scoped3A_84 : memref<!tpu.dma_semaphore, #tpu.memory_space<semaphore_mem>>)
      %dma_wait3A = arith.constant 0 : i32
      %dma_wait3A_103 = arith.constant 0 : i32
      %dma_wait3A_104 = tpu.memref_slice %arg8[%run_scoped3A, %dma_wait3A, %dma_wait3A_103] : memref<2x128x128xf32, #tpu.memory_space<vmem>> -> memref<1x128x128xf32, #tpu.memory_space<vmem>>
      %dma_wait3A_105 = tpu.memref_squeeze %dma_wait3A_104 : memref<1x128x128xf32, #tpu.memory_space<vmem>> -> memref<128x128xf32, #tpu.memory_space<vmem>>
      %dma_wait3A_106 = arith.constant 0 : i32
      %dma_wait3A_107 = arith.constant 0 : i32
      %dma_wait3A_108 = tpu.memref_slice %dma_wait3A_105[%dma_wait3A_106, %dma_wait3A_107] : memref<128x128xf32, #tpu.memory_space<vmem>> -> memref<128x128xf32, #tpu.memory_space<vmem>>
      %dma_wait3A_109 = arith.constant 0 : i32
      %dma_wait3A_110 = tpu.memref_slice %arg9[%add3A_10, %dma_wait3A_109] : memref<10112x128xf32, #tpu.memory_space<vmem_shared>> -> memref<128x128xf32, #tpu.memory_space<vmem_shared>>
      %dma_wait3A_111 = arith.constant 0 : i32
      %dma_wait3A_112 = tpu.memref_slice %arg9[%add3A_10, %dma_wait3A_111] : memref<10112x128xf32, #tpu.memory_space<vmem_shared>> -> memref<128x128xf32, #tpu.memory_space<vmem_shared>>
      %dma_wait3A_113 = arith.constant 0 : i32
      %dma_wait3A_114 = arith.constant 0 : i32
      %dma_wait3A_115 = tpu.memref_slice %arg8[%run_scoped3A, %dma_wait3A_113, %dma_wait3A_114] : memref<2x128x128xf32, #tpu.memory_space<vmem>> -> memref<1x128x128xf32, #tpu.memory_space<vmem>>
      %dma_wait3A_116 = tpu.memref_squeeze %dma_wait3A_115 : memref<1x128x128xf32, #tpu.memory_space<vmem>> -> memref<128x128xf32, #tpu.memory_space<vmem>>
      %dma_wait3A_117 = arith.constant 0 : i32
      %dma_wait3A_118 = arith.constant 0 : i32
      %dma_wait3A_119 = tpu.memref_slice %dma_wait3A_116[%dma_wait3A_117, %dma_wait3A_118] : memref<128x128xf32, #tpu.memory_space<vmem>> -> memref<128x128xf32, #tpu.memory_space<vmem>>
      tpu.wait_dma2 semaphore(%run_scoped3A_84 : memref<!tpu.dma_semaphore, #tpu.memory_space<semaphore_mem>>) src(%dma_wait3A_119 : memref<128x128xf32, #tpu.memory_space<vmem>>) dst(%dma_wait3A_112 : memref<128x128xf32, #tpu.memory_space<vmem_shared>>)
      tpu.yield
    }) : () -> ()
    %add3A_11 = arith.constant 128 : i32
    %add3A_12 = arith.addi %mul3A_8, %add3A_11 : i32
    %run_scoped3A_13 = arith.constant 0 : i32
    "tpu.region"() ({
      %run_scoped3A_84 = tpu.sem_alloc : memref<!tpu.dma_semaphore, #tpu.memory_space<semaphore_mem>>
      %dma_start3A_85 = arith.constant 0 : i32
      %dma_start3A_86 = arith.constant 0 : i32
      %dma_start3A_87 = tpu.memref_slice %arg8[%run_scoped3A_13, %dma_start3A_85, %dma_start3A_86] : memref<2x128x128xf32, #tpu.memory_space<vmem>> -> memref<1x128x128xf32, #tpu.memory_space<vmem>>
      %dma_start3A_88 = tpu.memref_squeeze %dma_start3A_87 : memref<1x128x128xf32, #tpu.memory_space<vmem>> -> memref<128x128xf32, #tpu.memory_space<vmem>>
      %dma_start3A_89 = arith.constant 0 : i32
      %dma_start3A_90 = arith.constant 0 : i32
      %dma_start3A_91 = tpu.memref_slice %dma_start3A_88[%dma_start3A_89, %dma_start3A_90] : memref<128x128xf32, #tpu.memory_space<vmem>> -> memref<128x128xf32, #tpu.memory_space<vmem>>
      %dma_start3A_92 = arith.constant 0 : i32
      %dma_start3A_93 = tpu.memref_slice %arg9[%add3A_12, %dma_start3A_92] : memref<10112x128xf32, #tpu.memory_space<vmem_shared>> -> memref<128x128xf32, #tpu.memory_space<vmem_shared>>
      %dma_start3A_94 = arith.constant 0 : i32
      %dma_start3A_95 = tpu.memref_slice %arg9[%add3A_12, %dma_start3A_94] : memref<10112x128xf32, #tpu.memory_space<vmem_shared>> -> memref<128x128xf32, #tpu.memory_space<vmem_shared>>
      %dma_start3A_96 = arith.constant 0 : i32
      %dma_start3A_97 = arith.constant 0 : i32
      %dma_start3A_98 = tpu.memref_slice %arg8[%run_scoped3A_13, %dma_start3A_96, %dma_start3A_97] : memref<2x128x128xf32, #tpu.memory_space<vmem>> -> memref<1x128x128xf32, #tpu.memory_space<vmem>>
      %dma_start3A_99 = tpu.memref_squeeze %dma_start3A_98 : memref<1x128x128xf32, #tpu.memory_space<vmem>> -> memref<128x128xf32, #tpu.memory_space<vmem>>
      %dma_start3A_100 = arith.constant 0 : i32
      %dma_start3A_101 = arith.constant 0 : i32
      %dma_start3A_102 = tpu.memref_slice %dma_start3A_99[%dma_start3A_100, %dma_start3A_101] : memref<128x128xf32, #tpu.memory_space<vmem>> -> memref<128x128xf32, #tpu.memory_space<vmem>>
      tpu.enqueue_dma source(%dma_start3A_102 : memref<128x128xf32, #tpu.memory_space<vmem>>) target(%dma_start3A_95 : memref<128x128xf32, #tpu.memory_space<vmem_shared>>) target_semaphore(%run_scoped3A_84 : memref<!tpu.dma_semaphore, #tpu.memory_space<semaphore_mem>>)
      %dma_wait3A = arith.constant 0 : i32
      %dma_wait3A_103 = arith.constant 0 : i32
      %dma_wait3A_104 = tpu.memref_slice %arg8[%run_scoped3A_13, %dma_wait3A, %dma_wait3A_103] : memref<2x128x128xf32, #tpu.memory_space<vmem>> -> memref<1x128x128xf32, #tpu.memory_space<vmem>>
      %dma_wait3A_105 = tpu.memref_squeeze %dma_wait3A_104 : memref<1x128x128xf32, #tpu.memory_space<vmem>> -> memref<128x128xf32, #tpu.memory_space<vmem>>
      %dma_wait3A_106 = arith.constant 0 : i32
      %dma_wait3A_107 = arith.constant 0 : i32
      %dma_wait3A_108 = tpu.memref_slice %dma_wait3A_105[%dma_wait3A_106, %dma_wait3A_107] : memref<128x128xf32, #tpu.memory_space<vmem>> -> memref<128x128xf32, #tpu.memory_space<vmem>>
      %dma_wait3A_109 = arith.constant 0 : i32
      %dma_wait3A_110 = tpu.memref_slice %arg9[%add3A_12, %dma_wait3A_109] : memref<10112x128xf32, #tpu.memory_space<vmem_shared>> -> memref<128x128xf32, #tpu.memory_space<vmem_shared>>
      %dma_wait3A_111 = arith.constant 0 : i32
      %dma_wait3A_112 = tpu.memref_slice %arg9[%add3A_12, %dma_wait3A_111] : memref<10112x128xf32, #tpu.memory_space<vmem_shared>> -> memref<128x128xf32, #tpu.memory_space<vmem_shared>>
      %dma_wait3A_113 = arith.constant 0 : i32
      %dma_wait3A_114 = arith.constant 0 : i32
      %dma_wait3A_115 = tpu.memref_slice %arg8[%run_scoped3A_13, %dma_wait3A_113, %dma_wait3A_114] : memref<2x128x128xf32, #tpu.memory_space<vmem>> -> memref<1x128x128xf32, #tpu.memory_space<vmem>>
      %dma_wait3A_116 = tpu.memref_squeeze %dma_wait3A_115 : memref<1x128x128xf32, #tpu.memory_space<vmem>> -> memref<128x128xf32, #tpu.memory_space<vmem>>
      %dma_wait3A_117 = arith.constant 0 : i32
      %dma_wait3A_118 = arith.constant 0 : i32
      %dma_wait3A_119 = tpu.memref_slice %dma_wait3A_116[%dma_wait3A_117, %dma_wait3A_118] : memref<128x128xf32, #tpu.memory_space<vmem>> -> memref<128x128xf32, #tpu.memory_space<vmem>>
      tpu.wait_dma2 semaphore(%run_scoped3A_84 : memref<!tpu.dma_semaphore, #tpu.memory_space<semaphore_mem>>) src(%dma_wait3A_119 : memref<128x128xf32, #tpu.memory_space<vmem>>) dst(%dma_wait3A_112 : memref<128x128xf32, #tpu.memory_space<vmem_shared>>)
      tpu.yield
    }) : () -> ()
    %add3A_14 = arith.constant 256 : i32
    %add3A_15 = arith.addi %mul3A_8, %add3A_14 : i32
    %run_scoped3A_16 = arith.constant 0 : i32
    "tpu.region"() ({
      %run_scoped3A_84 = tpu.sem_alloc : memref<!tpu.dma_semaphore, #tpu.memory_space<semaphore_mem>>
      %dma_start3A_85 = arith.constant 0 : i32
      %dma_start3A_86 = arith.constant 0 : i32
      %dma_start3A_87 = tpu.memref_slice %arg8[%run_scoped3A_16, %dma_start3A_85, %dma_start3A_86] : memref<2x128x128xf32, #tpu.memory_space<vmem>> -> memref<1x128x128xf32, #tpu.memory_space<vmem>>
      %dma_start3A_88 = tpu.memref_squeeze %dma_start3A_87 : memref<1x128x128xf32, #tpu.memory_space<vmem>> -> memref<128x128xf32, #tpu.memory_space<vmem>>
      %dma_start3A_89 = arith.constant 0 : i32
      %dma_start3A_90 = arith.constant 0 : i32
      %dma_start3A_91 = tpu.memref_slice %dma_start3A_88[%dma_start3A_89, %dma_start3A_90] : memref<128x128xf32, #tpu.memory_space<vmem>> -> memref<128x128xf32, #tpu.memory_space<vmem>>
      %dma_start3A_92 = arith.constant 0 : i32
      %dma_start3A_93 = tpu.memref_slice %arg9[%add3A_15, %dma_start3A_92] : memref<10112x128xf32, #tpu.memory_space<vmem_shared>> -> memref<128x128xf32, #tpu.memory_space<vmem_shared>>
      %dma_start3A_94 = arith.constant 0 : i32
      %dma_start3A_95 = tpu.memref_slice %arg9[%add3A_15, %dma_start3A_94] : memref<10112x128xf32, #tpu.memory_space<vmem_shared>> -> memref<128x128xf32, #tpu.memory_space<vmem_shared>>
      %dma_start3A_96 = arith.constant 0 : i32
      %dma_start3A_97 = arith.constant 0 : i32
      %dma_start3A_98 = tpu.memref_slice %arg8[%run_scoped3A_16, %dma_start3A_96, %dma_start3A_97] : memref<2x128x128xf32, #tpu.memory_space<vmem>> -> memref<1x128x128xf32, #tpu.memory_space<vmem>>
      %dma_start3A_99 = tpu.memref_squeeze %dma_start3A_98 : memref<1x128x128xf32, #tpu.memory_space<vmem>> -> memref<128x128xf32, #tpu.memory_space<vmem>>
      %dma_start3A_100 = arith.constant 0 : i32
      %dma_start3A_101 = arith.constant 0 : i32
      %dma_start3A_102 = tpu.memref_slice %dma_start3A_99[%dma_start3A_100, %dma_start3A_101] : memref<128x128xf32, #tpu.memory_space<vmem>> -> memref<128x128xf32, #tpu.memory_space<vmem>>
      tpu.enqueue_dma source(%dma_start3A_102 : memref<128x128xf32, #tpu.memory_space<vmem>>) target(%dma_start3A_95 : memref<128x128xf32, #tpu.memory_space<vmem_shared>>) target_semaphore(%run_scoped3A_84 : memref<!tpu.dma_semaphore, #tpu.memory_space<semaphore_mem>>)
      %dma_wait3A = arith.constant 0 : i32
      %dma_wait3A_103 = arith.constant 0 : i32
      %dma_wait3A_104 = tpu.memref_slice %arg8[%run_scoped3A_16, %dma_wait3A, %dma_wait3A_103] : memref<2x128x128xf32, #tpu.memory_space<vmem>> -> memref<1x128x128xf32, #tpu.memory_space<vmem>>
      %dma_wait3A_105 = tpu.memref_squeeze %dma_wait3A_104 : memref<1x128x128xf32, #tpu.memory_space<vmem>> -> memref<128x128xf32, #tpu.memory_space<vmem>>
      %dma_wait3A_106 = arith.constant 0 : i32
      %dma_wait3A_107 = arith.constant 0 : i32
      %dma_wait3A_108 = tpu.memref_slice %dma_wait3A_105[%dma_wait3A_106, %dma_wait3A_107] : memref<128x128xf32, #tpu.memory_space<vmem>> -> memref<128x128xf32, #tpu.memory_space<vmem>>
      %dma_wait3A_109 = arith.constant 0 : i32
      %dma_wait3A_110 = tpu.memref_slice %arg9[%add3A_15, %dma_wait3A_109] : memref<10112x128xf32, #tpu.memory_space<vmem_shared>> -> memref<128x128xf32, #tpu.memory_space<vmem_shared>>
      %dma_wait3A_111 = arith.constant 0 : i32
      %dma_wait3A_112 = tpu.memref_slice %arg9[%add3A_15, %dma_wait3A_111] : memref<10112x128xf32, #tpu.memory_space<vmem_shared>> -> memref<128x128xf32, #tpu.memory_space<vmem_shared>>
      %dma_wait3A_113 = arith.constant 0 : i32
      %dma_wait3A_114 = arith.constant 0 : i32
      %dma_wait3A_115 = tpu.memref_slice %arg8[%run_scoped3A_16, %dma_wait3A_113, %dma_wait3A_114] : memref<2x128x128xf32, #tpu.memory_space<vmem>> -> memref<1x128x128xf32, #tpu.memory_space<vmem>>
      %dma_wait3A_116 = tpu.memref_squeeze %dma_wait3A_115 : memref<1x128x128xf32, #tpu.memory_space<vmem>> -> memref<128x128xf32, #tpu.memory_space<vmem>>
      %dma_wait3A_117 = arith.constant 0 : i32
      %dma_wait3A_118 = arith.constant 0 : i32
      %dma_wait3A_119 = tpu.memref_slice %dma_wait3A_116[%dma_wait3A_117, %dma_wait3A_118] : memref<128x128xf32, #tpu.memory_space<vmem>> -> memref<128x128xf32, #tpu.memory_space<vmem>>
      tpu.wait_dma2 semaphore(%run_scoped3A_84 : memref<!tpu.dma_semaphore, #tpu.memory_space<semaphore_mem>>) src(%dma_wait3A_119 : memref<128x128xf32, #tpu.memory_space<vmem>>) dst(%dma_wait3A_112 : memref<128x128xf32, #tpu.memory_space<vmem_shared>>)
      tpu.yield
    }) : () -> ()
    %add3A_17 = arith.constant 384 : i32
    %add3A_18 = arith.addi %mul3A_8, %add3A_17 : i32
    %run_scoped3A_19 = arith.constant 0 : i32
    "tpu.region"() ({
      %run_scoped3A_84 = tpu.sem_alloc : memref<!tpu.dma_semaphore, #tpu.memory_space<semaphore_mem>>
      %dma_start3A_85 = arith.constant 0 : i32
      %dma_start3A_86 = arith.constant 0 : i32
      %dma_start3A_87 = tpu.memref_slice %arg8[%run_scoped3A_19, %dma_start3A_85, %dma_start3A_86] : memref<2x128x128xf32, #tpu.memory_space<vmem>> -> memref<1x128x128xf32, #tpu.memory_space<vmem>>
      %dma_start3A_88 = tpu.memref_squeeze %dma_start3A_87 : memref<1x128x128xf32, #tpu.memory_space<vmem>> -> memref<128x128xf32, #tpu.memory_space<vmem>>
      %dma_start3A_89 = arith.constant 0 : i32
      %dma_start3A_90 = arith.constant 0 : i32
      %dma_start3A_91 = tpu.memref_slice %dma_start3A_88[%dma_start3A_89, %dma_start3A_90] : memref<128x128xf32, #tpu.memory_space<vmem>> -> memref<128x128xf32, #tpu.memory_space<vmem>>
      %dma_start3A_92 = arith.constant 0 : i32
      %dma_start3A_93 = tpu.memref_slice %arg9[%add3A_18, %dma_start3A_92] : memref<10112x128xf32, #tpu.memory_space<vmem_shared>> -> memref<128x128xf32, #tpu.memory_space<vmem_shared>>
      %dma_start3A_94 = arith.constant 0 : i32
      %dma_start3A_95 = tpu.memref_slice %arg9[%add3A_18, %dma_start3A_94] : memref<10112x128xf32, #tpu.memory_space<vmem_shared>> -> memref<128x128xf32, #tpu.memory_space<vmem_shared>>
      %dma_start3A_96 = arith.constant 0 : i32
      %dma_start3A_97 = arith.constant 0 : i32
      %dma_start3A_98 = tpu.memref_slice %arg8[%run_scoped3A_19, %dma_start3A_96, %dma_start3A_97] : memref<2x128x128xf32, #tpu.memory_space<vmem>> -> memref<1x128x128xf32, #tpu.memory_space<vmem>>
      %dma_start3A_99 = tpu.memref_squeeze %dma_start3A_98 : memref<1x128x128xf32, #tpu.memory_space<vmem>> -> memref<128x128xf32, #tpu.memory_space<vmem>>
      %dma_start3A_100 = arith.constant 0 : i32
      %dma_start3A_101 = arith.constant 0 : i32
      %dma_start3A_102 = tpu.memref_slice %dma_start3A_99[%dma_start3A_100, %dma_start3A_101] : memref<128x128xf32, #tpu.memory_space<vmem>> -> memref<128x128xf32, #tpu.memory_space<vmem>>
      tpu.enqueue_dma source(%dma_start3A_102 : memref<128x128xf32, #tpu.memory_space<vmem>>) target(%dma_start3A_95 : memref<128x128xf32, #tpu.memory_space<vmem_shared>>) target_semaphore(%run_scoped3A_84 : memref<!tpu.dma_semaphore, #tpu.memory_space<semaphore_mem>>)
      %dma_wait3A = arith.constant 0 : i32
      %dma_wait3A_103 = arith.constant 0 : i32
      %dma_wait3A_104 = tpu.memref_slice %arg8[%run_scoped3A_19, %dma_wait3A, %dma_wait3A_103] : memref<2x128x128xf32, #tpu.memory_space<vmem>> -> memref<1x128x128xf32, #tpu.memory_space<vmem>>
      %dma_wait3A_105 = tpu.memref_squeeze %dma_wait3A_104 : memref<1x128x128xf32, #tpu.memory_space<vmem>> -> memref<128x128xf32, #tpu.memory_space<vmem>>
      %dma_wait3A_106 = arith.constant 0 : i32
      %dma_wait3A_107 = arith.constant 0 : i32
      %dma_wait3A_108 = tpu.memref_slice %dma_wait3A_105[%dma_wait3A_106, %dma_wait3A_107] : memref<128x128xf32, #tpu.memory_space<vmem>> -> memref<128x128xf32, #tpu.memory_space<vmem>>
      %dma_wait3A_109 = arith.constant 0 : i32
      %dma_wait3A_110 = tpu.memref_slice %arg9[%add3A_18, %dma_wait3A_109] : memref<10112x128xf32, #tpu.memory_space<vmem_shared>> -> memref<128x128xf32, #tpu.memory_space<vmem_shared>>
      %dma_wait3A_111 = arith.constant 0 : i32
      %dma_wait3A_112 = tpu.memref_slice %arg9[%add3A_18, %dma_wait3A_111] : memref<10112x128xf32, #tpu.memory_space<vmem_shared>> -> memref<128x128xf32, #tpu.memory_space<vmem_shared>>
      %dma_wait3A_113 = arith.constant 0 : i32
      %dma_wait3A_114 = arith.constant 0 : i32
      %dma_wait3A_115 = tpu.memref_slice %arg8[%run_scoped3A_19, %dma_wait3A_113, %dma_wait3A_114] : memref<2x128x128xf32, #tpu.memory_space<vmem>> -> memref<1x128x128xf32, #tpu.memory_space<vmem>>
      %dma_wait3A_116 = tpu.memref_squeeze %dma_wait3A_115 : memref<1x128x128xf32, #tpu.memory_space<vmem>> -> memref<128x128xf32, #tpu.memory_space<vmem>>
      %dma_wait3A_117 = arith.constant 0 : i32
      %dma_wait3A_118 = arith.constant 0 : i32
      %dma_wait3A_119 = tpu.memref_slice %dma_wait3A_116[%dma_wait3A_117, %dma_wait3A_118] : memref<128x128xf32, #tpu.memory_space<vmem>> -> memref<128x128xf32, #tpu.memory_space<vmem>>
      tpu.wait_dma2 semaphore(%run_scoped3A_84 : memref<!tpu.dma_semaphore, #tpu.memory_space<semaphore_mem>>) src(%dma_wait3A_119 : memref<128x128xf32, #tpu.memory_space<vmem>>) dst(%dma_wait3A_112 : memref<128x128xf32, #tpu.memory_space<vmem_shared>>)
      tpu.yield
    }) : () -> ()
    %add3A_20 = arith.constant 512 : i32
    %add3A_21 = arith.addi %mul3A_8, %add3A_20 : i32
    %run_scoped3A_22 = arith.constant 0 : i32
    "tpu.region"() ({
      %run_scoped3A_84 = tpu.sem_alloc : memref<!tpu.dma_semaphore, #tpu.memory_space<semaphore_mem>>
      %dma_start3A_85 = arith.constant 0 : i32
      %dma_start3A_86 = arith.constant 0 : i32
      %dma_start3A_87 = tpu.memref_slice %arg8[%run_scoped3A_22, %dma_start3A_85, %dma_start3A_86] : memref<2x128x128xf32, #tpu.memory_space<vmem>> -> memref<1x128x128xf32, #tpu.memory_space<vmem>>
      %dma_start3A_88 = tpu.memref_squeeze %dma_start3A_87 : memref<1x128x128xf32, #tpu.memory_space<vmem>> -> memref<128x128xf32, #tpu.memory_space<vmem>>
      %dma_start3A_89 = arith.constant 0 : i32
      %dma_start3A_90 = arith.constant 0 : i32
      %dma_start3A_91 = tpu.memref_slice %dma_start3A_88[%dma_start3A_89, %dma_start3A_90] : memref<128x128xf32, #tpu.memory_space<vmem>> -> memref<120x128xf32, #tpu.memory_space<vmem>>
      %dma_start3A_92 = arith.constant 0 : i32
      %dma_start3A_93 = tpu.memref_slice %arg9[%add3A_21, %dma_start3A_92] : memref<10112x128xf32, #tpu.memory_space<vmem_shared>> -> memref<120x128xf32, #tpu.memory_space<vmem_shared>>
      %dma_start3A_94 = arith.constant 0 : i32
      %dma_start3A_95 = tpu.memref_slice %arg9[%add3A_21, %dma_start3A_94] : memref<10112x128xf32, #tpu.memory_space<vmem_shared>> -> memref<120x128xf32, #tpu.memory_space<vmem_shared>>
      %dma_start3A_96 = arith.constant 0 : i32
      %dma_start3A_97 = arith.constant 0 : i32
      %dma_start3A_98 = tpu.memref_slice %arg8[%run_scoped3A_22, %dma_start3A_96, %dma_start3A_97] : memref<2x128x128xf32, #tpu.memory_space<vmem>> -> memref<1x128x128xf32, #tpu.memory_space<vmem>>
      %dma_start3A_99 = tpu.memref_squeeze %dma_start3A_98 : memref<1x128x128xf32, #tpu.memory_space<vmem>> -> memref<128x128xf32, #tpu.memory_space<vmem>>
      %dma_start3A_100 = arith.constant 0 : i32
      %dma_start3A_101 = arith.constant 0 : i32
      %dma_start3A_102 = tpu.memref_slice %dma_start3A_99[%dma_start3A_100, %dma_start3A_101] : memref<128x128xf32, #tpu.memory_space<vmem>> -> memref<120x128xf32, #tpu.memory_space<vmem>>
      tpu.enqueue_dma source(%dma_start3A_102 : memref<120x128xf32, #tpu.memory_space<vmem>>) target(%dma_start3A_95 : memref<120x128xf32, #tpu.memory_space<vmem_shared>>) target_semaphore(%run_scoped3A_84 : memref<!tpu.dma_semaphore, #tpu.memory_space<semaphore_mem>>)
      %dma_wait3A = arith.constant 0 : i32
      %dma_wait3A_103 = arith.constant 0 : i32
      %dma_wait3A_104 = tpu.memref_slice %arg8[%run_scoped3A_22, %dma_wait3A, %dma_wait3A_103] : memref<2x128x128xf32, #tpu.memory_space<vmem>> -> memref<1x128x128xf32, #tpu.memory_space<vmem>>
      %dma_wait3A_105 = tpu.memref_squeeze %dma_wait3A_104 : memref<1x128x128xf32, #tpu.memory_space<vmem>> -> memref<128x128xf32, #tpu.memory_space<vmem>>
      %dma_wait3A_106 = arith.constant 0 : i32
      %dma_wait3A_107 = arith.constant 0 : i32
      %dma_wait3A_108 = tpu.memref_slice %dma_wait3A_105[%dma_wait3A_106, %dma_wait3A_107] : memref<128x128xf32, #tpu.memory_space<vmem>> -> memref<120x128xf32, #tpu.memory_space<vmem>>
      %dma_wait3A_109 = arith.constant 0 : i32
      %dma_wait3A_110 = tpu.memref_slice %arg9[%add3A_21, %dma_wait3A_109] : memref<10112x128xf32, #tpu.memory_space<vmem_shared>> -> memref<120x128xf32, #tpu.memory_space<vmem_shared>>
      %dma_wait3A_111 = arith.constant 0 : i32
      %dma_wait3A_112 = tpu.memref_slice %arg9[%add3A_21, %dma_wait3A_111] : memref<10112x128xf32, #tpu.memory_space<vmem_shared>> -> memref<120x128xf32, #tpu.memory_space<vmem_shared>>
      %dma_wait3A_113 = arith.constant 0 : i32
      %dma_wait3A_114 = arith.constant 0 : i32
      %dma_wait3A_115 = tpu.memref_slice %arg8[%run_scoped3A_22, %dma_wait3A_113, %dma_wait3A_114] : memref<2x128x128xf32, #tpu.memory_space<vmem>> -> memref<1x128x128xf32, #tpu.memory_space<vmem>>
      %dma_wait3A_116 = tpu.memref_squeeze %dma_wait3A_115 : memref<1x128x128xf32, #tpu.memory_space<vmem>> -> memref<128x128xf32, #tpu.memory_space<vmem>>
      %dma_wait3A_117 = arith.constant 0 : i32
      %dma_wait3A_118 = arith.constant 0 : i32
      %dma_wait3A_119 = tpu.memref_slice %dma_wait3A_116[%dma_wait3A_117, %dma_wait3A_118] : memref<128x128xf32, #tpu.memory_space<vmem>> -> memref<120x128xf32, #tpu.memory_space<vmem>>
      tpu.wait_dma2 semaphore(%run_scoped3A_84 : memref<!tpu.dma_semaphore, #tpu.memory_space<semaphore_mem>>) src(%dma_wait3A_119 : memref<120x128xf32, #tpu.memory_space<vmem>>) dst(%dma_wait3A_112 : memref<120x128xf32, #tpu.memory_space<vmem_shared>>)
      tpu.yield
    }) : () -> ()
    %barrier3A = arith.constant 0 : index
    tpu.barrier barrier_id(%barrier3A)
    %dma_start3A = arith.constant 0 : i32
    %dma_start3A_23 = arith.constant 0 : i32
    %dma_start3A_24 = arith.constant 0 : i32
    %dma_start3A_25 = arith.constant 0 : i32
    %dma_start3A_26 = tpu.memref_slice %arg8[%dma_start3A_23, %dma_start3A_24, %dma_start3A_25] : memref<2x128x128xf32, #tpu.memory_space<vmem>> -> memref<1x128x128xf32, #tpu.memory_space<vmem>>
    %dma_start3A_27 = tpu.memref_squeeze %dma_start3A_26 : memref<1x128x128xf32, #tpu.memory_space<vmem>> -> memref<128x128xf32, #tpu.memory_space<vmem>>
    %dma_start3A_28 = arith.constant 0 : i32
    %dma_start3A_29 = tpu.memref_slice %arg6[%dma_start3A, %dma_start3A_28] : memref<84x128xi32, #tpu.memory_space<vmem>> -> memref<1x128xi32, #tpu.memory_space<vmem>>
    %dma_start3A_30 = tpu.memref_squeeze %dma_start3A_29 : memref<1x128xi32, #tpu.memory_space<vmem>> -> memref<128xi32, #tpu.memory_space<vmem>>
    %dma_start3A_31 = arith.constant 0 : i32
    %dma_start3A_32 = arith.constant 0 : i32
    %dma_start3A_33 = tpu.memref_slice %arg2[%dma_start3A_31, %dma_start3A_32] : memref<20000x128xf32, #tpu.memory_space<hbm>> -> memref<20000x128xf32, #tpu.memory_space<hbm>>
    tpu.enqueue_indirect_dma source(%dma_start3A_33 : memref<20000x128xf32, #tpu.memory_space<hbm>>) target(%dma_start3A_27 : memref<128x128xf32, #tpu.memory_space<vmem>>) offsets(%dma_start3A_30 : memref<128xi32, #tpu.memory_space<vmem>>) semaphore(%arg10 : memref<!tpu.dma_semaphore, #tpu.memory_space<semaphore_mem>>)
    %dma_start3A_34 = arith.constant 0 : i32
    %dma_start3A_35 = arith.constant 0 : i32
    %dma_start3A_36 = arith.constant 0 : i32
    %dma_start3A_37 = tpu.memref_slice %arg7[%dma_start3A_35, %dma_start3A_36] : memref<2x128xi32, #tpu.memory_space<vmem>> -> memref<1x128xi32, #tpu.memory_space<vmem>>
    %dma_start3A_38 = tpu.memref_squeeze %dma_start3A_37 : memref<1x128xi32, #tpu.memory_space<vmem>> -> memref<128xi32, #tpu.memory_space<vmem>>
    %dma_start3A_39 = arith.constant 0 : i32
    %dma_start3A_40 = tpu.memref_slice %arg4[%arg1, %dma_start3A_34, %dma_start3A_39] : memref<16x84x128xi32, #tpu.memory_space<hbm>> -> memref<1x1x128xi32, #tpu.memory_space<hbm>>
    %dma_start3A_41 = tpu.memref_squeeze %dma_start3A_40 : memref<1x1x128xi32, #tpu.memory_space<hbm>> -> memref<128xi32, #tpu.memory_space<hbm>>
    %dma_start3A_42 = arith.constant 0 : i32
    %dma_start3A_43 = tpu.memref_slice %arg7[%dma_start3A_35, %dma_start3A_42] : memref<2x128xi32, #tpu.memory_space<vmem>> -> memref<1x128xi32, #tpu.memory_space<vmem>>
    %dma_start3A_44 = tpu.memref_squeeze %dma_start3A_43 : memref<1x128xi32, #tpu.memory_space<vmem>> -> memref<128xi32, #tpu.memory_space<vmem>>
    %dma_start3A_45 = arith.constant 0 : i32
    %dma_start3A_46 = tpu.memref_slice %arg4[%arg1, %dma_start3A_34, %dma_start3A_45] : memref<16x84x128xi32, #tpu.memory_space<hbm>> -> memref<1x1x128xi32, #tpu.memory_space<hbm>>
    %dma_start3A_47 = tpu.memref_squeeze %dma_start3A_46 : memref<1x1x128xi32, #tpu.memory_space<hbm>> -> memref<128xi32, #tpu.memory_space<hbm>>
    tpu.enqueue_dma source(%dma_start3A_47 : memref<128xi32, #tpu.memory_space<hbm>>) target(%dma_start3A_44 : memref<128xi32, #tpu.memory_space<vmem>>) target_semaphore(%arg11 : memref<!tpu.dma_semaphore, #tpu.memory_space<semaphore_mem>>)
    %dma_start3A_48 = arith.constant 1 : i32
    %dma_start3A_49 = arith.constant 1 : i32
    %dma_start3A_50 = arith.constant 0 : i32
    %dma_start3A_51 = arith.constant 0 : i32
    %dma_start3A_52 = tpu.memref_slice %arg8[%dma_start3A_49, %dma_start3A_50, %dma_start3A_51] : memref<2x128x128xf32, #tpu.memory_space<vmem>> -> memref<1x128x128xf32, #tpu.memory_space<vmem>>
    %dma_start3A_53 = tpu.memref_squeeze %dma_start3A_52 : memref<1x128x128xf32, #tpu.memory_space<vmem>> -> memref<128x128xf32, #tpu.memory_space<vmem>>
    %dma_start3A_54 = arith.constant 0 : i32
    %dma_start3A_55 = tpu.memref_slice %arg6[%dma_start3A_48, %dma_start3A_54] : memref<84x128xi32, #tpu.memory_space<vmem>> -> memref<1x128xi32, #tpu.memory_space<vmem>>
    %dma_start3A_56 = tpu.memref_squeeze %dma_start3A_55 : memref<1x128xi32, #tpu.memory_space<vmem>> -> memref<128xi32, #tpu.memory_space<vmem>>
    %dma_start3A_57 = arith.constant 0 : i32
    %dma_start3A_58 = arith.constant 0 : i32
    %dma_start3A_59 = tpu.memref_slice %arg2[%dma_start3A_57, %dma_start3A_58] : memref<20000x128xf32, #tpu.memory_space<hbm>> -> memref<20000x128xf32, #tpu.memory_space<hbm>>
    tpu.enqueue_indirect_dma source(%dma_start3A_59 : memref<20000x128xf32, #tpu.memory_space<hbm>>) target(%dma_start3A_53 : memref<128x128xf32, #tpu.memory_space<vmem>>) offsets(%dma_start3A_56 : memref<128xi32, #tpu.memory_space<vmem>>) semaphore(%arg10 : memref<!tpu.dma_semaphore, #tpu.memory_space<semaphore_mem>>)
    %dma_start3A_60 = arith.constant 1 : i32
    %dma_start3A_61 = arith.constant 1 : i32
    %dma_start3A_62 = arith.constant 0 : i32
    %dma_start3A_63 = tpu.memref_slice %arg7[%dma_start3A_61, %dma_start3A_62] : memref<2x128xi32, #tpu.memory_space<vmem>> -> memref<1x128xi32, #tpu.memory_space<vmem>>
    %dma_start3A_64 = tpu.memref_squeeze %dma_start3A_63 : memref<1x128xi32, #tpu.memory_space<vmem>> -> memref<128xi32, #tpu.memory_space<vmem>>
    %dma_start3A_65 = arith.constant 0 : i32
    %dma_start3A_66 = tpu.memref_slice %arg4[%arg1, %dma_start3A_60, %dma_start3A_65] : memref<16x84x128xi32, #tpu.memory_space<hbm>> -> memref<1x1x128xi32, #tpu.memory_space<hbm>>
    %dma_start3A_67 = tpu.memref_squeeze %dma_start3A_66 : memref<1x1x128xi32, #tpu.memory_space<hbm>> -> memref<128xi32, #tpu.memory_space<hbm>>
    %dma_start3A_68 = arith.constant 0 : i32
    %dma_start3A_69 = tpu.memref_slice %arg7[%dma_start3A_61, %dma_start3A_68] : memref<2x128xi32, #tpu.memory_space<vmem>> -> memref<1x128xi32, #tpu.memory_space<vmem>>
    %dma_start3A_70 = tpu.memref_squeeze %dma_start3A_69 : memref<1x128xi32, #tpu.memory_space<vmem>> -> memref<128xi32, #tpu.memory_space<vmem>>
    %dma_start3A_71 = arith.constant 0 : i32
    %dma_start3A_72 = tpu.memref_slice %arg4[%arg1, %dma_start3A_60, %dma_start3A_71] : memref<16x84x128xi32, #tpu.memory_space<hbm>> -> memref<1x1x128xi32, #tpu.memory_space<hbm>>
    %dma_start3A_73 = tpu.memref_squeeze %dma_start3A_72 : memref<1x1x128xi32, #tpu.memory_space<hbm>> -> memref<128xi32, #tpu.memory_space<hbm>>
    tpu.enqueue_dma source(%dma_start3A_73 : memref<128xi32, #tpu.memory_space<hbm>>) target(%dma_start3A_70 : memref<128xi32, #tpu.memory_space<vmem>>) target_semaphore(%arg11 : memref<!tpu.dma_semaphore, #tpu.memory_space<semaphore_mem>>)
    %scan3A_74 = arith.constant 0 : i32
    %scan3A_75 = arith.constant 0 : i32
    %scan3A_76 = arith.constant 42 : i32
    %scan3A_77 = arith.addi %scan3A_75, %scan3A_76 : i32
    %scan3A_78 = arith.constant 1 : i32
    scf.for %scan3A_84 = %scan3A_75 to %scan3A_77 step %scan3A_78  : i32 {
      %mul3A_85 = arith.constant 2 : i32
      %mul3A_86 = arith.muli %scan3A_84, %mul3A_85 : i32
      %add3A_87 = arith.constant 0 : i32
      %add3A_88 = arith.addi %mul3A_86, %add3A_87 : i32
      %dma_wait3A = arith.constant 0 : i32
      %dma_wait3A_89 = arith.constant 0 : i32
      %dma_wait3A_90 = arith.constant 0 : i32
      %dma_wait3A_91 = tpu.memref_slice %arg8[%dma_wait3A, %dma_wait3A_89, %dma_wait3A_90] : memref<2x128x128xf32, #tpu.memory_space<vmem>> -> memref<1x128x128xf32, #tpu.memory_space<vmem>>
      %dma_wait3A_92 = tpu.memref_squeeze %dma_wait3A_91 : memref<1x128x128xf32, #tpu.memory_space<vmem>> -> memref<128x128xf32, #tpu.memory_space<vmem>>
      %dma_wait3A_93 = arith.constant 0 : i32
      %dma_wait3A_94 = tpu.memref_slice %arg6[%add3A_88, %dma_wait3A_93] : memref<84x128xi32, #tpu.memory_space<vmem>> -> memref<1x128xi32, #tpu.memory_space<vmem>>
      %dma_wait3A_95 = tpu.memref_squeeze %dma_wait3A_94 : memref<1x128xi32, #tpu.memory_space<vmem>> -> memref<128xi32, #tpu.memory_space<vmem>>
      %dma_wait3A_96 = arith.constant 0 : i32
      %dma_wait3A_97 = arith.constant 0 : i32
      %dma_wait3A_98 = tpu.memref_slice %arg2[%dma_wait3A_96, %dma_wait3A_97] : memref<20000x128xf32, #tpu.memory_space<hbm>> -> memref<20000x128xf32, #tpu.memory_space<hbm>>
      tpu.wait_indirect_dma semaphore(%arg10 : memref<!tpu.dma_semaphore, #tpu.memory_space<semaphore_mem>>) src(%dma_wait3A_98 : memref<20000x128xf32, #tpu.memory_space<hbm>>) dst(%dma_wait3A_92 : memref<128x128xf32, #tpu.memory_space<vmem>>)
      %dma_wait3A_99 = arith.constant 0 : i32
      %dma_wait3A_100 = arith.constant 0 : i32
      %dma_wait3A_101 = tpu.memref_slice %arg7[%dma_wait3A_99, %dma_wait3A_100] : memref<2x128xi32, #tpu.memory_space<vmem>> -> memref<1x128xi32, #tpu.memory_space<vmem>>
      %dma_wait3A_102 = tpu.memref_squeeze %dma_wait3A_101 : memref<1x128xi32, #tpu.memory_space<vmem>> -> memref<128xi32, #tpu.memory_space<vmem>>
      %dma_wait3A_103 = arith.constant 0 : i32
      %dma_wait3A_104 = tpu.memref_slice %arg4[%arg1, %add3A_88, %dma_wait3A_103] : memref<16x84x128xi32, #tpu.memory_space<hbm>> -> memref<1x1x128xi32, #tpu.memory_space<hbm>>
      %dma_wait3A_105 = tpu.memref_squeeze %dma_wait3A_104 : memref<1x1x128xi32, #tpu.memory_space<hbm>> -> memref<128xi32, #tpu.memory_space<hbm>>
      %dma_wait3A_106 = arith.constant 0 : i32
      %dma_wait3A_107 = tpu.memref_slice %arg7[%dma_wait3A_99, %dma_wait3A_106] : memref<2x128xi32, #tpu.memory_space<vmem>> -> memref<1x128xi32, #tpu.memory_space<vmem>>
      %dma_wait3A_108 = tpu.memref_squeeze %dma_wait3A_107 : memref<1x128xi32, #tpu.memory_space<vmem>> -> memref<128xi32, #tpu.memory_space<vmem>>
      %dma_wait3A_109 = arith.constant 0 : i32
      %dma_wait3A_110 = tpu.memref_slice %arg4[%arg1, %add3A_88, %dma_wait3A_109] : memref<16x84x128xi32, #tpu.memory_space<hbm>> -> memref<1x1x128xi32, #tpu.memory_space<hbm>>
      %dma_wait3A_111 = tpu.memref_squeeze %dma_wait3A_110 : memref<1x1x128xi32, #tpu.memory_space<hbm>> -> memref<128xi32, #tpu.memory_space<hbm>>
      tpu.wait_dma2 semaphore(%arg11 : memref<!tpu.dma_semaphore, #tpu.memory_space<semaphore_mem>>) src(%dma_wait3A_111 : memref<128xi32, #tpu.memory_space<hbm>>) dst(%dma_wait3A_108 : memref<128xi32, #tpu.memory_space<vmem>>)
      %run_scoped3A_112 = arith.constant 0 : i32
      %run_scoped3A_113 = arith.constant 0 : i32
      "tpu.region"() ({
        %run_scoped3A_155 = tpu.sem_alloc : memref<!tpu.dma_semaphore, #tpu.memory_space<semaphore_mem>>
        %dma_start3A_156 = arith.constant 0 : i32
        %dma_start3A_157 = arith.constant 0 : i32
        %dma_start3A_158 = tpu.memref_slice %arg8[%run_scoped3A_112, %dma_start3A_156, %dma_start3A_157] : memref<2x128x128xf32, #tpu.memory_space<vmem>> -> memref<1x128x128xf32, #tpu.memory_space<vmem>>
        %dma_start3A_159 = tpu.memref_squeeze %dma_start3A_158 : memref<1x128x128xf32, #tpu.memory_space<vmem>> -> memref<128x128xf32, #tpu.memory_space<vmem>>
        %dma_start3A_160 = arith.constant 0 : i32
        %dma_start3A_161 = tpu.memref_slice %arg7[%run_scoped3A_113, %dma_start3A_160] : memref<2x128xi32, #tpu.memory_space<vmem>> -> memref<1x128xi32, #tpu.memory_space<vmem>>
        %dma_start3A_162 = tpu.memref_squeeze %dma_start3A_161 : memref<1x128xi32, #tpu.memory_space<vmem>> -> memref<128xi32, #tpu.memory_space<vmem>>
        %dma_start3A_163 = arith.constant 0 : i32
        %dma_start3A_164 = arith.constant 0 : i32
        %dma_start3A_165 = tpu.memref_slice %arg9[%dma_start3A_163, %dma_start3A_164] : memref<10112x128xf32, #tpu.memory_space<vmem_shared>> -> memref<10112x128xf32, #tpu.memory_space<vmem_shared>>
        tpu.enqueue_indirect_dma source(%dma_start3A_159 : memref<128x128xf32, #tpu.memory_space<vmem>>) target(%dma_start3A_165 : memref<10112x128xf32, #tpu.memory_space<vmem_shared>>) offsets(%dma_start3A_162 : memref<128xi32, #tpu.memory_space<vmem>>) semaphore(%run_scoped3A_155 : memref<!tpu.dma_semaphore, #tpu.memory_space<semaphore_mem>>) {add = true}
        %dma_wait3A_166 = arith.constant 0 : i32
        %dma_wait3A_167 = arith.constant 0 : i32
        %dma_wait3A_168 = tpu.memref_slice %arg8[%run_scoped3A_112, %dma_wait3A_166, %dma_wait3A_167] : memref<2x128x128xf32, #tpu.memory_space<vmem>> -> memref<1x128x128xf32, #tpu.memory_space<vmem>>
        %dma_wait3A_169 = tpu.memref_squeeze %dma_wait3A_168 : memref<1x128x128xf32, #tpu.memory_space<vmem>> -> memref<128x128xf32, #tpu.memory_space<vmem>>
        %dma_wait3A_170 = arith.constant 0 : i32
        %dma_wait3A_171 = tpu.memref_slice %arg7[%run_scoped3A_113, %dma_wait3A_170] : memref<2x128xi32, #tpu.memory_space<vmem>> -> memref<1x128xi32, #tpu.memory_space<vmem>>
        %dma_wait3A_172 = tpu.memref_squeeze %dma_wait3A_171 : memref<1x128xi32, #tpu.memory_space<vmem>> -> memref<128xi32, #tpu.memory_space<vmem>>
        %dma_wait3A_173 = arith.constant 0 : i32
        %dma_wait3A_174 = arith.constant 0 : i32
        %dma_wait3A_175 = tpu.memref_slice %arg9[%dma_wait3A_173, %dma_wait3A_174] : memref<10112x128xf32, #tpu.memory_space<vmem_shared>> -> memref<10112x128xf32, #tpu.memory_space<vmem_shared>>
        tpu.wait_indirect_dma semaphore(%run_scoped3A_155 : memref<!tpu.dma_semaphore, #tpu.memory_space<semaphore_mem>>) src(%dma_wait3A_169 : memref<128x128xf32, #tpu.memory_space<vmem>>) dst(%dma_wait3A_175 : memref<10112x128xf32, #tpu.memory_space<vmem_shared>>)
        tpu.yield
      }) : () -> ()
      %add3A_114 = arith.constant 2 : i32
      %add3A_115 = arith.addi %add3A_88, %add3A_114 : i32
      %lt3A = arith.constant 84 : i32
      %lt3A_116 = arith.cmpi slt, %add3A_115, %lt3A : i32
      %convert_element_type3A = arith.extui %lt3A_116 : i1 to i32
      %cond3A = arith.constant 0 : i32
      %cond3A_117 = arith.cmpi ne, %convert_element_type3A, %cond3A : i32
      scf.if %cond3A_117 {
        %dma_start3A_155 = arith.constant 0 : i32
        %dma_start3A_156 = arith.constant 0 : i32
        %dma_start3A_157 = arith.constant 0 : i32
        %dma_start3A_158 = tpu.memref_slice %arg8[%dma_start3A_155, %dma_start3A_156, %dma_start3A_157] : memref<2x128x128xf32, #tpu.memory_space<vmem>> -> memref<1x128x128xf32, #tpu.memory_space<vmem>>
        %dma_start3A_159 = tpu.memref_squeeze %dma_start3A_158 : memref<1x128x128xf32, #tpu.memory_space<vmem>> -> memref<128x128xf32, #tpu.memory_space<vmem>>
        %dma_start3A_160 = arith.constant 0 : i32
        %dma_start3A_161 = tpu.memref_slice %arg6[%add3A_115, %dma_start3A_160] : memref<84x128xi32, #tpu.memory_space<vmem>> -> memref<1x128xi32, #tpu.memory_space<vmem>>
        %dma_start3A_162 = tpu.memref_squeeze %dma_start3A_161 : memref<1x128xi32, #tpu.memory_space<vmem>> -> memref<128xi32, #tpu.memory_space<vmem>>
        %dma_start3A_163 = arith.constant 0 : i32
        %dma_start3A_164 = arith.constant 0 : i32
        %dma_start3A_165 = tpu.memref_slice %arg2[%dma_start3A_163, %dma_start3A_164] : memref<20000x128xf32, #tpu.memory_space<hbm>> -> memref<20000x128xf32, #tpu.memory_space<hbm>>
        tpu.enqueue_indirect_dma source(%dma_start3A_165 : memref<20000x128xf32, #tpu.memory_space<hbm>>) target(%dma_start3A_159 : memref<128x128xf32, #tpu.memory_space<vmem>>) offsets(%dma_start3A_162 : memref<128xi32, #tpu.memory_space<vmem>>) semaphore(%arg10 : memref<!tpu.dma_semaphore, #tpu.memory_space<semaphore_mem>>)
        %dma_start3A_166 = arith.constant 0 : i32
        %dma_start3A_167 = arith.constant 0 : i32
        %dma_start3A_168 = tpu.memref_slice %arg7[%dma_start3A_166, %dma_start3A_167] : memref<2x128xi32, #tpu.memory_space<vmem>> -> memref<1x128xi32, #tpu.memory_space<vmem>>
        %dma_start3A_169 = tpu.memref_squeeze %dma_start3A_168 : memref<1x128xi32, #tpu.memory_space<vmem>> -> memref<128xi32, #tpu.memory_space<vmem>>
        %dma_start3A_170 = arith.constant 0 : i32
        %dma_start3A_171 = tpu.memref_slice %arg4[%arg1, %add3A_115, %dma_start3A_170] : memref<16x84x128xi32, #tpu.memory_space<hbm>> -> memref<1x1x128xi32, #tpu.memory_space<hbm>>
        %dma_start3A_172 = tpu.memref_squeeze %dma_start3A_171 : memref<1x1x128xi32, #tpu.memory_space<hbm>> -> memref<128xi32, #tpu.memory_space<hbm>>
        %dma_start3A_173 = arith.constant 0 : i32
        %dma_start3A_174 = tpu.memref_slice %arg7[%dma_start3A_166, %dma_start3A_173] : memref<2x128xi32, #tpu.memory_space<vmem>> -> memref<1x128xi32, #tpu.memory_space<vmem>>
        %dma_start3A_175 = tpu.memref_squeeze %dma_start3A_174 : memref<1x128xi32, #tpu.memory_space<vmem>> -> memref<128xi32, #tpu.memory_space<vmem>>
        %dma_start3A_176 = arith.constant 0 : i32
        %dma_start3A_177 = tpu.memref_slice %arg4[%arg1, %add3A_115, %dma_start3A_176] : memref<16x84x128xi32, #tpu.memory_space<hbm>> -> memref<1x1x128xi32, #tpu.memory_space<hbm>>
        %dma_start3A_178 = tpu.memref_squeeze %dma_start3A_177 : memref<1x1x128xi32, #tpu.memory_space<hbm>> -> memref<128xi32, #tpu.memory_space<hbm>>
        tpu.enqueue_dma source(%dma_start3A_178 : memref<128xi32, #tpu.memory_space<hbm>>) target(%dma_start3A_175 : memref<128xi32, #tpu.memory_space<vmem>>) target_semaphore(%arg11 : memref<!tpu.dma_semaphore, #tpu.memory_space<semaphore_mem>>)
      } else {
      }
      %mul3A_118 = arith.constant 2 : i32
      %mul3A_119 = arith.muli %scan3A_84, %mul3A_118 : i32
      %add3A_120 = arith.constant 1 : i32
      %add3A_121 = arith.addi %mul3A_119, %add3A_120 : i32
      %dma_wait3A_122 = arith.constant 1 : i32
      %dma_wait3A_123 = arith.constant 0 : i32
      %dma_wait3A_124 = arith.constant 0 : i32
      %dma_wait3A_125 = tpu.memref_slice %arg8[%dma_wait3A_122, %dma_wait3A_123, %dma_wait3A_124] : memref<2x128x128xf32, #tpu.memory_space<vmem>> -> memref<1x128x128xf32, #tpu.memory_space<vmem>>
      %dma_wait3A_126 = tpu.memref_squeeze %dma_wait3A_125 : memref<1x128x128xf32, #tpu.memory_space<vmem>> -> memref<128x128xf32, #tpu.memory_space<vmem>>
      %dma_wait3A_127 = arith.constant 0 : i32
      %dma_wait3A_128 = tpu.memref_slice %arg6[%add3A_121, %dma_wait3A_127] : memref<84x128xi32, #tpu.memory_space<vmem>> -> memref<1x128xi32, #tpu.memory_space<vmem>>
      %dma_wait3A_129 = tpu.memref_squeeze %dma_wait3A_128 : memref<1x128xi32, #tpu.memory_space<vmem>> -> memref<128xi32, #tpu.memory_space<vmem>>
      %dma_wait3A_130 = arith.constant 0 : i32
      %dma_wait3A_131 = arith.constant 0 : i32
      %dma_wait3A_132 = tpu.memref_slice %arg2[%dma_wait3A_130, %dma_wait3A_131] : memref<20000x128xf32, #tpu.memory_space<hbm>> -> memref<20000x128xf32, #tpu.memory_space<hbm>>
      tpu.wait_indirect_dma semaphore(%arg10 : memref<!tpu.dma_semaphore, #tpu.memory_space<semaphore_mem>>) src(%dma_wait3A_132 : memref<20000x128xf32, #tpu.memory_space<hbm>>) dst(%dma_wait3A_126 : memref<128x128xf32, #tpu.memory_space<vmem>>)
      %dma_wait3A_133 = arith.constant 1 : i32
      %dma_wait3A_134 = arith.constant 0 : i32
      %dma_wait3A_135 = tpu.memref_slice %arg7[%dma_wait3A_133, %dma_wait3A_134] : memref<2x128xi32, #tpu.memory_space<vmem>> -> memref<1x128xi32, #tpu.memory_space<vmem>>
      %dma_wait3A_136 = tpu.memref_squeeze %dma_wait3A_135 : memref<1x128xi32, #tpu.memory_space<vmem>> -> memref<128xi32, #tpu.memory_space<vmem>>
      %dma_wait3A_137 = arith.constant 0 : i32
      %dma_wait3A_138 = tpu.memref_slice %arg4[%arg1, %add3A_121, %dma_wait3A_137] : memref<16x84x128xi32, #tpu.memory_space<hbm>> -> memref<1x1x128xi32, #tpu.memory_space<hbm>>
      %dma_wait3A_139 = tpu.memref_squeeze %dma_wait3A_138 : memref<1x1x128xi32, #tpu.memory_space<hbm>> -> memref<128xi32, #tpu.memory_space<hbm>>
      %dma_wait3A_140 = arith.constant 0 : i32
      %dma_wait3A_141 = tpu.memref_slice %arg7[%dma_wait3A_133, %dma_wait3A_140] : memref<2x128xi32, #tpu.memory_space<vmem>> -> memref<1x128xi32, #tpu.memory_space<vmem>>
      %dma_wait3A_142 = tpu.memref_squeeze %dma_wait3A_141 : memref<1x128xi32, #tpu.memory_space<vmem>> -> memref<128xi32, #tpu.memory_space<vmem>>
      %dma_wait3A_143 = arith.constant 0 : i32
      %dma_wait3A_144 = tpu.memref_slice %arg4[%arg1, %add3A_121, %dma_wait3A_143] : memref<16x84x128xi32, #tpu.memory_space<hbm>> -> memref<1x1x128xi32, #tpu.memory_space<hbm>>
      %dma_wait3A_145 = tpu.memref_squeeze %dma_wait3A_144 : memref<1x1x128xi32, #tpu.memory_space<hbm>> -> memref<128xi32, #tpu.memory_space<hbm>>
      tpu.wait_dma2 semaphore(%arg11 : memref<!tpu.dma_semaphore, #tpu.memory_space<semaphore_mem>>) src(%dma_wait3A_145 : memref<128xi32, #tpu.memory_space<hbm>>) dst(%dma_wait3A_142 : memref<128xi32, #tpu.memory_space<vmem>>)
      %run_scoped3A_146 = arith.constant 1 : i32
      %run_scoped3A_147 = arith.constant 1 : i32
      "tpu.region"() ({
        %run_scoped3A_155 = tpu.sem_alloc : memref<!tpu.dma_semaphore, #tpu.memory_space<semaphore_mem>>
        %dma_start3A_156 = arith.constant 0 : i32
        %dma_start3A_157 = arith.constant 0 : i32
        %dma_start3A_158 = tpu.memref_slice %arg8[%run_scoped3A_146, %dma_start3A_156, %dma_start3A_157] : memref<2x128x128xf32, #tpu.memory_space<vmem>> -> memref<1x128x128xf32, #tpu.memory_space<vmem>>
        %dma_start3A_159 = tpu.memref_squeeze %dma_start3A_158 : memref<1x128x128xf32, #tpu.memory_space<vmem>> -> memref<128x128xf32, #tpu.memory_space<vmem>>
        %dma_start3A_160 = arith.constant 0 : i32
        %dma_start3A_161 = tpu.memref_slice %arg7[%run_scoped3A_147, %dma_start3A_160] : memref<2x128xi32, #tpu.memory_space<vmem>> -> memref<1x128xi32, #tpu.memory_space<vmem>>
        %dma_start3A_162 = tpu.memref_squeeze %dma_start3A_161 : memref<1x128xi32, #tpu.memory_space<vmem>> -> memref<128xi32, #tpu.memory_space<vmem>>
        %dma_start3A_163 = arith.constant 0 : i32
        %dma_start3A_164 = arith.constant 0 : i32
        %dma_start3A_165 = tpu.memref_slice %arg9[%dma_start3A_163, %dma_start3A_164] : memref<10112x128xf32, #tpu.memory_space<vmem_shared>> -> memref<10112x128xf32, #tpu.memory_space<vmem_shared>>
        tpu.enqueue_indirect_dma source(%dma_start3A_159 : memref<128x128xf32, #tpu.memory_space<vmem>>) target(%dma_start3A_165 : memref<10112x128xf32, #tpu.memory_space<vmem_shared>>) offsets(%dma_start3A_162 : memref<128xi32, #tpu.memory_space<vmem>>) semaphore(%run_scoped3A_155 : memref<!tpu.dma_semaphore, #tpu.memory_space<semaphore_mem>>) {add = true}
        %dma_wait3A_166 = arith.constant 0 : i32
        %dma_wait3A_167 = arith.constant 0 : i32
        %dma_wait3A_168 = tpu.memref_slice %arg8[%run_scoped3A_146, %dma_wait3A_166, %dma_wait3A_167] : memref<2x128x128xf32, #tpu.memory_space<vmem>> -> memref<1x128x128xf32, #tpu.memory_space<vmem>>
        %dma_wait3A_169 = tpu.memref_squeeze %dma_wait3A_168 : memref<1x128x128xf32, #tpu.memory_space<vmem>> -> memref<128x128xf32, #tpu.memory_space<vmem>>
        %dma_wait3A_170 = arith.constant 0 : i32
        %dma_wait3A_171 = tpu.memref_slice %arg7[%run_scoped3A_147, %dma_wait3A_170] : memref<2x128xi32, #tpu.memory_space<vmem>> -> memref<1x128xi32, #tpu.memory_space<vmem>>
        %dma_wait3A_172 = tpu.memref_squeeze %dma_wait3A_171 : memref<1x128xi32, #tpu.memory_space<vmem>> -> memref<128xi32, #tpu.memory_space<vmem>>
        %dma_wait3A_173 = arith.constant 0 : i32
        %dma_wait3A_174 = arith.constant 0 : i32
        %dma_wait3A_175 = tpu.memref_slice %arg9[%dma_wait3A_173, %dma_wait3A_174] : memref<10112x128xf32, #tpu.memory_space<vmem_shared>> -> memref<10112x128xf32, #tpu.memory_space<vmem_shared>>
        tpu.wait_indirect_dma semaphore(%run_scoped3A_155 : memref<!tpu.dma_semaphore, #tpu.memory_space<semaphore_mem>>) src(%dma_wait3A_169 : memref<128x128xf32, #tpu.memory_space<vmem>>) dst(%dma_wait3A_175 : memref<10112x128xf32, #tpu.memory_space<vmem_shared>>)
        tpu.yield
      }) : () -> ()
      %add3A_148 = arith.constant 2 : i32
      %add3A_149 = arith.addi %add3A_121, %add3A_148 : i32
      %lt3A_150 = arith.constant 84 : i32
      %lt3A_151 = arith.cmpi slt, %add3A_149, %lt3A_150 : i32
      %convert_element_type3A_152 = arith.extui %lt3A_151 : i1 to i32
      %cond3A_153 = arith.constant 0 : i32
      %cond3A_154 = arith.cmpi ne, %convert_element_type3A_152, %cond3A_153 : i32
      scf.if %cond3A_154 {
        %dma_start3A_155 = arith.constant 1 : i32
        %dma_start3A_156 = arith.constant 0 : i32
        %dma_start3A_157 = arith.constant 0 : i32
        %dma_start3A_158 = tpu.memref_slice %arg8[%dma_start3A_155, %dma_start3A_156, %dma_start3A_157] : memref<2x128x128xf32, #tpu.memory_space<vmem>> -> memref<1x128x128xf32, #tpu.memory_space<vmem>>
        %dma_start3A_159 = tpu.memref_squeeze %dma_start3A_158 : memref<1x128x128xf32, #tpu.memory_space<vmem>> -> memref<128x128xf32, #tpu.memory_space<vmem>>
        %dma_start3A_160 = arith.constant 0 : i32
        %dma_start3A_161 = tpu.memref_slice %arg6[%add3A_149, %dma_start3A_160] : memref<84x128xi32, #tpu.memory_space<vmem>> -> memref<1x128xi32, #tpu.memory_space<vmem>>
        %dma_start3A_162 = tpu.memref_squeeze %dma_start3A_161 : memref<1x128xi32, #tpu.memory_space<vmem>> -> memref<128xi32, #tpu.memory_space<vmem>>
        %dma_start3A_163 = arith.constant 0 : i32
        %dma_start3A_164 = arith.constant 0 : i32
        %dma_start3A_165 = tpu.memref_slice %arg2[%dma_start3A_163, %dma_start3A_164] : memref<20000x128xf32, #tpu.memory_space<hbm>> -> memref<20000x128xf32, #tpu.memory_space<hbm>>
        tpu.enqueue_indirect_dma source(%dma_start3A_165 : memref<20000x128xf32, #tpu.memory_space<hbm>>) target(%dma_start3A_159 : memref<128x128xf32, #tpu.memory_space<vmem>>) offsets(%dma_start3A_162 : memref<128xi32, #tpu.memory_space<vmem>>) semaphore(%arg10 : memref<!tpu.dma_semaphore, #tpu.memory_space<semaphore_mem>>)
        %dma_start3A_166 = arith.constant 1 : i32
        %dma_start3A_167 = arith.constant 0 : i32
        %dma_start3A_168 = tpu.memref_slice %arg7[%dma_start3A_166, %dma_start3A_167] : memref<2x128xi32, #tpu.memory_space<vmem>> -> memref<1x128xi32, #tpu.memory_space<vmem>>
        %dma_start3A_169 = tpu.memref_squeeze %dma_start3A_168 : memref<1x128xi32, #tpu.memory_space<vmem>> -> memref<128xi32, #tpu.memory_space<vmem>>
        %dma_start3A_170 = arith.constant 0 : i32
        %dma_start3A_171 = tpu.memref_slice %arg4[%arg1, %add3A_149, %dma_start3A_170] : memref<16x84x128xi32, #tpu.memory_space<hbm>> -> memref<1x1x128xi32, #tpu.memory_space<hbm>>
        %dma_start3A_172 = tpu.memref_squeeze %dma_start3A_171 : memref<1x1x128xi32, #tpu.memory_space<hbm>> -> memref<128xi32, #tpu.memory_space<hbm>>
        %dma_start3A_173 = arith.constant 0 : i32
        %dma_start3A_174 = tpu.memref_slice %arg7[%dma_start3A_166, %dma_start3A_173] : memref<2x128xi32, #tpu.memory_space<vmem>> -> memref<1x128xi32, #tpu.memory_space<vmem>>
        %dma_start3A_175 = tpu.memref_squeeze %dma_start3A_174 : memref<1x128xi32, #tpu.memory_space<vmem>> -> memref<128xi32, #tpu.memory_space<vmem>>
        %dma_start3A_176 = arith.constant 0 : i32
        %dma_start3A_177 = tpu.memref_slice %arg4[%arg1, %add3A_149, %dma_start3A_176] : memref<16x84x128xi32, #tpu.memory_space<hbm>> -> memref<1x1x128xi32, #tpu.memory_space<hbm>>
        %dma_start3A_178 = tpu.memref_squeeze %dma_start3A_177 : memref<1x1x128xi32, #tpu.memory_space<hbm>> -> memref<128xi32, #tpu.memory_space<hbm>>
        tpu.enqueue_dma source(%dma_start3A_178 : memref<128xi32, #tpu.memory_space<hbm>>) target(%dma_start3A_175 : memref<128xi32, #tpu.memory_space<vmem>>) target_semaphore(%arg11 : memref<!tpu.dma_semaphore, #tpu.memory_space<semaphore_mem>>)
      } else {
      }
    }
    %scan3A_79 = arith.constant 42 : i32
    %barrier3A_80 = arith.constant 0 : index
    tpu.barrier barrier_id(%barrier3A_80)
    %mul3A_81 = arith.constant 10112 : i32
    %mul3A_82 = arith.muli %arg0, %mul3A_81 : i32
    %add3A_83 = arith.addi %mul3A_82, %mul3A_8 : i32
    "tpu.region"() ({
      %run_scoped3A_84 = tpu.sem_alloc : memref<!tpu.dma_semaphore, #tpu.memory_space<semaphore_mem>>
      %dma_start3A_85 = arith.constant 0 : i32
      %dma_start3A_86 = tpu.memref_slice %arg5[%add3A_83, %dma_start3A_85] : memref<20224x128xf32, #tpu.memory_space<hbm>> -> memref<632x128xf32, #tpu.memory_space<hbm>>
      %dma_start3A_87 = arith.constant 0 : i32
      %dma_start3A_88 = tpu.memref_slice %arg9[%mul3A_8, %dma_start3A_87] : memref<10112x128xf32, #tpu.memory_space<vmem_shared>> -> memref<632x128xf32, #tpu.memory_space<vmem_shared>>
      tpu.enqueue_dma source(%dma_start3A_88 : memref<632x128xf32, #tpu.memory_space<vmem_shared>>) target(%dma_start3A_86 : memref<632x128xf32, #tpu.memory_space<hbm>>) target_semaphore(%run_scoped3A_84 : memref<!tpu.dma_semaphore, #tpu.memory_space<semaphore_mem>>)
      %dma_wait3A = arith.constant 0 : i32
      %dma_wait3A_89 = tpu.memref_slice %arg5[%add3A_83, %dma_wait3A] : memref<20224x128xf32, #tpu.memory_space<hbm>> -> memref<632x128xf32, #tpu.memory_space<hbm>>
      %dma_wait3A_90 = arith.constant 0 : i32
      %dma_wait3A_91 = tpu.memref_slice %arg9[%mul3A_8, %dma_wait3A_90] : memref<10112x128xf32, #tpu.memory_space<vmem_shared>> -> memref<632x128xf32, #tpu.memory_space<vmem_shared>>
      tpu.wait_dma2 semaphore(%run_scoped3A_84 : memref<!tpu.dma_semaphore, #tpu.memory_space<semaphore_mem>>) src(%dma_wait3A_91 : memref<632x128xf32, #tpu.memory_space<vmem_shared>>) dst(%dma_wait3A_89 : memref<632x128xf32, #tpu.memory_space<hbm>>)
      tpu.yield
    }) : () -> ()
    return
  }
}

#map = affine_map<(d0, d1) -> (0, 0)>
#map1 = affine_map<(d0, d1) -> (0, 0, 0)>
module attributes {stable_mosaic.version = 14 : i64} {
  func.func @_agg_body(%arg0: i32, %arg1: i32, %arg2: memref<20000x128xf32, #tpu.memory_space<hbm>>, %arg3: memref<32x84x128xi32, #tpu.memory_space<hbm>>, %arg4: memref<16x84x128xi32, #tpu.memory_space<hbm>>, %arg5: memref<20224x128xf32, #tpu.memory_space<hbm>>, %arg6: memref<84x128xi32, #tpu.memory_space<vmem>>, %arg7: memref<2x128xi32, #tpu.memory_space<vmem>>, %arg8: memref<2x128x128xf32, #tpu.memory_space<vmem>>, %arg9: memref<10112x128xf32, #tpu.memory_space<vmem_shared>>, %arg10: memref<!tpu.dma_semaphore, #tpu.memory_space<semaphore_mem>>, %arg11: memref<!tpu.dma_semaphore, #tpu.memory_space<semaphore_mem>>) attributes {dimension_semantics = [#tpu.dimension_semantics<core_parallel>, #tpu.dimension_semantics<subcore_parallel>], iteration_bounds = array<i64: 2, 16>, scalar_prefetch = 0 : i64, scratch_operands = 6 : i64, tpu.core_type = #tpu.core_type<sc_vector_subcore>, window_params = [{transform_indices = #map}, {transform_indices = #map1}, {transform_indices = #map1}, {transform_indices = #map}]} {
    %mul3A = arith.constant 16 : i32
    %mul3A_0 = arith.muli %arg0, %mul3A : i32
    %add3A = arith.addi %mul3A_0, %arg1 : i32
    "tpu.region"() ({
      %run_scoped3A_84 = tpu.sem_alloc : memref<!tpu.dma_semaphore, #tpu.memory_space<semaphore_mem>>
      %dma_start3A_85 = arith.constant 0 : i32
      %dma_start3A_86 = arith.constant 0 : i32
      %dma_start3A_87 = tpu.memref_slice %arg3[%add3A, %dma_start3A_85, %dma_start3A_86] : memref<32x84x128xi32, #tpu.memory_space<hbm>> -> memref<1x84x128xi32, #tpu.memory_space<hbm>>
      %dma_start3A_88 = tpu.memref_squeeze %dma_start3A_87 : memref<1x84x128xi32, #tpu.memory_space<hbm>> -> memref<84x128xi32, #tpu.memory_space<hbm>>
      %dma_start3A_89 = arith.constant 0 : i32
      %dma_start3A_90 = arith.constant 0 : i32
      %dma_start3A_91 = tpu.memref_slice %arg3[%add3A, %dma_start3A_89, %dma_start3A_90] : memref<32x84x128xi32, #tpu.memory_space<hbm>> -> memref<1x84x128xi32, #tpu.memory_space<hbm>>
      %dma_start3A_92 = tpu.memref_squeeze %dma_start3A_91 : memref<1x84x128xi32, #tpu.memory_space<hbm>> -> memref<84x128xi32, #tpu.memory_space<hbm>>
      tpu.enqueue_dma source(%dma_start3A_92 : memref<84x128xi32, #tpu.memory_space<hbm>>) target(%arg6 : memref<84x128xi32, #tpu.memory_space<vmem>>) target_semaphore(%run_scoped3A_84 : memref<!tpu.dma_semaphore, #tpu.memory_space<semaphore_mem>>)
      %dma_wait3A = arith.constant 0 : i32
      %dma_wait3A_93 = arith.constant 0 : i32
      %dma_wait3A_94 = tpu.memref_slice %arg3[%add3A, %dma_wait3A, %dma_wait3A_93] : memref<32x84x128xi32, #tpu.memory_space<hbm>> -> memref<1x84x128xi32, #tpu.memory_space<hbm>>
      %dma_wait3A_95 = tpu.memref_squeeze %dma_wait3A_94 : memref<1x84x128xi32, #tpu.memory_space<hbm>> -> memref<84x128xi32, #tpu.memory_space<hbm>>
      %dma_wait3A_96 = arith.constant 0 : i32
      %dma_wait3A_97 = arith.constant 0 : i32
      %dma_wait3A_98 = tpu.memref_slice %arg3[%add3A, %dma_wait3A_96, %dma_wait3A_97] : memref<32x84x128xi32, #tpu.memory_space<hbm>> -> memref<1x84x128xi32, #tpu.memory_space<hbm>>
      %dma_wait3A_99 = tpu.memref_squeeze %dma_wait3A_98 : memref<1x84x128xi32, #tpu.memory_space<hbm>> -> memref<84x128xi32, #tpu.memory_space<hbm>>
      tpu.wait_dma2 semaphore(%run_scoped3A_84 : memref<!tpu.dma_semaphore, #tpu.memory_space<semaphore_mem>>) src(%dma_wait3A_99 : memref<84x128xi32, #tpu.memory_space<hbm>>) dst(%arg6 : memref<84x128xi32, #tpu.memory_space<vmem>>)
      tpu.yield
    }) : () -> ()
    %scan3A = arith.constant 0 : i32
    %scan3A_1 = arith.constant 0 : i32
    %scan3A_2 = arith.constant 0 : i32
    %scan3A_3 = arith.constant 128 : i32
    %scan3A_4 = arith.addi %scan3A_2, %scan3A_3 : i32
    %scan3A_5 = arith.constant 1 : i32
    scf.for %scan3A_84 = %scan3A_2 to %scan3A_4 step %scan3A_5  : i32 {
      %scan3A_85 = arith.constant 0 : i32
      %scan3A_86 = arith.constant 8 : i32
      %scan3A_87 = arith.addi %scan3A_85, %scan3A_86 : i32
      %scan3A_88 = arith.constant 1 : i32
      scf.for %scan3A_90 = %scan3A_85 to %scan3A_87 step %scan3A_88  : i32 {
        %broadcast_in_dim3A = arith.constant 0.000000e+00 : f32
        %broadcast_in_dim3A_91 = vector.broadcast %broadcast_in_dim3A : f32 to vector<16xf32>
        %mul3A_92 = arith.constant 16 : i32
        %mul3A_93 = arith.muli %scan3A_90, %mul3A_92 : i32
        %swap3A = arith.constant 0 : i32
        %swap3A_94 = arith.constant 0 : i32
        %swap3A_95 = tpu.memref_slice %arg8[%scan3A_1, %swap3A, %swap3A_94] : memref<2x128x128xf32, #tpu.memory_space<vmem>> -> memref<1x128x128xf32, #tpu.memory_space<vmem>>
        %swap3A_96 = tpu.memref_squeeze %swap3A_95 : memref<1x128x128xf32, #tpu.memory_space<vmem>> -> memref<128x128xf32, #tpu.memory_space<vmem>>
        %swap3A_97 = arith.index_cast %scan3A_84 : i32 to index
        %swap3A_98 = arith.index_cast %mul3A_93 : i32 to index
        %swap3A_99 = tpu.vector_load %swap3A_96[%swap3A_97, %swap3A_98] {strides = array<i32>} : memref<128x128xf32, #tpu.memory_space<vmem>>, vector<1x16xf32>,
        %swap3A_100 = vector.shape_cast %swap3A_99 : vector<1x16xf32> to vector<16xf32>
        %swap3A_101 = vector.shape_cast %broadcast_in_dim3A_91 : vector<16xf32> to vector<1x16xf32>
        tpu.vector_store %swap3A_96[%swap3A_97, %swap3A_98], %swap3A_101 {strides = array<i32>} : memref<128x128xf32, #tpu.memory_space<vmem>>, vector<1x16xf32>,
      }
      %scan3A_89 = arith.constant 8 : i32
    }
    %scan3A_6 = arith.constant 128 : i32
    %mul3A_7 = arith.constant 632 : i32
    %mul3A_8 = arith.muli %arg1, %mul3A_7 : i32
    %add3A_9 = arith.constant 0 : i32
    %add3A_10 = arith.addi %mul3A_8, %add3A_9 : i32
    %run_scoped3A = arith.constant 0 : i32
    "tpu.region"() ({
      %run_scoped3A_84 = tpu.sem_alloc : memref<!tpu.dma_semaphore, #tpu.memory_space<semaphore_mem>>
      %dma_start3A_85 = arith.constant 0 : i32
      %dma_start3A_86 = arith.constant 0 : i32
      %dma_start3A_87 = tpu.memref_slice %arg8[%run_scoped3A, %dma_start3A_85, %dma_start3A_86] : memref<2x128x128xf32, #tpu.memory_space<vmem>> -> memref<1x128x128xf32, #tpu.memory_space<vmem>>
      %dma_start3A_88 = tpu.memref_squeeze %dma_start3A_87 : memref<1x128x128xf32, #tpu.memory_space<vmem>> -> memref<128x128xf32, #tpu.memory_space<vmem>>
      %dma_start3A_89 = arith.constant 0 : i32
      %dma_start3A_90 = arith.constant 0 : i32
      %dma_start3A_91 = tpu.memref_slice %dma_start3A_88[%dma_start3A_89, %dma_start3A_90] : memref<128x128xf32, #tpu.memory_space<vmem>> -> memref<128x128xf32, #tpu.memory_space<vmem>>
      %dma_start3A_92 = arith.constant 0 : i32
      %dma_start3A_93 = tpu.memref_slice %arg9[%add3A_10, %dma_start3A_92] : memref<10112x128xf32, #tpu.memory_space<vmem_shared>> -> memref<128x128xf32, #tpu.memory_space<vmem_shared>>
      %dma_start3A_94 = arith.constant 0 : i32
      %dma_start3A_95 = tpu.memref_slice %arg9[%add3A_10, %dma_start3A_94] : memref<10112x128xf32, #tpu.memory_space<vmem_shared>> -> memref<128x128xf32, #tpu.memory_space<vmem_shared>>
      %dma_start3A_96 = arith.constant 0 : i32
      %dma_start3A_97 = arith.constant 0 : i32
      %dma_start3A_98 = tpu.memref_slice %arg8[%run_scoped3A, %dma_start3A_96, %dma_start3A_97] : memref<2x128x128xf32, #tpu.memory_space<vmem>> -> memref<1x128x128xf32, #tpu.memory_space<vmem>>
      %dma_start3A_99 = tpu.memref_squeeze %dma_start3A_98 : memref<1x128x128xf32, #tpu.memory_space<vmem>> -> memref<128x128xf32, #tpu.memory_space<vmem>>
      %dma_start3A_100 = arith.constant 0 : i32
      %dma_start3A_101 = arith.constant 0 : i32
      %dma_start3A_102 = tpu.memref_slice %dma_start3A_99[%dma_start3A_100, %dma_start3A_101] : memref<128x128xf32, #tpu.memory_space<vmem>> -> memref<128x128xf32, #tpu.memory_space<vmem>>
      tpu.enqueue_dma source(%dma_start3A_102 : memref<128x128xf32, #tpu.memory_space<vmem>>) target(%dma_start3A_95 : memref<128x128xf32, #tpu.memory_space<vmem_shared>>) target_semaphore(%run_scoped3A_84 : memref<!tpu.dma_semaphore, #tpu.memory_space<semaphore_mem>>)
      %dma_wait3A = arith.constant 0 : i32
      %dma_wait3A_103 = arith.constant 0 : i32
      %dma_wait3A_104 = tpu.memref_slice %arg8[%run_scoped3A, %dma_wait3A, %dma_wait3A_103] : memref<2x128x128xf32, #tpu.memory_space<vmem>> -> memref<1x128x128xf32, #tpu.memory_space<vmem>>
      %dma_wait3A_105 = tpu.memref_squeeze %dma_wait3A_104 : memref<1x128x128xf32, #tpu.memory_space<vmem>> -> memref<128x128xf32, #tpu.memory_space<vmem>>
      %dma_wait3A_106 = arith.constant 0 : i32
      %dma_wait3A_107 = arith.constant 0 : i32
      %dma_wait3A_108 = tpu.memref_slice %dma_wait3A_105[%dma_wait3A_106, %dma_wait3A_107] : memref<128x128xf32, #tpu.memory_space<vmem>> -> memref<128x128xf32, #tpu.memory_space<vmem>>
      %dma_wait3A_109 = arith.constant 0 : i32
      %dma_wait3A_110 = tpu.memref_slice %arg9[%add3A_10, %dma_wait3A_109] : memref<10112x128xf32, #tpu.memory_space<vmem_shared>> -> memref<128x128xf32, #tpu.memory_space<vmem_shared>>
      %dma_wait3A_111 = arith.constant 0 : i32
      %dma_wait3A_112 = tpu.memref_slice %arg9[%add3A_10, %dma_wait3A_111] : memref<10112x128xf32, #tpu.memory_space<vmem_shared>> -> memref<128x128xf32, #tpu.memory_space<vmem_shared>>
      %dma_wait3A_113 = arith.constant 0 : i32
      %dma_wait3A_114 = arith.constant 0 : i32
      %dma_wait3A_115 = tpu.memref_slice %arg8[%run_scoped3A, %dma_wait3A_113, %dma_wait3A_114] : memref<2x128x128xf32, #tpu.memory_space<vmem>> -> memref<1x128x128xf32, #tpu.memory_space<vmem>>
      %dma_wait3A_116 = tpu.memref_squeeze %dma_wait3A_115 : memref<1x128x128xf32, #tpu.memory_space<vmem>> -> memref<128x128xf32, #tpu.memory_space<vmem>>
      %dma_wait3A_117 = arith.constant 0 : i32
      %dma_wait3A_118 = arith.constant 0 : i32
      %dma_wait3A_119 = tpu.memref_slice %dma_wait3A_116[%dma_wait3A_117, %dma_wait3A_118] : memref<128x128xf32, #tpu.memory_space<vmem>> -> memref<128x128xf32, #tpu.memory_space<vmem>>
      tpu.wait_dma2 semaphore(%run_scoped3A_84 : memref<!tpu.dma_semaphore, #tpu.memory_space<semaphore_mem>>) src(%dma_wait3A_119 : memref<128x128xf32, #tpu.memory_space<vmem>>) dst(%dma_wait3A_112 : memref<128x128xf32, #tpu.memory_space<vmem_shared>>)
      tpu.yield
    }) : () -> ()
    %add3A_11 = arith.constant 128 : i32
    %add3A_12 = arith.addi %mul3A_8, %add3A_11 : i32
    %run_scoped3A_13 = arith.constant 0 : i32
    "tpu.region"() ({
      %run_scoped3A_84 = tpu.sem_alloc : memref<!tpu.dma_semaphore, #tpu.memory_space<semaphore_mem>>
      %dma_start3A_85 = arith.constant 0 : i32
      %dma_start3A_86 = arith.constant 0 : i32
      %dma_start3A_87 = tpu.memref_slice %arg8[%run_scoped3A_13, %dma_start3A_85, %dma_start3A_86] : memref<2x128x128xf32, #tpu.memory_space<vmem>> -> memref<1x128x128xf32, #tpu.memory_space<vmem>>
      %dma_start3A_88 = tpu.memref_squeeze %dma_start3A_87 : memref<1x128x128xf32, #tpu.memory_space<vmem>> -> memref<128x128xf32, #tpu.memory_space<vmem>>
      %dma_start3A_89 = arith.constant 0 : i32
      %dma_start3A_90 = arith.constant 0 : i32
      %dma_start3A_91 = tpu.memref_slice %dma_start3A_88[%dma_start3A_89, %dma_start3A_90] : memref<128x128xf32, #tpu.memory_space<vmem>> -> memref<128x128xf32, #tpu.memory_space<vmem>>
      %dma_start3A_92 = arith.constant 0 : i32
      %dma_start3A_93 = tpu.memref_slice %arg9[%add3A_12, %dma_start3A_92] : memref<10112x128xf32, #tpu.memory_space<vmem_shared>> -> memref<128x128xf32, #tpu.memory_space<vmem_shared>>
      %dma_start3A_94 = arith.constant 0 : i32
      %dma_start3A_95 = tpu.memref_slice %arg9[%add3A_12, %dma_start3A_94] : memref<10112x128xf32, #tpu.memory_space<vmem_shared>> -> memref<128x128xf32, #tpu.memory_space<vmem_shared>>
      %dma_start3A_96 = arith.constant 0 : i32
      %dma_start3A_97 = arith.constant 0 : i32
      %dma_start3A_98 = tpu.memref_slice %arg8[%run_scoped3A_13, %dma_start3A_96, %dma_start3A_97] : memref<2x128x128xf32, #tpu.memory_space<vmem>> -> memref<1x128x128xf32, #tpu.memory_space<vmem>>
      %dma_start3A_99 = tpu.memref_squeeze %dma_start3A_98 : memref<1x128x128xf32, #tpu.memory_space<vmem>> -> memref<128x128xf32, #tpu.memory_space<vmem>>
      %dma_start3A_100 = arith.constant 0 : i32
      %dma_start3A_101 = arith.constant 0 : i32
      %dma_start3A_102 = tpu.memref_slice %dma_start3A_99[%dma_start3A_100, %dma_start3A_101] : memref<128x128xf32, #tpu.memory_space<vmem>> -> memref<128x128xf32, #tpu.memory_space<vmem>>
      tpu.enqueue_dma source(%dma_start3A_102 : memref<128x128xf32, #tpu.memory_space<vmem>>) target(%dma_start3A_95 : memref<128x128xf32, #tpu.memory_space<vmem_shared>>) target_semaphore(%run_scoped3A_84 : memref<!tpu.dma_semaphore, #tpu.memory_space<semaphore_mem>>)
      %dma_wait3A = arith.constant 0 : i32
      %dma_wait3A_103 = arith.constant 0 : i32
      %dma_wait3A_104 = tpu.memref_slice %arg8[%run_scoped3A_13, %dma_wait3A, %dma_wait3A_103] : memref<2x128x128xf32, #tpu.memory_space<vmem>> -> memref<1x128x128xf32, #tpu.memory_space<vmem>>
      %dma_wait3A_105 = tpu.memref_squeeze %dma_wait3A_104 : memref<1x128x128xf32, #tpu.memory_space<vmem>> -> memref<128x128xf32, #tpu.memory_space<vmem>>
      %dma_wait3A_106 = arith.constant 0 : i32
      %dma_wait3A_107 = arith.constant 0 : i32
      %dma_wait3A_108 = tpu.memref_slice %dma_wait3A_105[%dma_wait3A_106, %dma_wait3A_107] : memref<128x128xf32, #tpu.memory_space<vmem>> -> memref<128x128xf32, #tpu.memory_space<vmem>>
      %dma_wait3A_109 = arith.constant 0 : i32
      %dma_wait3A_110 = tpu.memref_slice %arg9[%add3A_12, %dma_wait3A_109] : memref<10112x128xf32, #tpu.memory_space<vmem_shared>> -> memref<128x128xf32, #tpu.memory_space<vmem_shared>>
      %dma_wait3A_111 = arith.constant 0 : i32
      %dma_wait3A_112 = tpu.memref_slice %arg9[%add3A_12, %dma_wait3A_111] : memref<10112x128xf32, #tpu.memory_space<vmem_shared>> -> memref<128x128xf32, #tpu.memory_space<vmem_shared>>
      %dma_wait3A_113 = arith.constant 0 : i32
      %dma_wait3A_114 = arith.constant 0 : i32
      %dma_wait3A_115 = tpu.memref_slice %arg8[%run_scoped3A_13, %dma_wait3A_113, %dma_wait3A_114] : memref<2x128x128xf32, #tpu.memory_space<vmem>> -> memref<1x128x128xf32, #tpu.memory_space<vmem>>
      %dma_wait3A_116 = tpu.memref_squeeze %dma_wait3A_115 : memref<1x128x128xf32, #tpu.memory_space<vmem>> -> memref<128x128xf32, #tpu.memory_space<vmem>>
      %dma_wait3A_117 = arith.constant 0 : i32
      %dma_wait3A_118 = arith.constant 0 : i32
      %dma_wait3A_119 = tpu.memref_slice %dma_wait3A_116[%dma_wait3A_117, %dma_wait3A_118] : memref<128x128xf32, #tpu.memory_space<vmem>> -> memref<128x128xf32, #tpu.memory_space<vmem>>
      tpu.wait_dma2 semaphore(%run_scoped3A_84 : memref<!tpu.dma_semaphore, #tpu.memory_space<semaphore_mem>>) src(%dma_wait3A_119 : memref<128x128xf32, #tpu.memory_space<vmem>>) dst(%dma_wait3A_112 : memref<128x128xf32, #tpu.memory_space<vmem_shared>>)
      tpu.yield
    }) : () -> ()
    %add3A_14 = arith.constant 256 : i32
    %add3A_15 = arith.addi %mul3A_8, %add3A_14 : i32
    %run_scoped3A_16 = arith.constant 0 : i32
    "tpu.region"() ({
      %run_scoped3A_84 = tpu.sem_alloc : memref<!tpu.dma_semaphore, #tpu.memory_space<semaphore_mem>>
      %dma_start3A_85 = arith.constant 0 : i32
      %dma_start3A_86 = arith.constant 0 : i32
      %dma_start3A_87 = tpu.memref_slice %arg8[%run_scoped3A_16, %dma_start3A_85, %dma_start3A_86] : memref<2x128x128xf32, #tpu.memory_space<vmem>> -> memref<1x128x128xf32, #tpu.memory_space<vmem>>
      %dma_start3A_88 = tpu.memref_squeeze %dma_start3A_87 : memref<1x128x128xf32, #tpu.memory_space<vmem>> -> memref<128x128xf32, #tpu.memory_space<vmem>>
      %dma_start3A_89 = arith.constant 0 : i32
      %dma_start3A_90 = arith.constant 0 : i32
      %dma_start3A_91 = tpu.memref_slice %dma_start3A_88[%dma_start3A_89, %dma_start3A_90] : memref<128x128xf32, #tpu.memory_space<vmem>> -> memref<128x128xf32, #tpu.memory_space<vmem>>
      %dma_start3A_92 = arith.constant 0 : i32
      %dma_start3A_93 = tpu.memref_slice %arg9[%add3A_15, %dma_start3A_92] : memref<10112x128xf32, #tpu.memory_space<vmem_shared>> -> memref<128x128xf32, #tpu.memory_space<vmem_shared>>
      %dma_start3A_94 = arith.constant 0 : i32
      %dma_start3A_95 = tpu.memref_slice %arg9[%add3A_15, %dma_start3A_94] : memref<10112x128xf32, #tpu.memory_space<vmem_shared>> -> memref<128x128xf32, #tpu.memory_space<vmem_shared>>
      %dma_start3A_96 = arith.constant 0 : i32
      %dma_start3A_97 = arith.constant 0 : i32
      %dma_start3A_98 = tpu.memref_slice %arg8[%run_scoped3A_16, %dma_start3A_96, %dma_start3A_97] : memref<2x128x128xf32, #tpu.memory_space<vmem>> -> memref<1x128x128xf32, #tpu.memory_space<vmem>>
      %dma_start3A_99 = tpu.memref_squeeze %dma_start3A_98 : memref<1x128x128xf32, #tpu.memory_space<vmem>> -> memref<128x128xf32, #tpu.memory_space<vmem>>
      %dma_start3A_100 = arith.constant 0 : i32
      %dma_start3A_101 = arith.constant 0 : i32
      %dma_start3A_102 = tpu.memref_slice %dma_start3A_99[%dma_start3A_100, %dma_start3A_101] : memref<128x128xf32, #tpu.memory_space<vmem>> -> memref<128x128xf32, #tpu.memory_space<vmem>>
      tpu.enqueue_dma source(%dma_start3A_102 : memref<128x128xf32, #tpu.memory_space<vmem>>) target(%dma_start3A_95 : memref<128x128xf32, #tpu.memory_space<vmem_shared>>) target_semaphore(%run_scoped3A_84 : memref<!tpu.dma_semaphore, #tpu.memory_space<semaphore_mem>>)
      %dma_wait3A = arith.constant 0 : i32
      %dma_wait3A_103 = arith.constant 0 : i32
      %dma_wait3A_104 = tpu.memref_slice %arg8[%run_scoped3A_16, %dma_wait3A, %dma_wait3A_103] : memref<2x128x128xf32, #tpu.memory_space<vmem>> -> memref<1x128x128xf32, #tpu.memory_space<vmem>>
      %dma_wait3A_105 = tpu.memref_squeeze %dma_wait3A_104 : memref<1x128x128xf32, #tpu.memory_space<vmem>> -> memref<128x128xf32, #tpu.memory_space<vmem>>
      %dma_wait3A_106 = arith.constant 0 : i32
      %dma_wait3A_107 = arith.constant 0 : i32
      %dma_wait3A_108 = tpu.memref_slice %dma_wait3A_105[%dma_wait3A_106, %dma_wait3A_107] : memref<128x128xf32, #tpu.memory_space<vmem>> -> memref<128x128xf32, #tpu.memory_space<vmem>>
      %dma_wait3A_109 = arith.constant 0 : i32
      %dma_wait3A_110 = tpu.memref_slice %arg9[%add3A_15, %dma_wait3A_109] : memref<10112x128xf32, #tpu.memory_space<vmem_shared>> -> memref<128x128xf32, #tpu.memory_space<vmem_shared>>
      %dma_wait3A_111 = arith.constant 0 : i32
      %dma_wait3A_112 = tpu.memref_slice %arg9[%add3A_15, %dma_wait3A_111] : memref<10112x128xf32, #tpu.memory_space<vmem_shared>> -> memref<128x128xf32, #tpu.memory_space<vmem_shared>>
      %dma_wait3A_113 = arith.constant 0 : i32
      %dma_wait3A_114 = arith.constant 0 : i32
      %dma_wait3A_115 = tpu.memref_slice %arg8[%run_scoped3A_16, %dma_wait3A_113, %dma_wait3A_114] : memref<2x128x128xf32, #tpu.memory_space<vmem>> -> memref<1x128x128xf32, #tpu.memory_space<vmem>>
      %dma_wait3A_116 = tpu.memref_squeeze %dma_wait3A_115 : memref<1x128x128xf32, #tpu.memory_space<vmem>> -> memref<128x128xf32, #tpu.memory_space<vmem>>
      %dma_wait3A_117 = arith.constant 0 : i32
      %dma_wait3A_118 = arith.constant 0 : i32
      %dma_wait3A_119 = tpu.memref_slice %dma_wait3A_116[%dma_wait3A_117, %dma_wait3A_118] : memref<128x128xf32, #tpu.memory_space<vmem>> -> memref<128x128xf32, #tpu.memory_space<vmem>>
      tpu.wait_dma2 semaphore(%run_scoped3A_84 : memref<!tpu.dma_semaphore, #tpu.memory_space<semaphore_mem>>) src(%dma_wait3A_119 : memref<128x128xf32, #tpu.memory_space<vmem>>) dst(%dma_wait3A_112 : memref<128x128xf32, #tpu.memory_space<vmem_shared>>)
      tpu.yield
    }) : () -> ()
    %add3A_17 = arith.constant 384 : i32
    %add3A_18 = arith.addi %mul3A_8, %add3A_17 : i32
    %run_scoped3A_19 = arith.constant 0 : i32
    "tpu.region"() ({
      %run_scoped3A_84 = tpu.sem_alloc : memref<!tpu.dma_semaphore, #tpu.memory_space<semaphore_mem>>
      %dma_start3A_85 = arith.constant 0 : i32
      %dma_start3A_86 = arith.constant 0 : i32
      %dma_start3A_87 = tpu.memref_slice %arg8[%run_scoped3A_19, %dma_start3A_85, %dma_start3A_86] : memref<2x128x128xf32, #tpu.memory_space<vmem>> -> memref<1x128x128xf32, #tpu.memory_space<vmem>>
      %dma_start3A_88 = tpu.memref_squeeze %dma_start3A_87 : memref<1x128x128xf32, #tpu.memory_space<vmem>> -> memref<128x128xf32, #tpu.memory_space<vmem>>
      %dma_start3A_89 = arith.constant 0 : i32
      %dma_start3A_90 = arith.constant 0 : i32
      %dma_start3A_91 = tpu.memref_slice %dma_start3A_88[%dma_start3A_89, %dma_start3A_90] : memref<128x128xf32, #tpu.memory_space<vmem>> -> memref<128x128xf32, #tpu.memory_space<vmem>>
      %dma_start3A_92 = arith.constant 0 : i32
      %dma_start3A_93 = tpu.memref_slice %arg9[%add3A_18, %dma_start3A_92] : memref<10112x128xf32, #tpu.memory_space<vmem_shared>> -> memref<128x128xf32, #tpu.memory_space<vmem_shared>>
      %dma_start3A_94 = arith.constant 0 : i32
      %dma_start3A_95 = tpu.memref_slice %arg9[%add3A_18, %dma_start3A_94] : memref<10112x128xf32, #tpu.memory_space<vmem_shared>> -> memref<128x128xf32, #tpu.memory_space<vmem_shared>>
      %dma_start3A_96 = arith.constant 0 : i32
      %dma_start3A_97 = arith.constant 0 : i32
      %dma_start3A_98 = tpu.memref_slice %arg8[%run_scoped3A_19, %dma_start3A_96, %dma_start3A_97] : memref<2x128x128xf32, #tpu.memory_space<vmem>> -> memref<1x128x128xf32, #tpu.memory_space<vmem>>
      %dma_start3A_99 = tpu.memref_squeeze %dma_start3A_98 : memref<1x128x128xf32, #tpu.memory_space<vmem>> -> memref<128x128xf32, #tpu.memory_space<vmem>>
      %dma_start3A_100 = arith.constant 0 : i32
      %dma_start3A_101 = arith.constant 0 : i32
      %dma_start3A_102 = tpu.memref_slice %dma_start3A_99[%dma_start3A_100, %dma_start3A_101] : memref<128x128xf32, #tpu.memory_space<vmem>> -> memref<128x128xf32, #tpu.memory_space<vmem>>
      tpu.enqueue_dma source(%dma_start3A_102 : memref<128x128xf32, #tpu.memory_space<vmem>>) target(%dma_start3A_95 : memref<128x128xf32, #tpu.memory_space<vmem_shared>>) target_semaphore(%run_scoped3A_84 : memref<!tpu.dma_semaphore, #tpu.memory_space<semaphore_mem>>)
      %dma_wait3A = arith.constant 0 : i32
      %dma_wait3A_103 = arith.constant 0 : i32
      %dma_wait3A_104 = tpu.memref_slice %arg8[%run_scoped3A_19, %dma_wait3A, %dma_wait3A_103] : memref<2x128x128xf32, #tpu.memory_space<vmem>> -> memref<1x128x128xf32, #tpu.memory_space<vmem>>
      %dma_wait3A_105 = tpu.memref_squeeze %dma_wait3A_104 : memref<1x128x128xf32, #tpu.memory_space<vmem>> -> memref<128x128xf32, #tpu.memory_space<vmem>>
      %dma_wait3A_106 = arith.constant 0 : i32
      %dma_wait3A_107 = arith.constant 0 : i32
      %dma_wait3A_108 = tpu.memref_slice %dma_wait3A_105[%dma_wait3A_106, %dma_wait3A_107] : memref<128x128xf32, #tpu.memory_space<vmem>> -> memref<128x128xf32, #tpu.memory_space<vmem>>
      %dma_wait3A_109 = arith.constant 0 : i32
      %dma_wait3A_110 = tpu.memref_slice %arg9[%add3A_18, %dma_wait3A_109] : memref<10112x128xf32, #tpu.memory_space<vmem_shared>> -> memref<128x128xf32, #tpu.memory_space<vmem_shared>>
      %dma_wait3A_111 = arith.constant 0 : i32
      %dma_wait3A_112 = tpu.memref_slice %arg9[%add3A_18, %dma_wait3A_111] : memref<10112x128xf32, #tpu.memory_space<vmem_shared>> -> memref<128x128xf32, #tpu.memory_space<vmem_shared>>
      %dma_wait3A_113 = arith.constant 0 : i32
      %dma_wait3A_114 = arith.constant 0 : i32
      %dma_wait3A_115 = tpu.memref_slice %arg8[%run_scoped3A_19, %dma_wait3A_113, %dma_wait3A_114] : memref<2x128x128xf32, #tpu.memory_space<vmem>> -> memref<1x128x128xf32, #tpu.memory_space<vmem>>
      %dma_wait3A_116 = tpu.memref_squeeze %dma_wait3A_115 : memref<1x128x128xf32, #tpu.memory_space<vmem>> -> memref<128x128xf32, #tpu.memory_space<vmem>>
      %dma_wait3A_117 = arith.constant 0 : i32
      %dma_wait3A_118 = arith.constant 0 : i32
      %dma_wait3A_119 = tpu.memref_slice %dma_wait3A_116[%dma_wait3A_117, %dma_wait3A_118] : memref<128x128xf32, #tpu.memory_space<vmem>> -> memref<128x128xf32, #tpu.memory_space<vmem>>
      tpu.wait_dma2 semaphore(%run_scoped3A_84 : memref<!tpu.dma_semaphore, #tpu.memory_space<semaphore_mem>>) src(%dma_wait3A_119 : memref<128x128xf32, #tpu.memory_space<vmem>>) dst(%dma_wait3A_112 : memref<128x128xf32, #tpu.memory_space<vmem_shared>>)
      tpu.yield
    }) : () -> ()
    %add3A_20 = arith.constant 512 : i32
    %add3A_21 = arith.addi %mul3A_8, %add3A_20 : i32
    %run_scoped3A_22 = arith.constant 0 : i32
    "tpu.region"() ({
      %run_scoped3A_84 = tpu.sem_alloc : memref<!tpu.dma_semaphore, #tpu.memory_space<semaphore_mem>>
      %dma_start3A_85 = arith.constant 0 : i32
      %dma_start3A_86 = arith.constant 0 : i32
      %dma_start3A_87 = tpu.memref_slice %arg8[%run_scoped3A_22, %dma_start3A_85, %dma_start3A_86] : memref<2x128x128xf32, #tpu.memory_space<vmem>> -> memref<1x128x128xf32, #tpu.memory_space<vmem>>
      %dma_start3A_88 = tpu.memref_squeeze %dma_start3A_87 : memref<1x128x128xf32, #tpu.memory_space<vmem>> -> memref<128x128xf32, #tpu.memory_space<vmem>>
      %dma_start3A_89 = arith.constant 0 : i32
      %dma_start3A_90 = arith.constant 0 : i32
      %dma_start3A_91 = tpu.memref_slice %dma_start3A_88[%dma_start3A_89, %dma_start3A_90] : memref<128x128xf32, #tpu.memory_space<vmem>> -> memref<120x128xf32, #tpu.memory_space<vmem>>
      %dma_start3A_92 = arith.constant 0 : i32
      %dma_start3A_93 = tpu.memref_slice %arg9[%add3A_21, %dma_start3A_92] : memref<10112x128xf32, #tpu.memory_space<vmem_shared>> -> memref<120x128xf32, #tpu.memory_space<vmem_shared>>
      %dma_start3A_94 = arith.constant 0 : i32
      %dma_start3A_95 = tpu.memref_slice %arg9[%add3A_21, %dma_start3A_94] : memref<10112x128xf32, #tpu.memory_space<vmem_shared>> -> memref<120x128xf32, #tpu.memory_space<vmem_shared>>
      %dma_start3A_96 = arith.constant 0 : i32
      %dma_start3A_97 = arith.constant 0 : i32
      %dma_start3A_98 = tpu.memref_slice %arg8[%run_scoped3A_22, %dma_start3A_96, %dma_start3A_97] : memref<2x128x128xf32, #tpu.memory_space<vmem>> -> memref<1x128x128xf32, #tpu.memory_space<vmem>>
      %dma_start3A_99 = tpu.memref_squeeze %dma_start3A_98 : memref<1x128x128xf32, #tpu.memory_space<vmem>> -> memref<128x128xf32, #tpu.memory_space<vmem>>
      %dma_start3A_100 = arith.constant 0 : i32
      %dma_start3A_101 = arith.constant 0 : i32
      %dma_start3A_102 = tpu.memref_slice %dma_start3A_99[%dma_start3A_100, %dma_start3A_101] : memref<128x128xf32, #tpu.memory_space<vmem>> -> memref<120x128xf32, #tpu.memory_space<vmem>>
      tpu.enqueue_dma source(%dma_start3A_102 : memref<120x128xf32, #tpu.memory_space<vmem>>) target(%dma_start3A_95 : memref<120x128xf32, #tpu.memory_space<vmem_shared>>) target_semaphore(%run_scoped3A_84 : memref<!tpu.dma_semaphore, #tpu.memory_space<semaphore_mem>>)
      %dma_wait3A = arith.constant 0 : i32
      %dma_wait3A_103 = arith.constant 0 : i32
      %dma_wait3A_104 = tpu.memref_slice %arg8[%run_scoped3A_22, %dma_wait3A, %dma_wait3A_103] : memref<2x128x128xf32, #tpu.memory_space<vmem>> -> memref<1x128x128xf32, #tpu.memory_space<vmem>>
      %dma_wait3A_105 = tpu.memref_squeeze %dma_wait3A_104 : memref<1x128x128xf32, #tpu.memory_space<vmem>> -> memref<128x128xf32, #tpu.memory_space<vmem>>
      %dma_wait3A_106 = arith.constant 0 : i32
      %dma_wait3A_107 = arith.constant 0 : i32
      %dma_wait3A_108 = tpu.memref_slice %dma_wait3A_105[%dma_wait3A_106, %dma_wait3A_107] : memref<128x128xf32, #tpu.memory_space<vmem>> -> memref<120x128xf32, #tpu.memory_space<vmem>>
      %dma_wait3A_109 = arith.constant 0 : i32
      %dma_wait3A_110 = tpu.memref_slice %arg9[%add3A_21, %dma_wait3A_109] : memref<10112x128xf32, #tpu.memory_space<vmem_shared>> -> memref<120x128xf32, #tpu.memory_space<vmem_shared>>
      %dma_wait3A_111 = arith.constant 0 : i32
      %dma_wait3A_112 = tpu.memref_slice %arg9[%add3A_21, %dma_wait3A_111] : memref<10112x128xf32, #tpu.memory_space<vmem_shared>> -> memref<120x128xf32, #tpu.memory_space<vmem_shared>>
      %dma_wait3A_113 = arith.constant 0 : i32
      %dma_wait3A_114 = arith.constant 0 : i32
      %dma_wait3A_115 = tpu.memref_slice %arg8[%run_scoped3A_22, %dma_wait3A_113, %dma_wait3A_114] : memref<2x128x128xf32, #tpu.memory_space<vmem>> -> memref<1x128x128xf32, #tpu.memory_space<vmem>>
      %dma_wait3A_116 = tpu.memref_squeeze %dma_wait3A_115 : memref<1x128x128xf32, #tpu.memory_space<vmem>> -> memref<128x128xf32, #tpu.memory_space<vmem>>
      %dma_wait3A_117 = arith.constant 0 : i32
      %dma_wait3A_118 = arith.constant 0 : i32
      %dma_wait3A_119 = tpu.memref_slice %dma_wait3A_116[%dma_wait3A_117, %dma_wait3A_118] : memref<128x128xf32, #tpu.memory_space<vmem>> -> memref<120x128xf32, #tpu.memory_space<vmem>>
      tpu.wait_dma2 semaphore(%run_scoped3A_84 : memref<!tpu.dma_semaphore, #tpu.memory_space<semaphore_mem>>) src(%dma_wait3A_119 : memref<120x128xf32, #tpu.memory_space<vmem>>) dst(%dma_wait3A_112 : memref<120x128xf32, #tpu.memory_space<vmem_shared>>)
      tpu.yield
    }) : () -> ()
    %barrier3A = arith.constant 0 : index
    tpu.barrier barrier_id(%barrier3A)
    %dma_start3A = arith.constant 0 : i32
    %dma_start3A_23 = arith.constant 0 : i32
    %dma_start3A_24 = arith.constant 0 : i32
    %dma_start3A_25 = arith.constant 0 : i32
    %dma_start3A_26 = tpu.memref_slice %arg8[%dma_start3A_23, %dma_start3A_24, %dma_start3A_25] : memref<2x128x128xf32, #tpu.memory_space<vmem>> -> memref<1x128x128xf32, #tpu.memory_space<vmem>>
    %dma_start3A_27 = tpu.memref_squeeze %dma_start3A_26 : memref<1x128x128xf32, #tpu.memory_space<vmem>> -> memref<128x128xf32, #tpu.memory_space<vmem>>
    %dma_start3A_28 = arith.constant 0 : i32
    %dma_start3A_29 = tpu.memref_slice %arg6[%dma_start3A, %dma_start3A_28] : memref<84x128xi32, #tpu.memory_space<vmem>> -> memref<1x128xi32, #tpu.memory_space<vmem>>
    %dma_start3A_30 = tpu.memref_squeeze %dma_start3A_29 : memref<1x128xi32, #tpu.memory_space<vmem>> -> memref<128xi32, #tpu.memory_space<vmem>>
    %dma_start3A_31 = arith.constant 0 : i32
    %dma_start3A_32 = arith.constant 0 : i32
    %dma_start3A_33 = tpu.memref_slice %arg2[%dma_start3A_31, %dma_start3A_32] : memref<20000x128xf32, #tpu.memory_space<hbm>> -> memref<20000x128xf32, #tpu.memory_space<hbm>>
    tpu.enqueue_indirect_dma source(%dma_start3A_33 : memref<20000x128xf32, #tpu.memory_space<hbm>>) target(%dma_start3A_27 : memref<128x128xf32, #tpu.memory_space<vmem>>) offsets(%dma_start3A_30 : memref<128xi32, #tpu.memory_space<vmem>>) semaphore(%arg10 : memref<!tpu.dma_semaphore, #tpu.memory_space<semaphore_mem>>)
    %dma_start3A_34 = arith.constant 0 : i32
    %dma_start3A_35 = arith.constant 0 : i32
    %dma_start3A_36 = arith.constant 0 : i32
    %dma_start3A_37 = tpu.memref_slice %arg7[%dma_start3A_35, %dma_start3A_36] : memref<2x128xi32, #tpu.memory_space<vmem>> -> memref<1x128xi32, #tpu.memory_space<vmem>>
    %dma_start3A_38 = tpu.memref_squeeze %dma_start3A_37 : memref<1x128xi32, #tpu.memory_space<vmem>> -> memref<128xi32, #tpu.memory_space<vmem>>
    %dma_start3A_39 = arith.constant 0 : i32
    %dma_start3A_40 = tpu.memref_slice %arg4[%arg1, %dma_start3A_34, %dma_start3A_39] : memref<16x84x128xi32, #tpu.memory_space<hbm>> -> memref<1x1x128xi32, #tpu.memory_space<hbm>>
    %dma_start3A_41 = tpu.memref_squeeze %dma_start3A_40 : memref<1x1x128xi32, #tpu.memory_space<hbm>> -> memref<128xi32, #tpu.memory_space<hbm>>
    %dma_start3A_42 = arith.constant 0 : i32
    %dma_start3A_43 = tpu.memref_slice %arg7[%dma_start3A_35, %dma_start3A_42] : memref<2x128xi32, #tpu.memory_space<vmem>> -> memref<1x128xi32, #tpu.memory_space<vmem>>
    %dma_start3A_44 = tpu.memref_squeeze %dma_start3A_43 : memref<1x128xi32, #tpu.memory_space<vmem>> -> memref<128xi32, #tpu.memory_space<vmem>>
    %dma_start3A_45 = arith.constant 0 : i32
    %dma_start3A_46 = tpu.memref_slice %arg4[%arg1, %dma_start3A_34, %dma_start3A_45] : memref<16x84x128xi32, #tpu.memory_space<hbm>> -> memref<1x1x128xi32, #tpu.memory_space<hbm>>
    %dma_start3A_47 = tpu.memref_squeeze %dma_start3A_46 : memref<1x1x128xi32, #tpu.memory_space<hbm>> -> memref<128xi32, #tpu.memory_space<hbm>>
    tpu.enqueue_dma source(%dma_start3A_47 : memref<128xi32, #tpu.memory_space<hbm>>) target(%dma_start3A_44 : memref<128xi32, #tpu.memory_space<vmem>>) target_semaphore(%arg11 : memref<!tpu.dma_semaphore, #tpu.memory_space<semaphore_mem>>)
    %dma_start3A_48 = arith.constant 1 : i32
    %dma_start3A_49 = arith.constant 1 : i32
    %dma_start3A_50 = arith.constant 0 : i32
    %dma_start3A_51 = arith.constant 0 : i32
    %dma_start3A_52 = tpu.memref_slice %arg8[%dma_start3A_49, %dma_start3A_50, %dma_start3A_51] : memref<2x128x128xf32, #tpu.memory_space<vmem>> -> memref<1x128x128xf32, #tpu.memory_space<vmem>>
    %dma_start3A_53 = tpu.memref_squeeze %dma_start3A_52 : memref<1x128x128xf32, #tpu.memory_space<vmem>> -> memref<128x128xf32, #tpu.memory_space<vmem>>
    %dma_start3A_54 = arith.constant 0 : i32
    %dma_start3A_55 = tpu.memref_slice %arg6[%dma_start3A_48, %dma_start3A_54] : memref<84x128xi32, #tpu.memory_space<vmem>> -> memref<1x128xi32, #tpu.memory_space<vmem>>
    %dma_start3A_56 = tpu.memref_squeeze %dma_start3A_55 : memref<1x128xi32, #tpu.memory_space<vmem>> -> memref<128xi32, #tpu.memory_space<vmem>>
    %dma_start3A_57 = arith.constant 0 : i32
    %dma_start3A_58 = arith.constant 0 : i32
    %dma_start3A_59 = tpu.memref_slice %arg2[%dma_start3A_57, %dma_start3A_58] : memref<20000x128xf32, #tpu.memory_space<hbm>> -> memref<20000x128xf32, #tpu.memory_space<hbm>>
    tpu.enqueue_indirect_dma source(%dma_start3A_59 : memref<20000x128xf32, #tpu.memory_space<hbm>>) target(%dma_start3A_53 : memref<128x128xf32, #tpu.memory_space<vmem>>) offsets(%dma_start3A_56 : memref<128xi32, #tpu.memory_space<vmem>>) semaphore(%arg10 : memref<!tpu.dma_semaphore, #tpu.memory_space<semaphore_mem>>)
    %dma_start3A_60 = arith.constant 1 : i32
    %dma_start3A_61 = arith.constant 1 : i32
    %dma_start3A_62 = arith.constant 0 : i32
    %dma_start3A_63 = tpu.memref_slice %arg7[%dma_start3A_61, %dma_start3A_62] : memref<2x128xi32, #tpu.memory_space<vmem>> -> memref<1x128xi32, #tpu.memory_space<vmem>>
    %dma_start3A_64 = tpu.memref_squeeze %dma_start3A_63 : memref<1x128xi32, #tpu.memory_space<vmem>> -> memref<128xi32, #tpu.memory_space<vmem>>
    %dma_start3A_65 = arith.constant 0 : i32
    %dma_start3A_66 = tpu.memref_slice %arg4[%arg1, %dma_start3A_60, %dma_start3A_65] : memref<16x84x128xi32, #tpu.memory_space<hbm>> -> memref<1x1x128xi32, #tpu.memory_space<hbm>>
    %dma_start3A_67 = tpu.memref_squeeze %dma_start3A_66 : memref<1x1x128xi32, #tpu.memory_space<hbm>> -> memref<128xi32, #tpu.memory_space<hbm>>
    %dma_start3A_68 = arith.constant 0 : i32
    %dma_start3A_69 = tpu.memref_slice %arg7[%dma_start3A_61, %dma_start3A_68] : memref<2x128xi32, #tpu.memory_space<vmem>> -> memref<1x128xi32, #tpu.memory_space<vmem>>
    %dma_start3A_70 = tpu.memref_squeeze %dma_start3A_69 : memref<1x128xi32, #tpu.memory_space<vmem>> -> memref<128xi32, #tpu.memory_space<vmem>>
    %dma_start3A_71 = arith.constant 0 : i32
    %dma_start3A_72 = tpu.memref_slice %arg4[%arg1, %dma_start3A_60, %dma_start3A_71] : memref<16x84x128xi32, #tpu.memory_space<hbm>> -> memref<1x1x128xi32, #tpu.memory_space<hbm>>
    %dma_start3A_73 = tpu.memref_squeeze %dma_start3A_72 : memref<1x1x128xi32, #tpu.memory_space<hbm>> -> memref<128xi32, #tpu.memory_space<hbm>>
    tpu.enqueue_dma source(%dma_start3A_73 : memref<128xi32, #tpu.memory_space<hbm>>) target(%dma_start3A_70 : memref<128xi32, #tpu.memory_space<vmem>>) target_semaphore(%arg11 : memref<!tpu.dma_semaphore, #tpu.memory_space<semaphore_mem>>)
    %scan3A_74 = arith.constant 0 : i32
    %scan3A_75 = arith.constant 0 : i32
    %scan3A_76 = arith.constant 42 : i32
    %scan3A_77 = arith.addi %scan3A_75, %scan3A_76 : i32
    %scan3A_78 = arith.constant 1 : i32
    scf.for %scan3A_84 = %scan3A_75 to %scan3A_77 step %scan3A_78  : i32 {
      %mul3A_85 = arith.constant 2 : i32
      %mul3A_86 = arith.muli %scan3A_84, %mul3A_85 : i32
      %add3A_87 = arith.constant 0 : i32
      %add3A_88 = arith.addi %mul3A_86, %add3A_87 : i32
      %dma_wait3A = arith.constant 0 : i32
      %dma_wait3A_89 = arith.constant 0 : i32
      %dma_wait3A_90 = arith.constant 0 : i32
      %dma_wait3A_91 = tpu.memref_slice %arg8[%dma_wait3A, %dma_wait3A_89, %dma_wait3A_90] : memref<2x128x128xf32, #tpu.memory_space<vmem>> -> memref<1x128x128xf32, #tpu.memory_space<vmem>>
      %dma_wait3A_92 = tpu.memref_squeeze %dma_wait3A_91 : memref<1x128x128xf32, #tpu.memory_space<vmem>> -> memref<128x128xf32, #tpu.memory_space<vmem>>
      %dma_wait3A_93 = arith.constant 0 : i32
      %dma_wait3A_94 = tpu.memref_slice %arg6[%add3A_88, %dma_wait3A_93] : memref<84x128xi32, #tpu.memory_space<vmem>> -> memref<1x128xi32, #tpu.memory_space<vmem>>
      %dma_wait3A_95 = tpu.memref_squeeze %dma_wait3A_94 : memref<1x128xi32, #tpu.memory_space<vmem>> -> memref<128xi32, #tpu.memory_space<vmem>>
      %dma_wait3A_96 = arith.constant 0 : i32
      %dma_wait3A_97 = arith.constant 0 : i32
      %dma_wait3A_98 = tpu.memref_slice %arg2[%dma_wait3A_96, %dma_wait3A_97] : memref<20000x128xf32, #tpu.memory_space<hbm>> -> memref<20000x128xf32, #tpu.memory_space<hbm>>
      tpu.wait_indirect_dma semaphore(%arg10 : memref<!tpu.dma_semaphore, #tpu.memory_space<semaphore_mem>>) src(%dma_wait3A_98 : memref<20000x128xf32, #tpu.memory_space<hbm>>) dst(%dma_wait3A_92 : memref<128x128xf32, #tpu.memory_space<vmem>>)
      %dma_wait3A_99 = arith.constant 0 : i32
      %dma_wait3A_100 = arith.constant 0 : i32
      %dma_wait3A_101 = tpu.memref_slice %arg7[%dma_wait3A_99, %dma_wait3A_100] : memref<2x128xi32, #tpu.memory_space<vmem>> -> memref<1x128xi32, #tpu.memory_space<vmem>>
      %dma_wait3A_102 = tpu.memref_squeeze %dma_wait3A_101 : memref<1x128xi32, #tpu.memory_space<vmem>> -> memref<128xi32, #tpu.memory_space<vmem>>
      %dma_wait3A_103 = arith.constant 0 : i32
      %dma_wait3A_104 = tpu.memref_slice %arg4[%arg1, %add3A_88, %dma_wait3A_103] : memref<16x84x128xi32, #tpu.memory_space<hbm>> -> memref<1x1x128xi32, #tpu.memory_space<hbm>>
      %dma_wait3A_105 = tpu.memref_squeeze %dma_wait3A_104 : memref<1x1x128xi32, #tpu.memory_space<hbm>> -> memref<128xi32, #tpu.memory_space<hbm>>
      %dma_wait3A_106 = arith.constant 0 : i32
      %dma_wait3A_107 = tpu.memref_slice %arg7[%dma_wait3A_99, %dma_wait3A_106] : memref<2x128xi32, #tpu.memory_space<vmem>> -> memref<1x128xi32, #tpu.memory_space<vmem>>
      %dma_wait3A_108 = tpu.memref_squeeze %dma_wait3A_107 : memref<1x128xi32, #tpu.memory_space<vmem>> -> memref<128xi32, #tpu.memory_space<vmem>>
      %dma_wait3A_109 = arith.constant 0 : i32
      %dma_wait3A_110 = tpu.memref_slice %arg4[%arg1, %add3A_88, %dma_wait3A_109] : memref<16x84x128xi32, #tpu.memory_space<hbm>> -> memref<1x1x128xi32, #tpu.memory_space<hbm>>
      %dma_wait3A_111 = tpu.memref_squeeze %dma_wait3A_110 : memref<1x1x128xi32, #tpu.memory_space<hbm>> -> memref<128xi32, #tpu.memory_space<hbm>>
      tpu.wait_dma2 semaphore(%arg11 : memref<!tpu.dma_semaphore, #tpu.memory_space<semaphore_mem>>) src(%dma_wait3A_111 : memref<128xi32, #tpu.memory_space<hbm>>) dst(%dma_wait3A_108 : memref<128xi32, #tpu.memory_space<vmem>>)
      %run_scoped3A_112 = arith.constant 0 : i32
      %run_scoped3A_113 = arith.constant 0 : i32
      "tpu.region"() ({
        %run_scoped3A_155 = tpu.sem_alloc : memref<!tpu.dma_semaphore, #tpu.memory_space<semaphore_mem>>
        %dma_start3A_156 = arith.constant 0 : i32
        %dma_start3A_157 = arith.constant 0 : i32
        %dma_start3A_158 = tpu.memref_slice %arg8[%run_scoped3A_112, %dma_start3A_156, %dma_start3A_157] : memref<2x128x128xf32, #tpu.memory_space<vmem>> -> memref<1x128x128xf32, #tpu.memory_space<vmem>>
        %dma_start3A_159 = tpu.memref_squeeze %dma_start3A_158 : memref<1x128x128xf32, #tpu.memory_space<vmem>> -> memref<128x128xf32, #tpu.memory_space<vmem>>
        %dma_start3A_160 = arith.constant 0 : i32
        %dma_start3A_161 = tpu.memref_slice %arg7[%run_scoped3A_113, %dma_start3A_160] : memref<2x128xi32, #tpu.memory_space<vmem>> -> memref<1x128xi32, #tpu.memory_space<vmem>>
        %dma_start3A_162 = tpu.memref_squeeze %dma_start3A_161 : memref<1x128xi32, #tpu.memory_space<vmem>> -> memref<128xi32, #tpu.memory_space<vmem>>
        %dma_start3A_163 = arith.constant 0 : i32
        %dma_start3A_164 = arith.constant 0 : i32
        %dma_start3A_165 = tpu.memref_slice %arg9[%dma_start3A_163, %dma_start3A_164] : memref<10112x128xf32, #tpu.memory_space<vmem_shared>> -> memref<10112x128xf32, #tpu.memory_space<vmem_shared>>
        tpu.enqueue_indirect_dma source(%dma_start3A_159 : memref<128x128xf32, #tpu.memory_space<vmem>>) target(%dma_start3A_165 : memref<10112x128xf32, #tpu.memory_space<vmem_shared>>) offsets(%dma_start3A_162 : memref<128xi32, #tpu.memory_space<vmem>>) semaphore(%run_scoped3A_155 : memref<!tpu.dma_semaphore, #tpu.memory_space<semaphore_mem>>) {add = true}
        %dma_wait3A_166 = arith.constant 0 : i32
        %dma_wait3A_167 = arith.constant 0 : i32
        %dma_wait3A_168 = tpu.memref_slice %arg8[%run_scoped3A_112, %dma_wait3A_166, %dma_wait3A_167] : memref<2x128x128xf32, #tpu.memory_space<vmem>> -> memref<1x128x128xf32, #tpu.memory_space<vmem>>
        %dma_wait3A_169 = tpu.memref_squeeze %dma_wait3A_168 : memref<1x128x128xf32, #tpu.memory_space<vmem>> -> memref<128x128xf32, #tpu.memory_space<vmem>>
        %dma_wait3A_170 = arith.constant 0 : i32
        %dma_wait3A_171 = tpu.memref_slice %arg7[%run_scoped3A_113, %dma_wait3A_170] : memref<2x128xi32, #tpu.memory_space<vmem>> -> memref<1x128xi32, #tpu.memory_space<vmem>>
        %dma_wait3A_172 = tpu.memref_squeeze %dma_wait3A_171 : memref<1x128xi32, #tpu.memory_space<vmem>> -> memref<128xi32, #tpu.memory_space<vmem>>
        %dma_wait3A_173 = arith.constant 0 : i32
        %dma_wait3A_174 = arith.constant 0 : i32
        %dma_wait3A_175 = tpu.memref_slice %arg9[%dma_wait3A_173, %dma_wait3A_174] : memref<10112x128xf32, #tpu.memory_space<vmem_shared>> -> memref<10112x128xf32, #tpu.memory_space<vmem_shared>>
        tpu.wait_indirect_dma semaphore(%run_scoped3A_155 : memref<!tpu.dma_semaphore, #tpu.memory_space<semaphore_mem>>) src(%dma_wait3A_169 : memref<128x128xf32, #tpu.memory_space<vmem>>) dst(%dma_wait3A_175 : memref<10112x128xf32, #tpu.memory_space<vmem_shared>>)
        tpu.yield
      }) : () -> ()
      %add3A_114 = arith.constant 2 : i32
      %add3A_115 = arith.addi %add3A_88, %add3A_114 : i32
      %lt3A = arith.constant 84 : i32
      %lt3A_116 = arith.cmpi slt, %add3A_115, %lt3A : i32
      %convert_element_type3A = arith.extui %lt3A_116 : i1 to i32
      %cond3A = arith.constant 0 : i32
      %cond3A_117 = arith.cmpi ne, %convert_element_type3A, %cond3A : i32
      scf.if %cond3A_117 {
        %dma_start3A_155 = arith.constant 0 : i32
        %dma_start3A_156 = arith.constant 0 : i32
        %dma_start3A_157 = arith.constant 0 : i32
        %dma_start3A_158 = tpu.memref_slice %arg8[%dma_start3A_155, %dma_start3A_156, %dma_start3A_157] : memref<2x128x128xf32, #tpu.memory_space<vmem>> -> memref<1x128x128xf32, #tpu.memory_space<vmem>>
        %dma_start3A_159 = tpu.memref_squeeze %dma_start3A_158 : memref<1x128x128xf32, #tpu.memory_space<vmem>> -> memref<128x128xf32, #tpu.memory_space<vmem>>
        %dma_start3A_160 = arith.constant 0 : i32
        %dma_start3A_161 = tpu.memref_slice %arg6[%add3A_115, %dma_start3A_160] : memref<84x128xi32, #tpu.memory_space<vmem>> -> memref<1x128xi32, #tpu.memory_space<vmem>>
        %dma_start3A_162 = tpu.memref_squeeze %dma_start3A_161 : memref<1x128xi32, #tpu.memory_space<vmem>> -> memref<128xi32, #tpu.memory_space<vmem>>
        %dma_start3A_163 = arith.constant 0 : i32
        %dma_start3A_164 = arith.constant 0 : i32
        %dma_start3A_165 = tpu.memref_slice %arg2[%dma_start3A_163, %dma_start3A_164] : memref<20000x128xf32, #tpu.memory_space<hbm>> -> memref<20000x128xf32, #tpu.memory_space<hbm>>
        tpu.enqueue_indirect_dma source(%dma_start3A_165 : memref<20000x128xf32, #tpu.memory_space<hbm>>) target(%dma_start3A_159 : memref<128x128xf32, #tpu.memory_space<vmem>>) offsets(%dma_start3A_162 : memref<128xi32, #tpu.memory_space<vmem>>) semaphore(%arg10 : memref<!tpu.dma_semaphore, #tpu.memory_space<semaphore_mem>>)
        %dma_start3A_166 = arith.constant 0 : i32
        %dma_start3A_167 = arith.constant 0 : i32
        %dma_start3A_168 = tpu.memref_slice %arg7[%dma_start3A_166, %dma_start3A_167] : memref<2x128xi32, #tpu.memory_space<vmem>> -> memref<1x128xi32, #tpu.memory_space<vmem>>
        %dma_start3A_169 = tpu.memref_squeeze %dma_start3A_168 : memref<1x128xi32, #tpu.memory_space<vmem>> -> memref<128xi32, #tpu.memory_space<vmem>>
        %dma_start3A_170 = arith.constant 0 : i32
        %dma_start3A_171 = tpu.memref_slice %arg4[%arg1, %add3A_115, %dma_start3A_170] : memref<16x84x128xi32, #tpu.memory_space<hbm>> -> memref<1x1x128xi32, #tpu.memory_space<hbm>>
        %dma_start3A_172 = tpu.memref_squeeze %dma_start3A_171 : memref<1x1x128xi32, #tpu.memory_space<hbm>> -> memref<128xi32, #tpu.memory_space<hbm>>
        %dma_start3A_173 = arith.constant 0 : i32
        %dma_start3A_174 = tpu.memref_slice %arg7[%dma_start3A_166, %dma_start3A_173] : memref<2x128xi32, #tpu.memory_space<vmem>> -> memref<1x128xi32, #tpu.memory_space<vmem>>
        %dma_start3A_175 = tpu.memref_squeeze %dma_start3A_174 : memref<1x128xi32, #tpu.memory_space<vmem>> -> memref<128xi32, #tpu.memory_space<vmem>>
        %dma_start3A_176 = arith.constant 0 : i32
        %dma_start3A_177 = tpu.memref_slice %arg4[%arg1, %add3A_115, %dma_start3A_176] : memref<16x84x128xi32, #tpu.memory_space<hbm>> -> memref<1x1x128xi32, #tpu.memory_space<hbm>>
        %dma_start3A_178 = tpu.memref_squeeze %dma_start3A_177 : memref<1x1x128xi32, #tpu.memory_space<hbm>> -> memref<128xi32, #tpu.memory_space<hbm>>
        tpu.enqueue_dma source(%dma_start3A_178 : memref<128xi32, #tpu.memory_space<hbm>>) target(%dma_start3A_175 : memref<128xi32, #tpu.memory_space<vmem>>) target_semaphore(%arg11 : memref<!tpu.dma_semaphore, #tpu.memory_space<semaphore_mem>>)
      } else {
      }
      %mul3A_118 = arith.constant 2 : i32
      %mul3A_119 = arith.muli %scan3A_84, %mul3A_118 : i32
      %add3A_120 = arith.constant 1 : i32
      %add3A_121 = arith.addi %mul3A_119, %add3A_120 : i32
      %dma_wait3A_122 = arith.constant 1 : i32
      %dma_wait3A_123 = arith.constant 0 : i32
      %dma_wait3A_124 = arith.constant 0 : i32
      %dma_wait3A_125 = tpu.memref_slice %arg8[%dma_wait3A_122, %dma_wait3A_123, %dma_wait3A_124] : memref<2x128x128xf32, #tpu.memory_space<vmem>> -> memref<1x128x128xf32, #tpu.memory_space<vmem>>
      %dma_wait3A_126 = tpu.memref_squeeze %dma_wait3A_125 : memref<1x128x128xf32, #tpu.memory_space<vmem>> -> memref<128x128xf32, #tpu.memory_space<vmem>>
      %dma_wait3A_127 = arith.constant 0 : i32
      %dma_wait3A_128 = tpu.memref_slice %arg6[%add3A_121, %dma_wait3A_127] : memref<84x128xi32, #tpu.memory_space<vmem>> -> memref<1x128xi32, #tpu.memory_space<vmem>>
      %dma_wait3A_129 = tpu.memref_squeeze %dma_wait3A_128 : memref<1x128xi32, #tpu.memory_space<vmem>> -> memref<128xi32, #tpu.memory_space<vmem>>
      %dma_wait3A_130 = arith.constant 0 : i32
      %dma_wait3A_131 = arith.constant 0 : i32
      %dma_wait3A_132 = tpu.memref_slice %arg2[%dma_wait3A_130, %dma_wait3A_131] : memref<20000x128xf32, #tpu.memory_space<hbm>> -> memref<20000x128xf32, #tpu.memory_space<hbm>>
      tpu.wait_indirect_dma semaphore(%arg10 : memref<!tpu.dma_semaphore, #tpu.memory_space<semaphore_mem>>) src(%dma_wait3A_132 : memref<20000x128xf32, #tpu.memory_space<hbm>>) dst(%dma_wait3A_126 : memref<128x128xf32, #tpu.memory_space<vmem>>)
      %dma_wait3A_133 = arith.constant 1 : i32
      %dma_wait3A_134 = arith.constant 0 : i32
      %dma_wait3A_135 = tpu.memref_slice %arg7[%dma_wait3A_133, %dma_wait3A_134] : memref<2x128xi32, #tpu.memory_space<vmem>> -> memref<1x128xi32, #tpu.memory_space<vmem>>
      %dma_wait3A_136 = tpu.memref_squeeze %dma_wait3A_135 : memref<1x128xi32, #tpu.memory_space<vmem>> -> memref<128xi32, #tpu.memory_space<vmem>>
      %dma_wait3A_137 = arith.constant 0 : i32
      %dma_wait3A_138 = tpu.memref_slice %arg4[%arg1, %add3A_121, %dma_wait3A_137] : memref<16x84x128xi32, #tpu.memory_space<hbm>> -> memref<1x1x128xi32, #tpu.memory_space<hbm>>
      %dma_wait3A_139 = tpu.memref_squeeze %dma_wait3A_138 : memref<1x1x128xi32, #tpu.memory_space<hbm>> -> memref<128xi32, #tpu.memory_space<hbm>>
      %dma_wait3A_140 = arith.constant 0 : i32
      %dma_wait3A_141 = tpu.memref_slice %arg7[%dma_wait3A_133, %dma_wait3A_140] : memref<2x128xi32, #tpu.memory_space<vmem>> -> memref<1x128xi32, #tpu.memory_space<vmem>>
      %dma_wait3A_142 = tpu.memref_squeeze %dma_wait3A_141 : memref<1x128xi32, #tpu.memory_space<vmem>> -> memref<128xi32, #tpu.memory_space<vmem>>
      %dma_wait3A_143 = arith.constant 0 : i32
      %dma_wait3A_144 = tpu.memref_slice %arg4[%arg1, %add3A_121, %dma_wait3A_143] : memref<16x84x128xi32, #tpu.memory_space<hbm>> -> memref<1x1x128xi32, #tpu.memory_space<hbm>>
      %dma_wait3A_145 = tpu.memref_squeeze %dma_wait3A_144 : memref<1x1x128xi32, #tpu.memory_space<hbm>> -> memref<128xi32, #tpu.memory_space<hbm>>
      tpu.wait_dma2 semaphore(%arg11 : memref<!tpu.dma_semaphore, #tpu.memory_space<semaphore_mem>>) src(%dma_wait3A_145 : memref<128xi32, #tpu.memory_space<hbm>>) dst(%dma_wait3A_142 : memref<128xi32, #tpu.memory_space<vmem>>)
      %run_scoped3A_146 = arith.constant 1 : i32
      %run_scoped3A_147 = arith.constant 1 : i32
      "tpu.region"() ({
        %run_scoped3A_155 = tpu.sem_alloc : memref<!tpu.dma_semaphore, #tpu.memory_space<semaphore_mem>>
        %dma_start3A_156 = arith.constant 0 : i32
        %dma_start3A_157 = arith.constant 0 : i32
        %dma_start3A_158 = tpu.memref_slice %arg8[%run_scoped3A_146, %dma_start3A_156, %dma_start3A_157] : memref<2x128x128xf32, #tpu.memory_space<vmem>> -> memref<1x128x128xf32, #tpu.memory_space<vmem>>
        %dma_start3A_159 = tpu.memref_squeeze %dma_start3A_158 : memref<1x128x128xf32, #tpu.memory_space<vmem>> -> memref<128x128xf32, #tpu.memory_space<vmem>>
        %dma_start3A_160 = arith.constant 0 : i32
        %dma_start3A_161 = tpu.memref_slice %arg7[%run_scoped3A_147, %dma_start3A_160] : memref<2x128xi32, #tpu.memory_space<vmem>> -> memref<1x128xi32, #tpu.memory_space<vmem>>
        %dma_start3A_162 = tpu.memref_squeeze %dma_start3A_161 : memref<1x128xi32, #tpu.memory_space<vmem>> -> memref<128xi32, #tpu.memory_space<vmem>>
        %dma_start3A_163 = arith.constant 0 : i32
        %dma_start3A_164 = arith.constant 0 : i32
        %dma_start3A_165 = tpu.memref_slice %arg9[%dma_start3A_163, %dma_start3A_164] : memref<10112x128xf32, #tpu.memory_space<vmem_shared>> -> memref<10112x128xf32, #tpu.memory_space<vmem_shared>>
        tpu.enqueue_indirect_dma source(%dma_start3A_159 : memref<128x128xf32, #tpu.memory_space<vmem>>) target(%dma_start3A_165 : memref<10112x128xf32, #tpu.memory_space<vmem_shared>>) offsets(%dma_start3A_162 : memref<128xi32, #tpu.memory_space<vmem>>) semaphore(%run_scoped3A_155 : memref<!tpu.dma_semaphore, #tpu.memory_space<semaphore_mem>>) {add = true}
        %dma_wait3A_166 = arith.constant 0 : i32
        %dma_wait3A_167 = arith.constant 0 : i32
        %dma_wait3A_168 = tpu.memref_slice %arg8[%run_scoped3A_146, %dma_wait3A_166, %dma_wait3A_167] : memref<2x128x128xf32, #tpu.memory_space<vmem>> -> memref<1x128x128xf32, #tpu.memory_space<vmem>>
        %dma_wait3A_169 = tpu.memref_squeeze %dma_wait3A_168 : memref<1x128x128xf32, #tpu.memory_space<vmem>> -> memref<128x128xf32, #tpu.memory_space<vmem>>
        %dma_wait3A_170 = arith.constant 0 : i32
        %dma_wait3A_171 = tpu.memref_slice %arg7[%run_scoped3A_147, %dma_wait3A_170] : memref<2x128xi32, #tpu.memory_space<vmem>> -> memref<1x128xi32, #tpu.memory_space<vmem>>
        %dma_wait3A_172 = tpu.memref_squeeze %dma_wait3A_171 : memref<1x128xi32, #tpu.memory_space<vmem>> -> memref<128xi32, #tpu.memory_space<vmem>>
        %dma_wait3A_173 = arith.constant 0 : i32
        %dma_wait3A_174 = arith.constant 0 : i32
        %dma_wait3A_175 = tpu.memref_slice %arg9[%dma_wait3A_173, %dma_wait3A_174] : memref<10112x128xf32, #tpu.memory_space<vmem_shared>> -> memref<10112x128xf32, #tpu.memory_space<vmem_shared>>
        tpu.wait_indirect_dma semaphore(%run_scoped3A_155 : memref<!tpu.dma_semaphore, #tpu.memory_space<semaphore_mem>>) src(%dma_wait3A_169 : memref<128x128xf32, #tpu.memory_space<vmem>>) dst(%dma_wait3A_175 : memref<10112x128xf32, #tpu.memory_space<vmem_shared>>)
        tpu.yield
      }) : () -> ()
      %add3A_148 = arith.constant 2 : i32
      %add3A_149 = arith.addi %add3A_121, %add3A_148 : i32
      %lt3A_150 = arith.constant 84 : i32
      %lt3A_151 = arith.cmpi slt, %add3A_149, %lt3A_150 : i32
      %convert_element_type3A_152 = arith.extui %lt3A_151 : i1 to i32
      %cond3A_153 = arith.constant 0 : i32
      %cond3A_154 = arith.cmpi ne, %convert_element_type3A_152, %cond3A_153 : i32
      scf.if %cond3A_154 {
        %dma_start3A_155 = arith.constant 1 : i32
        %dma_start3A_156 = arith.constant 0 : i32
        %dma_start3A_157 = arith.constant 0 : i32
        %dma_start3A_158 = tpu.memref_slice %arg8[%dma_start3A_155, %dma_start3A_156, %dma_start3A_157] : memref<2x128x128xf32, #tpu.memory_space<vmem>> -> memref<1x128x128xf32, #tpu.memory_space<vmem>>
        %dma_start3A_159 = tpu.memref_squeeze %dma_start3A_158 : memref<1x128x128xf32, #tpu.memory_space<vmem>> -> memref<128x128xf32, #tpu.memory_space<vmem>>
        %dma_start3A_160 = arith.constant 0 : i32
        %dma_start3A_161 = tpu.memref_slice %arg6[%add3A_149, %dma_start3A_160] : memref<84x128xi32, #tpu.memory_space<vmem>> -> memref<1x128xi32, #tpu.memory_space<vmem>>
        %dma_start3A_162 = tpu.memref_squeeze %dma_start3A_161 : memref<1x128xi32, #tpu.memory_space<vmem>> -> memref<128xi32, #tpu.memory_space<vmem>>
        %dma_start3A_163 = arith.constant 0 : i32
        %dma_start3A_164 = arith.constant 0 : i32
        %dma_start3A_165 = tpu.memref_slice %arg2[%dma_start3A_163, %dma_start3A_164] : memref<20000x128xf32, #tpu.memory_space<hbm>> -> memref<20000x128xf32, #tpu.memory_space<hbm>>
        tpu.enqueue_indirect_dma source(%dma_start3A_165 : memref<20000x128xf32, #tpu.memory_space<hbm>>) target(%dma_start3A_159 : memref<128x128xf32, #tpu.memory_space<vmem>>) offsets(%dma_start3A_162 : memref<128xi32, #tpu.memory_space<vmem>>) semaphore(%arg10 : memref<!tpu.dma_semaphore, #tpu.memory_space<semaphore_mem>>)
        %dma_start3A_166 = arith.constant 1 : i32
        %dma_start3A_167 = arith.constant 0 : i32
        %dma_start3A_168 = tpu.memref_slice %arg7[%dma_start3A_166, %dma_start3A_167] : memref<2x128xi32, #tpu.memory_space<vmem>> -> memref<1x128xi32, #tpu.memory_space<vmem>>
        %dma_start3A_169 = tpu.memref_squeeze %dma_start3A_168 : memref<1x128xi32, #tpu.memory_space<vmem>> -> memref<128xi32, #tpu.memory_space<vmem>>
        %dma_start3A_170 = arith.constant 0 : i32
        %dma_start3A_171 = tpu.memref_slice %arg4[%arg1, %add3A_149, %dma_start3A_170] : memref<16x84x128xi32, #tpu.memory_space<hbm>> -> memref<1x1x128xi32, #tpu.memory_space<hbm>>
        %dma_start3A_172 = tpu.memref_squeeze %dma_start3A_171 : memref<1x1x128xi32, #tpu.memory_space<hbm>> -> memref<128xi32, #tpu.memory_space<hbm>>
        %dma_start3A_173 = arith.constant 0 : i32
        %dma_start3A_174 = tpu.memref_slice %arg7[%dma_start3A_166, %dma_start3A_173] : memref<2x128xi32, #tpu.memory_space<vmem>> -> memref<1x128xi32, #tpu.memory_space<vmem>>
        %dma_start3A_175 = tpu.memref_squeeze %dma_start3A_174 : memref<1x128xi32, #tpu.memory_space<vmem>> -> memref<128xi32, #tpu.memory_space<vmem>>
        %dma_start3A_176 = arith.constant 0 : i32
        %dma_start3A_177 = tpu.memref_slice %arg4[%arg1, %add3A_149, %dma_start3A_176] : memref<16x84x128xi32, #tpu.memory_space<hbm>> -> memref<1x1x128xi32, #tpu.memory_space<hbm>>
        %dma_start3A_178 = tpu.memref_squeeze %dma_start3A_177 : memref<1x1x128xi32, #tpu.memory_space<hbm>> -> memref<128xi32, #tpu.memory_space<hbm>>
        tpu.enqueue_dma source(%dma_start3A_178 : memref<128xi32, #tpu.memory_space<hbm>>) target(%dma_start3A_175 : memref<128xi32, #tpu.memory_space<vmem>>) target_semaphore(%arg11 : memref<!tpu.dma_semaphore, #tpu.memory_space<semaphore_mem>>)
      } else {
      }
    }
    %scan3A_79 = arith.constant 42 : i32
    %barrier3A_80 = arith.constant 0 : index
    tpu.barrier barrier_id(%barrier3A_80)
    %mul3A_81 = arith.constant 10112 : i32
    %mul3A_82 = arith.muli %arg0, %mul3A_81 : i32
    %add3A_83 = arith.addi %mul3A_82, %mul3A_8 : i32
    "tpu.region"() ({
      %run_scoped3A_84 = tpu.sem_alloc : memref<!tpu.dma_semaphore, #tpu.memory_space<semaphore_mem>>
      %dma_start3A_85 = arith.constant 0 : i32
      %dma_start3A_86 = tpu.memref_slice %arg5[%add3A_83, %dma_start3A_85] : memref<20224x128xf32, #tpu.memory_space<hbm>> -> memref<632x128xf32, #tpu.memory_space<hbm>>
      %dma_start3A_87 = arith.constant 0 : i32
      %dma_start3A_88 = tpu.memref_slice %arg9[%mul3A_8, %dma_start3A_87] : memref<10112x128xf32, #tpu.memory_space<vmem_shared>> -> memref<632x128xf32, #tpu.memory_space<vmem_shared>>
      tpu.enqueue_dma source(%dma_start3A_88 : memref<632x128xf32, #tpu.memory_space<vmem_shared>>) target(%dma_start3A_86 : memref<632x128xf32, #tpu.memory_space<hbm>>) target_semaphore(%run_scoped3A_84 : memref<!tpu.dma_semaphore, #tpu.memory_space<semaphore_mem>>)
      %dma_wait3A = arith.constant 0 : i32
      %dma_wait3A_89 = tpu.memref_slice %arg5[%add3A_83, %dma_wait3A] : memref<20224x128xf32, #tpu.memory_space<hbm>> -> memref<632x128xf32, #tpu.memory_space<hbm>>
      %dma_wait3A_90 = arith.constant 0 : i32
      %dma_wait3A_91 = tpu.memref_slice %arg9[%mul3A_8, %dma_wait3A_90] : memref<10112x128xf32, #tpu.memory_space<vmem_shared>> -> memref<632x128xf32, #tpu.memory_space<vmem_shared>>
      tpu.wait_dma2 semaphore(%run_scoped3A_84 : memref<!tpu.dma_semaphore, #tpu.memory_space<semaphore_mem>>) src(%dma_wait3A_91 : memref<632x128xf32, #tpu.memory_space<vmem_shared>>) dst(%dma_wait3A_89 : memref<632x128xf32, #tpu.memory_space<hbm>>)
      tpu.yield
    }) : () -> ()
    return
  }
}

module attributes {stable_mosaic.version = 14 : i64} {
  func.func @_prep_body(%arg0: i32, %arg1: memref<2000x256xf32, #tpu.memory_space<vmem>>, %arg2: memref<256x256xf32, #tpu.memory_space<vmem>>, %arg3: memref<256x256xf32, #tpu.memory_space<vmem>>, %arg4: memref<2x2000x16xf32, #tpu.memory_space<vmem>>, %arg5: memref<2x2000x128xf32, #tpu.memory_space<vmem>>, %arg6: memref<2x2000x128xf32, #tpu.memory_space<vmem>>, %arg7: memref<2000x1xf32, #tpu.memory_space<vmem>>) attributes {dimension_semantics = [#tpu.dimension_semantics<arbitrary>], iteration_bounds = array<i64: 5>, scalar_prefetch = 0 : i64, scratch_operands = 0 : i64, tpu.core_type = #tpu.core_type<tc>, window_params = [{transform_indices = @transform_0, window_bounds = array<i64: 2000, 256>}, {pipeline_mode = #tpu.pipeline_mode<synchronous>, transform_indices = @transform_1, window_bounds = array<i64: 256, 256>}, {pipeline_mode = #tpu.pipeline_mode<synchronous>, transform_indices = @transform_2, window_bounds = array<i64: 256, 256>}, {transform_indices = @transform_3, window_bounds = array<i64: 2, 2000, 16>}, {transform_indices = @transform_4, window_bounds = array<i64: 2, 2000, 128>}, {transform_indices = @transform_5, window_bounds = array<i64: 2, 2000, 128>}, {transform_indices = @transform_6, window_bounds = array<i64: 2000, 1>}]} {
    %get3A = arith.constant 0 : index
    %get3A_0 = arith.constant 0 : index
    %get3A_1 = arith.constant 0 : index
    %get3A_2 = vector.load %arg4[%get3A, %get3A_0, %get3A_1] : memref<2x2000x16xf32, #tpu.memory_space<vmem>>, vector<1x2000x16xf32>
    %get3A_3 = vector.shape_cast %get3A_2 : vector<1x2000x16xf32> to vector<2000x16xf32>
    %get3A_4 = arith.constant 1 : index
    %get3A_5 = arith.constant 0 : index
    %get3A_6 = arith.constant 0 : index
    %get3A_7 = vector.load %arg4[%get3A_4, %get3A_5, %get3A_6] : memref<2x2000x16xf32, #tpu.memory_space<vmem>>, vector<1x2000x16xf32>
    %get3A_8 = vector.shape_cast %get3A_7 : vector<1x2000x16xf32> to vector<2000x16xf32>
    %add3A = arith.addf %get3A_3, %get3A_8 : vector<2000x16xf32>
    %slice3A = vector.extract_strided_slice %add3A {offsets = [0, 0], sizes = [2000, 1], strides = [1, 1]} : vector<2000x16xf32> to vector<2000x1xf32>
    %rsqrt3A = math.rsqrt %slice3A : vector<2000x1xf32>
    %get3A_9 = arith.constant 0 : index
    %get3A_10 = arith.constant 0 : index
    %get3A_11 = vector.load %arg1[%get3A_9, %get3A_10] : memref<2000x256xf32, #tpu.memory_space<vmem>>, vector<2000x256xf32>
    %get3A_12 = arith.constant 0 : index
    %get3A_13 = arith.constant 0 : index
    %get3A_14 = vector.load %arg2[%get3A_12, %get3A_13] : memref<256x256xf32, #tpu.memory_space<vmem>>, vector<256x256xf32>
    %dot_general3A = arith.constant dense<0.000000e+00> : vector<2000x256xf32>
    %dot_general3A_15 = tpu.matmul %get3A_11, %get3A_14, %dot_general3A {dimension_numbers = #tpu.dot_dimension_numbers<[1], [0], [0], [1], [0, 0, 1, 1], [], []>, transpose_lhs_hint = false} : vector<2000x256xf32>, vector<256x256xf32>, vector<2000x256xf32> -> vector<2000x256xf32>
    %get3A_16 = arith.constant 0 : index
    %get3A_17 = arith.constant 0 : index
    %get3A_18 = vector.load %arg3[%get3A_16, %get3A_17] : memref<256x256xf32, #tpu.memory_space<vmem>>, vector<256x256xf32>
    %dot_general3A_19 = arith.constant dense<0.000000e+00> : vector<2000x256xf32>
    %dot_general3A_20 = tpu.matmul %get3A_11, %get3A_18, %dot_general3A_19 {dimension_numbers = #tpu.dot_dimension_numbers<[1], [0], [0], [1], [0, 0, 1, 1], [], []>, transpose_lhs_hint = false} : vector<2000x256xf32>, vector<256x256xf32>, vector<2000x256xf32> -> vector<2000x256xf32>
    %mul3A = vector.broadcast %rsqrt3A : vector<2000x1xf32> to vector<2000x256xf32>
    %mul3A_21 = arith.mulf %dot_general3A_15, %mul3A : vector<2000x256xf32>
    %slice3A_22 = vector.extract_strided_slice %mul3A_21 {offsets = [0, 0], sizes = [2000, 128], strides = [1, 1]} : vector<2000x256xf32> to vector<2000x128xf32>
    %swap3A = arith.constant 0 : index
    %swap3A_23 = arith.constant 0 : index
    %swap3A_24 = arith.constant 0 : index
    %swap3A_25 = vector.load %arg5[%swap3A, %swap3A_23, %swap3A_24] : memref<2x2000x128xf32, #tpu.memory_space<vmem>>, vector<1x2000x128xf32>
    %swap3A_26 = vector.shape_cast %swap3A_25 : vector<1x2000x128xf32> to vector<2000x128xf32>
    %swap3A_27 = vector.shape_cast %slice3A_22 : vector<2000x128xf32> to vector<1x2000x128xf32>
    tpu.vector_store %arg5[%swap3A, %swap3A_23, %swap3A_24], %swap3A_27 {strides = array<i32>} : memref<2x2000x128xf32, #tpu.memory_space<vmem>>, vector<1x2000x128xf32>,
    %slice3A_28 = vector.extract_strided_slice %mul3A_21 {offsets = [0, 128], sizes = [2000, 128], strides = [1, 1]} : vector<2000x256xf32> to vector<2000x128xf32>
    %swap3A_29 = arith.constant 1 : index
    %swap3A_30 = arith.constant 0 : index
    %swap3A_31 = arith.constant 0 : index
    %swap3A_32 = vector.load %arg5[%swap3A_29, %swap3A_30, %swap3A_31] : memref<2x2000x128xf32, #tpu.memory_space<vmem>>, vector<1x2000x128xf32>
    %swap3A_33 = vector.shape_cast %swap3A_32 : vector<1x2000x128xf32> to vector<2000x128xf32>
    %swap3A_34 = vector.shape_cast %slice3A_28 : vector<2000x128xf32> to vector<1x2000x128xf32>
    tpu.vector_store %arg5[%swap3A_29, %swap3A_30, %swap3A_31], %swap3A_34 {strides = array<i32>} : memref<2x2000x128xf32, #tpu.memory_space<vmem>>, vector<1x2000x128xf32>,
    %slice3A_35 = vector.extract_strided_slice %dot_general3A_20 {offsets = [0, 0], sizes = [2000, 128], strides = [1, 1]} : vector<2000x256xf32> to vector<2000x128xf32>
    %swap3A_36 = arith.constant 0 : index
    %swap3A_37 = arith.constant 0 : index
    %swap3A_38 = arith.constant 0 : index
    %swap3A_39 = vector.load %arg6[%swap3A_36, %swap3A_37, %swap3A_38] : memref<2x2000x128xf32, #tpu.memory_space<vmem>>, vector<1x2000x128xf32>
    %swap3A_40 = vector.shape_cast %swap3A_39 : vector<1x2000x128xf32> to vector<2000x128xf32>
    %swap3A_41 = vector.shape_cast %slice3A_35 : vector<2000x128xf32> to vector<1x2000x128xf32>
    tpu.vector_store %arg6[%swap3A_36, %swap3A_37, %swap3A_38], %swap3A_41 {strides = array<i32>} : memref<2x2000x128xf32, #tpu.memory_space<vmem>>, vector<1x2000x128xf32>,
    %slice3A_42 = vector.extract_strided_slice %dot_general3A_20 {offsets = [0, 128], sizes = [2000, 128], strides = [1, 1]} : vector<2000x256xf32> to vector<2000x128xf32>
    %swap3A_43 = arith.constant 1 : index
    %swap3A_44 = arith.constant 0 : index
    %swap3A_45 = arith.constant 0 : index
    %swap3A_46 = vector.load %arg6[%swap3A_43, %swap3A_44, %swap3A_45] : memref<2x2000x128xf32, #tpu.memory_space<vmem>>, vector<1x2000x128xf32>
    %swap3A_47 = vector.shape_cast %swap3A_46 : vector<1x2000x128xf32> to vector<2000x128xf32>
    %swap3A_48 = vector.shape_cast %slice3A_42 : vector<2000x128xf32> to vector<1x2000x128xf32>
    tpu.vector_store %arg6[%swap3A_43, %swap3A_44, %swap3A_45], %swap3A_48 {strides = array<i32>} : memref<2x2000x128xf32, #tpu.memory_space<vmem>>, vector<1x2000x128xf32>,
    %swap3A_49 = arith.constant 0 : index
    %swap3A_50 = arith.constant 0 : index
    %swap3A_51 = vector.load %arg7[%swap3A_49, %swap3A_50] : memref<2000x1xf32, #tpu.memory_space<vmem>>, vector<2000x1xf32>
    tpu.vector_store %arg7[%swap3A_49, %swap3A_50], %rsqrt3A {strides = array<i32>} : memref<2000x1xf32, #tpu.memory_space<vmem>>, vector<2000x1xf32>,
    return
  }
  func.func @transform_0(%arg0: i32) -> (i32, i32) {
    %c0_i32 = arith.constant 0 : i32
    %c0_i32_0 = arith.constant 0 : i32
    return %arg0, %c0_i32 : i32, i32
  }
  func.func @transform_1(%arg0: i32) -> (i32, i32) {
    %c0_i32 = arith.constant 0 : i32
    %c0_i32_0 = arith.constant 0 : i32
    %c0_i32_1 = arith.constant 0 : i32
    return %c0_i32, %c0_i32_0 : i32, i32
  }
  func.func @transform_2(%arg0: i32) -> (i32, i32) {
    %c0_i32 = arith.constant 0 : i32
    %c0_i32_0 = arith.constant 0 : i32
    %c0_i32_1 = arith.constant 0 : i32
    return %c0_i32, %c0_i32_0 : i32, i32
  }
  func.func @transform_3(%arg0: i32) -> (i32, i32, i32) {
    %c0_i32 = arith.constant 0 : i32
    %c0_i32_0 = arith.constant 0 : i32
    %c0_i32_1 = arith.constant 0 : i32
    return %c0_i32, %arg0, %c0_i32_0 : i32, i32, i32
  }
  func.func @transform_4(%arg0: i32) -> (i32, i32, i32) {
    %c0_i32 = arith.constant 0 : i32
    %c0_i32_0 = arith.constant 0 : i32
    %c0_i32_1 = arith.constant 0 : i32
    return %c0_i32, %arg0, %c0_i32_0 : i32, i32, i32
  }
  func.func @transform_5(%arg0: i32) -> (i32, i32, i32) {
    %c0_i32 = arith.constant 0 : i32
    %c0_i32_0 = arith.constant 0 : i32
    %c0_i32_1 = arith.constant 0 : i32
    return %c0_i32, %arg0, %c0_i32_0 : i32, i32, i32
  }
  func.func @transform_6(%arg0: i32) -> (i32, i32) {
    %c0_i32 = arith.constant 0 : i32
    %c0_i32_0 = arith.constant 0 : i32
    return %arg0, %c0_i32 : i32, i32
  }
}

module attributes {stable_mosaic.version = 14 : i64} {
  func.func @_final_body(%arg0: i32, %arg1: i32, %arg2: memref<2x2000x128xf32, #tpu.memory_space<vmem>>, %arg3: memref<2000x1xf32, #tpu.memory_space<vmem>>, %arg4: memref<2x1x128xf32, #tpu.memory_space<vmem>>, %arg5: memref<2x1x128xf32, #tpu.memory_space<vmem>>, %arg6: memref<2x1x128xf32, #tpu.memory_space<vmem>>, %arg7: memref<2x1x128xf32, #tpu.memory_space<vmem>>, %arg8: memref<2x2000x128xf32, #tpu.memory_space<vmem>>, %arg9: memref<256x256xf32, #tpu.memory_space<vmem>>, %arg10: memref<1x256xf32, #tpu.memory_space<vmem>>, %arg11: memref<256x128xf32, #tpu.memory_space<vmem>>, %arg12: memref<1x128xf32, #tpu.memory_space<vmem>>, %arg13: memref<2000x128xf32, #tpu.memory_space<vmem>>, %arg14: memref<2x1x128xf32, #tpu.memory_space<vmem>>, %arg15: memref<2x1x128xf32, #tpu.memory_space<vmem>>) attributes {dimension_semantics = [#tpu.dimension_semantics<arbitrary>, #tpu.dimension_semantics<arbitrary>], iteration_bounds = array<i64: 2, 5>, scalar_prefetch = 0 : i64, scratch_operands = 2 : i64, tpu.core_type = #tpu.core_type<tc>, window_params = [{transform_indices = @transform_0, window_bounds = array<i64: 2, 2000, 128>}, {transform_indices = @transform_1, window_bounds = array<i64: 2000, 1>}, {pipeline_mode = #tpu.pipeline_mode<synchronous>, transform_indices = @transform_2, window_bounds = array<i64: 2, 1, 128>}, {pipeline_mode = #tpu.pipeline_mode<synchronous>, transform_indices = @transform_3, window_bounds = array<i64: 2, 1, 128>}, {pipeline_mode = #tpu.pipeline_mode<synchronous>, transform_indices = @transform_4, window_bounds = array<i64: 2, 1, 128>}, {pipeline_mode = #tpu.pipeline_mode<synchronous>, transform_indices = @transform_5, window_bounds = array<i64: 2, 1, 128>}, {transform_indices = @transform_6, window_bounds = array<i64: 2, 2000, 128>}, {pipeline_mode = #tpu.pipeline_mode<synchronous>, transform_indices = @transform_7, window_bounds = array<i64: 256, 256>}, {pipeline_mode = #tpu.pipeline_mode<synchronous>, transform_indices = @transform_8, window_bounds = array<i64: 1, 256>}, {pipeline_mode = #tpu.pipeline_mode<synchronous>, transform_indices = @transform_9, window_bounds = array<i64: 256, 128>}, {pipeline_mode = #tpu.pipeline_mode<synchronous>, transform_indices = @transform_10, window_bounds = array<i64: 1, 128>}, {transform_indices = @transform_11, window_bounds = array<i64: 2000, 128>}]} {
    %get3A = arith.constant 0 : index
    %get3A_0 = arith.constant 0 : index
    %get3A_1 = vector.load %arg3[%get3A, %get3A_0] : memref<2000x1xf32, #tpu.memory_space<vmem>>, vector<2000x1xf32>
    %get3A_2 = arith.constant 0 : index
    %get3A_3 = arith.constant 0 : index
    %get3A_4 = arith.constant 0 : index
    %get3A_5 = vector.load %arg2[%get3A_2, %get3A_3, %get3A_4] : memref<2x2000x128xf32, #tpu.memory_space<vmem>>, vector<1x2000x128xf32>
    %get3A_6 = vector.shape_cast %get3A_5 : vector<1x2000x128xf32> to vector<2000x128xf32>
    %mul3A = vector.broadcast %get3A_1 : vector<2000x1xf32> to vector<2000x128xf32>
    %mul3A_7 = arith.mulf %get3A_6, %mul3A : vector<2000x128xf32>
    %get3A_8 = arith.constant 0 : index
    %get3A_9 = arith.constant 0 : index
    %get3A_10 = arith.constant 0 : index
    %get3A_11 = vector.load %arg4[%get3A_8, %get3A_9, %get3A_10] : memref<2x1x128xf32, #tpu.memory_space<vmem>>, vector<1x1x128xf32>
    %get3A_12 = vector.shape_cast %get3A_11 : vector<1x1x128xf32> to vector<1x128xf32>
    %add3A = vector.broadcast %get3A_12 : vector<1x128xf32> to vector<2000x128xf32>
    %add3A_13 = arith.addf %mul3A_7, %add3A : vector<2000x128xf32>
    %get3A_14 = arith.constant 1 : index
    %get3A_15 = arith.constant 0 : index
    %get3A_16 = arith.constant 0 : index
    %get3A_17 = vector.load %arg2[%get3A_14, %get3A_15, %get3A_16] : memref<2x2000x128xf32, #tpu.memory_space<vmem>>, vector<1x2000x128xf32>
    %get3A_18 = vector.shape_cast %get3A_17 : vector<1x2000x128xf32> to vector<2000x128xf32>
    %mul3A_19 = vector.broadcast %get3A_1 : vector<2000x1xf32> to vector<2000x128xf32>
    %mul3A_20 = arith.mulf %get3A_18, %mul3A_19 : vector<2000x128xf32>
    %get3A_21 = arith.constant 1 : index
    %get3A_22 = arith.constant 0 : index
    %get3A_23 = arith.constant 0 : index
    %get3A_24 = vector.load %arg4[%get3A_21, %get3A_22, %get3A_23] : memref<2x1x128xf32, #tpu.memory_space<vmem>>, vector<1x1x128xf32>
    %get3A_25 = vector.shape_cast %get3A_24 : vector<1x1x128xf32> to vector<1x128xf32>
    %add3A_26 = vector.broadcast %get3A_25 : vector<1x128xf32> to vector<2000x128xf32>
    %add3A_27 = arith.addf %mul3A_20, %add3A_26 : vector<2000x128xf32>
    %eq3A = arith.constant 0 : i32
    %eq3A_28 = arith.cmpi eq, %arg0, %eq3A : i32
    %convert_element_type3A = arith.extui %eq3A_28 : i1 to i32
    %cond3A = arith.constant 0 : i32
    %cond3A_29 = arith.cmpi ne, %convert_element_type3A, %cond3A : i32
    scf.if %cond3A_29 {
      %reduce_sum3A = arith.constant dense<0.000000e+00> : vector<128xf32>
      %reduce_sum3A_35 = vector.multi_reduction <add>, %add3A_13, %reduce_sum3A [0] : vector<2000x128xf32> to vector<128xf32>
      %broadcast_in_dim3A = vector.shape_cast %reduce_sum3A_35 : vector<128xf32> to vector<1x128xf32>
      %reduce_sum3A_36 = arith.constant dense<0.000000e+00> : vector<128xf32>
      %reduce_sum3A_37 = vector.multi_reduction <add>, %add3A_27, %reduce_sum3A_36 [0] : vector<2000x128xf32> to vector<128xf32>
      %broadcast_in_dim3A_38 = vector.shape_cast %reduce_sum3A_37 : vector<128xf32> to vector<1x128xf32>
      %mul3A_39 = arith.mulf %add3A_13, %add3A_13 : vector<2000x128xf32>
      %reduce_sum3A_40 = arith.constant dense<0.000000e+00> : vector<128xf32>
      %reduce_sum3A_41 = vector.multi_reduction <add>, %mul3A_39, %reduce_sum3A_40 [0] : vector<2000x128xf32> to vector<128xf32>
      %broadcast_in_dim3A_42 = vector.shape_cast %reduce_sum3A_41 : vector<128xf32> to vector<1x128xf32>
      %mul3A_43 = arith.mulf %add3A_27, %add3A_27 : vector<2000x128xf32>
      %reduce_sum3A_44 = arith.constant dense<0.000000e+00> : vector<128xf32>
      %reduce_sum3A_45 = vector.multi_reduction <add>, %mul3A_43, %reduce_sum3A_44 [0] : vector<2000x128xf32> to vector<128xf32>
      %broadcast_in_dim3A_46 = vector.shape_cast %reduce_sum3A_45 : vector<128xf32> to vector<1x128xf32>
      %eq3A_47 = arith.constant 0 : i32
      %eq3A_48 = arith.cmpi eq, %arg1, %eq3A_47 : i32
      %convert_element_type3A_49 = arith.extui %eq3A_48 : i1 to i32
      %cond3A_50 = arith.constant 0 : i32
      %cond3A_51 = arith.cmpi ne, %convert_element_type3A_49, %cond3A_50 : i32
      scf.if %cond3A_51 {
        %swap3A = arith.constant 0 : index
        %swap3A_56 = arith.constant 0 : index
        %swap3A_57 = arith.constant 0 : index
        %swap3A_58 = vector.load %arg14[%swap3A, %swap3A_56, %swap3A_57] : memref<2x1x128xf32, #tpu.memory_space<vmem>>, vector<1x1x128xf32>
        %swap3A_59 = vector.shape_cast %swap3A_58 : vector<1x1x128xf32> to vector<1x128xf32>
        %swap3A_60 = vector.shape_cast %broadcast_in_dim3A : vector<1x128xf32> to vector<1x1x128xf32>
        tpu.vector_store %arg14[%swap3A, %swap3A_56, %swap3A_57], %swap3A_60 {strides = array<i32>} : memref<2x1x128xf32, #tpu.memory_space<vmem>>, vector<1x1x128xf32>,
        %swap3A_61 = arith.constant 0 : index
        %swap3A_62 = arith.constant 0 : index
        %swap3A_63 = arith.constant 0 : index
        %swap3A_64 = vector.load %arg15[%swap3A_61, %swap3A_62, %swap3A_63] : memref<2x1x128xf32, #tpu.memory_space<vmem>>, vector<1x1x128xf32>
        %swap3A_65 = vector.shape_cast %swap3A_64 : vector<1x1x128xf32> to vector<1x128xf32>
        %swap3A_66 = vector.shape_cast %broadcast_in_dim3A_42 : vector<1x128xf32> to vector<1x1x128xf32>
        tpu.vector_store %arg15[%swap3A_61, %swap3A_62, %swap3A_63], %swap3A_66 {strides = array<i32>} : memref<2x1x128xf32, #tpu.memory_space<vmem>>, vector<1x1x128xf32>,
        %swap3A_67 = arith.constant 1 : index
        %swap3A_68 = arith.constant 0 : index
        %swap3A_69 = arith.constant 0 : index
        %swap3A_70 = vector.load %arg14[%swap3A_67, %swap3A_68, %swap3A_69] : memref<2x1x128xf32, #tpu.memory_space<vmem>>, vector<1x1x128xf32>
        %swap3A_71 = vector.shape_cast %swap3A_70 : vector<1x1x128xf32> to vector<1x128xf32>
        %swap3A_72 = vector.shape_cast %broadcast_in_dim3A_38 : vector<1x128xf32> to vector<1x1x128xf32>
        tpu.vector_store %arg14[%swap3A_67, %swap3A_68, %swap3A_69], %swap3A_72 {strides = array<i32>} : memref<2x1x128xf32, #tpu.memory_space<vmem>>, vector<1x1x128xf32>,
        %swap3A_73 = arith.constant 1 : index
        %swap3A_74 = arith.constant 0 : index
        %swap3A_75 = arith.constant 0 : index
        %swap3A_76 = vector.load %arg15[%swap3A_73, %swap3A_74, %swap3A_75] : memref<2x1x128xf32, #tpu.memory_space<vmem>>, vector<1x1x128xf32>
        %swap3A_77 = vector.shape_cast %swap3A_76 : vector<1x1x128xf32> to vector<1x128xf32>
        %swap3A_78 = vector.shape_cast %broadcast_in_dim3A_46 : vector<1x128xf32> to vector<1x1x128xf32>
        tpu.vector_store %arg15[%swap3A_73, %swap3A_74, %swap3A_75], %swap3A_78 {strides = array<i32>} : memref<2x1x128xf32, #tpu.memory_space<vmem>>, vector<1x1x128xf32>,
      } else {
      }
      %gt3A = arith.constant 0 : i32
      %gt3A_52 = arith.cmpi sgt, %arg1, %gt3A : i32
      %convert_element_type3A_53 = arith.extui %gt3A_52 : i1 to i32
      %cond3A_54 = arith.constant 0 : i32
      %cond3A_55 = arith.cmpi ne, %convert_element_type3A_53, %cond3A_54 : i32
      scf.if %cond3A_55 {
        %get3A_56 = arith.constant 0 : index
        %get3A_57 = arith.constant 0 : index
        %get3A_58 = arith.constant 0 : index
        %get3A_59 = vector.load %arg14[%get3A_56, %get3A_57, %get3A_58] : memref<2x1x128xf32, #tpu.memory_space<vmem>>, vector<1x1x128xf32>
        %get3A_60 = vector.shape_cast %get3A_59 : vector<1x1x128xf32> to vector<1x128xf32>
        %add3A_61 = arith.addf %get3A_60, %broadcast_in_dim3A : vector<1x128xf32>
        %swap3A = arith.constant 0 : index
        %swap3A_62 = arith.constant 0 : index
        %swap3A_63 = arith.constant 0 : index
        %swap3A_64 = vector.load %arg14[%swap3A, %swap3A_62, %swap3A_63] : memref<2x1x128xf32, #tpu.memory_space<vmem>>, vector<1x1x128xf32>
        %swap3A_65 = vector.shape_cast %swap3A_64 : vector<1x1x128xf32> to vector<1x128xf32>
        %swap3A_66 = vector.shape_cast %add3A_61 : vector<1x128xf32> to vector<1x1x128xf32>
        tpu.vector_store %arg14[%swap3A, %swap3A_62, %swap3A_63], %swap3A_66 {strides = array<i32>} : memref<2x1x128xf32, #tpu.memory_space<vmem>>, vector<1x1x128xf32>,
        %get3A_67 = arith.constant 0 : index
        %get3A_68 = arith.constant 0 : index
        %get3A_69 = arith.constant 0 : index
        %get3A_70 = vector.load %arg15[%get3A_67, %get3A_68, %get3A_69] : memref<2x1x128xf32, #tpu.memory_space<vmem>>, vector<1x1x128xf32>
        %get3A_71 = vector.shape_cast %get3A_70 : vector<1x1x128xf32> to vector<1x128xf32>
        %add3A_72 = arith.addf %get3A_71, %broadcast_in_dim3A_42 : vector<1x128xf32>
        %swap3A_73 = arith.constant 0 : index
        %swap3A_74 = arith.constant 0 : index
        %swap3A_75 = arith.constant 0 : index
        %swap3A_76 = vector.load %arg15[%swap3A_73, %swap3A_74, %swap3A_75] : memref<2x1x128xf32, #tpu.memory_space<vmem>>, vector<1x1x128xf32>
        %swap3A_77 = vector.shape_cast %swap3A_76 : vector<1x1x128xf32> to vector<1x128xf32>
        %swap3A_78 = vector.shape_cast %add3A_72 : vector<1x128xf32> to vector<1x1x128xf32>
        tpu.vector_store %arg15[%swap3A_73, %swap3A_74, %swap3A_75], %swap3A_78 {strides = array<i32>} : memref<2x1x128xf32, #tpu.memory_space<vmem>>, vector<1x1x128xf32>,
        %get3A_79 = arith.constant 1 : index
        %get3A_80 = arith.constant 0 : index
        %get3A_81 = arith.constant 0 : index
        %get3A_82 = vector.load %arg14[%get3A_79, %get3A_80, %get3A_81] : memref<2x1x128xf32, #tpu.memory_space<vmem>>, vector<1x1x128xf32>
        %get3A_83 = vector.shape_cast %get3A_82 : vector<1x1x128xf32> to vector<1x128xf32>
        %add3A_84 = arith.addf %get3A_83, %broadcast_in_dim3A_38 : vector<1x128xf32>
        %swap3A_85 = arith.constant 1 : index
        %swap3A_86 = arith.constant 0 : index
        %swap3A_87 = arith.constant 0 : index
        %swap3A_88 = vector.load %arg14[%swap3A_85, %swap3A_86, %swap3A_87] : memref<2x1x128xf32, #tpu.memory_space<vmem>>, vector<1x1x128xf32>
        %swap3A_89 = vector.shape_cast %swap3A_88 : vector<1x1x128xf32> to vector<1x128xf32>
        %swap3A_90 = vector.shape_cast %add3A_84 : vector<1x128xf32> to vector<1x1x128xf32>
        tpu.vector_store %arg14[%swap3A_85, %swap3A_86, %swap3A_87], %swap3A_90 {strides = array<i32>} : memref<2x1x128xf32, #tpu.memory_space<vmem>>, vector<1x1x128xf32>,
        %get3A_91 = arith.constant 1 : index
        %get3A_92 = arith.constant 0 : index
        %get3A_93 = arith.constant 0 : index
        %get3A_94 = vector.load %arg15[%get3A_91, %get3A_92, %get3A_93] : memref<2x1x128xf32, #tpu.memory_space<vmem>>, vector<1x1x128xf32>
        %get3A_95 = vector.shape_cast %get3A_94 : vector<1x1x128xf32> to vector<1x128xf32>
        %add3A_96 = arith.addf %get3A_95, %broadcast_in_dim3A_46 : vector<1x128xf32>
        %swap3A_97 = arith.constant 1 : index
        %swap3A_98 = arith.constant 0 : index
        %swap3A_99 = arith.constant 0 : index
        %swap3A_100 = vector.load %arg15[%swap3A_97, %swap3A_98, %swap3A_99] : memref<2x1x128xf32, #tpu.memory_space<vmem>>, vector<1x1x128xf32>
        %swap3A_101 = vector.shape_cast %swap3A_100 : vector<1x1x128xf32> to vector<1x128xf32>
        %swap3A_102 = vector.shape_cast %add3A_96 : vector<1x128xf32> to vector<1x1x128xf32>
        tpu.vector_store %arg15[%swap3A_97, %swap3A_98, %swap3A_99], %swap3A_102 {strides = array<i32>} : memref<2x1x128xf32, #tpu.memory_space<vmem>>, vector<1x1x128xf32>,
      } else {
      }
    } else {
    }
    %eq3A_30 = arith.constant 1 : i32
    %eq3A_31 = arith.cmpi eq, %arg0, %eq3A_30 : i32
    %convert_element_type3A_32 = arith.extui %eq3A_31 : i1 to i32
    %cond3A_33 = arith.constant 0 : i32
    %cond3A_34 = arith.cmpi ne, %convert_element_type3A_32, %cond3A_33 : i32
    scf.if %cond3A_34 {
      %get3A_35 = arith.constant 0 : index
      %get3A_36 = arith.constant 0 : index
      %get3A_37 = arith.constant 0 : index
      %get3A_38 = vector.load %arg14[%get3A_35, %get3A_36, %get3A_37] : memref<2x1x128xf32, #tpu.memory_space<vmem>>, vector<1x1x128xf32>
      %get3A_39 = vector.shape_cast %get3A_38 : vector<1x1x128xf32> to vector<1x128xf32>
      %mul3A_40 = arith.constant 9.99999974E-5 : f32
      %mul3A_41 = vector.broadcast %mul3A_40 : f32 to vector<1x128xf32>
      %mul3A_42 = arith.mulf %get3A_39, %mul3A_41 : vector<1x128xf32>
      %get3A_43 = arith.constant 0 : index
      %get3A_44 = arith.constant 0 : index
      %get3A_45 = arith.constant 0 : index
      %get3A_46 = vector.load %arg15[%get3A_43, %get3A_44, %get3A_45] : memref<2x1x128xf32, #tpu.memory_space<vmem>>, vector<1x1x128xf32>
      %get3A_47 = vector.shape_cast %get3A_46 : vector<1x1x128xf32> to vector<1x128xf32>
      %mul3A_48 = arith.constant 9.99999974E-5 : f32
      %mul3A_49 = vector.broadcast %mul3A_48 : f32 to vector<1x128xf32>
      %mul3A_50 = arith.mulf %get3A_47, %mul3A_49 : vector<1x128xf32>
      %get3A_51 = arith.constant 0 : index
      %get3A_52 = arith.constant 0 : index
      %get3A_53 = arith.constant 0 : index
      %get3A_54 = vector.load %arg7[%get3A_51, %get3A_52, %get3A_53] : memref<2x1x128xf32, #tpu.memory_space<vmem>>, vector<1x1x128xf32>
      %get3A_55 = vector.shape_cast %get3A_54 : vector<1x1x128xf32> to vector<1x128xf32>
      %mul3A_56 = arith.mulf %mul3A_42, %get3A_55 : vector<1x128xf32>
      %mul3A_57 = arith.constant 2.000000e+00 : f32
      %mul3A_58 = vector.broadcast %mul3A_57 : f32 to vector<1x128xf32>
      %mul3A_59 = arith.mulf %mul3A_58, %mul3A_56 : vector<1x128xf32>
      %mul3A_60 = arith.mulf %mul3A_59, %mul3A_42 : vector<1x128xf32>
      %sub3A = arith.subf %mul3A_50, %mul3A_60 : vector<1x128xf32>
      %mul3A_61 = arith.mulf %mul3A_56, %mul3A_56 : vector<1x128xf32>
      %add3A_62 = arith.addf %sub3A, %mul3A_61 : vector<1x128xf32>
      %get3A_63 = arith.constant 0 : index
      %get3A_64 = arith.constant 0 : index
      %get3A_65 = arith.constant 0 : index
      %get3A_66 = vector.load %arg5[%get3A_63, %get3A_64, %get3A_65] : memref<2x1x128xf32, #tpu.memory_space<vmem>>, vector<1x1x128xf32>
      %get3A_67 = vector.shape_cast %get3A_66 : vector<1x1x128xf32> to vector<1x128xf32>
      %add3A_68 = arith.constant 9.99999974E-6 : f32
      %add3A_69 = vector.broadcast %add3A_68 : f32 to vector<1x128xf32>
      %add3A_70 = arith.addf %add3A_62, %add3A_69 : vector<1x128xf32>
      %rsqrt3A = math.rsqrt %add3A_70 : vector<1x128xf32>
      %mul3A_71 = arith.mulf %get3A_67, %rsqrt3A : vector<1x128xf32>
      %sub3A_72 = vector.broadcast %mul3A_56 : vector<1x128xf32> to vector<2000x128xf32>
      %sub3A_73 = arith.subf %add3A_13, %sub3A_72 : vector<2000x128xf32>
      %mul3A_74 = vector.broadcast %mul3A_71 : vector<1x128xf32> to vector<2000x128xf32>
      %mul3A_75 = arith.mulf %sub3A_73, %mul3A_74 : vector<2000x128xf32>
      %get3A_76 = arith.constant 0 : index
      %get3A_77 = arith.constant 0 : index
      %get3A_78 = arith.constant 0 : index
      %get3A_79 = vector.load %arg6[%get3A_76, %get3A_77, %get3A_78] : memref<2x1x128xf32, #tpu.memory_space<vmem>>, vector<1x1x128xf32>
      %get3A_80 = vector.shape_cast %get3A_79 : vector<1x1x128xf32> to vector<1x128xf32>
      %add3A_81 = vector.broadcast %get3A_80 : vector<1x128xf32> to vector<2000x128xf32>
      %add3A_82 = arith.addf %mul3A_75, %add3A_81 : vector<2000x128xf32>
      %max3A = arith.constant 0.000000e+00 : f32
      %max3A_83 = vector.broadcast %max3A : f32 to vector<2000x128xf32>
      %max3A_84 = arith.maximumf %add3A_82, %max3A_83 : vector<2000x128xf32>
      %get3A_85 = arith.constant 0 : index
      %get3A_86 = arith.constant 0 : index
      %get3A_87 = arith.constant 0 : index
      %get3A_88 = vector.load %arg8[%get3A_85, %get3A_86, %get3A_87] : memref<2x2000x128xf32, #tpu.memory_space<vmem>>, vector<1x2000x128xf32>
      %get3A_89 = vector.shape_cast %get3A_88 : vector<1x2000x128xf32> to vector<2000x128xf32>
      %add3A_90 = arith.addf %max3A_84, %get3A_89 : vector<2000x128xf32>
      %get3A_91 = arith.constant 1 : index
      %get3A_92 = arith.constant 0 : index
      %get3A_93 = arith.constant 0 : index
      %get3A_94 = vector.load %arg14[%get3A_91, %get3A_92, %get3A_93] : memref<2x1x128xf32, #tpu.memory_space<vmem>>, vector<1x1x128xf32>
      %get3A_95 = vector.shape_cast %get3A_94 : vector<1x1x128xf32> to vector<1x128xf32>
      %mul3A_96 = arith.constant 9.99999974E-5 : f32
      %mul3A_97 = vector.broadcast %mul3A_96 : f32 to vector<1x128xf32>
      %mul3A_98 = arith.mulf %get3A_95, %mul3A_97 : vector<1x128xf32>
      %get3A_99 = arith.constant 1 : index
      %get3A_100 = arith.constant 0 : index
      %get3A_101 = arith.constant 0 : index
      %get3A_102 = vector.load %arg15[%get3A_99, %get3A_100, %get3A_101] : memref<2x1x128xf32, #tpu.memory_space<vmem>>, vector<1x1x128xf32>
      %get3A_103 = vector.shape_cast %get3A_102 : vector<1x1x128xf32> to vector<1x128xf32>
      %mul3A_104 = arith.constant 9.99999974E-5 : f32
      %mul3A_105 = vector.broadcast %mul3A_104 : f32 to vector<1x128xf32>
      %mul3A_106 = arith.mulf %get3A_103, %mul3A_105 : vector<1x128xf32>
      %get3A_107 = arith.constant 1 : index
      %get3A_108 = arith.constant 0 : index
      %get3A_109 = arith.constant 0 : index
      %get3A_110 = vector.load %arg7[%get3A_107, %get3A_108, %get3A_109] : memref<2x1x128xf32, #tpu.memory_space<vmem>>, vector<1x1x128xf32>
      %get3A_111 = vector.shape_cast %get3A_110 : vector<1x1x128xf32> to vector<1x128xf32>
      %mul3A_112 = arith.mulf %mul3A_98, %get3A_111 : vector<1x128xf32>
      %mul3A_113 = arith.constant 2.000000e+00 : f32
      %mul3A_114 = vector.broadcast %mul3A_113 : f32 to vector<1x128xf32>
      %mul3A_115 = arith.mulf %mul3A_114, %mul3A_112 : vector<1x128xf32>
      %mul3A_116 = arith.mulf %mul3A_115, %mul3A_98 : vector<1x128xf32>
      %sub3A_117 = arith.subf %mul3A_106, %mul3A_116 : vector<1x128xf32>
      %mul3A_118 = arith.mulf %mul3A_112, %mul3A_112 : vector<1x128xf32>
      %add3A_119 = arith.addf %sub3A_117, %mul3A_118 : vector<1x128xf32>
      %get3A_120 = arith.constant 1 : index
      %get3A_121 = arith.constant 0 : index
      %get3A_122 = arith.constant 0 : index
      %get3A_123 = vector.load %arg5[%get3A_120, %get3A_121, %get3A_122] : memref<2x1x128xf32, #tpu.memory_space<vmem>>, vector<1x1x128xf32>
      %get3A_124 = vector.shape_cast %get3A_123 : vector<1x1x128xf32> to vector<1x128xf32>
      %add3A_125 = arith.constant 9.99999974E-6 : f32
      %add3A_126 = vector.broadcast %add3A_125 : f32 to vector<1x128xf32>
      %add3A_127 = arith.addf %add3A_119, %add3A_126 : vector<1x128xf32>
      %rsqrt3A_128 = math.rsqrt %add3A_127 : vector<1x128xf32>
      %mul3A_129 = arith.mulf %get3A_124, %rsqrt3A_128 : vector<1x128xf32>
      %sub3A_130 = vector.broadcast %mul3A_112 : vector<1x128xf32> to vector<2000x128xf32>
      %sub3A_131 = arith.subf %add3A_27, %sub3A_130 : vector<2000x128xf32>
      %mul3A_132 = vector.broadcast %mul3A_129 : vector<1x128xf32> to vector<2000x128xf32>
      %mul3A_133 = arith.mulf %sub3A_131, %mul3A_132 : vector<2000x128xf32>
      %get3A_134 = arith.constant 1 : index
      %get3A_135 = arith.constant 0 : index
      %get3A_136 = arith.constant 0 : index
      %get3A_137 = vector.load %arg6[%get3A_134, %get3A_135, %get3A_136] : memref<2x1x128xf32, #tpu.memory_space<vmem>>, vector<1x1x128xf32>
      %get3A_138 = vector.shape_cast %get3A_137 : vector<1x1x128xf32> to vector<1x128xf32>
      %add3A_139 = vector.broadcast %get3A_138 : vector<1x128xf32> to vector<2000x128xf32>
      %add3A_140 = arith.addf %mul3A_133, %add3A_139 : vector<2000x128xf32>
      %max3A_141 = arith.constant 0.000000e+00 : f32
      %max3A_142 = vector.broadcast %max3A_141 : f32 to vector<2000x128xf32>
      %max3A_143 = arith.maximumf %add3A_140, %max3A_142 : vector<2000x128xf32>
      %get3A_144 = arith.constant 1 : index
      %get3A_145 = arith.constant 0 : index
      %get3A_146 = arith.constant 0 : index
      %get3A_147 = vector.load %arg8[%get3A_144, %get3A_145, %get3A_146] : memref<2x2000x128xf32, #tpu.memory_space<vmem>>, vector<1x2000x128xf32>
      %get3A_148 = vector.shape_cast %get3A_147 : vector<1x2000x128xf32> to vector<2000x128xf32>
      %add3A_149 = arith.addf %max3A_143, %get3A_148 : vector<2000x128xf32>
      %get3A_150 = arith.constant 0 : index
      %get3A_151 = arith.constant 0 : index
      %get3A_152 = vector.load %arg9[%get3A_150, %get3A_151] : memref<256x256xf32, #tpu.memory_space<vmem>>, vector<256x256xf32>
      %slice3A = vector.extract_strided_slice %get3A_152 {offsets = [0, 0], sizes = [128, 256], strides = [1, 1]} : vector<256x256xf32> to vector<128x256xf32>
      %dot_general3A = arith.constant dense<0.000000e+00> : vector<2000x256xf32>
      %dot_general3A_153 = tpu.matmul %add3A_90, %slice3A, %dot_general3A {dimension_numbers = #tpu.dot_dimension_numbers<[1], [0], [0], [1], [0, 0, 1, 1], [], []>, transpose_lhs_hint = false} : vector<2000x128xf32>, vector<128x256xf32>, vector<2000x256xf32> -> vector<2000x256xf32>
      %slice3A_154 = vector.extract_strided_slice %get3A_152 {offsets = [128, 0], sizes = [128, 256], strides = [1, 1]} : vector<256x256xf32> to vector<128x256xf32>
      %dot_general3A_155 = arith.constant dense<0.000000e+00> : vector<2000x256xf32>
      %dot_general3A_156 = tpu.matmul %add3A_149, %slice3A_154, %dot_general3A_155 {dimension_numbers = #tpu.dot_dimension_numbers<[1], [0], [0], [1], [0, 0, 1, 1], [], []>, transpose_lhs_hint = false} : vector<2000x128xf32>, vector<128x256xf32>, vector<2000x256xf32> -> vector<2000x256xf32>
      %add3A_157 = arith.addf %dot_general3A_153, %dot_general3A_156 : vector<2000x256xf32>
      %get3A_158 = arith.constant 0 : index
      %get3A_159 = arith.constant 0 : index
      %get3A_160 = vector.load %arg10[%get3A_158, %get3A_159] : memref<1x256xf32, #tpu.memory_space<vmem>>, vector<1x256xf32>
      %add3A_161 = vector.broadcast %get3A_160 : vector<1x256xf32> to vector<2000x256xf32>
      %add3A_162 = arith.addf %add3A_157, %add3A_161 : vector<2000x256xf32>
      %max3A_163 = arith.constant 0.000000e+00 : f32
      %max3A_164 = vector.broadcast %max3A_163 : f32 to vector<2000x256xf32>
      %max3A_165 = arith.maximumf %add3A_162, %max3A_164 : vector<2000x256xf32>
      %get3A_166 = arith.constant 0 : index
      %get3A_167 = arith.constant 0 : index
      %get3A_168 = vector.load %arg11[%get3A_166, %get3A_167] : memref<256x128xf32, #tpu.memory_space<vmem>>, vector<256x128xf32>
      %dot_general3A_169 = arith.constant dense<0.000000e+00> : vector<2000x128xf32>
      %dot_general3A_170 = tpu.matmul %max3A_165, %get3A_168, %dot_general3A_169 {dimension_numbers = #tpu.dot_dimension_numbers<[1], [0], [0], [1], [0, 0, 1, 1], [], []>, transpose_lhs_hint = false} : vector<2000x256xf32>, vector<256x128xf32>, vector<2000x128xf32> -> vector<2000x128xf32>
      %get3A_171 = arith.constant 0 : index
      %get3A_172 = arith.constant 0 : index
      %get3A_173 = vector.load %arg12[%get3A_171, %get3A_172] : memref<1x128xf32, #tpu.memory_space<vmem>>, vector<1x128xf32>
      %add3A_174 = vector.broadcast %get3A_173 : vector<1x128xf32> to vector<2000x128xf32>
      %add3A_175 = arith.addf %dot_general3A_170, %add3A_174 : vector<2000x128xf32>
      %swap3A = arith.constant 0 : index
      %swap3A_176 = arith.constant 0 : index
      %swap3A_177 = vector.load %arg13[%swap3A, %swap3A_176] : memref<2000x128xf32, #tpu.memory_space<vmem>>, vector<2000x128xf32>
      tpu.vector_store %arg13[%swap3A, %swap3A_176], %add3A_175 {strides = array<i32>} : memref<2000x128xf32, #tpu.memory_space<vmem>>, vector<2000x128xf32>,
    } else {
    }
    return
  }
  func.func @transform_0(%arg0: i32, %arg1: i32) -> (i32, i32, i32) {
    %c0_i32 = arith.constant 0 : i32
    %c0_i32_0 = arith.constant 0 : i32
    %c0_i32_1 = arith.constant 0 : i32
    return %c0_i32, %arg1, %c0_i32_0 : i32, i32, i32
  }
  func.func @transform_1(%arg0: i32, %arg1: i32) -> (i32, i32) {
    %c0_i32 = arith.constant 0 : i32
    %c0_i32_0 = arith.constant 0 : i32
    return %arg1, %c0_i32 : i32, i32
  }
  func.func @transform_2(%arg0: i32, %arg1: i32) -> (i32, i32, i32) {
    %c0_i32 = arith.constant 0 : i32
    %c0_i32_0 = arith.constant 0 : i32
    %c0_i32_1 = arith.constant 0 : i32
    %c0_i32_2 = arith.constant 0 : i32
    return %c0_i32, %c0_i32_0, %c0_i32_1 : i32, i32, i32
  }
  func.func @transform_3(%arg0: i32, %arg1: i32) -> (i32, i32, i32) {
    %c0_i32 = arith.constant 0 : i32
    %c0_i32_0 = arith.constant 0 : i32
    %c0_i32_1 = arith.constant 0 : i32
    %c0_i32_2 = arith.constant 0 : i32
    return %c0_i32, %c0_i32_0, %c0_i32_1 : i32, i32, i32
  }
  func.func @transform_4(%arg0: i32, %arg1: i32) -> (i32, i32, i32) {
    %c0_i32 = arith.constant 0 : i32
    %c0_i32_0 = arith.constant 0 : i32
    %c0_i32_1 = arith.constant 0 : i32
    %c0_i32_2 = arith.constant 0 : i32
    return %c0_i32, %c0_i32_0, %c0_i32_1 : i32, i32, i32
  }
  func.func @transform_5(%arg0: i32, %arg1: i32) -> (i32, i32, i32) {
    %c0_i32 = arith.constant 0 : i32
    %c0_i32_0 = arith.constant 0 : i32
    %c0_i32_1 = arith.constant 0 : i32
    %c0_i32_2 = arith.constant 0 : i32
    return %c0_i32, %c0_i32_0, %c0_i32_1 : i32, i32, i32
  }
  func.func @transform_6(%arg0: i32, %arg1: i32) -> (i32, i32, i32) {
    %mul3A = arith.muli %arg0, %arg1 : i32
    %c0_i32 = arith.constant 0 : i32
    %c0_i32_0 = arith.constant 0 : i32
    %c0_i32_1 = arith.constant 0 : i32
    return %c0_i32, %mul3A, %c0_i32_0 : i32, i32, i32
  }
  func.func @transform_7(%arg0: i32, %arg1: i32) -> (i32, i32) {
    %c0_i32 = arith.constant 0 : i32
    %c0_i32_0 = arith.constant 0 : i32
    %c0_i32_1 = arith.constant 0 : i32
    return %c0_i32, %c0_i32_0 : i32, i32
  }
  func.func @transform_8(%arg0: i32, %arg1: i32) -> (i32, i32) {
    %c0_i32 = arith.constant 0 : i32
    %c0_i32_0 = arith.constant 0 : i32
    %c0_i32_1 = arith.constant 0 : i32
    return %c0_i32, %c0_i32_0 : i32, i32
  }
  func.func @transform_9(%arg0: i32, %arg1: i32) -> (i32, i32) {
    %c0_i32 = arith.constant 0 : i32
    %c0_i32_0 = arith.constant 0 : i32
    %c0_i32_1 = arith.constant 0 : i32
    return %c0_i32, %c0_i32_0 : i32, i32
  }
  func.func @transform_10(%arg0: i32, %arg1: i32) -> (i32, i32) {
    %c0_i32 = arith.constant 0 : i32
    %c0_i32_0 = arith.constant 0 : i32
    %c0_i32_1 = arith.constant 0 : i32
    return %c0_i32, %c0_i32_0 : i32, i32
  }
  func.func @transform_11(%arg0: i32, %arg1: i32) -> (i32, i32) {
    %mul3A = arith.muli %arg0, %arg1 : i32
    %c0_i32 = arith.constant 0 : i32
    %c0_i32_0 = arith.constant 0 : i32
    return %mul3A, %c0_i32 : i32, i32
  }
}

module attributes {stable_mosaic.version = 14 : i64} {
  func.func @_layer_body(%arg0: i32, %arg1: i32, %arg2: memref<2x2000x128xf32, #tpu.memory_space<vmem>>, %arg3: memref<2000x1xf32, #tpu.memory_space<vmem>>, %arg4: memref<2x1x128xf32, #tpu.memory_space<vmem>>, %arg5: memref<2x1x128xf32, #tpu.memory_space<vmem>>, %arg6: memref<2x1x128xf32, #tpu.memory_space<vmem>>, %arg7: memref<2x1x128xf32, #tpu.memory_space<vmem>>, %arg8: memref<2x2000x128xf32, #tpu.memory_space<vmem>>, %arg9: memref<256x256xf32, #tpu.memory_space<vmem>>, %arg10: memref<2x2000x128xf32, #tpu.memory_space<vmem>>, %arg11: memref<2x2000x128xf32, #tpu.memory_space<vmem>>, %arg12: memref<2x1x128xf32, #tpu.memory_space<vmem>>, %arg13: memref<2x1x128xf32, #tpu.memory_space<vmem>>) attributes {dimension_semantics = [#tpu.dimension_semantics<arbitrary>, #tpu.dimension_semantics<arbitrary>], iteration_bounds = array<i64: 2, 5>, scalar_prefetch = 0 : i64, scratch_operands = 2 : i64, tpu.core_type = #tpu.core_type<tc>, window_params = [{transform_indices = @transform_0, window_bounds = array<i64: 2, 2000, 128>}, {transform_indices = @transform_1, window_bounds = array<i64: 2000, 1>}, {pipeline_mode = #tpu.pipeline_mode<synchronous>, transform_indices = @transform_2, window_bounds = array<i64: 2, 1, 128>}, {pipeline_mode = #tpu.pipeline_mode<synchronous>, transform_indices = @transform_3, window_bounds = array<i64: 2, 1, 128>}, {pipeline_mode = #tpu.pipeline_mode<synchronous>, transform_indices = @transform_4, window_bounds = array<i64: 2, 1, 128>}, {pipeline_mode = #tpu.pipeline_mode<synchronous>, transform_indices = @transform_5, window_bounds = array<i64: 2, 1, 128>}, {transform_indices = @transform_6, window_bounds = array<i64: 2, 2000, 128>}, {pipeline_mode = #tpu.pipeline_mode<synchronous>, transform_indices = @transform_7, window_bounds = array<i64: 256, 256>}, {transform_indices = @transform_8, window_bounds = array<i64: 2, 2000, 128>}, {transform_indices = @transform_9, window_bounds = array<i64: 2, 2000, 128>}]} {
    %get3A = arith.constant 0 : index
    %get3A_0 = arith.constant 0 : index
    %get3A_1 = vector.load %arg3[%get3A, %get3A_0] : memref<2000x1xf32, #tpu.memory_space<vmem>>, vector<2000x1xf32>
    %get3A_2 = arith.constant 0 : index
    %get3A_3 = arith.constant 0 : index
    %get3A_4 = arith.constant 0 : index
    %get3A_5 = vector.load %arg2[%get3A_2, %get3A_3, %get3A_4] : memref<2x2000x128xf32, #tpu.memory_space<vmem>>, vector<1x2000x128xf32>
    %get3A_6 = vector.shape_cast %get3A_5 : vector<1x2000x128xf32> to vector<2000x128xf32>
    %mul3A = vector.broadcast %get3A_1 : vector<2000x1xf32> to vector<2000x128xf32>
    %mul3A_7 = arith.mulf %get3A_6, %mul3A : vector<2000x128xf32>
    %get3A_8 = arith.constant 0 : index
    %get3A_9 = arith.constant 0 : index
    %get3A_10 = arith.constant 0 : index
    %get3A_11 = vector.load %arg4[%get3A_8, %get3A_9, %get3A_10] : memref<2x1x128xf32, #tpu.memory_space<vmem>>, vector<1x1x128xf32>
    %get3A_12 = vector.shape_cast %get3A_11 : vector<1x1x128xf32> to vector<1x128xf32>
    %add3A = vector.broadcast %get3A_12 : vector<1x128xf32> to vector<2000x128xf32>
    %add3A_13 = arith.addf %mul3A_7, %add3A : vector<2000x128xf32>
    %get3A_14 = arith.constant 1 : index
    %get3A_15 = arith.constant 0 : index
    %get3A_16 = arith.constant 0 : index
    %get3A_17 = vector.load %arg2[%get3A_14, %get3A_15, %get3A_16] : memref<2x2000x128xf32, #tpu.memory_space<vmem>>, vector<1x2000x128xf32>
    %get3A_18 = vector.shape_cast %get3A_17 : vector<1x2000x128xf32> to vector<2000x128xf32>
    %mul3A_19 = vector.broadcast %get3A_1 : vector<2000x1xf32> to vector<2000x128xf32>
    %mul3A_20 = arith.mulf %get3A_18, %mul3A_19 : vector<2000x128xf32>
    %get3A_21 = arith.constant 1 : index
    %get3A_22 = arith.constant 0 : index
    %get3A_23 = arith.constant 0 : index
    %get3A_24 = vector.load %arg4[%get3A_21, %get3A_22, %get3A_23] : memref<2x1x128xf32, #tpu.memory_space<vmem>>, vector<1x1x128xf32>
    %get3A_25 = vector.shape_cast %get3A_24 : vector<1x1x128xf32> to vector<1x128xf32>
    %add3A_26 = vector.broadcast %get3A_25 : vector<1x128xf32> to vector<2000x128xf32>
    %add3A_27 = arith.addf %mul3A_20, %add3A_26 : vector<2000x128xf32>
    %eq3A = arith.constant 0 : i32
    %eq3A_28 = arith.cmpi eq, %arg0, %eq3A : i32
    %convert_element_type3A = arith.extui %eq3A_28 : i1 to i32
    %cond3A = arith.constant 0 : i32
    %cond3A_29 = arith.cmpi ne, %convert_element_type3A, %cond3A : i32
    scf.if %cond3A_29 {
      %reduce_sum3A = arith.constant dense<0.000000e+00> : vector<128xf32>
      %reduce_sum3A_35 = vector.multi_reduction <add>, %add3A_13, %reduce_sum3A [0] : vector<2000x128xf32> to vector<128xf32>
      %broadcast_in_dim3A = vector.shape_cast %reduce_sum3A_35 : vector<128xf32> to vector<1x128xf32>
      %reduce_sum3A_36 = arith.constant dense<0.000000e+00> : vector<128xf32>
      %reduce_sum3A_37 = vector.multi_reduction <add>, %add3A_27, %reduce_sum3A_36 [0] : vector<2000x128xf32> to vector<128xf32>
      %broadcast_in_dim3A_38 = vector.shape_cast %reduce_sum3A_37 : vector<128xf32> to vector<1x128xf32>
      %mul3A_39 = arith.mulf %add3A_13, %add3A_13 : vector<2000x128xf32>
      %reduce_sum3A_40 = arith.constant dense<0.000000e+00> : vector<128xf32>
      %reduce_sum3A_41 = vector.multi_reduction <add>, %mul3A_39, %reduce_sum3A_40 [0] : vector<2000x128xf32> to vector<128xf32>
      %broadcast_in_dim3A_42 = vector.shape_cast %reduce_sum3A_41 : vector<128xf32> to vector<1x128xf32>
      %mul3A_43 = arith.mulf %add3A_27, %add3A_27 : vector<2000x128xf32>
      %reduce_sum3A_44 = arith.constant dense<0.000000e+00> : vector<128xf32>
      %reduce_sum3A_45 = vector.multi_reduction <add>, %mul3A_43, %reduce_sum3A_44 [0] : vector<2000x128xf32> to vector<128xf32>
      %broadcast_in_dim3A_46 = vector.shape_cast %reduce_sum3A_45 : vector<128xf32> to vector<1x128xf32>
      %eq3A_47 = arith.constant 0 : i32
      %eq3A_48 = arith.cmpi eq, %arg1, %eq3A_47 : i32
      %convert_element_type3A_49 = arith.extui %eq3A_48 : i1 to i32
      %cond3A_50 = arith.constant 0 : i32
      %cond3A_51 = arith.cmpi ne, %convert_element_type3A_49, %cond3A_50 : i32
      scf.if %cond3A_51 {
        %swap3A = arith.constant 0 : index
        %swap3A_56 = arith.constant 0 : index
        %swap3A_57 = arith.constant 0 : index
        %swap3A_58 = vector.load %arg12[%swap3A, %swap3A_56, %swap3A_57] : memref<2x1x128xf32, #tpu.memory_space<vmem>>, vector<1x1x128xf32>
        %swap3A_59 = vector.shape_cast %swap3A_58 : vector<1x1x128xf32> to vector<1x128xf32>
        %swap3A_60 = vector.shape_cast %broadcast_in_dim3A : vector<1x128xf32> to vector<1x1x128xf32>
        tpu.vector_store %arg12[%swap3A, %swap3A_56, %swap3A_57], %swap3A_60 {strides = array<i32>} : memref<2x1x128xf32, #tpu.memory_space<vmem>>, vector<1x1x128xf32>,
        %swap3A_61 = arith.constant 0 : index
        %swap3A_62 = arith.constant 0 : index
        %swap3A_63 = arith.constant 0 : index
        %swap3A_64 = vector.load %arg13[%swap3A_61, %swap3A_62, %swap3A_63] : memref<2x1x128xf32, #tpu.memory_space<vmem>>, vector<1x1x128xf32>
        %swap3A_65 = vector.shape_cast %swap3A_64 : vector<1x1x128xf32> to vector<1x128xf32>
        %swap3A_66 = vector.shape_cast %broadcast_in_dim3A_42 : vector<1x128xf32> to vector<1x1x128xf32>
        tpu.vector_store %arg13[%swap3A_61, %swap3A_62, %swap3A_63], %swap3A_66 {strides = array<i32>} : memref<2x1x128xf32, #tpu.memory_space<vmem>>, vector<1x1x128xf32>,
        %swap3A_67 = arith.constant 1 : index
        %swap3A_68 = arith.constant 0 : index
        %swap3A_69 = arith.constant 0 : index
        %swap3A_70 = vector.load %arg12[%swap3A_67, %swap3A_68, %swap3A_69] : memref<2x1x128xf32, #tpu.memory_space<vmem>>, vector<1x1x128xf32>
        %swap3A_71 = vector.shape_cast %swap3A_70 : vector<1x1x128xf32> to vector<1x128xf32>
        %swap3A_72 = vector.shape_cast %broadcast_in_dim3A_38 : vector<1x128xf32> to vector<1x1x128xf32>
        tpu.vector_store %arg12[%swap3A_67, %swap3A_68, %swap3A_69], %swap3A_72 {strides = array<i32>} : memref<2x1x128xf32, #tpu.memory_space<vmem>>, vector<1x1x128xf32>,
        %swap3A_73 = arith.constant 1 : index
        %swap3A_74 = arith.constant 0 : index
        %swap3A_75 = arith.constant 0 : index
        %swap3A_76 = vector.load %arg13[%swap3A_73, %swap3A_74, %swap3A_75] : memref<2x1x128xf32, #tpu.memory_space<vmem>>, vector<1x1x128xf32>
        %swap3A_77 = vector.shape_cast %swap3A_76 : vector<1x1x128xf32> to vector<1x128xf32>
        %swap3A_78 = vector.shape_cast %broadcast_in_dim3A_46 : vector<1x128xf32> to vector<1x1x128xf32>
        tpu.vector_store %arg13[%swap3A_73, %swap3A_74, %swap3A_75], %swap3A_78 {strides = array<i32>} : memref<2x1x128xf32, #tpu.memory_space<vmem>>, vector<1x1x128xf32>,
      } else {
      }
      %gt3A = arith.constant 0 : i32
      %gt3A_52 = arith.cmpi sgt, %arg1, %gt3A : i32
      %convert_element_type3A_53 = arith.extui %gt3A_52 : i1 to i32
      %cond3A_54 = arith.constant 0 : i32
      %cond3A_55 = arith.cmpi ne, %convert_element_type3A_53, %cond3A_54 : i32
      scf.if %cond3A_55 {
        %get3A_56 = arith.constant 0 : index
        %get3A_57 = arith.constant 0 : index
        %get3A_58 = arith.constant 0 : index
        %get3A_59 = vector.load %arg12[%get3A_56, %get3A_57, %get3A_58] : memref<2x1x128xf32, #tpu.memory_space<vmem>>, vector<1x1x128xf32>
        %get3A_60 = vector.shape_cast %get3A_59 : vector<1x1x128xf32> to vector<1x128xf32>
        %add3A_61 = arith.addf %get3A_60, %broadcast_in_dim3A : vector<1x128xf32>
        %swap3A = arith.constant 0 : index
        %swap3A_62 = arith.constant 0 : index
        %swap3A_63 = arith.constant 0 : index
        %swap3A_64 = vector.load %arg12[%swap3A, %swap3A_62, %swap3A_63] : memref<2x1x128xf32, #tpu.memory_space<vmem>>, vector<1x1x128xf32>
        %swap3A_65 = vector.shape_cast %swap3A_64 : vector<1x1x128xf32> to vector<1x128xf32>
        %swap3A_66 = vector.shape_cast %add3A_61 : vector<1x128xf32> to vector<1x1x128xf32>
        tpu.vector_store %arg12[%swap3A, %swap3A_62, %swap3A_63], %swap3A_66 {strides = array<i32>} : memref<2x1x128xf32, #tpu.memory_space<vmem>>, vector<1x1x128xf32>,
        %get3A_67 = arith.constant 0 : index
        %get3A_68 = arith.constant 0 : index
        %get3A_69 = arith.constant 0 : index
        %get3A_70 = vector.load %arg13[%get3A_67, %get3A_68, %get3A_69] : memref<2x1x128xf32, #tpu.memory_space<vmem>>, vector<1x1x128xf32>
        %get3A_71 = vector.shape_cast %get3A_70 : vector<1x1x128xf32> to vector<1x128xf32>
        %add3A_72 = arith.addf %get3A_71, %broadcast_in_dim3A_42 : vector<1x128xf32>
        %swap3A_73 = arith.constant 0 : index
        %swap3A_74 = arith.constant 0 : index
        %swap3A_75 = arith.constant 0 : index
        %swap3A_76 = vector.load %arg13[%swap3A_73, %swap3A_74, %swap3A_75] : memref<2x1x128xf32, #tpu.memory_space<vmem>>, vector<1x1x128xf32>
        %swap3A_77 = vector.shape_cast %swap3A_76 : vector<1x1x128xf32> to vector<1x128xf32>
        %swap3A_78 = vector.shape_cast %add3A_72 : vector<1x128xf32> to vector<1x1x128xf32>
        tpu.vector_store %arg13[%swap3A_73, %swap3A_74, %swap3A_75], %swap3A_78 {strides = array<i32>} : memref<2x1x128xf32, #tpu.memory_space<vmem>>, vector<1x1x128xf32>,
        %get3A_79 = arith.constant 1 : index
        %get3A_80 = arith.constant 0 : index
        %get3A_81 = arith.constant 0 : index
        %get3A_82 = vector.load %arg12[%get3A_79, %get3A_80, %get3A_81] : memref<2x1x128xf32, #tpu.memory_space<vmem>>, vector<1x1x128xf32>
        %get3A_83 = vector.shape_cast %get3A_82 : vector<1x1x128xf32> to vector<1x128xf32>
        %add3A_84 = arith.addf %get3A_83, %broadcast_in_dim3A_38 : vector<1x128xf32>
        %swap3A_85 = arith.constant 1 : index
        %swap3A_86 = arith.constant 0 : index
        %swap3A_87 = arith.constant 0 : index
        %swap3A_88 = vector.load %arg12[%swap3A_85, %swap3A_86, %swap3A_87] : memref<2x1x128xf32, #tpu.memory_space<vmem>>, vector<1x1x128xf32>
        %swap3A_89 = vector.shape_cast %swap3A_88 : vector<1x1x128xf32> to vector<1x128xf32>
        %swap3A_90 = vector.shape_cast %add3A_84 : vector<1x128xf32> to vector<1x1x128xf32>
        tpu.vector_store %arg12[%swap3A_85, %swap3A_86, %swap3A_87], %swap3A_90 {strides = array<i32>} : memref<2x1x128xf32, #tpu.memory_space<vmem>>, vector<1x1x128xf32>,
        %get3A_91 = arith.constant 1 : index
        %get3A_92 = arith.constant 0 : index
        %get3A_93 = arith.constant 0 : index
        %get3A_94 = vector.load %arg13[%get3A_91, %get3A_92, %get3A_93] : memref<2x1x128xf32, #tpu.memory_space<vmem>>, vector<1x1x128xf32>
        %get3A_95 = vector.shape_cast %get3A_94 : vector<1x1x128xf32> to vector<1x128xf32>
        %add3A_96 = arith.addf %get3A_95, %broadcast_in_dim3A_46 : vector<1x128xf32>
        %swap3A_97 = arith.constant 1 : index
        %swap3A_98 = arith.constant 0 : index
        %swap3A_99 = arith.constant 0 : index
        %swap3A_100 = vector.load %arg13[%swap3A_97, %swap3A_98, %swap3A_99] : memref<2x1x128xf32, #tpu.memory_space<vmem>>, vector<1x1x128xf32>
        %swap3A_101 = vector.shape_cast %swap3A_100 : vector<1x1x128xf32> to vector<1x128xf32>
        %swap3A_102 = vector.shape_cast %add3A_96 : vector<1x128xf32> to vector<1x1x128xf32>
        tpu.vector_store %arg13[%swap3A_97, %swap3A_98, %swap3A_99], %swap3A_102 {strides = array<i32>} : memref<2x1x128xf32, #tpu.memory_space<vmem>>, vector<1x1x128xf32>,
      } else {
      }
    } else {
    }
    %eq3A_30 = arith.constant 1 : i32
    %eq3A_31 = arith.cmpi eq, %arg0, %eq3A_30 : i32
    %convert_element_type3A_32 = arith.extui %eq3A_31 : i1 to i32
    %cond3A_33 = arith.constant 0 : i32
    %cond3A_34 = arith.cmpi ne, %convert_element_type3A_32, %cond3A_33 : i32
    scf.if %cond3A_34 {
      %get3A_35 = arith.constant 0 : index
      %get3A_36 = arith.constant 0 : index
      %get3A_37 = arith.constant 0 : index
      %get3A_38 = vector.load %arg12[%get3A_35, %get3A_36, %get3A_37] : memref<2x1x128xf32, #tpu.memory_space<vmem>>, vector<1x1x128xf32>
      %get3A_39 = vector.shape_cast %get3A_38 : vector<1x1x128xf32> to vector<1x128xf32>
      %mul3A_40 = arith.constant 9.99999974E-5 : f32
      %mul3A_41 = vector.broadcast %mul3A_40 : f32 to vector<1x128xf32>
      %mul3A_42 = arith.mulf %get3A_39, %mul3A_41 : vector<1x128xf32>
      %get3A_43 = arith.constant 0 : index
      %get3A_44 = arith.constant 0 : index
      %get3A_45 = arith.constant 0 : index
      %get3A_46 = vector.load %arg13[%get3A_43, %get3A_44, %get3A_45] : memref<2x1x128xf32, #tpu.memory_space<vmem>>, vector<1x1x128xf32>
      %get3A_47 = vector.shape_cast %get3A_46 : vector<1x1x128xf32> to vector<1x128xf32>
      %mul3A_48 = arith.constant 9.99999974E-5 : f32
      %mul3A_49 = vector.broadcast %mul3A_48 : f32 to vector<1x128xf32>
      %mul3A_50 = arith.mulf %get3A_47, %mul3A_49 : vector<1x128xf32>
      %get3A_51 = arith.constant 0 : index
      %get3A_52 = arith.constant 0 : index
      %get3A_53 = arith.constant 0 : index
      %get3A_54 = vector.load %arg7[%get3A_51, %get3A_52, %get3A_53] : memref<2x1x128xf32, #tpu.memory_space<vmem>>, vector<1x1x128xf32>
      %get3A_55 = vector.shape_cast %get3A_54 : vector<1x1x128xf32> to vector<1x128xf32>
      %mul3A_56 = arith.mulf %mul3A_42, %get3A_55 : vector<1x128xf32>
      %mul3A_57 = arith.constant 2.000000e+00 : f32
      %mul3A_58 = vector.broadcast %mul3A_57 : f32 to vector<1x128xf32>
      %mul3A_59 = arith.mulf %mul3A_58, %mul3A_56 : vector<1x128xf32>
      %mul3A_60 = arith.mulf %mul3A_59, %mul3A_42 : vector<1x128xf32>
      %sub3A = arith.subf %mul3A_50, %mul3A_60 : vector<1x128xf32>
      %mul3A_61 = arith.mulf %mul3A_56, %mul3A_56 : vector<1x128xf32>
      %add3A_62 = arith.addf %sub3A, %mul3A_61 : vector<1x128xf32>
      %get3A_63 = arith.constant 0 : index
      %get3A_64 = arith.constant 0 : index
      %get3A_65 = arith.constant 0 : index
      %get3A_66 = vector.load %arg5[%get3A_63, %get3A_64, %get3A_65] : memref<2x1x128xf32, #tpu.memory_space<vmem>>, vector<1x1x128xf32>
      %get3A_67 = vector.shape_cast %get3A_66 : vector<1x1x128xf32> to vector<1x128xf32>
      %add3A_68 = arith.constant 9.99999974E-6 : f32
      %add3A_69 = vector.broadcast %add3A_68 : f32 to vector<1x128xf32>
      %add3A_70 = arith.addf %add3A_62, %add3A_69 : vector<1x128xf32>
      %rsqrt3A = math.rsqrt %add3A_70 : vector<1x128xf32>
      %mul3A_71 = arith.mulf %get3A_67, %rsqrt3A : vector<1x128xf32>
      %sub3A_72 = vector.broadcast %mul3A_56 : vector<1x128xf32> to vector<2000x128xf32>
      %sub3A_73 = arith.subf %add3A_13, %sub3A_72 : vector<2000x128xf32>
      %mul3A_74 = vector.broadcast %mul3A_71 : vector<1x128xf32> to vector<2000x128xf32>
      %mul3A_75 = arith.mulf %sub3A_73, %mul3A_74 : vector<2000x128xf32>
      %get3A_76 = arith.constant 0 : index
      %get3A_77 = arith.constant 0 : index
      %get3A_78 = arith.constant 0 : index
      %get3A_79 = vector.load %arg6[%get3A_76, %get3A_77, %get3A_78] : memref<2x1x128xf32, #tpu.memory_space<vmem>>, vector<1x1x128xf32>
      %get3A_80 = vector.shape_cast %get3A_79 : vector<1x1x128xf32> to vector<1x128xf32>
      %add3A_81 = vector.broadcast %get3A_80 : vector<1x128xf32> to vector<2000x128xf32>
      %add3A_82 = arith.addf %mul3A_75, %add3A_81 : vector<2000x128xf32>
      %max3A = arith.constant 0.000000e+00 : f32
      %max3A_83 = vector.broadcast %max3A : f32 to vector<2000x128xf32>
      %max3A_84 = arith.maximumf %add3A_82, %max3A_83 : vector<2000x128xf32>
      %get3A_85 = arith.constant 0 : index
      %get3A_86 = arith.constant 0 : index
      %get3A_87 = arith.constant 0 : index
      %get3A_88 = vector.load %arg8[%get3A_85, %get3A_86, %get3A_87] : memref<2x2000x128xf32, #tpu.memory_space<vmem>>, vector<1x2000x128xf32>
      %get3A_89 = vector.shape_cast %get3A_88 : vector<1x2000x128xf32> to vector<2000x128xf32>
      %add3A_90 = arith.addf %max3A_84, %get3A_89 : vector<2000x128xf32>
      %get3A_91 = arith.constant 1 : index
      %get3A_92 = arith.constant 0 : index
      %get3A_93 = arith.constant 0 : index
      %get3A_94 = vector.load %arg12[%get3A_91, %get3A_92, %get3A_93] : memref<2x1x128xf32, #tpu.memory_space<vmem>>, vector<1x1x128xf32>
      %get3A_95 = vector.shape_cast %get3A_94 : vector<1x1x128xf32> to vector<1x128xf32>
      %mul3A_96 = arith.constant 9.99999974E-5 : f32
      %mul3A_97 = vector.broadcast %mul3A_96 : f32 to vector<1x128xf32>
      %mul3A_98 = arith.mulf %get3A_95, %mul3A_97 : vector<1x128xf32>
      %get3A_99 = arith.constant 1 : index
      %get3A_100 = arith.constant 0 : index
      %get3A_101 = arith.constant 0 : index
      %get3A_102 = vector.load %arg13[%get3A_99, %get3A_100, %get3A_101] : memref<2x1x128xf32, #tpu.memory_space<vmem>>, vector<1x1x128xf32>
      %get3A_103 = vector.shape_cast %get3A_102 : vector<1x1x128xf32> to vector<1x128xf32>
      %mul3A_104 = arith.constant 9.99999974E-5 : f32
      %mul3A_105 = vector.broadcast %mul3A_104 : f32 to vector<1x128xf32>
      %mul3A_106 = arith.mulf %get3A_103, %mul3A_105 : vector<1x128xf32>
      %get3A_107 = arith.constant 1 : index
      %get3A_108 = arith.constant 0 : index
      %get3A_109 = arith.constant 0 : index
      %get3A_110 = vector.load %arg7[%get3A_107, %get3A_108, %get3A_109] : memref<2x1x128xf32, #tpu.memory_space<vmem>>, vector<1x1x128xf32>
      %get3A_111 = vector.shape_cast %get3A_110 : vector<1x1x128xf32> to vector<1x128xf32>
      %mul3A_112 = arith.mulf %mul3A_98, %get3A_111 : vector<1x128xf32>
      %mul3A_113 = arith.constant 2.000000e+00 : f32
      %mul3A_114 = vector.broadcast %mul3A_113 : f32 to vector<1x128xf32>
      %mul3A_115 = arith.mulf %mul3A_114, %mul3A_112 : vector<1x128xf32>
      %mul3A_116 = arith.mulf %mul3A_115, %mul3A_98 : vector<1x128xf32>
      %sub3A_117 = arith.subf %mul3A_106, %mul3A_116 : vector<1x128xf32>
      %mul3A_118 = arith.mulf %mul3A_112, %mul3A_112 : vector<1x128xf32>
      %add3A_119 = arith.addf %sub3A_117, %mul3A_118 : vector<1x128xf32>
      %get3A_120 = arith.constant 1 : index
      %get3A_121 = arith.constant 0 : index
      %get3A_122 = arith.constant 0 : index
      %get3A_123 = vector.load %arg5[%get3A_120, %get3A_121, %get3A_122] : memref<2x1x128xf32, #tpu.memory_space<vmem>>, vector<1x1x128xf32>
      %get3A_124 = vector.shape_cast %get3A_123 : vector<1x1x128xf32> to vector<1x128xf32>
      %add3A_125 = arith.constant 9.99999974E-6 : f32
      %add3A_126 = vector.broadcast %add3A_125 : f32 to vector<1x128xf32>
      %add3A_127 = arith.addf %add3A_119, %add3A_126 : vector<1x128xf32>
      %rsqrt3A_128 = math.rsqrt %add3A_127 : vector<1x128xf32>
      %mul3A_129 = arith.mulf %get3A_124, %rsqrt3A_128 : vector<1x128xf32>
      %sub3A_130 = vector.broadcast %mul3A_112 : vector<1x128xf32> to vector<2000x128xf32>
      %sub3A_131 = arith.subf %add3A_27, %sub3A_130 : vector<2000x128xf32>
      %mul3A_132 = vector.broadcast %mul3A_129 : vector<1x128xf32> to vector<2000x128xf32>
      %mul3A_133 = arith.mulf %sub3A_131, %mul3A_132 : vector<2000x128xf32>
      %get3A_134 = arith.constant 1 : index
      %get3A_135 = arith.constant 0 : index
      %get3A_136 = arith.constant 0 : index
      %get3A_137 = vector.load %arg6[%get3A_134, %get3A_135, %get3A_136] : memref<2x1x128xf32, #tpu.memory_space<vmem>>, vector<1x1x128xf32>
      %get3A_138 = vector.shape_cast %get3A_137 : vector<1x1x128xf32> to vector<1x128xf32>
      %add3A_139 = vector.broadcast %get3A_138 : vector<1x128xf32> to vector<2000x128xf32>
      %add3A_140 = arith.addf %mul3A_133, %add3A_139 : vector<2000x128xf32>
      %max3A_141 = arith.constant 0.000000e+00 : f32
      %max3A_142 = vector.broadcast %max3A_141 : f32 to vector<2000x128xf32>
      %max3A_143 = arith.maximumf %add3A_140, %max3A_142 : vector<2000x128xf32>
      %get3A_144 = arith.constant 1 : index
      %get3A_145 = arith.constant 0 : index
      %get3A_146 = arith.constant 0 : index
      %get3A_147 = vector.load %arg8[%get3A_144, %get3A_145, %get3A_146] : memref<2x2000x128xf32, #tpu.memory_space<vmem>>, vector<1x2000x128xf32>
      %get3A_148 = vector.shape_cast %get3A_147 : vector<1x2000x128xf32> to vector<2000x128xf32>
      %add3A_149 = arith.addf %max3A_143, %get3A_148 : vector<2000x128xf32>
      %swap3A = arith.constant 0 : index
      %swap3A_150 = arith.constant 0 : index
      %swap3A_151 = arith.constant 0 : index
      %swap3A_152 = vector.load %arg10[%swap3A, %swap3A_150, %swap3A_151] : memref<2x2000x128xf32, #tpu.memory_space<vmem>>, vector<1x2000x128xf32>
      %swap3A_153 = vector.shape_cast %swap3A_152 : vector<1x2000x128xf32> to vector<2000x128xf32>
      %swap3A_154 = vector.shape_cast %add3A_90 : vector<2000x128xf32> to vector<1x2000x128xf32>
      tpu.vector_store %arg10[%swap3A, %swap3A_150, %swap3A_151], %swap3A_154 {strides = array<i32>} : memref<2x2000x128xf32, #tpu.memory_space<vmem>>, vector<1x2000x128xf32>,
      %swap3A_155 = arith.constant 1 : index
      %swap3A_156 = arith.constant 0 : index
      %swap3A_157 = arith.constant 0 : index
      %swap3A_158 = vector.load %arg10[%swap3A_155, %swap3A_156, %swap3A_157] : memref<2x2000x128xf32, #tpu.memory_space<vmem>>, vector<1x2000x128xf32>
      %swap3A_159 = vector.shape_cast %swap3A_158 : vector<1x2000x128xf32> to vector<2000x128xf32>
      %swap3A_160 = vector.shape_cast %add3A_149 : vector<2000x128xf32> to vector<1x2000x128xf32>
      tpu.vector_store %arg10[%swap3A_155, %swap3A_156, %swap3A_157], %swap3A_160 {strides = array<i32>} : memref<2x2000x128xf32, #tpu.memory_space<vmem>>, vector<1x2000x128xf32>,
      %get3A_161 = arith.constant 0 : index
      %get3A_162 = arith.constant 0 : index
      %get3A_163 = vector.load %arg9[%get3A_161, %get3A_162] : memref<256x256xf32, #tpu.memory_space<vmem>>, vector<256x256xf32>
      %slice3A = vector.extract_strided_slice %get3A_163 {offsets = [0, 0], sizes = [128, 256], strides = [1, 1]} : vector<256x256xf32> to vector<128x256xf32>
      %dot_general3A = arith.constant dense<0.000000e+00> : vector<2000x256xf32>
      %dot_general3A_164 = tpu.matmul %add3A_90, %slice3A, %dot_general3A {dimension_numbers = #tpu.dot_dimension_numbers<[1], [0], [0], [1], [0, 0, 1, 1], [], []>, transpose_lhs_hint = false} : vector<2000x128xf32>, vector<128x256xf32>, vector<2000x256xf32> -> vector<2000x256xf32>
      %slice3A_165 = vector.extract_strided_slice %get3A_163 {offsets = [128, 0], sizes = [128, 256], strides = [1, 1]} : vector<256x256xf32> to vector<128x256xf32>
      %dot_general3A_166 = arith.constant dense<0.000000e+00> : vector<2000x256xf32>
      %dot_general3A_167 = tpu.matmul %add3A_149, %slice3A_165, %dot_general3A_166 {dimension_numbers = #tpu.dot_dimension_numbers<[1], [0], [0], [1], [0, 0, 1, 1], [], []>, transpose_lhs_hint = false} : vector<2000x128xf32>, vector<128x256xf32>, vector<2000x256xf32> -> vector<2000x256xf32>
      %add3A_168 = arith.addf %dot_general3A_164, %dot_general3A_167 : vector<2000x256xf32>
      %get3A_169 = arith.constant 0 : index
      %get3A_170 = arith.constant 0 : index
      %get3A_171 = vector.load %arg3[%get3A_169, %get3A_170] : memref<2000x1xf32, #tpu.memory_space<vmem>>, vector<2000x1xf32>
      %mul3A_172 = vector.broadcast %get3A_171 : vector<2000x1xf32> to vector<2000x256xf32>
      %mul3A_173 = arith.mulf %add3A_168, %mul3A_172 : vector<2000x256xf32>
      %slice3A_174 = vector.extract_strided_slice %mul3A_173 {offsets = [0, 0], sizes = [2000, 128], strides = [1, 1]} : vector<2000x256xf32> to vector<2000x128xf32>
      %swap3A_175 = arith.constant 0 : index
      %swap3A_176 = arith.constant 0 : index
      %swap3A_177 = arith.constant 0 : index
      %swap3A_178 = vector.load %arg11[%swap3A_175, %swap3A_176, %swap3A_177] : memref<2x2000x128xf32, #tpu.memory_space<vmem>>, vector<1x2000x128xf32>
      %swap3A_179 = vector.shape_cast %swap3A_178 : vector<1x2000x128xf32> to vector<2000x128xf32>
      %swap3A_180 = vector.shape_cast %slice3A_174 : vector<2000x128xf32> to vector<1x2000x128xf32>
      tpu.vector_store %arg11[%swap3A_175, %swap3A_176, %swap3A_177], %swap3A_180 {strides = array<i32>} : memref<2x2000x128xf32, #tpu.memory_space<vmem>>, vector<1x2000x128xf32>,
      %slice3A_181 = vector.extract_strided_slice %mul3A_173 {offsets = [0, 128], sizes = [2000, 128], strides = [1, 1]} : vector<2000x256xf32> to vector<2000x128xf32>
      %swap3A_182 = arith.constant 1 : index
      %swap3A_183 = arith.constant 0 : index
      %swap3A_184 = arith.constant 0 : index
      %swap3A_185 = vector.load %arg11[%swap3A_182, %swap3A_183, %swap3A_184] : memref<2x2000x128xf32, #tpu.memory_space<vmem>>, vector<1x2000x128xf32>
      %swap3A_186 = vector.shape_cast %swap3A_185 : vector<1x2000x128xf32> to vector<2000x128xf32>
      %swap3A_187 = vector.shape_cast %slice3A_181 : vector<2000x128xf32> to vector<1x2000x128xf32>
      tpu.vector_store %arg11[%swap3A_182, %swap3A_183, %swap3A_184], %swap3A_187 {strides = array<i32>} : memref<2x2000x128xf32, #tpu.memory_space<vmem>>, vector<1x2000x128xf32>,
    } else {
    }
    return
  }
  func.func @transform_0(%arg0: i32, %arg1: i32) -> (i32, i32, i32) {
    %c0_i32 = arith.constant 0 : i32
    %c0_i32_0 = arith.constant 0 : i32
    %c0_i32_1 = arith.constant 0 : i32
    return %c0_i32, %arg1, %c0_i32_0 : i32, i32, i32
  }
  func.func @transform_1(%arg0: i32, %arg1: i32) -> (i32, i32) {
    %c0_i32 = arith.constant 0 : i32
    %c0_i32_0 = arith.constant 0 : i32
    return %arg1, %c0_i32 : i32, i32
  }
  func.func @transform_2(%arg0: i32, %arg1: i32) -> (i32, i32, i32) {
    %c0_i32 = arith.constant 0 : i32
    %c0_i32_0 = arith.constant 0 : i32
    %c0_i32_1 = arith.constant 0 : i32
    %c0_i32_2 = arith.constant 0 : i32
    return %c0_i32, %c0_i32_0, %c0_i32_1 : i32, i32, i32
  }
  func.func @transform_3(%arg0: i32, %arg1: i32) -> (i32, i32, i32) {
    %c0_i32 = arith.constant 0 : i32
    %c0_i32_0 = arith.constant 0 : i32
    %c0_i32_1 = arith.constant 0 : i32
    %c0_i32_2 = arith.constant 0 : i32
    return %c0_i32, %c0_i32_0, %c0_i32_1 : i32, i32, i32
  }
  func.func @transform_4(%arg0: i32, %arg1: i32) -> (i32, i32, i32) {
    %c0_i32 = arith.constant 0 : i32
    %c0_i32_0 = arith.constant 0 : i32
    %c0_i32_1 = arith.constant 0 : i32
    %c0_i32_2 = arith.constant 0 : i32
    return %c0_i32, %c0_i32_0, %c0_i32_1 : i32, i32, i32
  }
  func.func @transform_5(%arg0: i32, %arg1: i32) -> (i32, i32, i32) {
    %c0_i32 = arith.constant 0 : i32
    %c0_i32_0 = arith.constant 0 : i32
    %c0_i32_1 = arith.constant 0 : i32
    %c0_i32_2 = arith.constant 0 : i32
    return %c0_i32, %c0_i32_0, %c0_i32_1 : i32, i32, i32
  }
  func.func @transform_6(%arg0: i32, %arg1: i32) -> (i32, i32, i32) {
    %mul3A = arith.muli %arg0, %arg1 : i32
    %c0_i32 = arith.constant 0 : i32
    %c0_i32_0 = arith.constant 0 : i32
    %c0_i32_1 = arith.constant 0 : i32
    return %c0_i32, %mul3A, %c0_i32_0 : i32, i32, i32
  }
  func.func @transform_7(%arg0: i32, %arg1: i32) -> (i32, i32) {
    %c0_i32 = arith.constant 0 : i32
    %c0_i32_0 = arith.constant 0 : i32
    %c0_i32_1 = arith.constant 0 : i32
    return %c0_i32, %c0_i32_0 : i32, i32
  }
  func.func @transform_8(%arg0: i32, %arg1: i32) -> (i32, i32, i32) {
    %mul3A = arith.muli %arg0, %arg1 : i32
    %c0_i32 = arith.constant 0 : i32
    %c0_i32_0 = arith.constant 0 : i32
    %c0_i32_1 = arith.constant 0 : i32
    return %c0_i32, %mul3A, %c0_i32_0 : i32, i32, i32
  }
  func.func @transform_9(%arg0: i32, %arg1: i32) -> (i32, i32, i32) {
    %mul3A = arith.muli %arg0, %arg1 : i32
    %c0_i32 = arith.constant 0 : i32
    %c0_i32_0 = arith.constant 0 : i32
    %c0_i32_1 = arith.constant 0 : i32
    return %c0_i32, %mul3A, %c0_i32_0 : i32, i32, i32
  }
}

</mosaic_0001>

<sc_bundles>
// kernel: kernel.10.cloned.1.call-start
scs
__scs_entry_jumppad:
0x0: {  	(pc) =	sbr.rel $0x88, $3  }
0x1: {  	(tag) =	ssettag $0x0;
	lr =	simm.s32 $0x1  }
0x2: {  	[smem:$0x3F8B] =	sst lr;
	_ =	strace $0xD0000000  }
0x3: {  	_ = 	snop  }
0x4: {  	_ = 	snop  }
0x5: {  	_ = 	snop  }
0x6: {  	_ = 	snop  }
0x7: {  	_ = 	snop  }
__scs_overlays_trampoline_lowered:
0x8: {  	[smem:$0x3F9A] =	sst s0  }
0x9: {  	[smem:$0x3F9B] =	sst s1  }
0xa: {  	[smem:$0x3F9C] =	sst s2  }
0xb: {  	[smem:$0x3F9D] =	sst s3  }
0xc: {  	[smem:$0x3F9E] =	sst s4  }
0xd: {  	[smem:$0x3F9F] =	sst s5  }
0xe: {  	[smem:$0x3FA0] =	sst s6  }
0xf: {  	[smem:$0x3FA1] =	sst s7  }
0x10: {  	[smem:$0x3FA2] =	sst s8  }
0x11: {  	[smem:$0x3FA3] =	sst s9;
	s0 =	simm.s32 @!p0 $0x0  }
0x12: {  	s1 =	sld [smem:$0x3F89];
	s0 =	simm.s32 @p0 $0x1  }
0x13: {  	[smem:$0x3FA4] =	sst s0;
	s0 =	simm.s32 @!p1 $0x0  }
0x14: {  	s2 =	sld [smem:$0x3F88];
	s0 =	simm.s32 @p1 $0x1  }
0x15: {  	[smem:$0x3FA5] =	sst s0;
	s0 =	simm.s32 @!p2 $0x0  }
0x16: {  	s3 =	sld [smem:$0x3FDB];
	s0 =	simm.s32 @p2 $0x1  }
0x17: {  	s4 =	simm.s32 $0x1BF5;
	[smem:$0x3FA7] =	sst s0  }
0x18: {  	s0 =	sld [smem:$0x3F8A];
	_ =	swait.ge [sflag:s4], $0x0  }
0x19: {  	s7 =	sld [smem:$0x3F8B]  }
0x1a: {  	s8 =	sadd.s32 $0xFFFFE003, lr  }
0x1b: {  	s9 =	sadd.s32 $0xFFFFFEF7, lr;
	s5 =	simm.s32 $0xFFFFFFFF;
	p2 =	slt.u32 s8, $0xFFFFF086  }
0x1c: {  	p1 =	slt.u32 s9, $0xF7A;
	s5 =	simm.s32 @!p2 $0x0  }
0x1d: {  	s5 =	simm.s32 @p1 $0x1;
	p0 =	seq.s32 s7, s2  }
0x1e: {  	s7 =	smul.u32 @!p0 $0xF7A, s2;
	p2 =	seq.s32 @!p0 s5, $0x0  }
0x1f: {  	s9 =	smul.u32 $0xF7A, s1;
	s8 =	simm.s32 @!p0 $0x1BF5;
	p2 =	por !p2, p0  }
0x20: {  	[sflag:s8] =	ssyncset.s32 @!p0 $0xFFFFF086;
	s6 =	sadd.s32 @!p0 s3, s7;
	s7 =	simm.s32 @!p0 $0x108  }
0x21: {  	s3 =	sadd.s32 s3, s9;
	s6 =	sadd.s32 @!p0 $0x88, s6;
	s7 =	simm.s32 @p2 $0x1082  }
0x22: {  	[simem:s7], [sflag:s8] =	dma.local @!p0 [hbm:s6], $0xF7A  }
0x23: {  	s9 =	sor.u32 $0xD0000000, s2;
	s6 =	simm.s32 $0x108;
	_ =	swait.ge @!p0 [sflag:s8], $0x0  }
0x24: {  	s3 =	sadd.s32 $0x88, s3;
	s6 =	simm.s32 @!p1 $0x1082;
	[sflag:s4] =	ssyncset.s32 $0xFFFFF086  }
0x25: {  	[simem:s6], [sflag:s4] =	dma.local [hbm:s3], $0xF7A  }
0x26: {  	[smem:$0x3F8B] =	sst s1;
	(tag) =	ssettag s2;
	_ =	strace s9  }
0x27: {  	s1 =	sld [smem:$0x3F9B]  }
0x28: {  	s2 =	sld [smem:$0x3F9C]  }
0x29: {  	s4 =	sld [smem:$0x3F9E]  }
0x2a: {  	p0 =	seq.s32 s5, $0x0;
	s5 =	sld [smem:$0x3F9F]  }
0x2b: {  	s6 =	sld [smem:$0x3FA0]  }
0x2c: {  	s7 =	sld [smem:$0x3FA1]  }
0x2d: {  	s3 =	simm.s32 $0x108;
	s8 =	sld [smem:$0x3FA2]  }
0x2e: {  	s3 =	simm.s32 @!p0 $0x1082;
	s9 =	sld [smem:$0x3FA3]  }
0x2f: {  	lr =	sadd.s32 s0, s3;
	s0 =	sld [smem:$0x3F9A]  }
0x30: {  	s3 =	sld [smem:$0x3F9D]  }
0x31: {  	[smem:$0x3FA6] =	sst s10  }
0x32: {  	s10 =	sld [smem:$0x3FA4];
	_ =	sdelay $0x3  }
0x33: {  	p0 =	seq.s32 s10, $0x1;
	s10 =	sld [smem:$0x3FA6];
	_ =	sdelay $0x3  }
0x34: {  	[smem:$0x3FA6] =	sst s10  }
0x35: {  	s10 =	sld [smem:$0x3FA5];
	_ =	sdelay $0x3  }
0x36: {  	p1 =	seq.s32 s10, $0x1;
	s10 =	sld [smem:$0x3FA6];
	_ =	sdelay $0x3  }
0x37: {  	[smem:$0x3FA6] =	sst s10  }
0x38: {  	s10 =	sld [smem:$0x3FA7]  }
0x39: {  	_ = 	snop;
	(pc) =	sbr.ind lr, $3  }
0x3a: {  	_ = 	snop  }
0x3b: {  	_ = 	snop  }
0x3c: {  	p2 =	seq.s32 s10, $0x1;
	s10 =	sld [smem:$0x3FA6]  }
0x3d: {  	_ =	shalt  }
0x3e: {  	_ =	shalt  }
0x3f: {  	_ =	shalt  }
0x40: {  	_ =	shalt  }
0x41: {  	_ =	shalt  }
0x42: {  	_ =	shalt  }
0x43: {  	_ =	shalt  }
0x44: {  	_ =	shalt  }
0x45: {  	_ =	shalt  }
0x46: {  	_ =	shalt  }
0x47: {  	_ =	shalt  }
0x48: {  	_ =	shalt  }
0x49: {  	_ =	shalt  }
0x4a: {  	_ =	shalt  }
0x4b: {  	_ =	shalt  }
0x4c: {  	_ =	shalt  }
0x4d: {  	_ =	shalt  }
0x4e: {  	_ =	shalt  }
0x4f: {  	_ =	shalt  }
0x50: {  	_ =	shalt  }
0x51: {  	_ =	shalt  }
0x52: {  	_ =	shalt  }
0x53: {  	_ =	shalt  }
0x54: {  	_ =	shalt  }
0x55: {  	_ =	shalt  }
0x56: {  	_ =	shalt  }
0x57: {  	_ =	shalt  }
0x58: {  	_ =	shalt  }
0x59: {  	_ =	shalt  }
0x5a: {  	_ =	shalt  }
0x5b: {  	_ =	shalt  }
0x5c: {  	_ =	shalt  }
0x5d: {  	_ =	shalt  }
0x5e: {  	_ =	shalt  }
0x5f: {  	_ =	shalt  }
0x60: {  	_ =	shalt  }
0x61: {  	_ =	shalt  }
0x62: {  	_ =	shalt  }
0x63: {  	_ =	shalt  }
0x64: {  	_ =	shalt  }
0x65: {  	_ =	shalt  }
0x66: {  	_ =	shalt  }
0x67: {  	_ =	shalt  }
0x68: {  	_ =	shalt  }
0x69: {  	_ =	shalt  }
0x6a: {  	_ =	shalt  }
0x6b: {  	_ =	shalt  }
0x6c: {  	_ =	shalt  }
0x6d: {  	_ =	shalt  }
0x6e: {  	_ =	shalt  }
0x6f: {  	_ =	shalt  }
0x70: {  	_ =	shalt  }
0x71: {  	_ =	shalt  }
0x72: {  	_ =	shalt  }
0x73: {  	_ =	shalt  }
0x74: {  	_ =	shalt  }
0x75: {  	_ =	shalt  }
0x76: {  	_ =	shalt  }
0x77: {  	_ =	shalt  }
0x78: {  	_ =	shalt  }
0x79: {  	_ =	shalt  }
0x7a: {  	_ =	shalt  }
0x7b: {  	_ =	shalt  }
0x7c: {  	_ =	shalt  }
0x7d: {  	_ =	shalt  }
0x7e: {  	_ =	shalt  }
0x7f: {  	_ =	shalt  }
0x80: {  	_ =	shalt  }
0x81: {  	_ =	shalt  }
0x82: {  	_ =	shalt  }
0x83: {  	_ =	shalt  }
0x84: {  	_ =	shalt  }
0x85: {  	_ =	shalt  }
0x86: {  	_ =	shalt  }
0x87: {  	_ =	shalt  }
.Lfunc_end0:
.L_simem_size_0:
called_computation_lowered:
.L_overlay_start_0:
0x88: {  	s2 =	sld [smem:$0x3FD9]  }
0x89: {  	s3 =	sld [smem:$0x3FFE];
	_ =	sdelay $0x1  }
0x8a: {  	s1 =	srdreg.scid  }
0x8b: {  	s0 =	sand.u32 $0x1, s1  }
0x8c: {  	s16 =	sshll.u32 s0, $0xA;
	s2 =	sadd.s32 s3, s2  }
0x8d: {  	s2 =	sadd.s32 s2, s16  }
0x8e: {  	[smem:$0x3FB2] =	sst s2  }
0x8f: {  	_ = 	snop  }
0x90: {  	(tm) =	ssettm $0x1  }
0x91: {  	s17 =	sld [smem:$0x3FFB];
	_ =	sdelay $0x3  }
0x92: {  	_ =	strace s17  }
0x93: {  	s2 =	sld [smem:$0x3FFC];
	_ =	sdelay $0x3  }
0x94: {  	_ =	strace s2  }
0x95: {  	s2 =	sld [smem:$0x3FFD];
	_ =	sdelay $0x3  }
0x96: {  	_ =	strace s2  }
0x97: {  	_ =	strace $0x8FFFFFFF  }
0x98: {  	s18 =	sld [smem:$0x3FDB];
	_ =	sdelay $0x1  }
0x99: {  	s19 =	simm.s32 $_scs_section_size  }
0x9a: {  	s4 =	simm.s32 $_size__tile_overlayer_lowered;
	s5 =	simm.s32 $_tile_overlayer_lowered  }
0x9b: {  	s22 =	simm.s32 $0x1BFF;
	s21 =	sshll.u32 s5, $0x1;
	s2 =	sadd.s32 s19, s18  }
0x9c: {  	s6 =	simm.s32 $0x0;
	s20 =	sshll.u32 s4, $0x1;
	s4 =	sadd.s32 s21, s2  }
0x9d: {  	[timem:s6], [sflag:s22] =	dma.local [hbm:s4], s20  }
0x9e: {  	_ =	swait.ge [sflag:s22], s20  }
0x9f: {  	s3 =	ssub.s32 $0x0, s20;
	[sflag:s22] =	ssyncset.done $0x0  }
0xa0: {  	[sflag:s22] =	ssyncadd.s32 s3;
	_ =	sdelay $0x1  }
0xa1: {  	s23 =	simm.s32 $0x1B8B  }
0xa2: {  	_ =	swait.ge [sflag:s23], $0x1  }
0xa3: {  	[sflag:s23] =	ssyncset.done $0x0  }
0xa4: {  	s25 =	simm.s32 $0x1B8E;
	s24 =	sld [smem:$0x3FFE];
	[sflag:s23] =	ssyncadd.s32 $0xFFFFFFFF  }
0xa5: {  	s26 =	simm.s32 $execute0_lowered;
	[smem:$0x3FD2] =	sst s25  }
0xa6: {  	s4 =	sshll.u32 s26, $0x1;
	_ =	strace $0x80000046;
	[dreg:$0x1] =	wrdreg $0xFFFFFFFF  }
0xa7: {  	s28 =	simm.s32 $_size_execute0_lowered;
	s2 =	sadd.s32 s2, s4;
	[dreg:$0x0] =	wrdreg $0x0  }
0xa8: {  	s4 =	sshll.u32 s28, $0x1;
	[dreg:$0x2] =	wrdreg s2  }
0xa9: {  	[dreg:$0x3] =	wrdreg s4  }
0xaa: {  	[dreg:$0x4] =	wrdreg $0xC0  }
0xab: {  	_ =	task [dreg:s6], $0x5FFFF  }
0xac: {  	[dreg:$0x1] =	wrdreg $0xFFFFFFFF  }
0xad: {  	[dreg:$0x0] =	wrdreg $0x60  }
0xae: {  	[dreg:$0x2] =	wrdreg s24  }
0xaf: {  	[dreg:$0x3] =	wrdreg $0x80800  }
0xb0: {  	[dreg:$0x4] =	wrdreg $0x9  }
0xb1: {  	_ =	task.clear_ibuf [dreg:s6], $0x5FFFF;
	_ =	strace $0x90000046  }
0xb2: {  	s29 =	simm.s32 $0x9;
	_ =	strace $0x80000048  }
0xb3: {  	_ =	swait.ge [sflag:s29], $0x1  }
0xb4: {  	[sflag:s29] =	ssyncadd.s32 $0xFFFFFFFF  }
0xb5: {  	_ =	strace $0x90000048  }
0xb6: {  	_ =	sfence  }
0xb7: {  	s30 =	sld [smem:$0x0];
	_ =	sdelay $0x2  }
0xb8: {  	s31 =	sshll.u32 s1, $0xD;
	s1 =	sshrl.u32 s1, $0x2  }
0xb9: {  	s3 =	sand.u32 $0x4000, s31;
	s1 =	sadd.s32 s1, s30  }
0xba: {  	s0 =	sor.u32 s3, s0;
	s1 =	sshll.u32 s1, $0x11  }
0xbb: {  	s0 =	sor.u32 s1, s0  }
0xbc: {  	s0 =	sadd.s32 $0x8F2B, s0  }
0xbd: {  	[sflag:s0] =	ssyncadd.remote.s32 $0x1  }
0xbe: {  	_ =	sfence.sel $0xFFFF  }
0xbf: {  	[dreg:$0x0] =	wrdreg $0xFFFFFFFF;
	(pc) =	sbr.abs _section_cstart, $3  }
0xc0: {  	[dreg:$0x1] =	wrdreg $0xFFFFFFFF  }
0xc1: {  	_ =	task.clear_ibuf [dreg:s6], $0x2FFFF;
	_ =	strace $0x9FFFFFFF  }
0xc2: {  	(tm) =	ssettm $0x7FFFFFFF  }
0xc3: {  	_ =	shalt  }
tec
execute0_lowered:
.L_overlay_start_1:
0x0: {  	(tag) =	ssettag $0x1  }
0x1: {  	s4 =	rddreg [dreg:$0x0]  }
0x2: {  	s2 =	rddreg [dreg:$0x1]  }
0x3: {  	s0 =	rddreg [dreg:$0x2];
	s1 =	stileid.u32  }
0x4: {  	s6 =	srdreg.scid;
	s3 =	simm.s32 $0x0;
	s5 =	smul.u32 $0x540, s1  }
0x5: {  	s14 =	simm.s32 $0x80;
	s17 =	simm.s32 $0x0;
	s7 =	smul.u32 $0x2780, s1  }
0x6: {  	s6 =	sand.u32 $0x1, s6;
	[smem:$0x7FF] =	sst s3;
	s9 =	smul.u32 $0x4F000, s1  }
0x7: {  	s15 =	sshll.u32 s1, $0x6;
	s8 =	smul.u32 $0x27800, s6;
	_ =	strace $0x80000047  }
0x8: {  	s28 =	ssub.s32 $0x2, s6;
	s13 =	smul.u32 $0x2A0, s6;
	s15 =	sor.u32 $0x1C01, s15  }
0x9: {  	s10 =	sadd.s32 s5, s4;
	s29 =	sshrl.u32 s28, $0x1;
	s30 =	sshrl.u32 s9, $0x2  }
0xa: {  	s26 =	sadd.s32 s7, s8;
	s12 =	ssub.s32 s28, s29;
	s31 =	sadd.s32 s13, s10  }
0xb: {  	s13 =	simm.s32 $0x1;
	s11 =	sadd.s32 s26, s4;
	s4 =	sadd.s32 s30, s2  }
0xc: {  	s10 =	smax.u32 s12, $0x1;
	s12 =	simm.s32 $0x4080;
	s5 =	sadd.s32 $0x4000, s4  }
0xd: {  	s6 =	sadd.s32 $0x8000, s4;
	s7 =	sadd.s32 $0xC000, s4;
	s8 =	sadd.s32 $0x10000, s4  }
0xe: {  	v0 =	vimm.f32 $1.000000000e+00;
	v1 =	vimm.f32 $0.0e+00;
	s9 =	sadd.s32 $0x9000, s11;
	s11 =	sadd.s32 $0x3C00, s31;
	s16 =	sshrl.u32 s4, $0x3  }
.LBB2_1:
0xf: {  	s18 =	simm.s32 $0x200;
	s19 =	simm.s32 $0x0  }
.LBB2_2:
0x10: {  	p0 =	sne.s32 s18, $0xFE00;
	[tilespmem:s19+$0x80] =	vst v0;
	s20 =	smov.u32 s18;
	s18 =	sadd.s32 $0x200, s18  }
.Ltmp0:
0x11: {  	[tilespmem:s19+$0x4080] =	vst v1;
	(pc) =	sbr.rel @p0 .LBB2_2-.Ltmp0, $2  }
0x12: {  	_ =	sdelay $0x2  }
0x13: {  	s19 =	sshra.s32 s20, $0x2  }
0x14: {  	[tilespmem:s19+$0x80] =	vst v0  }
0x15: {  	[tilespmem:s19+$0x4080] =	vst v1  }
0x16: {  	[spmem:s4] =	stream.linear.scatter [tilespmem:s12], [sflag:$0x1], $0x4000, $0x38;
	[tilespmem:$0xA800] =	vst v63  }
0x17: {  	_ =	swait.ge [sflag:s13], $0x4000  }
0x18: {  	[sflag:s13] =	ssyncset.done $0x0  }
0x19: {  	[sflag:s13] =	ssyncadd.s32 $0xFFFFC000  }
0x1a: {  	[spmem:s5] =	stream.linear.scatter [tilespmem:s12], [sflag:$0x1], $0x4000, $0x38;
	[tilespmem:$0xA800] =	vst v63  }
0x1b: {  	_ =	swait.ge [sflag:s13], $0x4000  }
0x1c: {  	[sflag:s13] =	ssyncset.done $0x0  }
0x1d: {  	[sflag:s13] =	ssyncadd.s32 $0xFFFFC000  }
0x1e: {  	[spmem:s6] =	stream.linear.scatter [tilespmem:s12], [sflag:$0x1], $0x4000, $0x38;
	[tilespmem:$0xA800] =	vst v63  }
0x1f: {  	_ =	swait.ge [sflag:s13], $0x4000  }
0x20: {  	[sflag:s13] =	ssyncset.done $0x0  }
0x21: {  	[sflag:s13] =	ssyncadd.s32 $0xFFFFC000  }
0x22: {  	[spmem:s7] =	stream.linear.scatter [tilespmem:s12], [sflag:$0x1], $0x4000, $0x38;
	[tilespmem:$0xA800] =	vst v63  }
0x23: {  	_ =	swait.ge [sflag:s13], $0x4000  }
0x24: {  	[sflag:s13] =	ssyncset.done $0x0  }
0x25: {  	[sflag:s13] =	ssyncadd.s32 $0xFFFFC000  }
0x26: {  	[spmem:s8] =	stream.linear.scatter [tilespmem:s12], [sflag:$0x1], $0x3C00, $0x38;
	[tilespmem:$0xA800] =	vst v63  }
0x27: {  	_ =	swait.ge [sflag:s13], $0x3C00  }
0x28: {  	[sflag:s13] =	ssyncset.done $0x0  }
0x29: {  	[sflag:s13] =	ssyncadd.s32 $0xFFFFC400  }
0x2a: {  	s18 =	sadd.s32 $0x0, s11;
	[bflag:$0x0] =	sbarrier.arrive $0xFFFF  }
0x2b: {  	[tilespmem:s3], [sflag:$0x1] =	stream.linear.gather [hbm4b:s18+s3], $0x80, $0x38;
	[tilespmem:$0xA800] =	vst v63  }
0x2c: {  	_ =	swait.ge [sflag:s13], $0x80  }
0x2d: {  	[sflag:s13] =	ssyncset.done $0x0  }
0x2e: {  	[sflag:s13] =	ssyncadd.s32 $0xFFFFFF80  }
0x2f: {  	[spmem:s2] =	stream.indirect.scatter.add.f32 [tilespmem:s14], [sflag:$0x1], $0x10, s3, s14, $0xb8;
	[tilespmem:$0xA800] =	vst v63  }
0x30: {  	_ =	swait.ge [sflag:s13], $0x800  }
0x31: {  	s19 =	simm.s32 $0x20;
	s18 =	simm.s32 $0x10;
	[sflag:s13] =	ssyncset.done $0x0  }
.LBB2_4:
0x32: {  	s20 =	sadd.s32 s18, s11  }
0x33: {  	[sflag:s13] =	ssyncadd.s32 $0xFFFFF800;
	s18 =	smov.u32 s19;
	s21 =	sadd.s32 $0x10, s19  }
0x34: {  	[tilespmem:s3], [sflag:$0x1] =	stream.linear.gather [hbm4b:s20+s3], $0x80, $0x38;
	[tilespmem:$0xA800] =	vst v63  }
0x35: {  	p0 =	sne.s32 s19, $0x290;
	_ =	swait.ge [sflag:s13], $0x80  }
.Ltmp1:
0x36: {  	[sflag:s13] =	ssyncset.done $0x0;
	(pc) =	sbr.rel @p0 .LBB2_4-.Ltmp1, $4  }
0x37: {  	[sflag:s13] =	ssyncadd.s32 $0xFFFFFF80  }
0x38: {  	[spmem:s2] =	stream.indirect.scatter.add.f32 [tilespmem:s14], [sflag:$0x1], $0x10, s3, s14, $0xb8;
	[tilespmem:$0xA800] =	vst v63  }
0x39: {  	_ =	swait.ge [sflag:s13], $0x800  }
0x3a: {  	s19 =	smov.u32 s21;
	[sflag:s13] =	ssyncset.done $0x0  }
0x3b: {  	s18 =	sadd.s32 s18, s11;
	[sflag:s13] =	ssyncadd.s32 $0xFFFFF800  }
0x3c: {  	[tilespmem:s3], [sflag:$0x1] =	stream.linear.gather [hbm4b:s18+s3], $0x80, $0x38;
	[tilespmem:$0xA800] =	vst v63  }
0x3d: {  	_ =	swait.ge [sflag:s13], $0x80  }
0x3e: {  	[sflag:s13] =	ssyncset.done $0x0  }
0x3f: {  	[sflag:s13] =	ssyncadd.s32 $0xFFFFFF80  }
0x40: {  	[spmem:s2] =	stream.indirect.scatter.add.f32 [tilespmem:s14], [sflag:$0x1], $0x10, s3, s14, $0xb8;
	[tilespmem:$0xA800] =	vst v63  }
0x41: {  	_ =	swait.ge [sflag:s13], $0x800  }
0x42: {  	s17 =	sadd.s32 $0x1, s17;
	[sflag:s13] =	ssyncset.done $0x0  }
0x43: {  	p0 =	sne.s32 s17, s10;
	[sflag:s13] =	ssyncadd.s32 $0xFFFFF800  }
.Ltmp2:
0x44: {  	[bflag:$0x0] =	sbarrier.arrive $0xFFFF;
	(pc) =	sbr.rel @p0 .LBB2_1-.Ltmp2, $4  }
0x45: {  	[hbm:s9], [sflag:s15] =	dma.local [spmem:s16], $0x2780  }
0x46: {  	_ =	swait.ge [sflag:s13], $0x2780  }
0x47: {  	[sflag:s13] =	ssyncset.done $0x0  }
0x48: {  	[sflag:s13] =	ssyncadd.s32 $0xFFFFD880  }
0x49: {  	_ =	sfence.sel $0x180000  }
0x4a: {  	[bflag:$0x0] =	sbarrier.arrive $0xFFFF  }
0x4b: {  	p0 =	sne.s32 s1, $0x0;
	_ =	strace $0x90000047  }
0x4c: {  	s0 =	sadd.s32 @!p0 $0x100000, s0;
	[bflag:$0x2] =	sbarrier.arrive $0xFFFF  }
0x4d: {  	[sflag:s0] =	ssyncadd.tile.s32 @!p0 $0x1;
	_ =	shalt  }
.Lfunc_end2:
_tile_overlayer_lowered:
.L_overlay_start_2:
0x4e: {  	(tag) =	ssettag $0x2  }
0x4f: {  	s0 =	rddreg [dreg:$0x0];
	s2 =	stileid.u32  }
0x50: {  	s1 =	rddreg [dreg:$0x1];
	p0 =	sne.s32 s2, $0x0  }
0x51: {  	s3 =	rddreg [dreg:$0x2];
	[bflag:$0x3] =	sbarrier.arrive $0xFFFF;
	s2 =	simm.s32 @!p0 $0x1C01  }
0x52: {  	[timem:s3], [sflag:s2] =	dma.local @!p0 [hbm:s0], s1  }
0x53: {  	s0 =	simm.s32 @!p0 $0x1  }
0x54: {  	_ =	swait.ge @!p0 [sflag:s0], s1  }
0x55: {  	s1 =	ssub.s32 @!p0 $0x0, s1;
	[sflag:s0] =	ssyncset.done @!p0 $0x0  }
0x56: {  	[sflag:s0] =	ssyncadd.s32 @!p0 s1  }
0x57: {  	[bflag:$0x3] =	sbarrier.arrive $0xFFFF  }
0x58: {  	_ =	shalt  }

// kernel: kernel.13.cloned.1.call-start
scs
__scs_entry_jumppad:
0x0: {  	(pc) =	sbr.rel $0x88, $3  }
0x1: {  	(tag) =	ssettag $0x0;
	lr =	simm.s32 $0x1  }
0x2: {  	[smem:$0x3F8B] =	sst lr;
	_ =	strace $0xD0000000  }
0x3: {  	_ = 	snop  }
0x4: {  	_ = 	snop  }
0x5: {  	_ = 	snop  }
0x6: {  	_ = 	snop  }
0x7: {  	_ = 	snop  }
__scs_overlays_trampoline_lowered:
0x8: {  	[smem:$0x3F9A] =	sst s0  }
0x9: {  	[smem:$0x3F9B] =	sst s1  }
0xa: {  	[smem:$0x3F9C] =	sst s2  }
0xb: {  	[smem:$0x3F9D] =	sst s3  }
0xc: {  	[smem:$0x3F9E] =	sst s4  }
0xd: {  	[smem:$0x3F9F] =	sst s5  }
0xe: {  	[smem:$0x3FA0] =	sst s6  }
0xf: {  	[smem:$0x3FA1] =	sst s7  }
0x10: {  	[smem:$0x3FA2] =	sst s8  }
0x11: {  	[smem:$0x3FA3] =	sst s9;
	s0 =	simm.s32 @!p0 $0x0  }
0x12: {  	s1 =	sld [smem:$0x3F89];
	s0 =	simm.s32 @p0 $0x1  }
0x13: {  	[smem:$0x3FA4] =	sst s0;
	s0 =	simm.s32 @!p1 $0x0  }
0x14: {  	s2 =	sld [smem:$0x3F88];
	s0 =	simm.s32 @p1 $0x1  }
0x15: {  	[smem:$0x3FA5] =	sst s0;
	s0 =	simm.s32 @!p2 $0x0  }
0x16: {  	s3 =	sld [smem:$0x3FDB];
	s0 =	simm.s32 @p2 $0x1  }
0x17: {  	s4 =	simm.s32 $0x1BF5;
	[smem:$0x3FA7] =	sst s0  }
0x18: {  	s0 =	sld [smem:$0x3F8A];
	_ =	swait.ge [sflag:s4], $0x0  }
0x19: {  	s7 =	sld [smem:$0x3F8B]  }
0x1a: {  	s8 =	sadd.s32 $0xFFFFE003, lr  }
0x1b: {  	s9 =	sadd.s32 $0xFFFFFEF7, lr;
	s5 =	simm.s32 $0xFFFFFFFF;
	p2 =	slt.u32 s8, $0xFFFFF086  }
0x1c: {  	p1 =	slt.u32 s9, $0xF7A;
	s5 =	simm.s32 @!p2 $0x0  }
0x1d: {  	s5 =	simm.s32 @p1 $0x1;
	p0 =	seq.s32 s7, s2  }
0x1e: {  	s7 =	smul.u32 @!p0 $0xF7A, s2;
	p2 =	seq.s32 @!p0 s5, $0x0  }
0x1f: {  	s9 =	smul.u32 $0xF7A, s1;
	s8 =	simm.s32 @!p0 $0x1BF5;
	p2 =	por !p2, p0  }
0x20: {  	[sflag:s8] =	ssyncset.s32 @!p0 $0xFFFFF086;
	s6 =	sadd.s32 @!p0 s3, s7;
	s7 =	simm.s32 @!p0 $0x108  }
0x21: {  	s3 =	sadd.s32 s3, s9;
	s6 =	sadd.s32 @!p0 $0x88, s6;
	s7 =	simm.s32 @p2 $0x1082  }
0x22: {  	[simem:s7], [sflag:s8] =	dma.local @!p0 [hbm:s6], $0xF7A  }
0x23: {  	s9 =	sor.u32 $0xD0000000, s2;
	s6 =	simm.s32 $0x108;
	_ =	swait.ge @!p0 [sflag:s8], $0x0  }
0x24: {  	s3 =	sadd.s32 $0x88, s3;
	s6 =	simm.s32 @!p1 $0x1082;
	[sflag:s4] =	ssyncset.s32 $0xFFFFF086  }
0x25: {  	[simem:s6], [sflag:s4] =	dma.local [hbm:s3], $0xF7A  }
0x26: {  	[smem:$0x3F8B] =	sst s1;
	(tag) =	ssettag s2;
	_ =	strace s9  }
0x27: {  	s1 =	sld [smem:$0x3F9B]  }
0x28: {  	s2 =	sld [smem:$0x3F9C]  }
0x29: {  	s4 =	sld [smem:$0x3F9E]  }
0x2a: {  	p0 =	seq.s32 s5, $0x0;
	s5 =	sld [smem:$0x3F9F]  }
0x2b: {  	s6 =	sld [smem:$0x3FA0]  }
0x2c: {  	s7 =	sld [smem:$0x3FA1]  }
0x2d: {  	s3 =	simm.s32 $0x108;
	s8 =	sld [smem:$0x3FA2]  }
0x2e: {  	s3 =	simm.s32 @!p0 $0x1082;
	s9 =	sld [smem:$0x3FA3]  }
0x2f: {  	lr =	sadd.s32 s0, s3;
	s0 =	sld [smem:$0x3F9A]  }
0x30: {  	s3 =	sld [smem:$0x3F9D]  }
0x31: {  	[smem:$0x3FA6] =	sst s10  }
0x32: {  	s10 =	sld [smem:$0x3FA4];
	_ =	sdelay $0x3  }
0x33: {  	p0 =	seq.s32 s10, $0x1;
	s10 =	sld [smem:$0x3FA6];
	_ =	sdelay $0x3  }
0x34: {  	[smem:$0x3FA6] =	sst s10  }
0x35: {  	s10 =	sld [smem:$0x3FA5];
	_ =	sdelay $0x3  }
0x36: {  	p1 =	seq.s32 s10, $0x1;
	s10 =	sld [smem:$0x3FA6];
	_ =	sdelay $0x3  }
0x37: {  	[smem:$0x3FA6] =	sst s10  }
0x38: {  	s10 =	sld [smem:$0x3FA7]  }
0x39: {  	_ = 	snop;
	(pc) =	sbr.ind lr, $3  }
0x3a: {  	_ = 	snop  }
0x3b: {  	_ = 	snop  }
0x3c: {  	p2 =	seq.s32 s10, $0x1;
	s10 =	sld [smem:$0x3FA6]  }
0x3d: {  	_ =	shalt  }
0x3e: {  	_ =	shalt  }
0x3f: {  	_ =	shalt  }
0x40: {  	_ =	shalt  }
0x41: {  	_ =	shalt  }
0x42: {  	_ =	shalt  }
0x43: {  	_ =	shalt  }
0x44: {  	_ =	shalt  }
0x45: {  	_ =	shalt  }
0x46: {  	_ =	shalt  }
0x47: {  	_ =	shalt  }
0x48: {  	_ =	shalt  }
0x49: {  	_ =	shalt  }
0x4a: {  	_ =	shalt  }
0x4b: {  	_ =	shalt  }
0x4c: {  	_ =	shalt  }
0x4d: {  	_ =	shalt  }
0x4e: {  	_ =	shalt  }
0x4f: {  	_ =	shalt  }
0x50: {  	_ =	shalt  }
0x51: {  	_ =	shalt  }
0x52: {  	_ =	shalt  }
0x53: {  	_ =	shalt  }
0x54: {  	_ =	shalt  }
0x55: {  	_ =	shalt  }
0x56: {  	_ =	shalt  }
0x57: {  	_ =	shalt  }
0x58: {  	_ =	shalt  }
0x59: {  	_ =	shalt  }
0x5a: {  	_ =	shalt  }
0x5b: {  	_ =	shalt  }
0x5c: {  	_ =	shalt  }
0x5d: {  	_ =	shalt  }
0x5e: {  	_ =	shalt  }
0x5f: {  	_ =	shalt  }
0x60: {  	_ =	shalt  }
0x61: {  	_ =	shalt  }
0x62: {  	_ =	shalt  }
0x63: {  	_ =	shalt  }
0x64: {  	_ =	shalt  }
0x65: {  	_ =	shalt  }
0x66: {  	_ =	shalt  }
0x67: {  	_ =	shalt  }
0x68: {  	_ =	shalt  }
0x69: {  	_ =	shalt  }
0x6a: {  	_ =	shalt  }
0x6b: {  	_ =	shalt  }
0x6c: {  	_ =	shalt  }
0x6d: {  	_ =	shalt  }
0x6e: {  	_ =	shalt  }
0x6f: {  	_ =	shalt  }
0x70: {  	_ =	shalt  }
0x71: {  	_ =	shalt  }
0x72: {  	_ =	shalt  }
0x73: {  	_ =	shalt  }
0x74: {  	_ =	shalt  }
0x75: {  	_ =	shalt  }
0x76: {  	_ =	shalt  }
0x77: {  	_ =	shalt  }
0x78: {  	_ =	shalt  }
0x79: {  	_ =	shalt  }
0x7a: {  	_ =	shalt  }
0x7b: {  	_ =	shalt  }
0x7c: {  	_ =	shalt  }
0x7d: {  	_ =	shalt  }
0x7e: {  	_ =	shalt  }
0x7f: {  	_ =	shalt  }
0x80: {  	_ =	shalt  }
0x81: {  	_ =	shalt  }
0x82: {  	_ =	shalt  }
0x83: {  	_ =	shalt  }
0x84: {  	_ =	shalt  }
0x85: {  	_ =	shalt  }
0x86: {  	_ =	shalt  }
0x87: {  	_ =	shalt  }
.Lfunc_end0:
.L_simem_size_0:
called_computation.1_lowered:
.L_overlay_start_0:
0x88: {  	s2 =	sld [smem:$0x3FD9]  }
0x89: {  	s3 =	sld [smem:$0x3FFE];
	_ =	sdelay $0x1  }
0x8a: {  	s1 =	srdreg.scid  }
0x8b: {  	s0 =	sand.u32 $0x1, s1  }
0x8c: {  	s17 =	sshll.u32 s0, $0xA;
	s2 =	sadd.s32 s3, s2  }
0x8d: {  	s2 =	sadd.s32 s2, s17  }
0x8e: {  	[smem:$0x3FB2] =	sst s2  }
0x8f: {  	_ = 	snop  }
0x90: {  	s2 =	sld [smem:$0x3FD0];
	(tm) =	ssettm $0x1  }
0x91: {  	s18 =	sld [smem:$0x3FFB];
	_ =	sdelay $0x3  }
0x92: {  	_ =	strace s18  }
0x93: {  	s3 =	sld [smem:$0x3FFC];
	_ =	sdelay $0x3  }
0x94: {  	_ =	strace s3  }
0x95: {  	s3 =	sld [smem:$0x3FFD];
	_ =	sdelay $0x3  }
0x96: {  	_ =	strace s3  }
0x97: {  	_ =	strace $0x8FFFFFFF  }
0x98: {  	s19 =	sld [smem:$0x3FDB];
	_ =	sdelay $0x1  }
0x99: {  	s4 =	simm.s32 $_scs_section_size  }
0x9a: {  	s5 =	simm.s32 $_size__tile_overlayer_lowered;
	s6 =	simm.s32 $_tile_overlayer_lowered  }
0x9b: {  	s22 =	simm.s32 $0x1BFF;
	s21 =	sshll.u32 s6, $0x1;
	s3 =	sadd.s32 s4, s19  }
0x9c: {  	s7 =	simm.s32 $0x0;
	s20 =	sshll.u32 s5, $0x1;
	s5 =	sadd.s32 s21, s3  }
0x9d: {  	[timem:s7], [sflag:s22] =	dma.local [hbm:s5], s20  }
0x9e: {  	_ =	swait.ge [sflag:s22], s20  }
0x9f: {  	s4 =	ssub.s32 $0x0, s20;
	[sflag:s22] =	ssyncset.done $0x0  }
0xa0: {  	[sflag:s22] =	ssyncadd.s32 s4;
	_ =	sdelay $0x1  }
0xa1: {  	s23 =	simm.s32 $0x1B8B  }
0xa2: {  	_ =	swait.ge [sflag:s23], $0x1  }
0xa3: {  	[sflag:s23] =	ssyncset.done $0x0  }
0xa4: {  	s25 =	simm.s32 $0x1B8E;
	s24 =	sld [smem:$0x3FFE];
	[sflag:s23] =	ssyncadd.s32 $0xFFFFFFFF  }
0xa5: {  	s26 =	simm.s32 $execute0_lowered;
	[smem:$0x3FD2] =	sst s25  }
0xa6: {  	s5 =	sshll.u32 s26, $0x1;
	_ =	strace $0x80000049;
	[dreg:$0x1] =	wrdreg $0xFFFFFFFF  }
0xa7: {  	s28 =	simm.s32 $_size_execute0_lowered;
	s3 =	sadd.s32 s3, s5;
	[dreg:$0x0] =	wrdreg $0x0  }
0xa8: {  	s5 =	sshll.u32 s28, $0x1;
	[dreg:$0x2] =	wrdreg s3  }
0xa9: {  	[dreg:$0x3] =	wrdreg s5  }
0xaa: {  	[dreg:$0x4] =	wrdreg $0xC0  }
0xab: {  	_ =	task [dreg:s7], $0x5FFFF  }
0xac: {  	[dreg:$0x1] =	wrdreg $0xFFFFFFFF  }
0xad: {  	[dreg:$0x0] =	wrdreg $0x60  }
0xae: {  	[dreg:$0x2] =	wrdreg s24  }
0xaf: {  	[dreg:$0x3] =	wrdreg s2  }
0xb0: {  	[dreg:$0x4] =	wrdreg $0xAD000  }
0xb1: {  	[dreg:$0x5] =	wrdreg $0x9  }
0xb2: {  	_ =	task.clear_ibuf [dreg:s7], $0x6FFFF;
	_ =	strace $0x90000049  }
0xb3: {  	s29 =	simm.s32 $0x9;
	_ =	strace $0x8000004B  }
0xb4: {  	_ =	swait.ge [sflag:s29], $0x1  }
0xb5: {  	[sflag:s29] =	ssyncadd.s32 $0xFFFFFFFF  }
0xb6: {  	_ =	strace $0x9000004B  }
0xb7: {  	_ =	sfence  }
0xb8: {  	s30 =	sld [smem:$0x0];
	_ =	sdelay $0x2  }
0xb9: {  	s31 =	sshll.u32 s1, $0xD;
	s1 =	sshrl.u32 s1, $0x2  }
0xba: {  	s3 =	sand.u32 $0x4000, s31;
	s1 =	sadd.s32 s1, s30  }
0xbb: {  	s0 =	sor.u32 s3, s0;
	s1 =	sshll.u32 s1, $0x11  }
0xbc: {  	s0 =	sor.u32 s1, s0  }
0xbd: {  	s0 =	sadd.s32 $0x8F2B, s0  }
0xbe: {  	[sflag:s0] =	ssyncadd.remote.s32 $0x1  }
0xbf: {  	_ =	sfence.sel $0xFFFF  }
0xc0: {  	[dreg:$0x0] =	wrdreg $0xFFFFFFFF;
	(pc) =	sbr.abs _section_cstart, $3  }
0xc1: {  	[dreg:$0x1] =	wrdreg $0xFFFFFFFF  }
0xc2: {  	_ =	task.clear_ibuf [dreg:s7], $0x2FFFF;
	_ =	strace $0x9FFFFFFF  }
0xc3: {  	(tm) =	ssettm $0x7FFFFFFF  }
tec
execute0_lowered:
.L_overlay_start_1:
0x0: {  	(tag) =	ssettag $0x1  }
0x1: {  	s6 =	rddreg [dreg:$0x0]  }
0x2: {  	s7 =	rddreg [dreg:$0x1]  }
0x3: {  	s2 =	rddreg [dreg:$0x2]  }
0x4: {  	s0 =	rddreg [dreg:$0x3];
	s3 =	simm.s32 $0x0;
	s4 =	srdreg.scid  }
0x5: {  	s1 =	stileid.u32;
	s17 =	simm.s32 $0x3;
	s18 =	simm.s32 $0x2D00  }
0x6: {  	s19 =	simm.s32 $0x80;
	s20 =	simm.s32 $0x2C00;
	s21 =	simm.s32 $0x6D00  }
0x7: {  	s22 =	simm.s32 $0x2C80;
	s23 =	simm.s32 $0x1;
	s24 =	simm.s32 $0x2  }
0x8: {  	s25 =	simm.s32 $0x0;
	[smem:$0x7FF] =	sst s3;
	s9 =	smul.u32 $0x2780, s1  }
0x9: {  	s8 =	sand.u32 $0x1, s4;
	s4 =	sadd.s32 $0x3C00, s6;
	s29 =	smul.u32 $0x4F000, s1  }
0xa: {  	s10 =	smul.u32 $0x27800, s8;
	s11 =	sshll.u32 s8, $0x4;
	s8 =	ssub.s32 $0x2, s8  }
0xb: {  	s5 =	sadd.s32 $0x58000, s6;
	s28 =	sor.u32 s1, s11;
	s31 =	sshrl.u32 s8, $0x1  }
0xc: {  	s11 =	sshrl.u32 s29, $0x2;
	s9 =	sadd.s32 s9, s10;
	s16 =	ssub.s32 s8, s31  }
0xd: {  	s8 =	sadd.s32 s11, s2;
	s15 =	sadd.s32 s9, s6;
	s6 =	smul.u32 $0x2C00, s1  }
0xe: {  	_ =	strace $0x8000004A;
	s30 =	smul.u32 $0x580, s28;
	s9 =	sadd.s32 $0x4000, s8  }
0xf: {  	s10 =	sadd.s32 $0x8000, s8;
	s11 =	sadd.s32 $0xC000, s8;
	s13 =	sshrl.u32 s6, $0x3  }
0x10: {  	s12 =	sadd.s32 $0x10000, s8;
	s16 =	smax.u32 s16, $0x1;
	s13 =	sadd.s32 s5, s13  }
0x11: {  	v0 =	vimm.f32 $0.0e+00;
	s7 =	sadd.s32 s7, s30;
	s15 =	sadd.s32 $0xABA00, s15;
	s14 =	sadd.s32 $0x10, s13  }
.LBB2_1:
0x12: {  	[tilespmem:s3], [sflag:$0x3] =	stream.linear.gather [hbm4b:s7+s3], $0x2A00, $0x38;
	[tilespmem:$0x1E900] =	vst v63  }
0x13: {  	_ =	swait.ge [sflag:s17], $0x2A00  }
0x14: {  	[sflag:s17] =	ssyncset.done $0x0  }
0x15: {  	s26 =	simm.s32 $0x0;
	s28 =	simm.s32 $0x200;
	[sflag:s17] =	ssyncadd.s32 $0xFFFFD600  }
.LBB2_2:
0x16: {  	p0 =	sne.s32 s28, $0xFE00;
	[tilespmem:s26+$0x2D70] =	vst v0  }
0x17: {  	[tilespmem:s26+$0x2D00] =	vst v0  }
0x18: {  	[tilespmem:s26+$0x2D10] =	vst v0  }
.Ltmp0:
0x19: {  	[tilespmem:s26+$0x2D20] =	vst v0;
	(pc) =	sbr.rel @p0 .LBB2_2-.Ltmp0, $4  }
0x1a: {  	[tilespmem:s26+$0x2D30] =	vst v0  }
0x1b: {  	[tilespmem:s26+$0x2D40] =	vst v0  }
0x1c: {  	[tilespmem:s26+$0x2D50] =	vst v0  }
0x1d: {  	[tilespmem:s26+$0x2D60] =	vst v0;
	s26 =	sshra.s32 s28, $0x2;
	s28 =	sadd.s32 $0x200, s28  }
0x1e: {  	[tilespmem:s26+$0x2D70] =	vst v0  }
0x1f: {  	[tilespmem:s26+$0x2D00] =	vst v0  }
0x20: {  	[tilespmem:s26+$0x2D10] =	vst v0  }
0x21: {  	[tilespmem:s26+$0x2D20] =	vst v0  }
0x22: {  	[tilespmem:s26+$0x2D30] =	vst v0  }
0x23: {  	[tilespmem:s26+$0x2D40] =	vst v0  }
0x24: {  	[tilespmem:s26+$0x2D50] =	vst v0  }
0x25: {  	[tilespmem:s26+$0x2D60] =	vst v0  }
0x26: {  	[spmem:s8] =	stream.linear.scatter [tilespmem:s18], [sflag:$0x3], $0x4000, $0x38;
	[tilespmem:$0x1E900] =	vst v63  }
0x27: {  	_ =	swait.ge [sflag:s17], $0x4000  }
0x28: {  	[sflag:s17] =	ssyncset.done $0x0  }
0x29: {  	[sflag:s17] =	ssyncadd.s32 $0xFFFFC000  }
0x2a: {  	[spmem:s9] =	stream.linear.scatter [tilespmem:s18], [sflag:$0x3], $0x4000, $0x38;
	[tilespmem:$0x1E900] =	vst v63  }
0x2b: {  	_ =	swait.ge [sflag:s17], $0x4000  }
0x2c: {  	[sflag:s17] =	ssyncset.done $0x0  }
0x2d: {  	[sflag:s17] =	ssyncadd.s32 $0xFFFFC000  }
0x2e: {  	[spmem:s10] =	stream.linear.scatter [tilespmem:s18], [sflag:$0x3], $0x4000, $0x38;
	[tilespmem:$0x1E900] =	vst v63  }
0x2f: {  	_ =	swait.ge [sflag:s17], $0x4000  }
0x30: {  	[sflag:s17] =	ssyncset.done $0x0  }
0x31: {  	[sflag:s17] =	ssyncadd.s32 $0xFFFFC000  }
0x32: {  	[spmem:s11] =	stream.linear.scatter [tilespmem:s18], [sflag:$0x3], $0x4000, $0x38;
	[tilespmem:$0x1E900] =	vst v63  }
0x33: {  	_ =	swait.ge [sflag:s17], $0x4000  }
0x34: {  	[sflag:s17] =	ssyncset.done $0x0  }
0x35: {  	[sflag:s17] =	ssyncadd.s32 $0xFFFFC000  }
0x36: {  	[spmem:s12] =	stream.linear.scatter [tilespmem:s18], [sflag:$0x3], $0x3C00, $0x38;
	[tilespmem:$0x1E900] =	vst v63  }
0x37: {  	_ =	swait.ge [sflag:s17], $0x3C00  }
0x38: {  	[sflag:s17] =	ssyncset.done $0x0  }
0x39: {  	[sflag:s17] =	ssyncadd.s32 $0xFFFFC400  }
0x3a: {  	[bflag:$0x0] =	sbarrier.arrive $0xFFFF  }
0x3b: {  	[tilespmem:s18], [sflag:$0x1] =	stream.indirect.gather [hbm4b:s4+s19], $0x80, s3, s19, $0xb8;
	[tilespmem:$0x1E900] =	vst v63  }
0x3c: {  	_ = 	snop  }
0x3d: {  	[tilespmem:s20], [sflag:$0x2] =	stream.linear.gather [hbm4b:s13+s3], $0x80, $0x38;
	[tilespmem:$0x1E900] =	vst v63  }
0x3e: {  	_ = 	snop  }
0x3f: {  	[tilespmem:s21], [sflag:$0x1] =	stream.indirect.gather [hbm4b:s4+s19], $0x80, s19, s19, $0xb8;
	[tilespmem:$0x1E900] =	vst v63  }
0x40: {  	_ = 	snop  }
0x41: {  	[tilespmem:s22], [sflag:$0x2] =	stream.linear.gather [hbm4b:s14+s3], $0x80, $0x38;
	[tilespmem:$0x1E900] =	vst v63  }
0x42: {  	_ =	swait.ge [sflag:s23], $0x4000  }
0x43: {  	[sflag:s23] =	ssyncset.done $0x0  }
0x44: {  	[sflag:s23] =	ssyncadd.s32 $0xFFFFC000  }
0x45: {  	_ =	swait.ge [sflag:s24], $0x80  }
0x46: {  	s31 =	simm.s32 $0x100;
	[sflag:s24] =	ssyncset.done $0x0  }
0x47: {  	s28 =	sand.u32 $0x7C00, s31;
	[sflag:s24] =	ssyncadd.s32 $0xFFFFFF80  }
0x48: {  	[spmem:s2] =	stream.indirect.scatter.add.f32 [tilespmem:s18], [sflag:$0x3], $0x80, s20, s19, $0xb8;
	[tilespmem:$0x1E900] =	vst v63  }
0x49: {  	s29 =	sand.u32 $0x300, s31;
	s28 =	sadd.s32 s6, s28;
	_ =	swait.ge [sflag:s17], $0x4000  }
0x4a: {  	s28 =	sor.u32 s29, s28;
	[sflag:s17] =	ssyncset.done $0x0  }
0x4b: {  	s26 =	simm.s32 $0x100;
	s28 =	sshrl.u32 s28, $0x3;
	[sflag:s17] =	ssyncadd.s32 $0xFFFFC000  }
0x4c: {  	[tilespmem:s18], [sflag:$0x1] =	stream.indirect.gather [hbm4b:s4+s19], $0x80, s26, s19, $0xb8;
	[tilespmem:$0x1E900] =	vst v63  }
0x4d: {  	s28 =	sadd.s32 s5, s28  }
0x4e: {  	[tilespmem:s20], [sflag:$0x2] =	stream.linear.gather [hbm4b:s28+s3], $0x80, $0x38;
	[tilespmem:$0x1E900] =	vst v63  }
0x4f: {  	_ =	swait.ge [sflag:s23], $0x4000  }
0x50: {  	[sflag:s23] =	ssyncset.done $0x0  }
0x51: {  	[sflag:s23] =	ssyncadd.s32 $0xFFFFC000  }
0x52: {  	_ =	swait.ge [sflag:s24], $0x80  }
0x53: {  	s28 =	simm.s32 $0x180;
	[sflag:s24] =	ssyncset.done $0x0  }
0x54: {  	s29 =	sand.u32 $0x7C00, s28;
	[sflag:s24] =	ssyncadd.s32 $0xFFFFFF80  }
0x55: {  	[spmem:s2] =	stream.indirect.scatter.add.f32 [tilespmem:s21], [sflag:$0x3], $0x80, s22, s19, $0xb8;
	[tilespmem:$0x1E900] =	vst v63  }
0x56: {  	s28 =	sand.u32 $0x380, s28;
	s29 =	sadd.s32 s6, s29;
	_ =	swait.ge [sflag:s17], $0x4000  }
0x57: {  	s30 =	simm.s32 $0x180;
	s29 =	sor.u32 s28, s29;
	[sflag:s17] =	ssyncset.done $0x0  }
0x58: {  	s28 =	simm.s32 $0x280;
	s29 =	sshrl.u32 s29, $0x3;
	[sflag:s17] =	ssyncadd.s32 $0xFFFFC000  }
0x59: {  	[tilespmem:s21], [sflag:$0x1] =	stream.indirect.gather [hbm4b:s4+s19], $0x80, s30, s19, $0xb8;
	[tilespmem:$0x1E900] =	vst v63  }
.LBB2_4:
0x5a: {  	p0 =	sne.s32 s28, $0x2980;
	s29 =	sadd.s32 s5, s29;
	s26 =	sadd.s32 $0x100, s26  }
0x5b: {  	[tilespmem:s22], [sflag:$0x2] =	stream.linear.gather [hbm4b:s29+s3], $0x80, $0x38;
	[tilespmem:$0x1E900] =	vst v63  }
0x5c: {  	s29 =	smov.u32 s28;
	s28 =	sadd.s32 $0x100, s28;
	_ =	swait.ge [sflag:s23], $0x4000  }
0x5d: {  	[sflag:s23] =	ssyncset.done $0x0  }
0x5e: {  	[sflag:s23] =	ssyncadd.s32 $0xFFFFC000  }
0x5f: {  	_ =	swait.ge [sflag:s24], $0x80  }
0x60: {  	[sflag:s24] =	ssyncset.done $0x0  }
0x61: {  	s30 =	sadd.s32 $0xFFFFFF80, s29;
	[sflag:s24] =	ssyncadd.s32 $0xFFFFFF80  }
0x62: {  	[spmem:s2] =	stream.indirect.scatter.add.f32 [tilespmem:s18], [sflag:$0x3], $0x80, s20, s19, $0xb8;
	[tilespmem:$0x1E900] =	vst v63  }
0x63: {  	s31 =	sand.u32 $0x7C00, s30;
	_ =	swait.ge [sflag:s17], $0x4000  }
0x64: {  	s30 =	sand.u32 $0x300, s30;
	s31 =	sadd.s32 s6, s31;
	[sflag:s17] =	ssyncset.done $0x0  }
0x65: {  	s30 =	sor.u32 s30, s31;
	[sflag:s17] =	ssyncadd.s32 $0xFFFFC000  }
0x66: {  	[tilespmem:s18], [sflag:$0x1] =	stream.indirect.gather [hbm4b:s4+s19], $0x80, s26, s19, $0xb8;
	[tilespmem:$0x1E900] =	vst v63  }
0x67: {  	s30 =	sshrl.u32 s30, $0x3  }
0x68: {  	s30 =	sadd.s32 s5, s30  }
0x69: {  	[tilespmem:s20], [sflag:$0x2] =	stream.linear.gather [hbm4b:s30+s3], $0x80, $0x38;
	[tilespmem:$0x1E900] =	vst v63  }
0x6a: {  	_ =	swait.ge [sflag:s23], $0x4000  }
0x6b: {  	[sflag:s23] =	ssyncset.done $0x0  }
0x6c: {  	[sflag:s23] =	ssyncadd.s32 $0xFFFFC000  }
0x6d: {  	_ =	swait.ge [sflag:s24], $0x80  }
0x6e: {  	[sflag:s24] =	ssyncset.done $0x0  }
0x6f: {  	s30 =	sand.u32 $0x7C00, s29;
	[sflag:s24] =	ssyncadd.s32 $0xFFFFFF80  }
0x70: {  	[spmem:s2] =	stream.indirect.scatter.add.f32 [tilespmem:s21], [sflag:$0x3], $0x80, s22, s19, $0xb8;
	[tilespmem:$0x1E900] =	vst v63  }
.Ltmp1:
0x71: {  	_ = 	snop;
	(pc) =	sbr.rel @p0 .LBB2_4-.Ltmp1, $4  }
0x72: {  	s29 =	sand.u32 $0x380, s29;
	s30 =	sadd.s32 s6, s30;
	_ =	swait.ge [sflag:s17], $0x4000  }
0x73: {  	s29 =	sor.u32 s29, s30;
	[sflag:s17] =	ssyncset.done $0x0  }
0x74: {  	s30 =	sadd.s32 $0x80, s26;
	s29 =	sshrl.u32 s29, $0x3;
	[sflag:s17] =	ssyncadd.s32 $0xFFFFC000  }
0x75: {  	[tilespmem:s21], [sflag:$0x1] =	stream.indirect.gather [hbm4b:s4+s19], $0x80, s30, s19, $0xb8;
	[tilespmem:$0x1E900] =	vst v63  }
0x76: {  	s26 =	sadd.s32 s5, s29  }
0x77: {  	[tilespmem:s22], [sflag:$0x2] =	stream.linear.gather [hbm4b:s26+s3], $0x80, $0x38;
	[tilespmem:$0x1E900] =	vst v63  }
0x78: {  	_ =	swait.ge [sflag:s23], $0x4000  }
0x79: {  	[sflag:s23] =	ssyncset.done $0x0  }
0x7a: {  	[sflag:s23] =	ssyncadd.s32 $0xFFFFC000  }
0x7b: {  	_ =	swait.ge [sflag:s24], $0x80  }
0x7c: {  	[sflag:s24] =	ssyncset.done $0x0  }
0x7d: {  	[sflag:s24] =	ssyncadd.s32 $0xFFFFFF80  }
0x7e: {  	[spmem:s2] =	stream.indirect.scatter.add.f32 [tilespmem:s18], [sflag:$0x3], $0x80, s20, s19, $0xb8;
	[tilespmem:$0x1E900] =	vst v63  }
0x7f: {  	_ =	swait.ge [sflag:s17], $0x4000  }
0x80: {  	[sflag:s17] =	ssyncset.done $0x0  }
0x81: {  	[sflag:s17] =	ssyncadd.s32 $0xFFFFC000  }
0x82: {  	_ =	swait.ge [sflag:s23], $0x4000  }
0x83: {  	[sflag:s23] =	ssyncset.done $0x0  }
0x84: {  	[sflag:s23] =	ssyncadd.s32 $0xFFFFC000  }
0x85: {  	_ =	swait.ge [sflag:s24], $0x80  }
0x86: {  	[sflag:s24] =	ssyncset.done $0x0  }
0x87: {  	[sflag:s24] =	ssyncadd.s32 $0xFFFFFF80  }
0x88: {  	[spmem:s2] =	stream.indirect.scatter.add.f32 [tilespmem:s21], [sflag:$0x3], $0x80, s22, s19, $0xb8;
	[tilespmem:$0x1E900] =	vst v63  }
0x89: {  	_ =	swait.ge [sflag:s17], $0x4000  }
0x8a: {  	s31 =	sshll.u32 s1, $0x6;
	s25 =	sadd.s32 $0x1, s25;
	[sflag:s17] =	ssyncset.done $0x0  }
0x8b: {  	s28 =	sshrl.u32 s8, $0x3;
	p0 =	sne.s32 s25, s16;
	[sflag:s17] =	ssyncadd.s32 $0xFFFFC000  }
.Ltmp2:
0x8c: {  	s26 =	sor.u32 $0x1C03, s31;
	[bflag:$0x0] =	sbarrier.arrive $0xFFFF;
	(pc) =	sbr.rel @p0 .LBB2_1-.Ltmp2, $4  }
0x8d: {  	[hbm:s15], [sflag:s26] =	dma.local [spmem:s28], $0x2780  }
0x8e: {  	_ =	swait.ge [sflag:s17], $0x2780  }
0x8f: {  	[sflag:s17] =	ssyncset.done $0x0  }
0x90: {  	[sflag:s17] =	ssyncadd.s32 $0xFFFFD880  }
0x91: {  	_ =	sfence.sel $0x180000  }
0x92: {  	[bflag:$0x0] =	sbarrier.arrive $0xFFFF  }
0x93: {  	p0 =	sne.s32 s1, $0x0;
	_ =	strace $0x9000004A  }
0x94: {  	s0 =	sadd.s32 @!p0 $0x100000, s0;
	[bflag:$0x2] =	sbarrier.arrive $0xFFFF  }
0x95: {  	[sflag:s0] =	ssyncadd.tile.s32 @!p0 $0x1;
	_ =	shalt  }
.Lfunc_end2:
_tile_overlayer_lowered:
.L_overlay_start_2:
0x96: {  	(tag) =	ssettag $0x2  }
0x97: {  	s0 =	rddreg [dreg:$0x0];
	s2 =	stileid.u32  }
0x98: {  	s1 =	rddreg [dreg:$0x1];
	p0 =	sne.s32 s2, $0x0  }
0x99: {  	s3 =	rddreg [dreg:$0x2];
	[bflag:$0x3] =	sbarrier.arrive $0xFFFF;
	s2 =	simm.s32 @!p0 $0x1C03  }
0x9a: {  	[timem:s3], [sflag:s2] =	dma.local @!p0 [hbm:s0], s1  }
0x9b: {  	s0 =	simm.s32 @!p0 $0x3  }
0x9c: {  	_ =	swait.ge @!p0 [sflag:s0], s1  }
0x9d: {  	s1 =	ssub.s32 @!p0 $0x0, s1;
	[sflag:s0] =	ssyncset.done @!p0 $0x0  }
0x9e: {  	[sflag:s0] =	ssyncadd.s32 @!p0 s1  }
0x9f: {  	[bflag:$0x3] =	sbarrier.arrive $0xFFFF  }
0xa0: {  	_ =	shalt  }

// kernel: kernel.16.cloned.1.call-start
scs
__scs_entry_jumppad:
0x0: {  	(pc) =	sbr.rel $0x88, $3  }
0x1: {  	(tag) =	ssettag $0x0;
	lr =	simm.s32 $0x1  }
0x2: {  	[smem:$0x3F8B] =	sst lr;
	_ =	strace $0xD0000000  }
0x3: {  	_ = 	snop  }
0x4: {  	_ = 	snop  }
0x5: {  	_ = 	snop  }
0x6: {  	_ = 	snop  }
0x7: {  	_ = 	snop  }
__scs_overlays_trampoline_lowered:
0x8: {  	[smem:$0x3F9A] =	sst s0  }
0x9: {  	[smem:$0x3F9B] =	sst s1  }
0xa: {  	[smem:$0x3F9C] =	sst s2  }
0xb: {  	[smem:$0x3F9D] =	sst s3  }
0xc: {  	[smem:$0x3F9E] =	sst s4  }
0xd: {  	[smem:$0x3F9F] =	sst s5  }
0xe: {  	[smem:$0x3FA0] =	sst s6  }
0xf: {  	[smem:$0x3FA1] =	sst s7  }
0x10: {  	[smem:$0x3FA2] =	sst s8  }
0x11: {  	[smem:$0x3FA3] =	sst s9;
	s0 =	simm.s32 @!p0 $0x0  }
0x12: {  	s1 =	sld [smem:$0x3F89];
	s0 =	simm.s32 @p0 $0x1  }
0x13: {  	[smem:$0x3FA4] =	sst s0;
	s0 =	simm.s32 @!p1 $0x0  }
0x14: {  	s2 =	sld [smem:$0x3F88];
	s0 =	simm.s32 @p1 $0x1  }
0x15: {  	[smem:$0x3FA5] =	sst s0;
	s0 =	simm.s32 @!p2 $0x0  }
0x16: {  	s3 =	sld [smem:$0x3FDB];
	s0 =	simm.s32 @p2 $0x1  }
0x17: {  	s4 =	simm.s32 $0x1BF5;
	[smem:$0x3FA7] =	sst s0  }
0x18: {  	s0 =	sld [smem:$0x3F8A];
	_ =	swait.ge [sflag:s4], $0x0  }
0x19: {  	s7 =	sld [smem:$0x3F8B]  }
0x1a: {  	s8 =	sadd.s32 $0xFFFFE003, lr  }
0x1b: {  	s9 =	sadd.s32 $0xFFFFFEF7, lr;
	s5 =	simm.s32 $0xFFFFFFFF;
	p2 =	slt.u32 s8, $0xFFFFF086  }
0x1c: {  	p1 =	slt.u32 s9, $0xF7A;
	s5 =	simm.s32 @!p2 $0x0  }
0x1d: {  	s5 =	simm.s32 @p1 $0x1;
	p0 =	seq.s32 s7, s2  }
0x1e: {  	s7 =	smul.u32 @!p0 $0xF7A, s2;
	p2 =	seq.s32 @!p0 s5, $0x0  }
0x1f: {  	s9 =	smul.u32 $0xF7A, s1;
	s8 =	simm.s32 @!p0 $0x1BF5;
	p2 =	por !p2, p0  }
0x20: {  	[sflag:s8] =	ssyncset.s32 @!p0 $0xFFFFF086;
	s6 =	sadd.s32 @!p0 s3, s7;
	s7 =	simm.s32 @!p0 $0x108  }
0x21: {  	s3 =	sadd.s32 s3, s9;
	s6 =	sadd.s32 @!p0 $0x88, s6;
	s7 =	simm.s32 @p2 $0x1082  }
0x22: {  	[simem:s7], [sflag:s8] =	dma.local @!p0 [hbm:s6], $0xF7A  }
0x23: {  	s9 =	sor.u32 $0xD0000000, s2;
	s6 =	simm.s32 $0x108;
	_ =	swait.ge @!p0 [sflag:s8], $0x0  }
0x24: {  	s3 =	sadd.s32 $0x88, s3;
	s6 =	simm.s32 @!p1 $0x1082;
	[sflag:s4] =	ssyncset.s32 $0xFFFFF086  }
0x25: {  	[simem:s6], [sflag:s4] =	dma.local [hbm:s3], $0xF7A  }
0x26: {  	[smem:$0x3F8B] =	sst s1;
	(tag) =	ssettag s2;
	_ =	strace s9  }
0x27: {  	s1 =	sld [smem:$0x3F9B]  }
0x28: {  	s2 =	sld [smem:$0x3F9C]  }
0x29: {  	s4 =	sld [smem:$0x3F9E]  }
0x2a: {  	p0 =	seq.s32 s5, $0x0;
	s5 =	sld [smem:$0x3F9F]  }
0x2b: {  	s6 =	sld [smem:$0x3FA0]  }
0x2c: {  	s7 =	sld [smem:$0x3FA1]  }
0x2d: {  	s3 =	simm.s32 $0x108;
	s8 =	sld [smem:$0x3FA2]  }
0x2e: {  	s3 =	simm.s32 @!p0 $0x1082;
	s9 =	sld [smem:$0x3FA3]  }
0x2f: {  	lr =	sadd.s32 s0, s3;
	s0 =	sld [smem:$0x3F9A]  }
0x30: {  	s3 =	sld [smem:$0x3F9D]  }
0x31: {  	[smem:$0x3FA6] =	sst s10  }
0x32: {  	s10 =	sld [smem:$0x3FA4];
	_ =	sdelay $0x3  }
0x33: {  	p0 =	seq.s32 s10, $0x1;
	s10 =	sld [smem:$0x3FA6];
	_ =	sdelay $0x3  }
0x34: {  	[smem:$0x3FA6] =	sst s10  }
0x35: {  	s10 =	sld [smem:$0x3FA5];
	_ =	sdelay $0x3  }
0x36: {  	p1 =	seq.s32 s10, $0x1;
	s10 =	sld [smem:$0x3FA6];
	_ =	sdelay $0x3  }
0x37: {  	[smem:$0x3FA6] =	sst s10  }
0x38: {  	s10 =	sld [smem:$0x3FA7]  }
0x39: {  	_ = 	snop;
	(pc) =	sbr.ind lr, $3  }
0x3a: {  	_ = 	snop  }
0x3b: {  	_ = 	snop  }
0x3c: {  	p2 =	seq.s32 s10, $0x1;
	s10 =	sld [smem:$0x3FA6]  }
0x3d: {  	_ =	shalt  }
0x3e: {  	_ =	shalt  }
0x3f: {  	_ =	shalt  }
0x40: {  	_ =	shalt  }
0x41: {  	_ =	shalt  }
0x42: {  	_ =	shalt  }
0x43: {  	_ =	shalt  }
0x44: {  	_ =	shalt  }
0x45: {  	_ =	shalt  }
0x46: {  	_ =	shalt  }
0x47: {  	_ =	shalt  }
0x48: {  	_ =	shalt  }
0x49: {  	_ =	shalt  }
0x4a: {  	_ =	shalt  }
0x4b: {  	_ =	shalt  }
0x4c: {  	_ =	shalt  }
0x4d: {  	_ =	shalt  }
0x4e: {  	_ =	shalt  }
0x4f: {  	_ =	shalt  }
0x50: {  	_ =	shalt  }
0x51: {  	_ =	shalt  }
0x52: {  	_ =	shalt  }
0x53: {  	_ =	shalt  }
0x54: {  	_ =	shalt  }
0x55: {  	_ =	shalt  }
0x56: {  	_ =	shalt  }
0x57: {  	_ =	shalt  }
0x58: {  	_ =	shalt  }
0x59: {  	_ =	shalt  }
0x5a: {  	_ =	shalt  }
0x5b: {  	_ =	shalt  }
0x5c: {  	_ =	shalt  }
0x5d: {  	_ =	shalt  }
0x5e: {  	_ =	shalt  }
0x5f: {  	_ =	shalt  }
0x60: {  	_ =	shalt  }
0x61: {  	_ =	shalt  }
0x62: {  	_ =	shalt  }
0x63: {  	_ =	shalt  }
0x64: {  	_ =	shalt  }
0x65: {  	_ =	shalt  }
0x66: {  	_ =	shalt  }
0x67: {  	_ =	shalt  }
0x68: {  	_ =	shalt  }
0x69: {  	_ =	shalt  }
0x6a: {  	_ =	shalt  }
0x6b: {  	_ =	shalt  }
0x6c: {  	_ =	shalt  }
0x6d: {  	_ =	shalt  }
0x6e: {  	_ =	shalt  }
0x6f: {  	_ =	shalt  }
0x70: {  	_ =	shalt  }
0x71: {  	_ =	shalt  }
0x72: {  	_ =	shalt  }
0x73: {  	_ =	shalt  }
0x74: {  	_ =	shalt  }
0x75: {  	_ =	shalt  }
0x76: {  	_ =	shalt  }
0x77: {  	_ =	shalt  }
0x78: {  	_ =	shalt  }
0x79: {  	_ =	shalt  }
0x7a: {  	_ =	shalt  }
0x7b: {  	_ =	shalt  }
0x7c: {  	_ =	shalt  }
0x7d: {  	_ =	shalt  }
0x7e: {  	_ =	shalt  }
0x7f: {  	_ =	shalt  }
0x80: {  	_ =	shalt  }
0x81: {  	_ =	shalt  }
0x82: {  	_ =	shalt  }
0x83: {  	_ =	shalt  }
0x84: {  	_ =	shalt  }
0x85: {  	_ =	shalt  }
0x86: {  	_ =	shalt  }
0x87: {  	_ =	shalt  }
.Lfunc_end0:
.L_simem_size_0:
called_computation.2_lowered:
.L_overlay_start_0:
0x88: {  	s2 =	sld [smem:$0x3FD9]  }
0x89: {  	s3 =	sld [smem:$0x3FFE];
	_ =	sdelay $0x1  }
0x8a: {  	s1 =	srdreg.scid  }
0x8b: {  	s0 =	sand.u32 $0x1, s1  }
0x8c: {  	s17 =	sshll.u32 s0, $0xA;
	s2 =	sadd.s32 s3, s2  }
0x8d: {  	s2 =	sadd.s32 s2, s17  }
0x8e: {  	[smem:$0x3FB2] =	sst s2  }
0x8f: {  	_ = 	snop  }
0x90: {  	s2 =	sld [smem:$0x3FD0];
	(tm) =	ssettm $0x1  }
0x91: {  	s18 =	sld [smem:$0x3FFB];
	_ =	sdelay $0x3  }
0x92: {  	_ =	strace s18  }
0x93: {  	s3 =	sld [smem:$0x3FFC];
	_ =	sdelay $0x3  }
0x94: {  	_ =	strace s3  }
0x95: {  	s3 =	sld [smem:$0x3FFD];
	_ =	sdelay $0x3  }
0x96: {  	_ =	strace s3  }
0x97: {  	_ =	strace $0x8FFFFFFF  }
0x98: {  	s19 =	sld [smem:$0x3FDB];
	_ =	sdelay $0x1  }
0x99: {  	s4 =	simm.s32 $_scs_section_size  }
0x9a: {  	s5 =	simm.s32 $_size__tile_overlayer_lowered;
	s6 =	simm.s32 $_tile_overlayer_lowered  }
0x9b: {  	s22 =	simm.s32 $0x1BFF;
	s21 =	sshll.u32 s6, $0x1;
	s3 =	sadd.s32 s4, s19  }
0x9c: {  	s7 =	simm.s32 $0x0;
	s20 =	sshll.u32 s5, $0x1;
	s5 =	sadd.s32 s21, s3  }
0x9d: {  	[timem:s7], [sflag:s22] =	dma.local [hbm:s5], s20  }
0x9e: {  	_ =	swait.ge [sflag:s22], s20  }
0x9f: {  	s4 =	ssub.s32 $0x0, s20;
	[sflag:s22] =	ssyncset.done $0x0  }
0xa0: {  	[sflag:s22] =	ssyncadd.s32 s4;
	_ =	sdelay $0x1  }
0xa1: {  	s23 =	simm.s32 $0x1B8B  }
0xa2: {  	_ =	swait.ge [sflag:s23], $0x1  }
0xa3: {  	[sflag:s23] =	ssyncset.done $0x0  }
0xa4: {  	s25 =	simm.s32 $0x1B8E;
	s24 =	sld [smem:$0x3FFE];
	[sflag:s23] =	ssyncadd.s32 $0xFFFFFFFF  }
0xa5: {  	s26 =	simm.s32 $execute0_lowered;
	[smem:$0x3FD2] =	sst s25  }
0xa6: {  	s5 =	sshll.u32 s26, $0x1;
	_ =	strace $0x8000004C;
	[dreg:$0x1] =	wrdreg $0xFFFFFFFF  }
0xa7: {  	s28 =	simm.s32 $_size_execute0_lowered;
	s3 =	sadd.s32 s3, s5;
	[dreg:$0x0] =	wrdreg $0x0  }
0xa8: {  	s5 =	sshll.u32 s28, $0x1;
	[dreg:$0x2] =	wrdreg s3  }
0xa9: {  	[dreg:$0x3] =	wrdreg s5  }
0xaa: {  	[dreg:$0x4] =	wrdreg $0xC0  }
0xab: {  	_ =	task [dreg:s7], $0x5FFFF  }
0xac: {  	[dreg:$0x1] =	wrdreg $0xFFFFFFFF  }
0xad: {  	[dreg:$0x0] =	wrdreg $0x60  }
0xae: {  	[dreg:$0x2] =	wrdreg s24  }
0xaf: {  	[dreg:$0x3] =	wrdreg s2  }
0xb0: {  	[dreg:$0x4] =	wrdreg $0xAD000  }
0xb1: {  	[dreg:$0x5] =	wrdreg $0x9  }
0xb2: {  	_ =	task.clear_ibuf [dreg:s7], $0x6FFFF;
	_ =	strace $0x9000004C  }
0xb3: {  	s29 =	simm.s32 $0x9;
	_ =	strace $0x8000004E  }
0xb4: {  	_ =	swait.ge [sflag:s29], $0x1  }
0xb5: {  	[sflag:s29] =	ssyncadd.s32 $0xFFFFFFFF  }
0xb6: {  	_ =	strace $0x9000004E  }
0xb7: {  	_ =	sfence  }
0xb8: {  	s30 =	sld [smem:$0x0];
	_ =	sdelay $0x2  }
0xb9: {  	s31 =	sshll.u32 s1, $0xD;
	s1 =	sshrl.u32 s1, $0x2  }
0xba: {  	s3 =	sand.u32 $0x4000, s31;
	s1 =	sadd.s32 s1, s30  }
0xbb: {  	s0 =	sor.u32 s3, s0;
	s1 =	sshll.u32 s1, $0x11  }
0xbc: {  	s0 =	sor.u32 s1, s0  }
0xbd: {  	s0 =	sadd.s32 $0x8F2B, s0  }
0xbe: {  	[sflag:s0] =	ssyncadd.remote.s32 $0x1  }
0xbf: {  	_ =	sfence.sel $0xFFFF  }
0xc0: {  	[dreg:$0x0] =	wrdreg $0xFFFFFFFF;
	(pc) =	sbr.abs _section_cstart, $3  }
0xc1: {  	[dreg:$0x1] =	wrdreg $0xFFFFFFFF  }
0xc2: {  	_ =	task.clear_ibuf [dreg:s7], $0x2FFFF;
	_ =	strace $0x9FFFFFFF  }
0xc3: {  	(tm) =	ssettm $0x7FFFFFFF  }
tec
execute0_lowered:
.L_overlay_start_1:
0x0: {  	(tag) =	ssettag $0x1  }
0x1: {  	s6 =	rddreg [dreg:$0x0]  }
0x2: {  	s7 =	rddreg [dreg:$0x1]  }
0x3: {  	s2 =	rddreg [dreg:$0x2]  }
0x4: {  	s0 =	rddreg [dreg:$0x3];
	s3 =	simm.s32 $0x0;
	s4 =	srdreg.scid  }
0x5: {  	s1 =	stileid.u32;
	s17 =	simm.s32 $0x3;
	s18 =	simm.s32 $0x2D00  }
0x6: {  	s19 =	simm.s32 $0x80;
	s20 =	simm.s32 $0x2C00;
	s21 =	simm.s32 $0x6D00  }
0x7: {  	s22 =	simm.s32 $0x2C80;
	s23 =	simm.s32 $0x1;
	s24 =	simm.s32 $0x2  }
0x8: {  	s25 =	simm.s32 $0x0;
	[smem:$0x7FF] =	sst s3;
	s9 =	smul.u32 $0x2780, s1  }
0x9: {  	s8 =	sand.u32 $0x1, s4;
	s4 =	sadd.s32 $0x3C00, s6;
	s29 =	smul.u32 $0x4F000, s1  }
0xa: {  	s10 =	smul.u32 $0x27800, s8;
	s11 =	sshll.u32 s8, $0x4;
	s8 =	ssub.s32 $0x2, s8  }
0xb: {  	s5 =	sadd.s32 $0x58000, s6;
	s28 =	sor.u32 s1, s11;
	s31 =	sshrl.u32 s8, $0x1  }
0xc: {  	s11 =	sshrl.u32 s29, $0x2;
	s9 =	sadd.s32 s9, s10;
	s16 =	ssub.s32 s8, s31  }
0xd: {  	s8 =	sadd.s32 s11, s2;
	s15 =	sadd.s32 s9, s6;
	s6 =	smul.u32 $0x2C00, s1  }
0xe: {  	_ =	strace $0x8000004D;
	s30 =	smul.u32 $0x580, s28;
	s9 =	sadd.s32 $0x4000, s8  }
0xf: {  	s10 =	sadd.s32 $0x8000, s8;
	s11 =	sadd.s32 $0xC000, s8;
	s13 =	sshrl.u32 s6, $0x3  }
0x10: {  	s12 =	sadd.s32 $0x10000, s8;
	s16 =	smax.u32 s16, $0x1;
	s13 =	sadd.s32 s5, s13  }
0x11: {  	v0 =	vimm.f32 $0.0e+00;
	s7 =	sadd.s32 s7, s30;
	s15 =	sadd.s32 $0xABA00, s15;
	s14 =	sadd.s32 $0x10, s13  }
.LBB2_1:
0x12: {  	[tilespmem:s3], [sflag:$0x3] =	stream.linear.gather [hbm4b:s7+s3], $0x2A00, $0x38;
	[tilespmem:$0x1E900] =	vst v63  }
0x13: {  	_ =	swait.ge [sflag:s17], $0x2A00  }
0x14: {  	[sflag:s17] =	ssyncset.done $0x0  }
0x15: {  	s26 =	simm.s32 $0x0;
	s28 =	simm.s32 $0x200;
	[sflag:s17] =	ssyncadd.s32 $0xFFFFD600  }
.LBB2_2:
0x16: {  	p0 =	sne.s32 s28, $0xFE00;
	[tilespmem:s26+$0x2D70] =	vst v0  }
0x17: {  	[tilespmem:s26+$0x2D00] =	vst v0  }
0x18: {  	[tilespmem:s26+$0x2D10] =	vst v0  }
.Ltmp0:
0x19: {  	[tilespmem:s26+$0x2D20] =	vst v0;
	(pc) =	sbr.rel @p0 .LBB2_2-.Ltmp0, $4  }
0x1a: {  	[tilespmem:s26+$0x2D30] =	vst v0  }
0x1b: {  	[tilespmem:s26+$0x2D40] =	vst v0  }
0x1c: {  	[tilespmem:s26+$0x2D50] =	vst v0  }
0x1d: {  	[tilespmem:s26+$0x2D60] =	vst v0;
	s26 =	sshra.s32 s28, $0x2;
	s28 =	sadd.s32 $0x200, s28  }
0x1e: {  	[tilespmem:s26+$0x2D70] =	vst v0  }
0x1f: {  	[tilespmem:s26+$0x2D00] =	vst v0  }
0x20: {  	[tilespmem:s26+$0x2D10] =	vst v0  }
0x21: {  	[tilespmem:s26+$0x2D20] =	vst v0  }
0x22: {  	[tilespmem:s26+$0x2D30] =	vst v0  }
0x23: {  	[tilespmem:s26+$0x2D40] =	vst v0  }
0x24: {  	[tilespmem:s26+$0x2D50] =	vst v0  }
0x25: {  	[tilespmem:s26+$0x2D60] =	vst v0  }
0x26: {  	[spmem:s8] =	stream.linear.scatter [tilespmem:s18], [sflag:$0x3], $0x4000, $0x38;
	[tilespmem:$0x1E900] =	vst v63  }
0x27: {  	_ =	swait.ge [sflag:s17], $0x4000  }
0x28: {  	[sflag:s17] =	ssyncset.done $0x0  }
0x29: {  	[sflag:s17] =	ssyncadd.s32 $0xFFFFC000  }
0x2a: {  	[spmem:s9] =	stream.linear.scatter [tilespmem:s18], [sflag:$0x3], $0x4000, $0x38;
	[tilespmem:$0x1E900] =	vst v63  }
0x2b: {  	_ =	swait.ge [sflag:s17], $0x4000  }
0x2c: {  	[sflag:s17] =	ssyncset.done $0x0  }
0x2d: {  	[sflag:s17] =	ssyncadd.s32 $0xFFFFC000  }
0x2e: {  	[spmem:s10] =	stream.linear.scatter [tilespmem:s18], [sflag:$0x3], $0x4000, $0x38;
	[tilespmem:$0x1E900] =	vst v63  }
0x2f: {  	_ =	swait.ge [sflag:s17], $0x4000  }
0x30: {  	[sflag:s17] =	ssyncset.done $0x0  }
0x31: {  	[sflag:s17] =	ssyncadd.s32 $0xFFFFC000  }
0x32: {  	[spmem:s11] =	stream.linear.scatter [tilespmem:s18], [sflag:$0x3], $0x4000, $0x38;
	[tilespmem:$0x1E900] =	vst v63  }
0x33: {  	_ =	swait.ge [sflag:s17], $0x4000  }
0x34: {  	[sflag:s17] =	ssyncset.done $0x0  }
0x35: {  	[sflag:s17] =	ssyncadd.s32 $0xFFFFC000  }
0x36: {  	[spmem:s12] =	stream.linear.scatter [tilespmem:s18], [sflag:$0x3], $0x3C00, $0x38;
	[tilespmem:$0x1E900] =	vst v63  }
0x37: {  	_ =	swait.ge [sflag:s17], $0x3C00  }
0x38: {  	[sflag:s17] =	ssyncset.done $0x0  }
0x39: {  	[sflag:s17] =	ssyncadd.s32 $0xFFFFC400  }
0x3a: {  	[bflag:$0x0] =	sbarrier.arrive $0xFFFF  }
0x3b: {  	[tilespmem:s18], [sflag:$0x1] =	stream.indirect.gather [hbm4b:s4+s19], $0x80, s3, s19, $0xb8;
	[tilespmem:$0x1E900] =	vst v63  }
0x3c: {  	_ = 	snop  }
0x3d: {  	[tilespmem:s20], [sflag:$0x2] =	stream.linear.gather [hbm4b:s13+s3], $0x80, $0x38;
	[tilespmem:$0x1E900] =	vst v63  }
0x3e: {  	_ = 	snop  }
0x3f: {  	[tilespmem:s21], [sflag:$0x1] =	stream.indirect.gather [hbm4b:s4+s19], $0x80, s19, s19, $0xb8;
	[tilespmem:$0x1E900] =	vst v63  }
0x40: {  	_ = 	snop  }
0x41: {  	[tilespmem:s22], [sflag:$0x2] =	stream.linear.gather [hbm4b:s14+s3], $0x80, $0x38;
	[tilespmem:$0x1E900] =	vst v63  }
0x42: {  	_ =	swait.ge [sflag:s23], $0x4000  }
0x43: {  	[sflag:s23] =	ssyncset.done $0x0  }
0x44: {  	[sflag:s23] =	ssyncadd.s32 $0xFFFFC000  }
0x45: {  	_ =	swait.ge [sflag:s24], $0x80  }
0x46: {  	s31 =	simm.s32 $0x100;
	[sflag:s24] =	ssyncset.done $0x0  }
0x47: {  	s28 =	sand.u32 $0x7C00, s31;
	[sflag:s24] =	ssyncadd.s32 $0xFFFFFF80  }
0x48: {  	[spmem:s2] =	stream.indirect.scatter.add.f32 [tilespmem:s18], [sflag:$0x3], $0x80, s20, s19, $0xb8;
	[tilespmem:$0x1E900] =	vst v63  }
0x49: {  	s29 =	sand.u32 $0x300, s31;
	s28 =	sadd.s32 s6, s28;
	_ =	swait.ge [sflag:s17], $0x4000  }
0x4a: {  	s28 =	sor.u32 s29, s28;
	[sflag:s17] =	ssyncset.done $0x0  }
0x4b: {  	s26 =	simm.s32 $0x100;
	s28 =	sshrl.u32 s28, $0x3;
	[sflag:s17] =	ssyncadd.s32 $0xFFFFC000  }
0x4c: {  	[tilespmem:s18], [sflag:$0x1] =	stream.indirect.gather [hbm4b:s4+s19], $0x80, s26, s19, $0xb8;
	[tilespmem:$0x1E900] =	vst v63  }
0x4d: {  	s28 =	sadd.s32 s5, s28  }
0x4e: {  	[tilespmem:s20], [sflag:$0x2] =	stream.linear.gather [hbm4b:s28+s3], $0x80, $0x38;
	[tilespmem:$0x1E900] =	vst v63  }
0x4f: {  	_ =	swait.ge [sflag:s23], $0x4000  }
0x50: {  	[sflag:s23] =	ssyncset.done $0x0  }
0x51: {  	[sflag:s23] =	ssyncadd.s32 $0xFFFFC000  }
0x52: {  	_ =	swait.ge [sflag:s24], $0x80  }
0x53: {  	s28 =	simm.s32 $0x180;
	[sflag:s24] =	ssyncset.done $0x0  }
0x54: {  	s29 =	sand.u32 $0x7C00, s28;
	[sflag:s24] =	ssyncadd.s32 $0xFFFFFF80  }
0x55: {  	[spmem:s2] =	stream.indirect.scatter.add.f32 [tilespmem:s21], [sflag:$0x3], $0x80, s22, s19, $0xb8;
	[tilespmem:$0x1E900] =	vst v63  }
0x56: {  	s28 =	sand.u32 $0x380, s28;
	s29 =	sadd.s32 s6, s29;
	_ =	swait.ge [sflag:s17], $0x4000  }
0x57: {  	s30 =	simm.s32 $0x180;
	s29 =	sor.u32 s28, s29;
	[sflag:s17] =	ssyncset.done $0x0  }
0x58: {  	s28 =	simm.s32 $0x280;
	s29 =	sshrl.u32 s29, $0x3;
	[sflag:s17] =	ssyncadd.s32 $0xFFFFC000  }
0x59: {  	[tilespmem:s21], [sflag:$0x1] =	stream.indirect.gather [hbm4b:s4+s19], $0x80, s30, s19, $0xb8;
	[tilespmem:$0x1E900] =	vst v63  }
.LBB2_4:
0x5a: {  	p0 =	sne.s32 s28, $0x2980;
	s29 =	sadd.s32 s5, s29;
	s26 =	sadd.s32 $0x100, s26  }
0x5b: {  	[tilespmem:s22], [sflag:$0x2] =	stream.linear.gather [hbm4b:s29+s3], $0x80, $0x38;
	[tilespmem:$0x1E900] =	vst v63  }
0x5c: {  	s29 =	smov.u32 s28;
	s28 =	sadd.s32 $0x100, s28;
	_ =	swait.ge [sflag:s23], $0x4000  }
0x5d: {  	[sflag:s23] =	ssyncset.done $0x0  }
0x5e: {  	[sflag:s23] =	ssyncadd.s32 $0xFFFFC000  }
0x5f: {  	_ =	swait.ge [sflag:s24], $0x80  }
0x60: {  	[sflag:s24] =	ssyncset.done $0x0  }
0x61: {  	s30 =	sadd.s32 $0xFFFFFF80, s29;
	[sflag:s24] =	ssyncadd.s32 $0xFFFFFF80  }
0x62: {  	[spmem:s2] =	stream.indirect.scatter.add.f32 [tilespmem:s18], [sflag:$0x3], $0x80, s20, s19, $0xb8;
	[tilespmem:$0x1E900] =	vst v63  }
0x63: {  	s31 =	sand.u32 $0x7C00, s30;
	_ =	swait.ge [sflag:s17], $0x4000  }
0x64: {  	s30 =	sand.u32 $0x300, s30;
	s31 =	sadd.s32 s6, s31;
	[sflag:s17] =	ssyncset.done $0x0  }
0x65: {  	s30 =	sor.u32 s30, s31;
	[sflag:s17] =	ssyncadd.s32 $0xFFFFC000  }
0x66: {  	[tilespmem:s18], [sflag:$0x1] =	stream.indirect.gather [hbm4b:s4+s19], $0x80, s26, s19, $0xb8;
	[tilespmem:$0x1E900] =	vst v63  }
0x67: {  	s30 =	sshrl.u32 s30, $0x3  }
0x68: {  	s30 =	sadd.s32 s5, s30  }
0x69: {  	[tilespmem:s20], [sflag:$0x2] =	stream.linear.gather [hbm4b:s30+s3], $0x80, $0x38;
	[tilespmem:$0x1E900] =	vst v63  }
0x6a: {  	_ =	swait.ge [sflag:s23], $0x4000  }
0x6b: {  	[sflag:s23] =	ssyncset.done $0x0  }
0x6c: {  	[sflag:s23] =	ssyncadd.s32 $0xFFFFC000  }
0x6d: {  	_ =	swait.ge [sflag:s24], $0x80  }
0x6e: {  	[sflag:s24] =	ssyncset.done $0x0  }
0x6f: {  	s30 =	sand.u32 $0x7C00, s29;
	[sflag:s24] =	ssyncadd.s32 $0xFFFFFF80  }
0x70: {  	[spmem:s2] =	stream.indirect.scatter.add.f32 [tilespmem:s21], [sflag:$0x3], $0x80, s22, s19, $0xb8;
	[tilespmem:$0x1E900] =	vst v63  }
.Ltmp1:
0x71: {  	_ = 	snop;
	(pc) =	sbr.rel @p0 .LBB2_4-.Ltmp1, $4  }
0x72: {  	s29 =	sand.u32 $0x380, s29;
	s30 =	sadd.s32 s6, s30;
	_ =	swait.ge [sflag:s17], $0x4000  }
0x73: {  	s29 =	sor.u32 s29, s30;
	[sflag:s17] =	ssyncset.done $0x0  }
0x74: {  	s30 =	sadd.s32 $0x80, s26;
	s29 =	sshrl.u32 s29, $0x3;
	[sflag:s17] =	ssyncadd.s32 $0xFFFFC000  }
0x75: {  	[tilespmem:s21], [sflag:$0x1] =	stream.indirect.gather [hbm4b:s4+s19], $0x80, s30, s19, $0xb8;
	[tilespmem:$0x1E900] =	vst v63  }
0x76: {  	s26 =	sadd.s32 s5, s29  }
0x77: {  	[tilespmem:s22], [sflag:$0x2] =	stream.linear.gather [hbm4b:s26+s3], $0x80, $0x38;
	[tilespmem:$0x1E900] =	vst v63  }
0x78: {  	_ =	swait.ge [sflag:s23], $0x4000  }
0x79: {  	[sflag:s23] =	ssyncset.done $0x0  }
0x7a: {  	[sflag:s23] =	ssyncadd.s32 $0xFFFFC000  }
0x7b: {  	_ =	swait.ge [sflag:s24], $0x80  }
0x7c: {  	[sflag:s24] =	ssyncset.done $0x0  }
0x7d: {  	[sflag:s24] =	ssyncadd.s32 $0xFFFFFF80  }
0x7e: {  	[spmem:s2] =	stream.indirect.scatter.add.f32 [tilespmem:s18], [sflag:$0x3], $0x80, s20, s19, $0xb8;
	[tilespmem:$0x1E900] =	vst v63  }
0x7f: {  	_ =	swait.ge [sflag:s17], $0x4000  }
0x80: {  	[sflag:s17] =	ssyncset.done $0x0  }
0x81: {  	[sflag:s17] =	ssyncadd.s32 $0xFFFFC000  }
0x82: {  	_ =	swait.ge [sflag:s23], $0x4000  }
0x83: {  	[sflag:s23] =	ssyncset.done $0x0  }
0x84: {  	[sflag:s23] =	ssyncadd.s32 $0xFFFFC000  }
0x85: {  	_ =	swait.ge [sflag:s24], $0x80  }
0x86: {  	[sflag:s24] =	ssyncset.done $0x0  }
0x87: {  	[sflag:s24] =	ssyncadd.s32 $0xFFFFFF80  }
0x88: {  	[spmem:s2] =	stream.indirect.scatter.add.f32 [tilespmem:s21], [sflag:$0x3], $0x80, s22, s19, $0xb8;
	[tilespmem:$0x1E900] =	vst v63  }
0x89: {  	_ =	swait.ge [sflag:s17], $0x4000  }
0x8a: {  	s31 =	sshll.u32 s1, $0x6;
	s25 =	sadd.s32 $0x1, s25;
	[sflag:s17] =	ssyncset.done $0x0  }
0x8b: {  	s28 =	sshrl.u32 s8, $0x3;
	p0 =	sne.s32 s25, s16;
	[sflag:s17] =	ssyncadd.s32 $0xFFFFC000  }
.Ltmp2:
0x8c: {  	s26 =	sor.u32 $0x1C03, s31;
	[bflag:$0x0] =	sbarrier.arrive $0xFFFF;
	(pc) =	sbr.rel @p0 .LBB2_1-.Ltmp2, $4  }
0x8d: {  	[hbm:s15], [sflag:s26] =	dma.local [spmem:s28], $0x2780  }
0x8e: {  	_ =	swait.ge [sflag:s17], $0x2780  }
0x8f: {  	[sflag:s17] =	ssyncset.done $0x0  }
0x90: {  	[sflag:s17] =	ssyncadd.s32 $0xFFFFD880  }
0x91: {  	_ =	sfence.sel $0x180000  }
0x92: {  	[bflag:$0x0] =	sbarrier.arrive $0xFFFF  }
0x93: {  	p0 =	sne.s32 s1, $0x0;
	_ =	strace $0x9000004D  }
0x94: {  	s0 =	sadd.s32 @!p0 $0x100000, s0;
	[bflag:$0x2] =	sbarrier.arrive $0xFFFF  }
0x95: {  	[sflag:s0] =	ssyncadd.tile.s32 @!p0 $0x1;
	_ =	shalt  }
.Lfunc_end2:
_tile_overlayer_lowered:
.L_overlay_start_2:
0x96: {  	(tag) =	ssettag $0x2  }
0x97: {  	s0 =	rddreg [dreg:$0x0];
	s2 =	stileid.u32  }
0x98: {  	s1 =	rddreg [dreg:$0x1];
	p0 =	sne.s32 s2, $0x0  }
0x99: {  	s3 =	rddreg [dreg:$0x2];
	[bflag:$0x3] =	sbarrier.arrive $0xFFFF;
	s2 =	simm.s32 @!p0 $0x1C03  }
0x9a: {  	[timem:s3], [sflag:s2] =	dma.local @!p0 [hbm:s0], s1  }
0x9b: {  	s0 =	simm.s32 @!p0 $0x3  }
0x9c: {  	_ =	swait.ge @!p0 [sflag:s0], s1  }
0x9d: {  	s1 =	ssub.s32 @!p0 $0x0, s1;
	[sflag:s0] =	ssyncset.done @!p0 $0x0  }
0x9e: {  	[sflag:s0] =	ssyncadd.s32 @!p0 s1  }
0x9f: {  	[bflag:$0x3] =	sbarrier.arrive $0xFFFF  }
0xa0: {  	_ =	shalt  }

// kernel: kernel.19.cloned.1.call-start
scs
__scs_entry_jumppad:
0x0: {  	(pc) =	sbr.rel $0x88, $3  }
0x1: {  	(tag) =	ssettag $0x0;
	lr =	simm.s32 $0x1  }
0x2: {  	[smem:$0x3F8B] =	sst lr;
	_ =	strace $0xD0000000  }
0x3: {  	_ = 	snop  }
0x4: {  	_ = 	snop  }
0x5: {  	_ = 	snop  }
0x6: {  	_ = 	snop  }
0x7: {  	_ = 	snop  }
__scs_overlays_trampoline_lowered:
0x8: {  	[smem:$0x3F9A] =	sst s0  }
0x9: {  	[smem:$0x3F9B] =	sst s1  }
0xa: {  	[smem:$0x3F9C] =	sst s2  }
0xb: {  	[smem:$0x3F9D] =	sst s3  }
0xc: {  	[smem:$0x3F9E] =	sst s4  }
0xd: {  	[smem:$0x3F9F] =	sst s5  }
0xe: {  	[smem:$0x3FA0] =	sst s6  }
0xf: {  	[smem:$0x3FA1] =	sst s7  }
0x10: {  	[smem:$0x3FA2] =	sst s8  }
0x11: {  	[smem:$0x3FA3] =	sst s9;
	s0 =	simm.s32 @!p0 $0x0  }
0x12: {  	s1 =	sld [smem:$0x3F89];
	s0 =	simm.s32 @p0 $0x1  }
0x13: {  	[smem:$0x3FA4] =	sst s0;
	s0 =	simm.s32 @!p1 $0x0  }
0x14: {  	s2 =	sld [smem:$0x3F88];
	s0 =	simm.s32 @p1 $0x1  }
0x15: {  	[smem:$0x3FA5] =	sst s0;
	s0 =	simm.s32 @!p2 $0x0  }
0x16: {  	s3 =	sld [smem:$0x3FDB];
	s0 =	simm.s32 @p2 $0x1  }
0x17: {  	s4 =	simm.s32 $0x1BF5;
	[smem:$0x3FA7] =	sst s0  }
0x18: {  	s0 =	sld [smem:$0x3F8A];
	_ =	swait.ge [sflag:s4], $0x0  }
0x19: {  	s7 =	sld [smem:$0x3F8B]  }
0x1a: {  	s8 =	sadd.s32 $0xFFFFE003, lr  }
0x1b: {  	s9 =	sadd.s32 $0xFFFFFEF7, lr;
	s5 =	simm.s32 $0xFFFFFFFF;
	p2 =	slt.u32 s8, $0xFFFFF086  }
0x1c: {  	p1 =	slt.u32 s9, $0xF7A;
	s5 =	simm.s32 @!p2 $0x0  }
0x1d: {  	s5 =	simm.s32 @p1 $0x1;
	p0 =	seq.s32 s7, s2  }
0x1e: {  	s7 =	smul.u32 @!p0 $0xF7A, s2;
	p2 =	seq.s32 @!p0 s5, $0x0  }
0x1f: {  	s9 =	smul.u32 $0xF7A, s1;
	s8 =	simm.s32 @!p0 $0x1BF5;
	p2 =	por !p2, p0  }
0x20: {  	[sflag:s8] =	ssyncset.s32 @!p0 $0xFFFFF086;
	s6 =	sadd.s32 @!p0 s3, s7;
	s7 =	simm.s32 @!p0 $0x108  }
0x21: {  	s3 =	sadd.s32 s3, s9;
	s6 =	sadd.s32 @!p0 $0x88, s6;
	s7 =	simm.s32 @p2 $0x1082  }
0x22: {  	[simem:s7], [sflag:s8] =	dma.local @!p0 [hbm:s6], $0xF7A  }
0x23: {  	s9 =	sor.u32 $0xD0000000, s2;
	s6 =	simm.s32 $0x108;
	_ =	swait.ge @!p0 [sflag:s8], $0x0  }
0x24: {  	s3 =	sadd.s32 $0x88, s3;
	s6 =	simm.s32 @!p1 $0x1082;
	[sflag:s4] =	ssyncset.s32 $0xFFFFF086  }
0x25: {  	[simem:s6], [sflag:s4] =	dma.local [hbm:s3], $0xF7A  }
0x26: {  	[smem:$0x3F8B] =	sst s1;
	(tag) =	ssettag s2;
	_ =	strace s9  }
0x27: {  	s1 =	sld [smem:$0x3F9B]  }
0x28: {  	s2 =	sld [smem:$0x3F9C]  }
0x29: {  	s4 =	sld [smem:$0x3F9E]  }
0x2a: {  	p0 =	seq.s32 s5, $0x0;
	s5 =	sld [smem:$0x3F9F]  }
0x2b: {  	s6 =	sld [smem:$0x3FA0]  }
0x2c: {  	s7 =	sld [smem:$0x3FA1]  }
0x2d: {  	s3 =	simm.s32 $0x108;
	s8 =	sld [smem:$0x3FA2]  }
0x2e: {  	s3 =	simm.s32 @!p0 $0x1082;
	s9 =	sld [smem:$0x3FA3]  }
0x2f: {  	lr =	sadd.s32 s0, s3;
	s0 =	sld [smem:$0x3F9A]  }
0x30: {  	s3 =	sld [smem:$0x3F9D]  }
0x31: {  	[smem:$0x3FA6] =	sst s10  }
0x32: {  	s10 =	sld [smem:$0x3FA4];
	_ =	sdelay $0x3  }
0x33: {  	p0 =	seq.s32 s10, $0x1;
	s10 =	sld [smem:$0x3FA6];
	_ =	sdelay $0x3  }
0x34: {  	[smem:$0x3FA6] =	sst s10  }
0x35: {  	s10 =	sld [smem:$0x3FA5];
	_ =	sdelay $0x3  }
0x36: {  	p1 =	seq.s32 s10, $0x1;
	s10 =	sld [smem:$0x3FA6];
	_ =	sdelay $0x3  }
0x37: {  	[smem:$0x3FA6] =	sst s10  }
0x38: {  	s10 =	sld [smem:$0x3FA7]  }
0x39: {  	_ = 	snop;
	(pc) =	sbr.ind lr, $3  }
0x3a: {  	_ = 	snop  }
0x3b: {  	_ = 	snop  }
0x3c: {  	p2 =	seq.s32 s10, $0x1;
	s10 =	sld [smem:$0x3FA6]  }
0x3d: {  	_ =	shalt  }
0x3e: {  	_ =	shalt  }
0x3f: {  	_ =	shalt  }
0x40: {  	_ =	shalt  }
0x41: {  	_ =	shalt  }
0x42: {  	_ =	shalt  }
0x43: {  	_ =	shalt  }
0x44: {  	_ =	shalt  }
0x45: {  	_ =	shalt  }
0x46: {  	_ =	shalt  }
0x47: {  	_ =	shalt  }
0x48: {  	_ =	shalt  }
0x49: {  	_ =	shalt  }
0x4a: {  	_ =	shalt  }
0x4b: {  	_ =	shalt  }
0x4c: {  	_ =	shalt  }
0x4d: {  	_ =	shalt  }
0x4e: {  	_ =	shalt  }
0x4f: {  	_ =	shalt  }
0x50: {  	_ =	shalt  }
0x51: {  	_ =	shalt  }
0x52: {  	_ =	shalt  }
0x53: {  	_ =	shalt  }
0x54: {  	_ =	shalt  }
0x55: {  	_ =	shalt  }
0x56: {  	_ =	shalt  }
0x57: {  	_ =	shalt  }
0x58: {  	_ =	shalt  }
0x59: {  	_ =	shalt  }
0x5a: {  	_ =	shalt  }
0x5b: {  	_ =	shalt  }
0x5c: {  	_ =	shalt  }
0x5d: {  	_ =	shalt  }
0x5e: {  	_ =	shalt  }
0x5f: {  	_ =	shalt  }
0x60: {  	_ =	shalt  }
0x61: {  	_ =	shalt  }
0x62: {  	_ =	shalt  }
0x63: {  	_ =	shalt  }
0x64: {  	_ =	shalt  }
0x65: {  	_ =	shalt  }
0x66: {  	_ =	shalt  }
0x67: {  	_ =	shalt  }
0x68: {  	_ =	shalt  }
0x69: {  	_ =	shalt  }
0x6a: {  	_ =	shalt  }
0x6b: {  	_ =	shalt  }
0x6c: {  	_ =	shalt  }
0x6d: {  	_ =	shalt  }
0x6e: {  	_ =	shalt  }
0x6f: {  	_ =	shalt  }
0x70: {  	_ =	shalt  }
0x71: {  	_ =	shalt  }
0x72: {  	_ =	shalt  }
0x73: {  	_ =	shalt  }
0x74: {  	_ =	shalt  }
0x75: {  	_ =	shalt  }
0x76: {  	_ =	shalt  }
0x77: {  	_ =	shalt  }
0x78: {  	_ =	shalt  }
0x79: {  	_ =	shalt  }
0x7a: {  	_ =	shalt  }
0x7b: {  	_ =	shalt  }
0x7c: {  	_ =	shalt  }
0x7d: {  	_ =	shalt  }
0x7e: {  	_ =	shalt  }
0x7f: {  	_ =	shalt  }
0x80: {  	_ =	shalt  }
0x81: {  	_ =	shalt  }
0x82: {  	_ =	shalt  }
0x83: {  	_ =	shalt  }
0x84: {  	_ =	shalt  }
0x85: {  	_ =	shalt  }
0x86: {  	_ =	shalt  }
0x87: {  	_ =	shalt  }
.Lfunc_end0:
.L_simem_size_0:
called_computation.3_lowered:
.L_overlay_start_0:
0x88: {  	s2 =	sld [smem:$0x3FD9]  }
0x89: {  	s3 =	sld [smem:$0x3FFE];
	_ =	sdelay $0x1  }
0x8a: {  	s1 =	srdreg.scid  }
0x8b: {  	s0 =	sand.u32 $0x1, s1  }
0x8c: {  	s17 =	sshll.u32 s0, $0xA;
	s2 =	sadd.s32 s3, s2  }
0x8d: {  	s2 =	sadd.s32 s2, s17  }
0x8e: {  	[smem:$0x3FB2] =	sst s2  }
0x8f: {  	_ = 	snop  }
0x90: {  	s2 =	sld [smem:$0x3FD0];
	(tm) =	ssettm $0x1  }
0x91: {  	s18 =	sld [smem:$0x3FFB];
	_ =	sdelay $0x3  }
0x92: {  	_ =	strace s18  }
0x93: {  	s3 =	sld [smem:$0x3FFC];
	_ =	sdelay $0x3  }
0x94: {  	_ =	strace s3  }
0x95: {  	s3 =	sld [smem:$0x3FFD];
	_ =	sdelay $0x3  }
0x96: {  	_ =	strace s3  }
0x97: {  	_ =	strace $0x8FFFFFFF  }
0x98: {  	s19 =	sld [smem:$0x3FDB];
	_ =	sdelay $0x1  }
0x99: {  	s4 =	simm.s32 $_scs_section_size  }
0x9a: {  	s5 =	simm.s32 $_size__tile_overlayer_lowered;
	s6 =	simm.s32 $_tile_overlayer_lowered  }
0x9b: {  	s22 =	simm.s32 $0x1BFF;
	s21 =	sshll.u32 s6, $0x1;
	s3 =	sadd.s32 s4, s19  }
0x9c: {  	s7 =	simm.s32 $0x0;
	s20 =	sshll.u32 s5, $0x1;
	s5 =	sadd.s32 s21, s3  }
0x9d: {  	[timem:s7], [sflag:s22] =	dma.local [hbm:s5], s20  }
0x9e: {  	_ =	swait.ge [sflag:s22], s20  }
0x9f: {  	s4 =	ssub.s32 $0x0, s20;
	[sflag:s22] =	ssyncset.done $0x0  }
0xa0: {  	[sflag:s22] =	ssyncadd.s32 s4;
	_ =	sdelay $0x1  }
0xa1: {  	s23 =	simm.s32 $0x1B8B  }
0xa2: {  	_ =	swait.ge [sflag:s23], $0x1  }
0xa3: {  	[sflag:s23] =	ssyncset.done $0x0  }
0xa4: {  	s25 =	simm.s32 $0x1B8E;
	s24 =	sld [smem:$0x3FFE];
	[sflag:s23] =	ssyncadd.s32 $0xFFFFFFFF  }
0xa5: {  	s26 =	simm.s32 $execute0_lowered;
	[smem:$0x3FD2] =	sst s25  }
0xa6: {  	s5 =	sshll.u32 s26, $0x1;
	_ =	strace $0x8000004F;
	[dreg:$0x1] =	wrdreg $0xFFFFFFFF  }
0xa7: {  	s28 =	simm.s32 $_size_execute0_lowered;
	s3 =	sadd.s32 s3, s5;
	[dreg:$0x0] =	wrdreg $0x0  }
0xa8: {  	s5 =	sshll.u32 s28, $0x1;
	[dreg:$0x2] =	wrdreg s3  }
0xa9: {  	[dreg:$0x3] =	wrdreg s5  }
0xaa: {  	[dreg:$0x4] =	wrdreg $0xC0  }
0xab: {  	_ =	task [dreg:s7], $0x5FFFF  }
0xac: {  	[dreg:$0x1] =	wrdreg $0xFFFFFFFF  }
0xad: {  	[dreg:$0x0] =	wrdreg $0x60  }
0xae: {  	[dreg:$0x2] =	wrdreg s24  }
0xaf: {  	[dreg:$0x3] =	wrdreg s2  }
0xb0: {  	[dreg:$0x4] =	wrdreg $0xAD000  }
0xb1: {  	[dreg:$0x5] =	wrdreg $0x9  }
0xb2: {  	_ =	task.clear_ibuf [dreg:s7], $0x6FFFF;
	_ =	strace $0x9000004F  }
0xb3: {  	s29 =	simm.s32 $0x9;
	_ =	strace $0x80000051  }
0xb4: {  	_ =	swait.ge [sflag:s29], $0x1  }
0xb5: {  	[sflag:s29] =	ssyncadd.s32 $0xFFFFFFFF  }
0xb6: {  	_ =	strace $0x90000051  }
0xb7: {  	_ =	sfence  }
0xb8: {  	s30 =	sld [smem:$0x0];
	_ =	sdelay $0x2  }
0xb9: {  	s31 =	sshll.u32 s1, $0xD;
	s1 =	sshrl.u32 s1, $0x2  }
0xba: {  	s3 =	sand.u32 $0x4000, s31;
	s1 =	sadd.s32 s1, s30  }
0xbb: {  	s0 =	sor.u32 s3, s0;
	s1 =	sshll.u32 s1, $0x11  }
0xbc: {  	s0 =	sor.u32 s1, s0  }
0xbd: {  	s0 =	sadd.s32 $0x8F2B, s0  }
0xbe: {  	[sflag:s0] =	ssyncadd.remote.s32 $0x1  }
0xbf: {  	_ =	sfence.sel $0xFFFF  }
0xc0: {  	[dreg:$0x0] =	wrdreg $0xFFFFFFFF;
	(pc) =	sbr.abs _section_cstart, $3  }
0xc1: {  	[dreg:$0x1] =	wrdreg $0xFFFFFFFF  }
0xc2: {  	_ =	task.clear_ibuf [dreg:s7], $0x2FFFF;
	_ =	strace $0x9FFFFFFF  }
0xc3: {  	(tm) =	ssettm $0x7FFFFFFF  }
tec
execute0_lowered:
.L_overlay_start_1:
0x0: {  	(tag) =	ssettag $0x1  }
0x1: {  	s6 =	rddreg [dreg:$0x0]  }
0x2: {  	s7 =	rddreg [dreg:$0x1]  }
0x3: {  	s2 =	rddreg [dreg:$0x2]  }
0x4: {  	s0 =	rddreg [dreg:$0x3];
	s3 =	simm.s32 $0x0;
	s4 =	srdreg.scid  }
0x5: {  	s1 =	stileid.u32;
	s17 =	simm.s32 $0x3;
	s18 =	simm.s32 $0x2D00  }
0x6: {  	s19 =	simm.s32 $0x80;
	s20 =	simm.s32 $0x2C00;
	s21 =	simm.s32 $0x6D00  }
0x7: {  	s22 =	simm.s32 $0x2C80;
	s23 =	simm.s32 $0x1;
	s24 =	simm.s32 $0x2  }
0x8: {  	s25 =	simm.s32 $0x0;
	[smem:$0x7FF] =	sst s3;
	s9 =	smul.u32 $0x2780, s1  }
0x9: {  	s8 =	sand.u32 $0x1, s4;
	s4 =	sadd.s32 $0x3C00, s6;
	s29 =	smul.u32 $0x4F000, s1  }
0xa: {  	s10 =	smul.u32 $0x27800, s8;
	s11 =	sshll.u32 s8, $0x4;
	s8 =	ssub.s32 $0x2, s8  }
0xb: {  	s5 =	sadd.s32 $0x58000, s6;
	s28 =	sor.u32 s1, s11;
	s31 =	sshrl.u32 s8, $0x1  }
0xc: {  	s11 =	sshrl.u32 s29, $0x2;
	s9 =	sadd.s32 s9, s10;
	s16 =	ssub.s32 s8, s31  }
0xd: {  	s8 =	sadd.s32 s11, s2;
	s15 =	sadd.s32 s9, s6;
	s6 =	smul.u32 $0x2C00, s1  }
0xe: {  	_ =	strace $0x80000050;
	s30 =	smul.u32 $0x580, s28;
	s9 =	sadd.s32 $0x4000, s8  }
0xf: {  	s10 =	sadd.s32 $0x8000, s8;
	s11 =	sadd.s32 $0xC000, s8;
	s13 =	sshrl.u32 s6, $0x3  }
0x10: {  	s12 =	sadd.s32 $0x10000, s8;
	s16 =	smax.u32 s16, $0x1;
	s13 =	sadd.s32 s5, s13  }
0x11: {  	v0 =	vimm.f32 $0.0e+00;
	s7 =	sadd.s32 s7, s30;
	s15 =	sadd.s32 $0x5D800, s15;
	s14 =	sadd.s32 $0x10, s13  }
.LBB2_1:
0x12: {  	[tilespmem:s3], [sflag:$0x3] =	stream.linear.gather [hbm4b:s7+s3], $0x2A00, $0x38;
	[tilespmem:$0x1E900] =	vst v63  }
0x13: {  	_ =	swait.ge [sflag:s17], $0x2A00  }
0x14: {  	[sflag:s17] =	ssyncset.done $0x0  }
0x15: {  	s26 =	simm.s32 $0x0;
	s28 =	simm.s32 $0x200;
	[sflag:s17] =	ssyncadd.s32 $0xFFFFD600  }
.LBB2_2:
0x16: {  	p0 =	sne.s32 s28, $0xFE00;
	[tilespmem:s26+$0x2D70] =	vst v0  }
0x17: {  	[tilespmem:s26+$0x2D00] =	vst v0  }
0x18: {  	[tilespmem:s26+$0x2D10] =	vst v0  }
.Ltmp0:
0x19: {  	[tilespmem:s26+$0x2D20] =	vst v0;
	(pc) =	sbr.rel @p0 .LBB2_2-.Ltmp0, $4  }
0x1a: {  	[tilespmem:s26+$0x2D30] =	vst v0  }
0x1b: {  	[tilespmem:s26+$0x2D40] =	vst v0  }
0x1c: {  	[tilespmem:s26+$0x2D50] =	vst v0  }
0x1d: {  	[tilespmem:s26+$0x2D60] =	vst v0;
	s26 =	sshra.s32 s28, $0x2;
	s28 =	sadd.s32 $0x200, s28  }
0x1e: {  	[tilespmem:s26+$0x2D70] =	vst v0  }
0x1f: {  	[tilespmem:s26+$0x2D00] =	vst v0  }
0x20: {  	[tilespmem:s26+$0x2D10] =	vst v0  }
0x21: {  	[tilespmem:s26+$0x2D20] =	vst v0  }
0x22: {  	[tilespmem:s26+$0x2D30] =	vst v0  }
0x23: {  	[tilespmem:s26+$0x2D40] =	vst v0  }
0x24: {  	[tilespmem:s26+$0x2D50] =	vst v0  }
0x25: {  	[tilespmem:s26+$0x2D60] =	vst v0  }
0x26: {  	[spmem:s8] =	stream.linear.scatter [tilespmem:s18], [sflag:$0x3], $0x4000, $0x38;
	[tilespmem:$0x1E900] =	vst v63  }
0x27: {  	_ =	swait.ge [sflag:s17], $0x4000  }
0x28: {  	[sflag:s17] =	ssyncset.done $0x0  }
0x29: {  	[sflag:s17] =	ssyncadd.s32 $0xFFFFC000  }
0x2a: {  	[spmem:s9] =	stream.linear.scatter [tilespmem:s18], [sflag:$0x3], $0x4000, $0x38;
	[tilespmem:$0x1E900] =	vst v63  }
0x2b: {  	_ =	swait.ge [sflag:s17], $0x4000  }
0x2c: {  	[sflag:s17] =	ssyncset.done $0x0  }
0x2d: {  	[sflag:s17] =	ssyncadd.s32 $0xFFFFC000  }
0x2e: {  	[spmem:s10] =	stream.linear.scatter [tilespmem:s18], [sflag:$0x3], $0x4000, $0x38;
	[tilespmem:$0x1E900] =	vst v63  }
0x2f: {  	_ =	swait.ge [sflag:s17], $0x4000  }
0x30: {  	[sflag:s17] =	ssyncset.done $0x0  }
0x31: {  	[sflag:s17] =	ssyncadd.s32 $0xFFFFC000  }
0x32: {  	[spmem:s11] =	stream.linear.scatter [tilespmem:s18], [sflag:$0x3], $0x4000, $0x38;
	[tilespmem:$0x1E900] =	vst v63  }
0x33: {  	_ =	swait.ge [sflag:s17], $0x4000  }
0x34: {  	[sflag:s17] =	ssyncset.done $0x0  }
0x35: {  	[sflag:s17] =	ssyncadd.s32 $0xFFFFC000  }
0x36: {  	[spmem:s12] =	stream.linear.scatter [tilespmem:s18], [sflag:$0x3], $0x3C00, $0x38;
	[tilespmem:$0x1E900] =	vst v63  }
0x37: {  	_ =	swait.ge [sflag:s17], $0x3C00  }
0x38: {  	[sflag:s17] =	ssyncset.done $0x0  }
0x39: {  	[sflag:s17] =	ssyncadd.s32 $0xFFFFC400  }
0x3a: {  	[bflag:$0x0] =	sbarrier.arrive $0xFFFF  }
0x3b: {  	[tilespmem:s18], [sflag:$0x1] =	stream.indirect.gather [hbm4b:s4+s19], $0x80, s3, s19, $0xb8;
	[tilespmem:$0x1E900] =	vst v63  }
0x3c: {  	_ = 	snop  }
0x3d: {  	[tilespmem:s20], [sflag:$0x2] =	stream.linear.gather [hbm4b:s13+s3], $0x80, $0x38;
	[tilespmem:$0x1E900] =	vst v63  }
0x3e: {  	_ = 	snop  }
0x3f: {  	[tilespmem:s21], [sflag:$0x1] =	stream.indirect.gather [hbm4b:s4+s19], $0x80, s19, s19, $0xb8;
	[tilespmem:$0x1E900] =	vst v63  }
0x40: {  	_ = 	snop  }
0x41: {  	[tilespmem:s22], [sflag:$0x2] =	stream.linear.gather [hbm4b:s14+s3], $0x80, $0x38;
	[tilespmem:$0x1E900] =	vst v63  }
0x42: {  	_ =	swait.ge [sflag:s23], $0x4000  }
0x43: {  	[sflag:s23] =	ssyncset.done $0x0  }
0x44: {  	[sflag:s23] =	ssyncadd.s32 $0xFFFFC000  }
0x45: {  	_ =	swait.ge [sflag:s24], $0x80  }
0x46: {  	s31 =	simm.s32 $0x100;
	[sflag:s24] =	ssyncset.done $0x0  }
0x47: {  	s28 =	sand.u32 $0x7C00, s31;
	[sflag:s24] =	ssyncadd.s32 $0xFFFFFF80  }
0x48: {  	[spmem:s2] =	stream.indirect.scatter.add.f32 [tilespmem:s18], [sflag:$0x3], $0x80, s20, s19, $0xb8;
	[tilespmem:$0x1E900] =	vst v63  }
0x49: {  	s29 =	sand.u32 $0x300, s31;
	s28 =	sadd.s32 s6, s28;
	_ =	swait.ge [sflag:s17], $0x4000  }
0x4a: {  	s28 =	sor.u32 s29, s28;
	[sflag:s17] =	ssyncset.done $0x0  }
0x4b: {  	s26 =	simm.s32 $0x100;
	s28 =	sshrl.u32 s28, $0x3;
	[sflag:s17] =	ssyncadd.s32 $0xFFFFC000  }
0x4c: {  	[tilespmem:s18], [sflag:$0x1] =	stream.indirect.gather [hbm4b:s4+s19], $0x80, s26, s19, $0xb8;
	[tilespmem:$0x1E900] =	vst v63  }
0x4d: {  	s28 =	sadd.s32 s5, s28  }
0x4e: {  	[tilespmem:s20], [sflag:$0x2] =	stream.linear.gather [hbm4b:s28+s3], $0x80, $0x38;
	[tilespmem:$0x1E900] =	vst v63  }
0x4f: {  	_ =	swait.ge [sflag:s23], $0x4000  }
0x50: {  	[sflag:s23] =	ssyncset.done $0x0  }
0x51: {  	[sflag:s23] =	ssyncadd.s32 $0xFFFFC000  }
0x52: {  	_ =	swait.ge [sflag:s24], $0x80  }
0x53: {  	s28 =	simm.s32 $0x180;
	[sflag:s24] =	ssyncset.done $0x0  }
0x54: {  	s29 =	sand.u32 $0x7C00, s28;
	[sflag:s24] =	ssyncadd.s32 $0xFFFFFF80  }
0x55: {  	[spmem:s2] =	stream.indirect.scatter.add.f32 [tilespmem:s21], [sflag:$0x3], $0x80, s22, s19, $0xb8;
	[tilespmem:$0x1E900] =	vst v63  }
0x56: {  	s28 =	sand.u32 $0x380, s28;
	s29 =	sadd.s32 s6, s29;
	_ =	swait.ge [sflag:s17], $0x4000  }
0x57: {  	s30 =	simm.s32 $0x180;
	s29 =	sor.u32 s28, s29;
	[sflag:s17] =	ssyncset.done $0x0  }
0x58: {  	s28 =	simm.s32 $0x280;
	s29 =	sshrl.u32 s29, $0x3;
	[sflag:s17] =	ssyncadd.s32 $0xFFFFC000  }
0x59: {  	[tilespmem:s21], [sflag:$0x1] =	stream.indirect.gather [hbm4b:s4+s19], $0x80, s30, s19, $0xb8;
	[tilespmem:$0x1E900] =	vst v63  }
.LBB2_4:
0x5a: {  	p0 =	sne.s32 s28, $0x2980;
	s29 =	sadd.s32 s5, s29;
	s26 =	sadd.s32 $0x100, s26  }
0x5b: {  	[tilespmem:s22], [sflag:$0x2] =	stream.linear.gather [hbm4b:s29+s3], $0x80, $0x38;
	[tilespmem:$0x1E900] =	vst v63  }
0x5c: {  	s29 =	smov.u32 s28;
	s28 =	sadd.s32 $0x100, s28;
	_ =	swait.ge [sflag:s23], $0x4000  }
0x5d: {  	[sflag:s23] =	ssyncset.done $0x0  }
0x5e: {  	[sflag:s23] =	ssyncadd.s32 $0xFFFFC000  }
0x5f: {  	_ =	swait.ge [sflag:s24], $0x80  }
0x60: {  	[sflag:s24] =	ssyncset.done $0x0  }
0x61: {  	s30 =	sadd.s32 $0xFFFFFF80, s29;
	[sflag:s24] =	ssyncadd.s32 $0xFFFFFF80  }
0x62: {  	[spmem:s2] =	stream.indirect.scatter.add.f32 [tilespmem:s18], [sflag:$0x3], $0x80, s20, s19, $0xb8;
	[tilespmem:$0x1E900] =	vst v63  }
0x63: {  	s31 =	sand.u32 $0x7C00, s30;
	_ =	swait.ge [sflag:s17], $0x4000  }
0x64: {  	s30 =	sand.u32 $0x300, s30;
	s31 =	sadd.s32 s6, s31;
	[sflag:s17] =	ssyncset.done $0x0  }
0x65: {  	s30 =	sor.u32 s30, s31;
	[sflag:s17] =	ssyncadd.s32 $0xFFFFC000  }
0x66: {  	[tilespmem:s18], [sflag:$0x1] =	stream.indirect.gather [hbm4b:s4+s19], $0x80, s26, s19, $0xb8;
	[tilespmem:$0x1E900] =	vst v63  }
0x67: {  	s30 =	sshrl.u32 s30, $0x3  }
0x68: {  	s30 =	sadd.s32 s5, s30  }
0x69: {  	[tilespmem:s20], [sflag:$0x2] =	stream.linear.gather [hbm4b:s30+s3], $0x80, $0x38;
	[tilespmem:$0x1E900] =	vst v63  }
0x6a: {  	_ =	swait.ge [sflag:s23], $0x4000  }
0x6b: {  	[sflag:s23] =	ssyncset.done $0x0  }
0x6c: {  	[sflag:s23] =	ssyncadd.s32 $0xFFFFC000  }
0x6d: {  	_ =	swait.ge [sflag:s24], $0x80  }
0x6e: {  	[sflag:s24] =	ssyncset.done $0x0  }
0x6f: {  	s30 =	sand.u32 $0x7C00, s29;
	[sflag:s24] =	ssyncadd.s32 $0xFFFFFF80  }
0x70: {  	[spmem:s2] =	stream.indirect.scatter.add.f32 [tilespmem:s21], [sflag:$0x3], $0x80, s22, s19, $0xb8;
	[tilespmem:$0x1E900] =	vst v63  }
.Ltmp1:
0x71: {  	_ = 	snop;
	(pc) =	sbr.rel @p0 .LBB2_4-.Ltmp1, $4  }
0x72: {  	s29 =	sand.u32 $0x380, s29;
	s30 =	sadd.s32 s6, s30;
	_ =	swait.ge [sflag:s17], $0x4000  }
0x73: {  	s29 =	sor.u32 s29, s30;
	[sflag:s17] =	ssyncset.done $0x0  }
0x74: {  	s30 =	sadd.s32 $0x80, s26;
	s29 =	sshrl.u32 s29, $0x3;
	[sflag:s17] =	ssyncadd.s32 $0xFFFFC000  }
0x75: {  	[tilespmem:s21], [sflag:$0x1] =	stream.indirect.gather [hbm4b:s4+s19], $0x80, s30, s19, $0xb8;
	[tilespmem:$0x1E900] =	vst v63  }
0x76: {  	s26 =	sadd.s32 s5, s29  }
0x77: {  	[tilespmem:s22], [sflag:$0x2] =	stream.linear.gather [hbm4b:s26+s3], $0x80, $0x38;
	[tilespmem:$0x1E900] =	vst v63  }
0x78: {  	_ =	swait.ge [sflag:s23], $0x4000  }
0x79: {  	[sflag:s23] =	ssyncset.done $0x0  }
0x7a: {  	[sflag:s23] =	ssyncadd.s32 $0xFFFFC000  }
0x7b: {  	_ =	swait.ge [sflag:s24], $0x80  }
0x7c: {  	[sflag:s24] =	ssyncset.done $0x0  }
0x7d: {  	[sflag:s24] =	ssyncadd.s32 $0xFFFFFF80  }
0x7e: {  	[spmem:s2] =	stream.indirect.scatter.add.f32 [tilespmem:s18], [sflag:$0x3], $0x80, s20, s19, $0xb8;
	[tilespmem:$0x1E900] =	vst v63  }
0x7f: {  	_ =	swait.ge [sflag:s17], $0x4000  }
0x80: {  	[sflag:s17] =	ssyncset.done $0x0  }
0x81: {  	[sflag:s17] =	ssyncadd.s32 $0xFFFFC000  }
0x82: {  	_ =	swait.ge [sflag:s23], $0x4000  }
0x83: {  	[sflag:s23] =	ssyncset.done $0x0  }
0x84: {  	[sflag:s23] =	ssyncadd.s32 $0xFFFFC000  }
0x85: {  	_ =	swait.ge [sflag:s24], $0x80  }
0x86: {  	[sflag:s24] =	ssyncset.done $0x0  }
0x87: {  	[sflag:s24] =	ssyncadd.s32 $0xFFFFFF80  }
0x88: {  	[spmem:s2] =	stream.indirect.scatter.add.f32 [tilespmem:s21], [sflag:$0x3], $0x80, s22, s19, $0xb8;
	[tilespmem:$0x1E900] =	vst v63  }
0x89: {  	_ =	swait.ge [sflag:s17], $0x4000  }
0x8a: {  	s31 =	sshll.u32 s1, $0x6;
	s25 =	sadd.s32 $0x1, s25;
	[sflag:s17] =	ssyncset.done $0x0  }
0x8b: {  	s28 =	sshrl.u32 s8, $0x3;
	p0 =	sne.s32 s25, s16;
	[sflag:s17] =	ssyncadd.s32 $0xFFFFC000  }
.Ltmp2:
0x8c: {  	s26 =	sor.u32 $0x1C03, s31;
	[bflag:$0x0] =	sbarrier.arrive $0xFFFF;
	(pc) =	sbr.rel @p0 .LBB2_1-.Ltmp2, $4  }
0x8d: {  	[hbm:s15], [sflag:s26] =	dma.local [spmem:s28], $0x2780  }
0x8e: {  	_ =	swait.ge [sflag:s17], $0x2780  }
0x8f: {  	[sflag:s17] =	ssyncset.done $0x0  }
0x90: {  	[sflag:s17] =	ssyncadd.s32 $0xFFFFD880  }
0x91: {  	_ =	sfence.sel $0x180000  }
0x92: {  	[bflag:$0x0] =	sbarrier.arrive $0xFFFF  }
0x93: {  	p0 =	sne.s32 s1, $0x0;
	_ =	strace $0x90000050  }
0x94: {  	s0 =	sadd.s32 @!p0 $0x100000, s0;
	[bflag:$0x2] =	sbarrier.arrive $0xFFFF  }
0x95: {  	[sflag:s0] =	ssyncadd.tile.s32 @!p0 $0x1;
	_ =	shalt  }
.Lfunc_end2:
_tile_overlayer_lowered:
.L_overlay_start_2:
0x96: {  	(tag) =	ssettag $0x2  }
0x97: {  	s0 =	rddreg [dreg:$0x0];
	s2 =	stileid.u32  }
0x98: {  	s1 =	rddreg [dreg:$0x1];
	p0 =	sne.s32 s2, $0x0  }
0x99: {  	s3 =	rddreg [dreg:$0x2];
	[bflag:$0x3] =	sbarrier.arrive $0xFFFF;
	s2 =	simm.s32 @!p0 $0x1C03  }
0x9a: {  	[timem:s3], [sflag:s2] =	dma.local @!p0 [hbm:s0], s1  }
0x9b: {  	s0 =	simm.s32 @!p0 $0x3  }
0x9c: {  	_ =	swait.ge @!p0 [sflag:s0], s1  }
0x9d: {  	s1 =	ssub.s32 @!p0 $0x0, s1;
	[sflag:s0] =	ssyncset.done @!p0 $0x0  }
0x9e: {  	[sflag:s0] =	ssyncadd.s32 @!p0 s1  }
0x9f: {  	[bflag:$0x3] =	sbarrier.arrive $0xFFFF  }
0xa0: {  	_ =	shalt  }

</sc_bundles>
